<compile_context>
chip_gen: v7x
topology: tpu7x:2x2x1
jax: 0.10.2.dev20260603
libtpu: 0.0.44.dev20260713+nightly
codegen_flags: <defaults>
</compile_context>

<pallas_src>
import functools

import jax
import jax.numpy as jnp
from jax import lax
from jax.experimental import pallas as pl
from jax.experimental.pallas import tpu as pltpu
from jax.experimental.pallas import tpu_sc as plsc

N = 10000
E = 320000
D = 128
H = 4
C = 32

NC = 2
NS = 16
NW = NC * NS
EC = E // NW
BC = 80
NB = EC // BC
NPAD = 10240
NPT = NPAD // NS



def _tc0_body(x_ref, w_ref, s8_ref, xp_ref, ad8_ref, kv_ref):
    x = x_ref[...]
    xp = jnp.dot(x, w_ref[...], preferred_element_type=jnp.float32)
    xp_ref[...] = xp
    a8 = jnp.dot(xp, s8_ref[...], preferred_element_type=jnp.float32)
    ad8_ref[...] = a8
    z = jnp.max(a8, axis=0, keepdims=True)
    k4 = z[:, 0:4] + z[:, 4:8]
    k4 = jnp.maximum(k4, 0.2 * k4)
    kv_ref[...] = jnp.pad(k4, ((0, 0), (0, 12)))


def _tc0(x, W, S8):
    return pl.pallas_call(
        _tc0_body,
        out_shape=[
            jax.ShapeDtypeStruct((N, D), jnp.float32),
            jax.ShapeDtypeStruct((N, 8), jnp.float32),
            jax.ShapeDtypeStruct((1, 16), jnp.float32),
        ],
    )(x, W, S8)



_mesh = plsc.VectorSubcoreMesh(core_axis_name="c", subcore_axis_name="s")


@functools.partial(
    pl.kernel,
    mesh=_mesh,
    compiler_params=pltpu.CompilerParams(needs_layout_passes=False, use_tc_tiling_on_sc=False),
    out_type=[
        jax.ShapeDtypeStruct((4 * E,), jnp.float32),
        jax.ShapeDtypeStruct((NC, NPAD, 16), jnp.float32),
    ],
    scratch_types=[
        pltpu.VMEM((N, 8), jnp.float32),
        pltpu.VMEM((16,), jnp.float32),
        pltpu.VMEM((BC,), jnp.int32),
        pltpu.VMEM((BC,), jnp.int32),
        pltpu.VMEM((4 * BC,), jnp.float32),
        pltpu.VMEM((BC, 16), jnp.float32),
        pltpu.VMEM((NPT, 16), jnp.float32),
        pltpu.VMEM_SHARED((NPAD, 16), jnp.float32),
    ],
)
def _sca(ei_hbm, ad8_hbm, kv_hbm, ev_hbm, dpart_hbm,
         ad8_v, kv_v, src_v, dst_v, evb_v, vals_v, zb_v, dacc_s):
    cid = lax.axis_index("c")
    sid = lax.axis_index("s")
    wid = sid * NC + cid

    zvec = jnp.zeros((16,), jnp.float32)

    def _zrow(i, _):
        zb_v[i, :] = zvec
        return 0

    lax.fori_loop(0, NPT, _zrow, 0)
    for i in range(BC):
        vals_v[i, :] = zvec

    pltpu.sync_copy(ad8_hbm, ad8_v)
    pltpu.sync_copy(kv_hbm, kv_v)
    pltpu.sync_copy(zb_v, dacc_s.at[pl.ds(sid * NPT, NPT)])
    plsc.subcore_barrier()

    lane = lax.iota(jnp.int32, 16)
    kvec = kv_v[...]
    kb = [jnp.broadcast_to(kvec[h], (16,)) for h in range(H)]

    def _batch(k, _):
        off = wid * EC + k * BC
        pltpu.sync_copy(ei_hbm.at[pl.ds(off, BC)], src_v)
        pltpu.sync_copy(ei_hbm.at[pl.ds(E + off, BC)], dst_v)
        for g in range(BC // 16):
            s16 = src_v[pl.ds(g * 16, 16)]
            d16 = dst_v[pl.ds(g * 16, 16)]
            li = lane + g * 16
            for h in range(H):
                hc = jnp.full((16,), h, jnp.int32)
                sa = plsc.load_gather(ad8_v, [s16, hc])
                da = plsc.load_gather(ad8_v, [d16, hc + 4])
                lg = sa + da
                lg = jnp.maximum(lg, 0.2 * lg)
                ev = jnp.exp(lg - kb[h])
                plsc.store_scatter(evb_v, [li * 4 + h], ev)
                plsc.store_scatter(vals_v, [li, hc], ev)
        pltpu.sync_copy(evb_v, ev_hbm.at[pl.ds(off * 4, BC * 4)])
        pltpu.sync_copy(vals_v, dacc_s.at[dst_v], add=True)
        return 0

    lax.fori_loop(0, NB, _batch, 0)
    plsc.subcore_barrier()
    pltpu.sync_copy(dacc_s.at[pl.ds(sid * NPT, NPT)],
                    dpart_hbm.at[cid, pl.ds(sid * NPT, NPT)])



def _tcb_body(dp_ref, dinv_ref):
    d = dp_ref[0] + dp_ref[1]
    dinv_ref[...] = 1.0 / (d + 1e-16)


def _tcb(dparts):
    return pl.pallas_call(
        _tcb_body,
        out_shape=jax.ShapeDtypeStruct((NPAD, 16), jnp.float32),
    )(dparts)



@functools.partial(
    pl.kernel,
    mesh=_mesh,
    compiler_params=pltpu.CompilerParams(needs_layout_passes=False, use_tc_tiling_on_sc=False),
    out_type=jax.ShapeDtypeStruct((NC, NPAD, D), jnp.float32),
    scratch_types=[
        pltpu.VMEM((BC,), jnp.int32),
        pltpu.VMEM((BC,), jnp.int32),
        pltpu.VMEM((4 * BC,), jnp.float32),
        pltpu.VMEM((4 * BC,), jnp.float32),
        pltpu.VMEM((BC, 16), jnp.float32),
        pltpu.VMEM((BC, D), jnp.float32),
        pltpu.VMEM((BC,), jnp.int32),
        pltpu.VMEM((BC,), jnp.int32),
        pltpu.VMEM((4 * BC,), jnp.float32),
        pltpu.VMEM((4 * BC,), jnp.float32),
        pltpu.VMEM((BC, 16), jnp.float32),
        pltpu.VMEM((BC, D), jnp.float32),
        pltpu.VMEM_SHARED((NPAD, 16), jnp.float32),
        pltpu.VMEM_SHARED((NPAD, D), jnp.float32),
        pltpu.SemaphoreType.DMA,
        pltpu.SemaphoreType.DMA,
        pltpu.SemaphoreType.DMA,
        pltpu.SemaphoreType.DMA,
    ],
)
def _scc(ei_hbm, ev_hbm, dinv_hbm, xp_hbm, outp_hbm,
         src0, dst0, ev0, ab0, dvr0, rows0, src1, dst1, ev1, ab1, dvr1, rows1,
         dinv_s, oacc_s, sem0, sem1, sem2, sem3):
    cid = lax.axis_index("c")
    sid = lax.axis_index("s")
    wid = sid * NC + cid

    bufs = ((src0, dst0, ev0, ab0, dvr0, rows0, sem0, sem2),
            (src1, dst1, ev1, ab1, dvr1, rows1, sem1, sem3))

    zvec = jnp.zeros((16,), jnp.float32)

    def _zrow(i, _):
        for j in range(D // 16):
            rows0[i, pl.ds(j * 16, 16)] = zvec
        return 0

    lax.fori_loop(0, BC, _zrow, 0)
    for r in range(NPT // BC):
        pltpu.sync_copy(rows0, oacc_s.at[pl.ds(sid * NPT + r * BC, BC)])
    pltpu.sync_copy(dinv_hbm.at[pl.ds(sid * NPT, NPT)],
                    dinv_s.at[pl.ds(sid * NPT, NPT)])
    plsc.subcore_barrier()

    lane = lax.iota(jnp.int32, 16)

    def _prefetch(k, b):
        src_v, dst_v, ev_v, ab_v, dvr_v, rows_v, semr, semd = b
        off = wid * EC + k * BC
        pltpu.sync_copy(ei_hbm.at[pl.ds(off, BC)], src_v)
        pltpu.sync_copy(ei_hbm.at[pl.ds(E + off, BC)], dst_v)
        pltpu.sync_copy(ev_hbm.at[pl.ds(off * 4, BC * 4)], ev_v)
        pltpu.async_copy(xp_hbm.at[src_v], rows_v, semr)
        pltpu.async_copy(dinv_s.at[dst_v], dvr_v, semd)

    def _process(b):
        src_v, dst_v, ev_v, ab_v, dvr_v, rows_v, semr, semd = b
        pltpu.make_async_copy(dinv_s.at[dst_v], dvr_v, semd).wait()
        for g in range(BC // 16):
            li = lane + g * 16
            for h in range(H):
                hc = jnp.full((16,), h, jnp.int32)
                dv = plsc.load_gather(dvr_v, [li, hc])
                e16 = plsc.load_gather(ev_v, [li * 4 + h])
                plsc.store_scatter(ab_v, [li * 4 + h], e16 * dv)
        pltpu.make_async_copy(xp_hbm.at[src_v], rows_v, semr).wait()

        def _eq(q, _):
            al16 = ab_v[pl.ds(q * 16, 16)]
            for r in range(4):
                for h in range(H):
                    av = jnp.broadcast_to(al16[4 * r + h], (16,))
                    for j in (2 * h, 2 * h + 1):
                        rows_v[q * 4 + r, pl.ds(j * 16, 16)] = (
                            rows_v[q * 4 + r, pl.ds(j * 16, 16)] * av)
            return 0

        lax.fori_loop(0, BC // 4, _eq, 0)
        pltpu.sync_copy(rows_v, oacc_s.at[dst_v], add=True)

    _prefetch(0, bufs[0])

    def _batch(k, _):
        @pl.when(k % 2 == 0)
        def _():
            @pl.when(k + 1 < NB)
            def _():
                _prefetch(k + 1, bufs[1])
            _process(bufs[0])

        @pl.when(k % 2 == 1)
        def _():
            @pl.when(k + 1 < NB)
            def _():
                _prefetch(k + 1, bufs[0])
            _process(bufs[1])

        return 0

    lax.fori_loop(0, NB, _batch, 0)
    plsc.subcore_barrier()
    pltpu.sync_copy(oacc_s.at[pl.ds(sid * NPT, NPT)],
                    outp_hbm.at[cid, pl.ds(sid * NPT, NPT)])



BN = 1000


def _tce_body(p_ref, x_ref, b_ref, g_ref, be_ref, o_ref):
    s = p_ref[0] + p_ref[1] + x_ref[...] + b_ref[...]
    mu = jnp.mean(s, axis=1, keepdims=True)
    ctr = s - mu
    var = jnp.mean(ctr * ctr, axis=1, keepdims=True)
    hn = ctr * lax.rsqrt(var + 1e-5)
    o_ref[...] = jnp.maximum(hn * g_ref[...] + be_ref[...], 0.0)


def _tce(outp, x, bias, gamma, beta):
    return pl.pallas_call(
        _tce_body,
        grid=(N // BN,),
        in_specs=[
            pl.BlockSpec((NC, BN, D), lambda i: (0, i, 0)),
            pl.BlockSpec((BN, D), lambda i: (i, 0)),
            pl.BlockSpec((1, D), lambda i: (0, 0)),
            pl.BlockSpec((1, D), lambda i: (0, 0)),
            pl.BlockSpec((1, D), lambda i: (0, 0)),
        ],
        out_specs=pl.BlockSpec((BN, D), lambda i: (i, 0)),
        out_shape=jax.ShapeDtypeStruct((N, D), jnp.float32),
    )(outp, x, bias, gamma, beta)



def kernel(x, edge_index, W, att_src, att_dst, bias, gamma, beta):
    f32 = jnp.float32
    eye = jnp.eye(H, dtype=f32)
    s_src = (att_src[:, :, None] * eye[:, None, :]).reshape(H * C, H)
    s_dst = (att_dst[:, :, None] * eye[:, None, :]).reshape(H * C, H)
    S8 = jnp.concatenate([s_src, s_dst], axis=1)

    xp, ad8, kv = _tc0(x, W, S8)
    ei_flat = edge_index.reshape(2 * E)
    ev, dparts = _sca(ei_flat, ad8, kv.reshape(16))
    dinv = _tcb(dparts)
    outp = _scc(ei_flat, ev, dinv, xp)
    return _tce(outp, x, bias.reshape(1, D), gamma.reshape(1, D), beta.reshape(1, D))

# --- scband reference (transcript-rebuilt; emitter-appended) ---
"""Pipeline reference for scband-multi-head-gatlayer-78546361909459 (READ-ONLY COPY).

The authoritative reference and input builder live on the scoring server;
editing this copy changes nothing except your own understanding.
"""

import jax, jax.numpy as jnp
import numpy as np

N = 10000
E = 320000
D = 128
H = 4
C = 32


def setup_inputs(seed: int = 0) -> dict:
    key = jax.random.key(seed)
    ks = jax.random.split(key, 8)
    x = jax.random.normal(ks[0], (N, D), dtype=jnp.float32)
    edge_index = jax.random.randint(ks[1], (2, E), 0, N, dtype=jnp.int32)
    W = jax.random.normal(ks[2], (D, H * C), dtype=jnp.float32) * (1.0 / np.sqrt(D))
    att_src = jax.random.normal(ks[3], (H, C), dtype=jnp.float32) * 0.1
    att_dst = jax.random.normal(ks[4], (H, C), dtype=jnp.float32) * 0.1
    bias = jnp.zeros((H * C,), dtype=jnp.float32)
    gamma = jnp.ones((H * C,), dtype=jnp.float32)
    beta = jnp.zeros((H * C,), dtype=jnp.float32)
    return {"x": x, "edge_index": edge_index, "W": W, "att_src": att_src,
            "att_dst": att_dst, "bias": bias, "gamma": gamma, "beta": beta}


def reference(x, edge_index, W, att_src, att_dst, bias, gamma, beta):
    # identity (residual) is nn.Identity since in_channels == out_channels * heads
    identity = x

    # --- GATConv (PyG semantics, concat=True, negative_slope=0.2, eval mode) ---
    xp = (x @ W).reshape(N, H, C)                      # [N, H, C]
    a_src = jnp.sum(xp * att_src[None, :, :], axis=-1)  # [N, H]
    a_dst = jnp.sum(xp * att_dst[None, :, :], axis=-1)  # [N, H]

    src = edge_index[0]
    dst = edge_index[1]

    alpha = a_src[src] + a_dst[dst]                    # [E, H] gather
    alpha = jax.nn.leaky_relu(alpha, negative_slope=0.2)

    # segment softmax over incoming edges of each dst node
    m = jax.ops.segment_max(alpha, dst, num_segments=N)  # [N, H]
    m = jax.lax.stop_gradient(m)
    alpha = jnp.exp(alpha - m[dst])
    denom = jax.ops.segment_sum(alpha, dst, num_segments=N)  # [N, H]
    alpha = alpha / (denom[dst] + 1e-16)

    msg = alpha[:, :, None] * xp[src]                  # [E, H, C] gather + scale
    out = jax.ops.segment_sum(msg, dst, num_segments=N)  # [N, H, C] scatter-add
    out = out.reshape(N, H * C) + bias[None, :]

    # residual add
    h = out + identity

    # LayerNorm over last dim
    mu = jnp.mean(h, axis=-1, keepdims=True)
    var = jnp.var(h, axis=-1, keepdims=True)
    h = (h - mu) / jnp.sqrt(var + 1e-5)
    h = h * gamma[None, :] + beta[None, :]

    # ReLU; dropout is identity in eval mode
    h = jax.nn.relu(h)
    return h

if __name__ == "__main__":
    import jax
    _d = setup_inputs()
    print(jax.jit(kernel)(*tuple(_d.values())))

</pallas_src>

<mosaic_0001>
#map = affine_map<(d0, d1) -> (0)>
#map1 = affine_map<(d0, d1) -> (0, 0)>
#map2 = affine_map<(d0, d1) -> (0, 0, 0)>
module attributes {stable_mosaic.version = 14 : i64} {
  func.func @_sca(%arg0: i32, %arg1: i32, %arg2: memref<640000xi32, #tpu.memory_space<hbm>>, %arg3: memref<10000x8xf32, #tpu.memory_space<hbm>>, %arg4: memref<16xf32, #tpu.memory_space<hbm>>, %arg5: memref<1280000xf32, #tpu.memory_space<hbm>>, %arg6: memref<2x10240x16xf32, #tpu.memory_space<hbm>>, %arg7: memref<10000x8xf32, #tpu.memory_space<vmem>>, %arg8: memref<16xf32, #tpu.memory_space<vmem>>, %arg9: memref<80xi32, #tpu.memory_space<vmem>>, %arg10: memref<80xi32, #tpu.memory_space<vmem>>, %arg11: memref<320xf32, #tpu.memory_space<vmem>>, %arg12: memref<80x16xf32, #tpu.memory_space<vmem>>, %arg13: memref<640x16xf32, #tpu.memory_space<vmem>>, %arg14: memref<10240x16xf32, #tpu.memory_space<vmem_shared>>) attributes {dimension_semantics = [#tpu.dimension_semantics<core_parallel>, #tpu.dimension_semantics<subcore_parallel>], iteration_bounds = array<i64: 2, 16>, scalar_prefetch = 0 : i64, scratch_operands = 8 : i64, tpu.core_type = #tpu.core_type<sc_vector_subcore>, window_params = [{transform_indices = #map}, {transform_indices = #map1}, {transform_indices = #map}, {transform_indices = #map}, {transform_indices = #map2}]} {
    %mul3A = arith.constant 2 : i32
    %mul3A_0 = arith.muli %arg1, %mul3A : i32
    %add3A = arith.addi %mul3A_0, %arg0 : i32
    %broadcast_in_dim3A = arith.constant 0.000000e+00 : f32
    %broadcast_in_dim3A_1 = vector.broadcast %broadcast_in_dim3A : f32 to vector<16xf32>
    %scan3A = arith.constant 0 : i32
    %scan3A_2 = arith.constant 0 : i32
    %scan3A_3 = arith.constant 640 : i32
    %scan3A_4 = arith.addi %scan3A_2, %scan3A_3 : i32
    %scan3A_5 = arith.constant 1 : i32
    %scan3A_6 = scf.for %scan3A_352 = %scan3A_2 to %scan3A_4 step %scan3A_5 iter_args(%scan3A_353 = %scan3A) -> (i32)  : i32 {
      %swap3A_354 = arith.index_cast %scan3A_352 : i32 to index
      %swap3A_355 = arith.constant 0 : index
      %swap3A_356 = tpu.vector_load %arg13[%swap3A_354, %swap3A_355] {strides = array<i32>} : memref<640x16xf32, #tpu.memory_space<vmem>>, vector<16xf32>,
      tpu.vector_store %arg13[%swap3A_354, %swap3A_355], %broadcast_in_dim3A_1 {strides = array<i32>} : memref<640x16xf32, #tpu.memory_space<vmem>>, vector<16xf32>,
      %scan3A_357 = arith.constant 0 : i32
      scf.yield %scan3A_357 : i32
    }
    %scan3A_7 = arith.constant 640 : i32
    %swap3A = arith.constant 0 : i32
    %swap3A_8 = arith.index_cast %swap3A : i32 to index
    %swap3A_9 = arith.constant 0 : index
    %swap3A_10 = tpu.vector_load %arg12[%swap3A_8, %swap3A_9] {strides = array<i32>} : memref<80x16xf32, #tpu.memory_space<vmem>>, vector<16xf32>,
    tpu.vector_store %arg12[%swap3A_8, %swap3A_9], %broadcast_in_dim3A_1 {strides = array<i32>} : memref<80x16xf32, #tpu.memory_space<vmem>>, vector<16xf32>,
    %swap3A_11 = arith.constant 1 : i32
    %swap3A_12 = arith.index_cast %swap3A_11 : i32 to index
    %swap3A_13 = arith.constant 0 : index
    %swap3A_14 = tpu.vector_load %arg12[%swap3A_12, %swap3A_13] {strides = array<i32>} : memref<80x16xf32, #tpu.memory_space<vmem>>, vector<16xf32>,
    tpu.vector_store %arg12[%swap3A_12, %swap3A_13], %broadcast_in_dim3A_1 {strides = array<i32>} : memref<80x16xf32, #tpu.memory_space<vmem>>, vector<16xf32>,
    %swap3A_15 = arith.constant 2 : i32
    %swap3A_16 = arith.index_cast %swap3A_15 : i32 to index
    %swap3A_17 = arith.constant 0 : index
    %swap3A_18 = tpu.vector_load %arg12[%swap3A_16, %swap3A_17] {strides = array<i32>} : memref<80x16xf32, #tpu.memory_space<vmem>>, vector<16xf32>,
    tpu.vector_store %arg12[%swap3A_16, %swap3A_17], %broadcast_in_dim3A_1 {strides = array<i32>} : memref<80x16xf32, #tpu.memory_space<vmem>>, vector<16xf32>,
    %swap3A_19 = arith.constant 3 : i32
    %swap3A_20 = arith.index_cast %swap3A_19 : i32 to index
    %swap3A_21 = arith.constant 0 : index
    %swap3A_22 = tpu.vector_load %arg12[%swap3A_20, %swap3A_21] {strides = array<i32>} : memref<80x16xf32, #tpu.memory_space<vmem>>, vector<16xf32>,
    tpu.vector_store %arg12[%swap3A_20, %swap3A_21], %broadcast_in_dim3A_1 {strides = array<i32>} : memref<80x16xf32, #tpu.memory_space<vmem>>, vector<16xf32>,
    %swap3A_23 = arith.constant 4 : i32
    %swap3A_24 = arith.index_cast %swap3A_23 : i32 to index
    %swap3A_25 = arith.constant 0 : index
    %swap3A_26 = tpu.vector_load %arg12[%swap3A_24, %swap3A_25] {strides = array<i32>} : memref<80x16xf32, #tpu.memory_space<vmem>>, vector<16xf32>,
    tpu.vector_store %arg12[%swap3A_24, %swap3A_25], %broadcast_in_dim3A_1 {strides = array<i32>} : memref<80x16xf32, #tpu.memory_space<vmem>>, vector<16xf32>,
    %swap3A_27 = arith.constant 5 : i32
    %swap3A_28 = arith.index_cast %swap3A_27 : i32 to index
    %swap3A_29 = arith.constant 0 : index
    %swap3A_30 = tpu.vector_load %arg12[%swap3A_28, %swap3A_29] {strides = array<i32>} : memref<80x16xf32, #tpu.memory_space<vmem>>, vector<16xf32>,
    tpu.vector_store %arg12[%swap3A_28, %swap3A_29], %broadcast_in_dim3A_1 {strides = array<i32>} : memref<80x16xf32, #tpu.memory_space<vmem>>, vector<16xf32>,
    %swap3A_31 = arith.constant 6 : i32
    %swap3A_32 = arith.index_cast %swap3A_31 : i32 to index
    %swap3A_33 = arith.constant 0 : index
    %swap3A_34 = tpu.vector_load %arg12[%swap3A_32, %swap3A_33] {strides = array<i32>} : memref<80x16xf32, #tpu.memory_space<vmem>>, vector<16xf32>,
    tpu.vector_store %arg12[%swap3A_32, %swap3A_33], %broadcast_in_dim3A_1 {strides = array<i32>} : memref<80x16xf32, #tpu.memory_space<vmem>>, vector<16xf32>,
    %swap3A_35 = arith.constant 7 : i32
    %swap3A_36 = arith.index_cast %swap3A_35 : i32 to index
    %swap3A_37 = arith.constant 0 : index
    %swap3A_38 = tpu.vector_load %arg12[%swap3A_36, %swap3A_37] {strides = array<i32>} : memref<80x16xf32, #tpu.memory_space<vmem>>, vector<16xf32>,
    tpu.vector_store %arg12[%swap3A_36, %swap3A_37], %broadcast_in_dim3A_1 {strides = array<i32>} : memref<80x16xf32, #tpu.memory_space<vmem>>, vector<16xf32>,
    %swap3A_39 = arith.constant 8 : i32
    %swap3A_40 = arith.index_cast %swap3A_39 : i32 to index
    %swap3A_41 = arith.constant 0 : index
    %swap3A_42 = tpu.vector_load %arg12[%swap3A_40, %swap3A_41] {strides = array<i32>} : memref<80x16xf32, #tpu.memory_space<vmem>>, vector<16xf32>,
    tpu.vector_store %arg12[%swap3A_40, %swap3A_41], %broadcast_in_dim3A_1 {strides = array<i32>} : memref<80x16xf32, #tpu.memory_space<vmem>>, vector<16xf32>,
    %swap3A_43 = arith.constant 9 : i32
    %swap3A_44 = arith.index_cast %swap3A_43 : i32 to index
    %swap3A_45 = arith.constant 0 : index
    %swap3A_46 = tpu.vector_load %arg12[%swap3A_44, %swap3A_45] {strides = array<i32>} : memref<80x16xf32, #tpu.memory_space<vmem>>, vector<16xf32>,
    tpu.vector_store %arg12[%swap3A_44, %swap3A_45], %broadcast_in_dim3A_1 {strides = array<i32>} : memref<80x16xf32, #tpu.memory_space<vmem>>, vector<16xf32>,
    %swap3A_47 = arith.constant 10 : i32
    %swap3A_48 = arith.index_cast %swap3A_47 : i32 to index
    %swap3A_49 = arith.constant 0 : index
    %swap3A_50 = tpu.vector_load %arg12[%swap3A_48, %swap3A_49] {strides = array<i32>} : memref<80x16xf32, #tpu.memory_space<vmem>>, vector<16xf32>,
    tpu.vector_store %arg12[%swap3A_48, %swap3A_49], %broadcast_in_dim3A_1 {strides = array<i32>} : memref<80x16xf32, #tpu.memory_space<vmem>>, vector<16xf32>,
    %swap3A_51 = arith.constant 11 : i32
    %swap3A_52 = arith.index_cast %swap3A_51 : i32 to index
    %swap3A_53 = arith.constant 0 : index
    %swap3A_54 = tpu.vector_load %arg12[%swap3A_52, %swap3A_53] {strides = array<i32>} : memref<80x16xf32, #tpu.memory_space<vmem>>, vector<16xf32>,
    tpu.vector_store %arg12[%swap3A_52, %swap3A_53], %broadcast_in_dim3A_1 {strides = array<i32>} : memref<80x16xf32, #tpu.memory_space<vmem>>, vector<16xf32>,
    %swap3A_55 = arith.constant 12 : i32
    %swap3A_56 = arith.index_cast %swap3A_55 : i32 to index
    %swap3A_57 = arith.constant 0 : index
    %swap3A_58 = tpu.vector_load %arg12[%swap3A_56, %swap3A_57] {strides = array<i32>} : memref<80x16xf32, #tpu.memory_space<vmem>>, vector<16xf32>,
    tpu.vector_store %arg12[%swap3A_56, %swap3A_57], %broadcast_in_dim3A_1 {strides = array<i32>} : memref<80x16xf32, #tpu.memory_space<vmem>>, vector<16xf32>,
    %swap3A_59 = arith.constant 13 : i32
    %swap3A_60 = arith.index_cast %swap3A_59 : i32 to index
    %swap3A_61 = arith.constant 0 : index
    %swap3A_62 = tpu.vector_load %arg12[%swap3A_60, %swap3A_61] {strides = array<i32>} : memref<80x16xf32, #tpu.memory_space<vmem>>, vector<16xf32>,
    tpu.vector_store %arg12[%swap3A_60, %swap3A_61], %broadcast_in_dim3A_1 {strides = array<i32>} : memref<80x16xf32, #tpu.memory_space<vmem>>, vector<16xf32>,
    %swap3A_63 = arith.constant 14 : i32
    %swap3A_64 = arith.index_cast %swap3A_63 : i32 to index
    %swap3A_65 = arith.constant 0 : index
    %swap3A_66 = tpu.vector_load %arg12[%swap3A_64, %swap3A_65] {strides = array<i32>} : memref<80x16xf32, #tpu.memory_space<vmem>>, vector<16xf32>,
    tpu.vector_store %arg12[%swap3A_64, %swap3A_65], %broadcast_in_dim3A_1 {strides = array<i32>} : memref<80x16xf32, #tpu.memory_space<vmem>>, vector<16xf32>,
    %swap3A_67 = arith.constant 15 : i32
    %swap3A_68 = arith.index_cast %swap3A_67 : i32 to index
    %swap3A_69 = arith.constant 0 : index
    %swap3A_70 = tpu.vector_load %arg12[%swap3A_68, %swap3A_69] {strides = array<i32>} : memref<80x16xf32, #tpu.memory_space<vmem>>, vector<16xf32>,
    tpu.vector_store %arg12[%swap3A_68, %swap3A_69], %broadcast_in_dim3A_1 {strides = array<i32>} : memref<80x16xf32, #tpu.memory_space<vmem>>, vector<16xf32>,
    %swap3A_71 = arith.constant 16 : i32
    %swap3A_72 = arith.index_cast %swap3A_71 : i32 to index
    %swap3A_73 = arith.constant 0 : index
    %swap3A_74 = tpu.vector_load %arg12[%swap3A_72, %swap3A_73] {strides = array<i32>} : memref<80x16xf32, #tpu.memory_space<vmem>>, vector<16xf32>,
    tpu.vector_store %arg12[%swap3A_72, %swap3A_73], %broadcast_in_dim3A_1 {strides = array<i32>} : memref<80x16xf32, #tpu.memory_space<vmem>>, vector<16xf32>,
    %swap3A_75 = arith.constant 17 : i32
    %swap3A_76 = arith.index_cast %swap3A_75 : i32 to index
    %swap3A_77 = arith.constant 0 : index
    %swap3A_78 = tpu.vector_load %arg12[%swap3A_76, %swap3A_77] {strides = array<i32>} : memref<80x16xf32, #tpu.memory_space<vmem>>, vector<16xf32>,
    tpu.vector_store %arg12[%swap3A_76, %swap3A_77], %broadcast_in_dim3A_1 {strides = array<i32>} : memref<80x16xf32, #tpu.memory_space<vmem>>, vector<16xf32>,
    %swap3A_79 = arith.constant 18 : i32
    %swap3A_80 = arith.index_cast %swap3A_79 : i32 to index
    %swap3A_81 = arith.constant 0 : index
    %swap3A_82 = tpu.vector_load %arg12[%swap3A_80, %swap3A_81] {strides = array<i32>} : memref<80x16xf32, #tpu.memory_space<vmem>>, vector<16xf32>,
    tpu.vector_store %arg12[%swap3A_80, %swap3A_81], %broadcast_in_dim3A_1 {strides = array<i32>} : memref<80x16xf32, #tpu.memory_space<vmem>>, vector<16xf32>,
    %swap3A_83 = arith.constant 19 : i32
    %swap3A_84 = arith.index_cast %swap3A_83 : i32 to index
    %swap3A_85 = arith.constant 0 : index
    %swap3A_86 = tpu.vector_load %arg12[%swap3A_84, %swap3A_85] {strides = array<i32>} : memref<80x16xf32, #tpu.memory_space<vmem>>, vector<16xf32>,
    tpu.vector_store %arg12[%swap3A_84, %swap3A_85], %broadcast_in_dim3A_1 {strides = array<i32>} : memref<80x16xf32, #tpu.memory_space<vmem>>, vector<16xf32>,
    %swap3A_87 = arith.constant 20 : i32
    %swap3A_88 = arith.index_cast %swap3A_87 : i32 to index
    %swap3A_89 = arith.constant 0 : index
    %swap3A_90 = tpu.vector_load %arg12[%swap3A_88, %swap3A_89] {strides = array<i32>} : memref<80x16xf32, #tpu.memory_space<vmem>>, vector<16xf32>,
    tpu.vector_store %arg12[%swap3A_88, %swap3A_89], %broadcast_in_dim3A_1 {strides = array<i32>} : memref<80x16xf32, #tpu.memory_space<vmem>>, vector<16xf32>,
    %swap3A_91 = arith.constant 21 : i32
    %swap3A_92 = arith.index_cast %swap3A_91 : i32 to index
    %swap3A_93 = arith.constant 0 : index
    %swap3A_94 = tpu.vector_load %arg12[%swap3A_92, %swap3A_93] {strides = array<i32>} : memref<80x16xf32, #tpu.memory_space<vmem>>, vector<16xf32>,
    tpu.vector_store %arg12[%swap3A_92, %swap3A_93], %broadcast_in_dim3A_1 {strides = array<i32>} : memref<80x16xf32, #tpu.memory_space<vmem>>, vector<16xf32>,
    %swap3A_95 = arith.constant 22 : i32
    %swap3A_96 = arith.index_cast %swap3A_95 : i32 to index
    %swap3A_97 = arith.constant 0 : index
    %swap3A_98 = tpu.vector_load %arg12[%swap3A_96, %swap3A_97] {strides = array<i32>} : memref<80x16xf32, #tpu.memory_space<vmem>>, vector<16xf32>,
    tpu.vector_store %arg12[%swap3A_96, %swap3A_97], %broadcast_in_dim3A_1 {strides = array<i32>} : memref<80x16xf32, #tpu.memory_space<vmem>>, vector<16xf32>,
    %swap3A_99 = arith.constant 23 : i32
    %swap3A_100 = arith.index_cast %swap3A_99 : i32 to index
    %swap3A_101 = arith.constant 0 : index
    %swap3A_102 = tpu.vector_load %arg12[%swap3A_100, %swap3A_101] {strides = array<i32>} : memref<80x16xf32, #tpu.memory_space<vmem>>, vector<16xf32>,
    tpu.vector_store %arg12[%swap3A_100, %swap3A_101], %broadcast_in_dim3A_1 {strides = array<i32>} : memref<80x16xf32, #tpu.memory_space<vmem>>, vector<16xf32>,
    %swap3A_103 = arith.constant 24 : i32
    %swap3A_104 = arith.index_cast %swap3A_103 : i32 to index
    %swap3A_105 = arith.constant 0 : index
    %swap3A_106 = tpu.vector_load %arg12[%swap3A_104, %swap3A_105] {strides = array<i32>} : memref<80x16xf32, #tpu.memory_space<vmem>>, vector<16xf32>,
    tpu.vector_store %arg12[%swap3A_104, %swap3A_105], %broadcast_in_dim3A_1 {strides = array<i32>} : memref<80x16xf32, #tpu.memory_space<vmem>>, vector<16xf32>,
    %swap3A_107 = arith.constant 25 : i32
    %swap3A_108 = arith.index_cast %swap3A_107 : i32 to index
    %swap3A_109 = arith.constant 0 : index
    %swap3A_110 = tpu.vector_load %arg12[%swap3A_108, %swap3A_109] {strides = array<i32>} : memref<80x16xf32, #tpu.memory_space<vmem>>, vector<16xf32>,
    tpu.vector_store %arg12[%swap3A_108, %swap3A_109], %broadcast_in_dim3A_1 {strides = array<i32>} : memref<80x16xf32, #tpu.memory_space<vmem>>, vector<16xf32>,
    %swap3A_111 = arith.constant 26 : i32
    %swap3A_112 = arith.index_cast %swap3A_111 : i32 to index
    %swap3A_113 = arith.constant 0 : index
    %swap3A_114 = tpu.vector_load %arg12[%swap3A_112, %swap3A_113] {strides = array<i32>} : memref<80x16xf32, #tpu.memory_space<vmem>>, vector<16xf32>,
    tpu.vector_store %arg12[%swap3A_112, %swap3A_113], %broadcast_in_dim3A_1 {strides = array<i32>} : memref<80x16xf32, #tpu.memory_space<vmem>>, vector<16xf32>,
    %swap3A_115 = arith.constant 27 : i32
    %swap3A_116 = arith.index_cast %swap3A_115 : i32 to index
    %swap3A_117 = arith.constant 0 : index
    %swap3A_118 = tpu.vector_load %arg12[%swap3A_116, %swap3A_117] {strides = array<i32>} : memref<80x16xf32, #tpu.memory_space<vmem>>, vector<16xf32>,
    tpu.vector_store %arg12[%swap3A_116, %swap3A_117], %broadcast_in_dim3A_1 {strides = array<i32>} : memref<80x16xf32, #tpu.memory_space<vmem>>, vector<16xf32>,
    %swap3A_119 = arith.constant 28 : i32
    %swap3A_120 = arith.index_cast %swap3A_119 : i32 to index
    %swap3A_121 = arith.constant 0 : index
    %swap3A_122 = tpu.vector_load %arg12[%swap3A_120, %swap3A_121] {strides = array<i32>} : memref<80x16xf32, #tpu.memory_space<vmem>>, vector<16xf32>,
    tpu.vector_store %arg12[%swap3A_120, %swap3A_121], %broadcast_in_dim3A_1 {strides = array<i32>} : memref<80x16xf32, #tpu.memory_space<vmem>>, vector<16xf32>,
    %swap3A_123 = arith.constant 29 : i32
    %swap3A_124 = arith.index_cast %swap3A_123 : i32 to index
    %swap3A_125 = arith.constant 0 : index
    %swap3A_126 = tpu.vector_load %arg12[%swap3A_124, %swap3A_125] {strides = array<i32>} : memref<80x16xf32, #tpu.memory_space<vmem>>, vector<16xf32>,
    tpu.vector_store %arg12[%swap3A_124, %swap3A_125], %broadcast_in_dim3A_1 {strides = array<i32>} : memref<80x16xf32, #tpu.memory_space<vmem>>, vector<16xf32>,
    %swap3A_127 = arith.constant 30 : i32
    %swap3A_128 = arith.index_cast %swap3A_127 : i32 to index
    %swap3A_129 = arith.constant 0 : index
    %swap3A_130 = tpu.vector_load %arg12[%swap3A_128, %swap3A_129] {strides = array<i32>} : memref<80x16xf32, #tpu.memory_space<vmem>>, vector<16xf32>,
    tpu.vector_store %arg12[%swap3A_128, %swap3A_129], %broadcast_in_dim3A_1 {strides = array<i32>} : memref<80x16xf32, #tpu.memory_space<vmem>>, vector<16xf32>,
    %swap3A_131 = arith.constant 31 : i32
    %swap3A_132 = arith.index_cast %swap3A_131 : i32 to index
    %swap3A_133 = arith.constant 0 : index
    %swap3A_134 = tpu.vector_load %arg12[%swap3A_132, %swap3A_133] {strides = array<i32>} : memref<80x16xf32, #tpu.memory_space<vmem>>, vector<16xf32>,
    tpu.vector_store %arg12[%swap3A_132, %swap3A_133], %broadcast_in_dim3A_1 {strides = array<i32>} : memref<80x16xf32, #tpu.memory_space<vmem>>, vector<16xf32>,
    %swap3A_135 = arith.constant 32 : i32
    %swap3A_136 = arith.index_cast %swap3A_135 : i32 to index
    %swap3A_137 = arith.constant 0 : index
    %swap3A_138 = tpu.vector_load %arg12[%swap3A_136, %swap3A_137] {strides = array<i32>} : memref<80x16xf32, #tpu.memory_space<vmem>>, vector<16xf32>,
    tpu.vector_store %arg12[%swap3A_136, %swap3A_137], %broadcast_in_dim3A_1 {strides = array<i32>} : memref<80x16xf32, #tpu.memory_space<vmem>>, vector<16xf32>,
    %swap3A_139 = arith.constant 33 : i32
    %swap3A_140 = arith.index_cast %swap3A_139 : i32 to index
    %swap3A_141 = arith.constant 0 : index
    %swap3A_142 = tpu.vector_load %arg12[%swap3A_140, %swap3A_141] {strides = array<i32>} : memref<80x16xf32, #tpu.memory_space<vmem>>, vector<16xf32>,
    tpu.vector_store %arg12[%swap3A_140, %swap3A_141], %broadcast_in_dim3A_1 {strides = array<i32>} : memref<80x16xf32, #tpu.memory_space<vmem>>, vector<16xf32>,
    %swap3A_143 = arith.constant 34 : i32
    %swap3A_144 = arith.index_cast %swap3A_143 : i32 to index
    %swap3A_145 = arith.constant 0 : index
    %swap3A_146 = tpu.vector_load %arg12[%swap3A_144, %swap3A_145] {strides = array<i32>} : memref<80x16xf32, #tpu.memory_space<vmem>>, vector<16xf32>,
    tpu.vector_store %arg12[%swap3A_144, %swap3A_145], %broadcast_in_dim3A_1 {strides = array<i32>} : memref<80x16xf32, #tpu.memory_space<vmem>>, vector<16xf32>,
    %swap3A_147 = arith.constant 35 : i32
    %swap3A_148 = arith.index_cast %swap3A_147 : i32 to index
    %swap3A_149 = arith.constant 0 : index
    %swap3A_150 = tpu.vector_load %arg12[%swap3A_148, %swap3A_149] {strides = array<i32>} : memref<80x16xf32, #tpu.memory_space<vmem>>, vector<16xf32>,
    tpu.vector_store %arg12[%swap3A_148, %swap3A_149], %broadcast_in_dim3A_1 {strides = array<i32>} : memref<80x16xf32, #tpu.memory_space<vmem>>, vector<16xf32>,
    %swap3A_151 = arith.constant 36 : i32
    %swap3A_152 = arith.index_cast %swap3A_151 : i32 to index
    %swap3A_153 = arith.constant 0 : index
    %swap3A_154 = tpu.vector_load %arg12[%swap3A_152, %swap3A_153] {strides = array<i32>} : memref<80x16xf32, #tpu.memory_space<vmem>>, vector<16xf32>,
    tpu.vector_store %arg12[%swap3A_152, %swap3A_153], %broadcast_in_dim3A_1 {strides = array<i32>} : memref<80x16xf32, #tpu.memory_space<vmem>>, vector<16xf32>,
    %swap3A_155 = arith.constant 37 : i32
    %swap3A_156 = arith.index_cast %swap3A_155 : i32 to index
    %swap3A_157 = arith.constant 0 : index
    %swap3A_158 = tpu.vector_load %arg12[%swap3A_156, %swap3A_157] {strides = array<i32>} : memref<80x16xf32, #tpu.memory_space<vmem>>, vector<16xf32>,
    tpu.vector_store %arg12[%swap3A_156, %swap3A_157], %broadcast_in_dim3A_1 {strides = array<i32>} : memref<80x16xf32, #tpu.memory_space<vmem>>, vector<16xf32>,
    %swap3A_159 = arith.constant 38 : i32
    %swap3A_160 = arith.index_cast %swap3A_159 : i32 to index
    %swap3A_161 = arith.constant 0 : index
    %swap3A_162 = tpu.vector_load %arg12[%swap3A_160, %swap3A_161] {strides = array<i32>} : memref<80x16xf32, #tpu.memory_space<vmem>>, vector<16xf32>,
    tpu.vector_store %arg12[%swap3A_160, %swap3A_161], %broadcast_in_dim3A_1 {strides = array<i32>} : memref<80x16xf32, #tpu.memory_space<vmem>>, vector<16xf32>,
    %swap3A_163 = arith.constant 39 : i32
    %swap3A_164 = arith.index_cast %swap3A_163 : i32 to index
    %swap3A_165 = arith.constant 0 : index
    %swap3A_166 = tpu.vector_load %arg12[%swap3A_164, %swap3A_165] {strides = array<i32>} : memref<80x16xf32, #tpu.memory_space<vmem>>, vector<16xf32>,
    tpu.vector_store %arg12[%swap3A_164, %swap3A_165], %broadcast_in_dim3A_1 {strides = array<i32>} : memref<80x16xf32, #tpu.memory_space<vmem>>, vector<16xf32>,
    %swap3A_167 = arith.constant 40 : i32
    %swap3A_168 = arith.index_cast %swap3A_167 : i32 to index
    %swap3A_169 = arith.constant 0 : index
    %swap3A_170 = tpu.vector_load %arg12[%swap3A_168, %swap3A_169] {strides = array<i32>} : memref<80x16xf32, #tpu.memory_space<vmem>>, vector<16xf32>,
    tpu.vector_store %arg12[%swap3A_168, %swap3A_169], %broadcast_in_dim3A_1 {strides = array<i32>} : memref<80x16xf32, #tpu.memory_space<vmem>>, vector<16xf32>,
    %swap3A_171 = arith.constant 41 : i32
    %swap3A_172 = arith.index_cast %swap3A_171 : i32 to index
    %swap3A_173 = arith.constant 0 : index
    %swap3A_174 = tpu.vector_load %arg12[%swap3A_172, %swap3A_173] {strides = array<i32>} : memref<80x16xf32, #tpu.memory_space<vmem>>, vector<16xf32>,
    tpu.vector_store %arg12[%swap3A_172, %swap3A_173], %broadcast_in_dim3A_1 {strides = array<i32>} : memref<80x16xf32, #tpu.memory_space<vmem>>, vector<16xf32>,
    %swap3A_175 = arith.constant 42 : i32
    %swap3A_176 = arith.index_cast %swap3A_175 : i32 to index
    %swap3A_177 = arith.constant 0 : index
    %swap3A_178 = tpu.vector_load %arg12[%swap3A_176, %swap3A_177] {strides = array<i32>} : memref<80x16xf32, #tpu.memory_space<vmem>>, vector<16xf32>,
    tpu.vector_store %arg12[%swap3A_176, %swap3A_177], %broadcast_in_dim3A_1 {strides = array<i32>} : memref<80x16xf32, #tpu.memory_space<vmem>>, vector<16xf32>,
    %swap3A_179 = arith.constant 43 : i32
    %swap3A_180 = arith.index_cast %swap3A_179 : i32 to index
    %swap3A_181 = arith.constant 0 : index
    %swap3A_182 = tpu.vector_load %arg12[%swap3A_180, %swap3A_181] {strides = array<i32>} : memref<80x16xf32, #tpu.memory_space<vmem>>, vector<16xf32>,
    tpu.vector_store %arg12[%swap3A_180, %swap3A_181], %broadcast_in_dim3A_1 {strides = array<i32>} : memref<80x16xf32, #tpu.memory_space<vmem>>, vector<16xf32>,
    %swap3A_183 = arith.constant 44 : i32
    %swap3A_184 = arith.index_cast %swap3A_183 : i32 to index
    %swap3A_185 = arith.constant 0 : index
    %swap3A_186 = tpu.vector_load %arg12[%swap3A_184, %swap3A_185] {strides = array<i32>} : memref<80x16xf32, #tpu.memory_space<vmem>>, vector<16xf32>,
    tpu.vector_store %arg12[%swap3A_184, %swap3A_185], %broadcast_in_dim3A_1 {strides = array<i32>} : memref<80x16xf32, #tpu.memory_space<vmem>>, vector<16xf32>,
    %swap3A_187 = arith.constant 45 : i32
    %swap3A_188 = arith.index_cast %swap3A_187 : i32 to index
    %swap3A_189 = arith.constant 0 : index
    %swap3A_190 = tpu.vector_load %arg12[%swap3A_188, %swap3A_189] {strides = array<i32>} : memref<80x16xf32, #tpu.memory_space<vmem>>, vector<16xf32>,
    tpu.vector_store %arg12[%swap3A_188, %swap3A_189], %broadcast_in_dim3A_1 {strides = array<i32>} : memref<80x16xf32, #tpu.memory_space<vmem>>, vector<16xf32>,
    %swap3A_191 = arith.constant 46 : i32
    %swap3A_192 = arith.index_cast %swap3A_191 : i32 to index
    %swap3A_193 = arith.constant 0 : index
    %swap3A_194 = tpu.vector_load %arg12[%swap3A_192, %swap3A_193] {strides = array<i32>} : memref<80x16xf32, #tpu.memory_space<vmem>>, vector<16xf32>,
    tpu.vector_store %arg12[%swap3A_192, %swap3A_193], %broadcast_in_dim3A_1 {strides = array<i32>} : memref<80x16xf32, #tpu.memory_space<vmem>>, vector<16xf32>,
    %swap3A_195 = arith.constant 47 : i32
    %swap3A_196 = arith.index_cast %swap3A_195 : i32 to index
    %swap3A_197 = arith.constant 0 : index
    %swap3A_198 = tpu.vector_load %arg12[%swap3A_196, %swap3A_197] {strides = array<i32>} : memref<80x16xf32, #tpu.memory_space<vmem>>, vector<16xf32>,
    tpu.vector_store %arg12[%swap3A_196, %swap3A_197], %broadcast_in_dim3A_1 {strides = array<i32>} : memref<80x16xf32, #tpu.memory_space<vmem>>, vector<16xf32>,
    %swap3A_199 = arith.constant 48 : i32
    %swap3A_200 = arith.index_cast %swap3A_199 : i32 to index
    %swap3A_201 = arith.constant 0 : index
    %swap3A_202 = tpu.vector_load %arg12[%swap3A_200, %swap3A_201] {strides = array<i32>} : memref<80x16xf32, #tpu.memory_space<vmem>>, vector<16xf32>,
    tpu.vector_store %arg12[%swap3A_200, %swap3A_201], %broadcast_in_dim3A_1 {strides = array<i32>} : memref<80x16xf32, #tpu.memory_space<vmem>>, vector<16xf32>,
    %swap3A_203 = arith.constant 49 : i32
    %swap3A_204 = arith.index_cast %swap3A_203 : i32 to index
    %swap3A_205 = arith.constant 0 : index
    %swap3A_206 = tpu.vector_load %arg12[%swap3A_204, %swap3A_205] {strides = array<i32>} : memref<80x16xf32, #tpu.memory_space<vmem>>, vector<16xf32>,
    tpu.vector_store %arg12[%swap3A_204, %swap3A_205], %broadcast_in_dim3A_1 {strides = array<i32>} : memref<80x16xf32, #tpu.memory_space<vmem>>, vector<16xf32>,
    %swap3A_207 = arith.constant 50 : i32
    %swap3A_208 = arith.index_cast %swap3A_207 : i32 to index
    %swap3A_209 = arith.constant 0 : index
    %swap3A_210 = tpu.vector_load %arg12[%swap3A_208, %swap3A_209] {strides = array<i32>} : memref<80x16xf32, #tpu.memory_space<vmem>>, vector<16xf32>,
    tpu.vector_store %arg12[%swap3A_208, %swap3A_209], %broadcast_in_dim3A_1 {strides = array<i32>} : memref<80x16xf32, #tpu.memory_space<vmem>>, vector<16xf32>,
    %swap3A_211 = arith.constant 51 : i32
    %swap3A_212 = arith.index_cast %swap3A_211 : i32 to index
    %swap3A_213 = arith.constant 0 : index
    %swap3A_214 = tpu.vector_load %arg12[%swap3A_212, %swap3A_213] {strides = array<i32>} : memref<80x16xf32, #tpu.memory_space<vmem>>, vector<16xf32>,
    tpu.vector_store %arg12[%swap3A_212, %swap3A_213], %broadcast_in_dim3A_1 {strides = array<i32>} : memref<80x16xf32, #tpu.memory_space<vmem>>, vector<16xf32>,
    %swap3A_215 = arith.constant 52 : i32
    %swap3A_216 = arith.index_cast %swap3A_215 : i32 to index
    %swap3A_217 = arith.constant 0 : index
    %swap3A_218 = tpu.vector_load %arg12[%swap3A_216, %swap3A_217] {strides = array<i32>} : memref<80x16xf32, #tpu.memory_space<vmem>>, vector<16xf32>,
    tpu.vector_store %arg12[%swap3A_216, %swap3A_217], %broadcast_in_dim3A_1 {strides = array<i32>} : memref<80x16xf32, #tpu.memory_space<vmem>>, vector<16xf32>,
    %swap3A_219 = arith.constant 53 : i32
    %swap3A_220 = arith.index_cast %swap3A_219 : i32 to index
    %swap3A_221 = arith.constant 0 : index
    %swap3A_222 = tpu.vector_load %arg12[%swap3A_220, %swap3A_221] {strides = array<i32>} : memref<80x16xf32, #tpu.memory_space<vmem>>, vector<16xf32>,
    tpu.vector_store %arg12[%swap3A_220, %swap3A_221], %broadcast_in_dim3A_1 {strides = array<i32>} : memref<80x16xf32, #tpu.memory_space<vmem>>, vector<16xf32>,
    %swap3A_223 = arith.constant 54 : i32
    %swap3A_224 = arith.index_cast %swap3A_223 : i32 to index
    %swap3A_225 = arith.constant 0 : index
    %swap3A_226 = tpu.vector_load %arg12[%swap3A_224, %swap3A_225] {strides = array<i32>} : memref<80x16xf32, #tpu.memory_space<vmem>>, vector<16xf32>,
    tpu.vector_store %arg12[%swap3A_224, %swap3A_225], %broadcast_in_dim3A_1 {strides = array<i32>} : memref<80x16xf32, #tpu.memory_space<vmem>>, vector<16xf32>,
    %swap3A_227 = arith.constant 55 : i32
    %swap3A_228 = arith.index_cast %swap3A_227 : i32 to index
    %swap3A_229 = arith.constant 0 : index
    %swap3A_230 = tpu.vector_load %arg12[%swap3A_228, %swap3A_229] {strides = array<i32>} : memref<80x16xf32, #tpu.memory_space<vmem>>, vector<16xf32>,
    tpu.vector_store %arg12[%swap3A_228, %swap3A_229], %broadcast_in_dim3A_1 {strides = array<i32>} : memref<80x16xf32, #tpu.memory_space<vmem>>, vector<16xf32>,
    %swap3A_231 = arith.constant 56 : i32
    %swap3A_232 = arith.index_cast %swap3A_231 : i32 to index
    %swap3A_233 = arith.constant 0 : index
    %swap3A_234 = tpu.vector_load %arg12[%swap3A_232, %swap3A_233] {strides = array<i32>} : memref<80x16xf32, #tpu.memory_space<vmem>>, vector<16xf32>,
    tpu.vector_store %arg12[%swap3A_232, %swap3A_233], %broadcast_in_dim3A_1 {strides = array<i32>} : memref<80x16xf32, #tpu.memory_space<vmem>>, vector<16xf32>,
    %swap3A_235 = arith.constant 57 : i32
    %swap3A_236 = arith.index_cast %swap3A_235 : i32 to index
    %swap3A_237 = arith.constant 0 : index
    %swap3A_238 = tpu.vector_load %arg12[%swap3A_236, %swap3A_237] {strides = array<i32>} : memref<80x16xf32, #tpu.memory_space<vmem>>, vector<16xf32>,
    tpu.vector_store %arg12[%swap3A_236, %swap3A_237], %broadcast_in_dim3A_1 {strides = array<i32>} : memref<80x16xf32, #tpu.memory_space<vmem>>, vector<16xf32>,
    %swap3A_239 = arith.constant 58 : i32
    %swap3A_240 = arith.index_cast %swap3A_239 : i32 to index
    %swap3A_241 = arith.constant 0 : index
    %swap3A_242 = tpu.vector_load %arg12[%swap3A_240, %swap3A_241] {strides = array<i32>} : memref<80x16xf32, #tpu.memory_space<vmem>>, vector<16xf32>,
    tpu.vector_store %arg12[%swap3A_240, %swap3A_241], %broadcast_in_dim3A_1 {strides = array<i32>} : memref<80x16xf32, #tpu.memory_space<vmem>>, vector<16xf32>,
    %swap3A_243 = arith.constant 59 : i32
    %swap3A_244 = arith.index_cast %swap3A_243 : i32 to index
    %swap3A_245 = arith.constant 0 : index
    %swap3A_246 = tpu.vector_load %arg12[%swap3A_244, %swap3A_245] {strides = array<i32>} : memref<80x16xf32, #tpu.memory_space<vmem>>, vector<16xf32>,
    tpu.vector_store %arg12[%swap3A_244, %swap3A_245], %broadcast_in_dim3A_1 {strides = array<i32>} : memref<80x16xf32, #tpu.memory_space<vmem>>, vector<16xf32>,
    %swap3A_247 = arith.constant 60 : i32
    %swap3A_248 = arith.index_cast %swap3A_247 : i32 to index
    %swap3A_249 = arith.constant 0 : index
    %swap3A_250 = tpu.vector_load %arg12[%swap3A_248, %swap3A_249] {strides = array<i32>} : memref<80x16xf32, #tpu.memory_space<vmem>>, vector<16xf32>,
    tpu.vector_store %arg12[%swap3A_248, %swap3A_249], %broadcast_in_dim3A_1 {strides = array<i32>} : memref<80x16xf32, #tpu.memory_space<vmem>>, vector<16xf32>,
    %swap3A_251 = arith.constant 61 : i32
    %swap3A_252 = arith.index_cast %swap3A_251 : i32 to index
    %swap3A_253 = arith.constant 0 : index
    %swap3A_254 = tpu.vector_load %arg12[%swap3A_252, %swap3A_253] {strides = array<i32>} : memref<80x16xf32, #tpu.memory_space<vmem>>, vector<16xf32>,
    tpu.vector_store %arg12[%swap3A_252, %swap3A_253], %broadcast_in_dim3A_1 {strides = array<i32>} : memref<80x16xf32, #tpu.memory_space<vmem>>, vector<16xf32>,
    %swap3A_255 = arith.constant 62 : i32
    %swap3A_256 = arith.index_cast %swap3A_255 : i32 to index
    %swap3A_257 = arith.constant 0 : index
    %swap3A_258 = tpu.vector_load %arg12[%swap3A_256, %swap3A_257] {strides = array<i32>} : memref<80x16xf32, #tpu.memory_space<vmem>>, vector<16xf32>,
    tpu.vector_store %arg12[%swap3A_256, %swap3A_257], %broadcast_in_dim3A_1 {strides = array<i32>} : memref<80x16xf32, #tpu.memory_space<vmem>>, vector<16xf32>,
    %swap3A_259 = arith.constant 63 : i32
    %swap3A_260 = arith.index_cast %swap3A_259 : i32 to index
    %swap3A_261 = arith.constant 0 : index
    %swap3A_262 = tpu.vector_load %arg12[%swap3A_260, %swap3A_261] {strides = array<i32>} : memref<80x16xf32, #tpu.memory_space<vmem>>, vector<16xf32>,
    tpu.vector_store %arg12[%swap3A_260, %swap3A_261], %broadcast_in_dim3A_1 {strides = array<i32>} : memref<80x16xf32, #tpu.memory_space<vmem>>, vector<16xf32>,
    %swap3A_263 = arith.constant 64 : i32
    %swap3A_264 = arith.index_cast %swap3A_263 : i32 to index
    %swap3A_265 = arith.constant 0 : index
    %swap3A_266 = tpu.vector_load %arg12[%swap3A_264, %swap3A_265] {strides = array<i32>} : memref<80x16xf32, #tpu.memory_space<vmem>>, vector<16xf32>,
    tpu.vector_store %arg12[%swap3A_264, %swap3A_265], %broadcast_in_dim3A_1 {strides = array<i32>} : memref<80x16xf32, #tpu.memory_space<vmem>>, vector<16xf32>,
    %swap3A_267 = arith.constant 65 : i32
    %swap3A_268 = arith.index_cast %swap3A_267 : i32 to index
    %swap3A_269 = arith.constant 0 : index
    %swap3A_270 = tpu.vector_load %arg12[%swap3A_268, %swap3A_269] {strides = array<i32>} : memref<80x16xf32, #tpu.memory_space<vmem>>, vector<16xf32>,
    tpu.vector_store %arg12[%swap3A_268, %swap3A_269], %broadcast_in_dim3A_1 {strides = array<i32>} : memref<80x16xf32, #tpu.memory_space<vmem>>, vector<16xf32>,
    %swap3A_271 = arith.constant 66 : i32
    %swap3A_272 = arith.index_cast %swap3A_271 : i32 to index
    %swap3A_273 = arith.constant 0 : index
    %swap3A_274 = tpu.vector_load %arg12[%swap3A_272, %swap3A_273] {strides = array<i32>} : memref<80x16xf32, #tpu.memory_space<vmem>>, vector<16xf32>,
    tpu.vector_store %arg12[%swap3A_272, %swap3A_273], %broadcast_in_dim3A_1 {strides = array<i32>} : memref<80x16xf32, #tpu.memory_space<vmem>>, vector<16xf32>,
    %swap3A_275 = arith.constant 67 : i32
    %swap3A_276 = arith.index_cast %swap3A_275 : i32 to index
    %swap3A_277 = arith.constant 0 : index
    %swap3A_278 = tpu.vector_load %arg12[%swap3A_276, %swap3A_277] {strides = array<i32>} : memref<80x16xf32, #tpu.memory_space<vmem>>, vector<16xf32>,
    tpu.vector_store %arg12[%swap3A_276, %swap3A_277], %broadcast_in_dim3A_1 {strides = array<i32>} : memref<80x16xf32, #tpu.memory_space<vmem>>, vector<16xf32>,
    %swap3A_279 = arith.constant 68 : i32
    %swap3A_280 = arith.index_cast %swap3A_279 : i32 to index
    %swap3A_281 = arith.constant 0 : index
    %swap3A_282 = tpu.vector_load %arg12[%swap3A_280, %swap3A_281] {strides = array<i32>} : memref<80x16xf32, #tpu.memory_space<vmem>>, vector<16xf32>,
    tpu.vector_store %arg12[%swap3A_280, %swap3A_281], %broadcast_in_dim3A_1 {strides = array<i32>} : memref<80x16xf32, #tpu.memory_space<vmem>>, vector<16xf32>,
    %swap3A_283 = arith.constant 69 : i32
    %swap3A_284 = arith.index_cast %swap3A_283 : i32 to index
    %swap3A_285 = arith.constant 0 : index
    %swap3A_286 = tpu.vector_load %arg12[%swap3A_284, %swap3A_285] {strides = array<i32>} : memref<80x16xf32, #tpu.memory_space<vmem>>, vector<16xf32>,
    tpu.vector_store %arg12[%swap3A_284, %swap3A_285], %broadcast_in_dim3A_1 {strides = array<i32>} : memref<80x16xf32, #tpu.memory_space<vmem>>, vector<16xf32>,
    %swap3A_287 = arith.constant 70 : i32
    %swap3A_288 = arith.index_cast %swap3A_287 : i32 to index
    %swap3A_289 = arith.constant 0 : index
    %swap3A_290 = tpu.vector_load %arg12[%swap3A_288, %swap3A_289] {strides = array<i32>} : memref<80x16xf32, #tpu.memory_space<vmem>>, vector<16xf32>,
    tpu.vector_store %arg12[%swap3A_288, %swap3A_289], %broadcast_in_dim3A_1 {strides = array<i32>} : memref<80x16xf32, #tpu.memory_space<vmem>>, vector<16xf32>,
    %swap3A_291 = arith.constant 71 : i32
    %swap3A_292 = arith.index_cast %swap3A_291 : i32 to index
    %swap3A_293 = arith.constant 0 : index
    %swap3A_294 = tpu.vector_load %arg12[%swap3A_292, %swap3A_293] {strides = array<i32>} : memref<80x16xf32, #tpu.memory_space<vmem>>, vector<16xf32>,
    tpu.vector_store %arg12[%swap3A_292, %swap3A_293], %broadcast_in_dim3A_1 {strides = array<i32>} : memref<80x16xf32, #tpu.memory_space<vmem>>, vector<16xf32>,
    %swap3A_295 = arith.constant 72 : i32
    %swap3A_296 = arith.index_cast %swap3A_295 : i32 to index
    %swap3A_297 = arith.constant 0 : index
    %swap3A_298 = tpu.vector_load %arg12[%swap3A_296, %swap3A_297] {strides = array<i32>} : memref<80x16xf32, #tpu.memory_space<vmem>>, vector<16xf32>,
    tpu.vector_store %arg12[%swap3A_296, %swap3A_297], %broadcast_in_dim3A_1 {strides = array<i32>} : memref<80x16xf32, #tpu.memory_space<vmem>>, vector<16xf32>,
    %swap3A_299 = arith.constant 73 : i32
    %swap3A_300 = arith.index_cast %swap3A_299 : i32 to index
    %swap3A_301 = arith.constant 0 : index
    %swap3A_302 = tpu.vector_load %arg12[%swap3A_300, %swap3A_301] {strides = array<i32>} : memref<80x16xf32, #tpu.memory_space<vmem>>, vector<16xf32>,
    tpu.vector_store %arg12[%swap3A_300, %swap3A_301], %broadcast_in_dim3A_1 {strides = array<i32>} : memref<80x16xf32, #tpu.memory_space<vmem>>, vector<16xf32>,
    %swap3A_303 = arith.constant 74 : i32
    %swap3A_304 = arith.index_cast %swap3A_303 : i32 to index
    %swap3A_305 = arith.constant 0 : index
    %swap3A_306 = tpu.vector_load %arg12[%swap3A_304, %swap3A_305] {strides = array<i32>} : memref<80x16xf32, #tpu.memory_space<vmem>>, vector<16xf32>,
    tpu.vector_store %arg12[%swap3A_304, %swap3A_305], %broadcast_in_dim3A_1 {strides = array<i32>} : memref<80x16xf32, #tpu.memory_space<vmem>>, vector<16xf32>,
    %swap3A_307 = arith.constant 75 : i32
    %swap3A_308 = arith.index_cast %swap3A_307 : i32 to index
    %swap3A_309 = arith.constant 0 : index
    %swap3A_310 = tpu.vector_load %arg12[%swap3A_308, %swap3A_309] {strides = array<i32>} : memref<80x16xf32, #tpu.memory_space<vmem>>, vector<16xf32>,
    tpu.vector_store %arg12[%swap3A_308, %swap3A_309], %broadcast_in_dim3A_1 {strides = array<i32>} : memref<80x16xf32, #tpu.memory_space<vmem>>, vector<16xf32>,
    %swap3A_311 = arith.constant 76 : i32
    %swap3A_312 = arith.index_cast %swap3A_311 : i32 to index
    %swap3A_313 = arith.constant 0 : index
    %swap3A_314 = tpu.vector_load %arg12[%swap3A_312, %swap3A_313] {strides = array<i32>} : memref<80x16xf32, #tpu.memory_space<vmem>>, vector<16xf32>,
    tpu.vector_store %arg12[%swap3A_312, %swap3A_313], %broadcast_in_dim3A_1 {strides = array<i32>} : memref<80x16xf32, #tpu.memory_space<vmem>>, vector<16xf32>,
    %swap3A_315 = arith.constant 77 : i32
    %swap3A_316 = arith.index_cast %swap3A_315 : i32 to index
    %swap3A_317 = arith.constant 0 : index
    %swap3A_318 = tpu.vector_load %arg12[%swap3A_316, %swap3A_317] {strides = array<i32>} : memref<80x16xf32, #tpu.memory_space<vmem>>, vector<16xf32>,
    tpu.vector_store %arg12[%swap3A_316, %swap3A_317], %broadcast_in_dim3A_1 {strides = array<i32>} : memref<80x16xf32, #tpu.memory_space<vmem>>, vector<16xf32>,
    %swap3A_319 = arith.constant 78 : i32
    %swap3A_320 = arith.index_cast %swap3A_319 : i32 to index
    %swap3A_321 = arith.constant 0 : index
    %swap3A_322 = tpu.vector_load %arg12[%swap3A_320, %swap3A_321] {strides = array<i32>} : memref<80x16xf32, #tpu.memory_space<vmem>>, vector<16xf32>,
    tpu.vector_store %arg12[%swap3A_320, %swap3A_321], %broadcast_in_dim3A_1 {strides = array<i32>} : memref<80x16xf32, #tpu.memory_space<vmem>>, vector<16xf32>,
    %swap3A_323 = arith.constant 79 : i32
    %swap3A_324 = arith.index_cast %swap3A_323 : i32 to index
    %swap3A_325 = arith.constant 0 : index
    %swap3A_326 = tpu.vector_load %arg12[%swap3A_324, %swap3A_325] {strides = array<i32>} : memref<80x16xf32, #tpu.memory_space<vmem>>, vector<16xf32>,
    tpu.vector_store %arg12[%swap3A_324, %swap3A_325], %broadcast_in_dim3A_1 {strides = array<i32>} : memref<80x16xf32, #tpu.memory_space<vmem>>, vector<16xf32>,
    "tpu.region"() ({
      %run_scoped3A = tpu.sem_alloc : memref<!tpu.dma_semaphore, #tpu.memory_space<semaphore_mem>>
      tpu.enqueue_dma source(%arg3 : memref<10000x8xf32, #tpu.memory_space<hbm>>) target(%arg7 : memref<10000x8xf32, #tpu.memory_space<vmem>>) target_semaphore(%run_scoped3A : memref<!tpu.dma_semaphore, #tpu.memory_space<semaphore_mem>>)
      tpu.wait_dma2 semaphore(%run_scoped3A : memref<!tpu.dma_semaphore, #tpu.memory_space<semaphore_mem>>) src(%arg3 : memref<10000x8xf32, #tpu.memory_space<hbm>>) dst(%arg7 : memref<10000x8xf32, #tpu.memory_space<vmem>>)
      tpu.yield
    }) : () -> ()
    "tpu.region"() ({
      %run_scoped3A = tpu.sem_alloc : memref<!tpu.dma_semaphore, #tpu.memory_space<semaphore_mem>>
      tpu.enqueue_dma source(%arg4 : memref<16xf32, #tpu.memory_space<hbm>>) target(%arg8 : memref<16xf32, #tpu.memory_space<vmem>>) target_semaphore(%run_scoped3A : memref<!tpu.dma_semaphore, #tpu.memory_space<semaphore_mem>>)
      tpu.wait_dma2 semaphore(%run_scoped3A : memref<!tpu.dma_semaphore, #tpu.memory_space<semaphore_mem>>) src(%arg4 : memref<16xf32, #tpu.memory_space<hbm>>) dst(%arg8 : memref<16xf32, #tpu.memory_space<vmem>>)
      tpu.yield
    }) : () -> ()
    %mul3A_327 = arith.constant 640 : i32
    %mul3A_328 = arith.muli %arg1, %mul3A_327 : i32
    "tpu.region"() ({
      %run_scoped3A = tpu.sem_alloc : memref<!tpu.dma_semaphore, #tpu.memory_space<semaphore_mem>>
      %dma_start3A = arith.constant 0 : i32
      %dma_start3A_352 = tpu.memref_slice %arg14[%mul3A_328, %dma_start3A] : memref<10240x16xf32, #tpu.memory_space<vmem_shared>> -> memref<640x16xf32, #tpu.memory_space<vmem_shared>>
      %dma_start3A_353 = arith.constant 0 : i32
      %dma_start3A_354 = tpu.memref_slice %arg14[%mul3A_328, %dma_start3A_353] : memref<10240x16xf32, #tpu.memory_space<vmem_shared>> -> memref<640x16xf32, #tpu.memory_space<vmem_shared>>
      tpu.enqueue_dma source(%arg13 : memref<640x16xf32, #tpu.memory_space<vmem>>) target(%dma_start3A_354 : memref<640x16xf32, #tpu.memory_space<vmem_shared>>) target_semaphore(%run_scoped3A : memref<!tpu.dma_semaphore, #tpu.memory_space<semaphore_mem>>)
      %dma_wait3A = arith.constant 0 : i32
      %dma_wait3A_355 = tpu.memref_slice %arg14[%mul3A_328, %dma_wait3A] : memref<10240x16xf32, #tpu.memory_space<vmem_shared>> -> memref<640x16xf32, #tpu.memory_space<vmem_shared>>
      %dma_wait3A_356 = arith.constant 0 : i32
      %dma_wait3A_357 = tpu.memref_slice %arg14[%mul3A_328, %dma_wait3A_356] : memref<10240x16xf32, #tpu.memory_space<vmem_shared>> -> memref<640x16xf32, #tpu.memory_space<vmem_shared>>
      tpu.wait_dma2 semaphore(%run_scoped3A : memref<!tpu.dma_semaphore, #tpu.memory_space<semaphore_mem>>) src(%arg13 : memref<640x16xf32, #tpu.memory_space<vmem>>) dst(%dma_wait3A_357 : memref<640x16xf32, #tpu.memory_space<vmem_shared>>)
      tpu.yield
    }) : () -> ()
    %barrier3A = arith.constant 0 : index
    tpu.barrier barrier_id(%barrier3A)
    %iota3A = tpu.iota {dimensions = array<i32: 0>} : vector<16xi32>
    %get3A = arith.constant 0 : index
    %get3A_329 = tpu.vector_load %arg8[%get3A] {strides = array<i32>} : memref<16xf32, #tpu.memory_space<vmem>>, vector<16xf32>,
    %slice3A = vector.extract_strided_slice %get3A_329 {offsets = [0], sizes = [1], strides = [1]} : vector<16xf32> to vector<1xf32>
    %squeeze3A = vector.extract %slice3A[0] : f32 from vector<1xf32>
    %broadcast_in_dim3A_330 = vector.broadcast %squeeze3A : f32 to vector<16xf32>
    %slice3A_331 = vector.extract_strided_slice %get3A_329 {offsets = [1], sizes = [1], strides = [1]} : vector<16xf32> to vector<1xf32>
    %squeeze3A_332 = vector.extract %slice3A_331[0] : f32 from vector<1xf32>
    %broadcast_in_dim3A_333 = vector.broadcast %squeeze3A_332 : f32 to vector<16xf32>
    %slice3A_334 = vector.extract_strided_slice %get3A_329 {offsets = [2], sizes = [1], strides = [1]} : vector<16xf32> to vector<1xf32>
    %squeeze3A_335 = vector.extract %slice3A_334[0] : f32 from vector<1xf32>
    %broadcast_in_dim3A_336 = vector.broadcast %squeeze3A_335 : f32 to vector<16xf32>
    %slice3A_337 = vector.extract_strided_slice %get3A_329 {offsets = [3], sizes = [1], strides = [1]} : vector<16xf32> to vector<1xf32>
    %squeeze3A_338 = vector.extract %slice3A_337[0] : f32 from vector<1xf32>
    %broadcast_in_dim3A_339 = vector.broadcast %squeeze3A_338 : f32 to vector<16xf32>
    %scan3A_340 = arith.constant 0 : i32
    %scan3A_341 = arith.constant 0 : i32
    %scan3A_342 = arith.constant 125 : i32
    %scan3A_343 = arith.addi %scan3A_341, %scan3A_342 : i32
    %scan3A_344 = arith.constant 1 : i32
    %scan3A_345 = scf.for %scan3A_352 = %scan3A_341 to %scan3A_343 step %scan3A_344 iter_args(%scan3A_353 = %scan3A_340) -> (i32)  : i32 {
      %mul3A_354 = arith.constant 10000 : i32
      %mul3A_355 = arith.muli %add3A, %mul3A_354 : i32
      %mul3A_356 = arith.constant 80 : i32
      %mul3A_357 = arith.muli %scan3A_352, %mul3A_356 : i32
      %add3A_358 = arith.addi %mul3A_355, %mul3A_357 : i32
      "tpu.region"() ({
        %run_scoped3A = tpu.sem_alloc : memref<!tpu.dma_semaphore, #tpu.memory_space<semaphore_mem>>
        %dma_start3A = tpu.memref_slice %arg2[%add3A_358] : memref<640000xi32, #tpu.memory_space<hbm>> -> memref<80xi32, #tpu.memory_space<hbm>>
        %dma_start3A_795 = tpu.memref_slice %arg2[%add3A_358] : memref<640000xi32, #tpu.memory_space<hbm>> -> memref<80xi32, #tpu.memory_space<hbm>>
        tpu.enqueue_dma source(%dma_start3A_795 : memref<80xi32, #tpu.memory_space<hbm>>) target(%arg9 : memref<80xi32, #tpu.memory_space<vmem>>) target_semaphore(%run_scoped3A : memref<!tpu.dma_semaphore, #tpu.memory_space<semaphore_mem>>)
        %dma_wait3A = tpu.memref_slice %arg2[%add3A_358] : memref<640000xi32, #tpu.memory_space<hbm>> -> memref<80xi32, #tpu.memory_space<hbm>>
        %dma_wait3A_796 = tpu.memref_slice %arg2[%add3A_358] : memref<640000xi32, #tpu.memory_space<hbm>> -> memref<80xi32, #tpu.memory_space<hbm>>
        tpu.wait_dma2 semaphore(%run_scoped3A : memref<!tpu.dma_semaphore, #tpu.memory_space<semaphore_mem>>) src(%dma_wait3A_796 : memref<80xi32, #tpu.memory_space<hbm>>) dst(%arg9 : memref<80xi32, #tpu.memory_space<vmem>>)
        tpu.yield
      }) : () -> ()
      %add3A_359 = arith.constant 320000 : i32
      %add3A_360 = arith.addi %add3A_359, %add3A_358 : i32
      "tpu.region"() ({
        %run_scoped3A = tpu.sem_alloc : memref<!tpu.dma_semaphore, #tpu.memory_space<semaphore_mem>>
        %dma_start3A = tpu.memref_slice %arg2[%add3A_360] : memref<640000xi32, #tpu.memory_space<hbm>> -> memref<80xi32, #tpu.memory_space<hbm>>
        %dma_start3A_795 = tpu.memref_slice %arg2[%add3A_360] : memref<640000xi32, #tpu.memory_space<hbm>> -> memref<80xi32, #tpu.memory_space<hbm>>
        tpu.enqueue_dma source(%dma_start3A_795 : memref<80xi32, #tpu.memory_space<hbm>>) target(%arg10 : memref<80xi32, #tpu.memory_space<vmem>>) target_semaphore(%run_scoped3A : memref<!tpu.dma_semaphore, #tpu.memory_space<semaphore_mem>>)
        %dma_wait3A = tpu.memref_slice %arg2[%add3A_360] : memref<640000xi32, #tpu.memory_space<hbm>> -> memref<80xi32, #tpu.memory_space<hbm>>
        %dma_wait3A_796 = tpu.memref_slice %arg2[%add3A_360] : memref<640000xi32, #tpu.memory_space<hbm>> -> memref<80xi32, #tpu.memory_space<hbm>>
        tpu.wait_dma2 semaphore(%run_scoped3A : memref<!tpu.dma_semaphore, #tpu.memory_space<semaphore_mem>>) src(%dma_wait3A_796 : memref<80xi32, #tpu.memory_space<hbm>>) dst(%arg10 : memref<80xi32, #tpu.memory_space<vmem>>)
        tpu.yield
      }) : () -> ()
      %get3A_361 = arith.constant 0 : index
      %get3A_362 = tpu.vector_load %arg9[%get3A_361] {strides = array<i32>} : memref<80xi32, #tpu.memory_space<vmem>>, vector<16xi32>,
      %get3A_363 = arith.constant 0 : index
      %get3A_364 = tpu.vector_load %arg10[%get3A_363] {strides = array<i32>} : memref<80xi32, #tpu.memory_space<vmem>>, vector<16xi32>,
      %add3A_365 = arith.constant 0 : i32
      %add3A_366 = vector.broadcast %add3A_365 : i32 to vector<16xi32>
      %add3A_367 = arith.addi %iota3A, %add3A_366 : vector<16xi32>
      %broadcast_in_dim3A_368 = arith.constant 0 : i32
      %broadcast_in_dim3A_369 = vector.broadcast %broadcast_in_dim3A_368 : i32 to vector<16xi32>
      %gather3A = tpu.vector_load_idx %arg7[%get3A_362, %broadcast_in_dim3A_369] : memref<10000x8xf32, #tpu.memory_space<vmem>>[vector<16xi32>, vector<16xi32>], vector<16xf32>,
      %add3A_370 = arith.constant 4 : i32
      %add3A_371 = vector.broadcast %add3A_370 : i32 to vector<16xi32>
      %add3A_372 = arith.addi %broadcast_in_dim3A_369, %add3A_371 : vector<16xi32>
      %gather3A_373 = tpu.vector_load_idx %arg7[%get3A_364, %add3A_372] : memref<10000x8xf32, #tpu.memory_space<vmem>>[vector<16xi32>, vector<16xi32>], vector<16xf32>,
      %add3A_374 = arith.addf %gather3A, %gather3A_373 : vector<16xf32>
      %mul3A_375 = arith.constant 2.000000e-01 : f32
      %mul3A_376 = vector.broadcast %mul3A_375 : f32 to vector<16xf32>
      %mul3A_377 = arith.mulf %mul3A_376, %add3A_374 : vector<16xf32>
      %max3A = arith.maximumf %add3A_374, %mul3A_377 : vector<16xf32>
      %sub3A = arith.subf %max3A, %broadcast_in_dim3A_330 : vector<16xf32>
      %exp3A = math.exp %sub3A : vector<16xf32>
      %mul3A_378 = arith.constant 4 : i32
      %mul3A_379 = vector.broadcast %mul3A_378 : i32 to vector<16xi32>
      %mul3A_380 = arith.muli %add3A_367, %mul3A_379 : vector<16xi32>
      %add3A_381 = arith.constant 0 : i32
      %add3A_382 = vector.broadcast %add3A_381 : i32 to vector<16xi32>
      %add3A_383 = arith.addi %mul3A_380, %add3A_382 : vector<16xi32>
      tpu.vector_store_idx %arg11[%add3A_383], %exp3A : memref<320xf32, #tpu.memory_space<vmem>>[vector<16xi32>], vector<16xf32>,
      tpu.vector_store_idx %arg12[%add3A_367, %broadcast_in_dim3A_369], %exp3A : memref<80x16xf32, #tpu.memory_space<vmem>>[vector<16xi32>, vector<16xi32>], vector<16xf32>,
      %broadcast_in_dim3A_384 = arith.constant 1 : i32
      %broadcast_in_dim3A_385 = vector.broadcast %broadcast_in_dim3A_384 : i32 to vector<16xi32>
      %gather3A_386 = tpu.vector_load_idx %arg7[%get3A_362, %broadcast_in_dim3A_385] : memref<10000x8xf32, #tpu.memory_space<vmem>>[vector<16xi32>, vector<16xi32>], vector<16xf32>,
      %add3A_387 = arith.constant 4 : i32
      %add3A_388 = vector.broadcast %add3A_387 : i32 to vector<16xi32>
      %add3A_389 = arith.addi %broadcast_in_dim3A_385, %add3A_388 : vector<16xi32>
      %gather3A_390 = tpu.vector_load_idx %arg7[%get3A_364, %add3A_389] : memref<10000x8xf32, #tpu.memory_space<vmem>>[vector<16xi32>, vector<16xi32>], vector<16xf32>,
      %add3A_391 = arith.addf %gather3A_386, %gather3A_390 : vector<16xf32>
      %mul3A_392 = arith.constant 2.000000e-01 : f32
      %mul3A_393 = vector.broadcast %mul3A_392 : f32 to vector<16xf32>
      %mul3A_394 = arith.mulf %mul3A_393, %add3A_391 : vector<16xf32>
      %max3A_395 = arith.maximumf %add3A_391, %mul3A_394 : vector<16xf32>
      %sub3A_396 = arith.subf %max3A_395, %broadcast_in_dim3A_333 : vector<16xf32>
      %exp3A_397 = math.exp %sub3A_396 : vector<16xf32>
      %mul3A_398 = arith.constant 4 : i32
      %mul3A_399 = vector.broadcast %mul3A_398 : i32 to vector<16xi32>
      %mul3A_400 = arith.muli %add3A_367, %mul3A_399 : vector<16xi32>
      %add3A_401 = arith.constant 1 : i32
      %add3A_402 = vector.broadcast %add3A_401 : i32 to vector<16xi32>
      %add3A_403 = arith.addi %mul3A_400, %add3A_402 : vector<16xi32>
      tpu.vector_store_idx %arg11[%add3A_403], %exp3A_397 : memref<320xf32, #tpu.memory_space<vmem>>[vector<16xi32>], vector<16xf32>,
      tpu.vector_store_idx %arg12[%add3A_367, %broadcast_in_dim3A_385], %exp3A_397 : memref<80x16xf32, #tpu.memory_space<vmem>>[vector<16xi32>, vector<16xi32>], vector<16xf32>,
      %broadcast_in_dim3A_404 = arith.constant 2 : i32
      %broadcast_in_dim3A_405 = vector.broadcast %broadcast_in_dim3A_404 : i32 to vector<16xi32>
      %gather3A_406 = tpu.vector_load_idx %arg7[%get3A_362, %broadcast_in_dim3A_405] : memref<10000x8xf32, #tpu.memory_space<vmem>>[vector<16xi32>, vector<16xi32>], vector<16xf32>,
      %add3A_407 = arith.constant 4 : i32
      %add3A_408 = vector.broadcast %add3A_407 : i32 to vector<16xi32>
      %add3A_409 = arith.addi %broadcast_in_dim3A_405, %add3A_408 : vector<16xi32>
      %gather3A_410 = tpu.vector_load_idx %arg7[%get3A_364, %add3A_409] : memref<10000x8xf32, #tpu.memory_space<vmem>>[vector<16xi32>, vector<16xi32>], vector<16xf32>,
      %add3A_411 = arith.addf %gather3A_406, %gather3A_410 : vector<16xf32>
      %mul3A_412 = arith.constant 2.000000e-01 : f32
      %mul3A_413 = vector.broadcast %mul3A_412 : f32 to vector<16xf32>
      %mul3A_414 = arith.mulf %mul3A_413, %add3A_411 : vector<16xf32>
      %max3A_415 = arith.maximumf %add3A_411, %mul3A_414 : vector<16xf32>
      %sub3A_416 = arith.subf %max3A_415, %broadcast_in_dim3A_336 : vector<16xf32>
      %exp3A_417 = math.exp %sub3A_416 : vector<16xf32>
      %mul3A_418 = arith.constant 4 : i32
      %mul3A_419 = vector.broadcast %mul3A_418 : i32 to vector<16xi32>
      %mul3A_420 = arith.muli %add3A_367, %mul3A_419 : vector<16xi32>
      %add3A_421 = arith.constant 2 : i32
      %add3A_422 = vector.broadcast %add3A_421 : i32 to vector<16xi32>
      %add3A_423 = arith.addi %mul3A_420, %add3A_422 : vector<16xi32>
      tpu.vector_store_idx %arg11[%add3A_423], %exp3A_417 : memref<320xf32, #tpu.memory_space<vmem>>[vector<16xi32>], vector<16xf32>,
      tpu.vector_store_idx %arg12[%add3A_367, %broadcast_in_dim3A_405], %exp3A_417 : memref<80x16xf32, #tpu.memory_space<vmem>>[vector<16xi32>, vector<16xi32>], vector<16xf32>,
      %broadcast_in_dim3A_424 = arith.constant 3 : i32
      %broadcast_in_dim3A_425 = vector.broadcast %broadcast_in_dim3A_424 : i32 to vector<16xi32>
      %gather3A_426 = tpu.vector_load_idx %arg7[%get3A_362, %broadcast_in_dim3A_425] : memref<10000x8xf32, #tpu.memory_space<vmem>>[vector<16xi32>, vector<16xi32>], vector<16xf32>,
      %add3A_427 = arith.constant 4 : i32
      %add3A_428 = vector.broadcast %add3A_427 : i32 to vector<16xi32>
      %add3A_429 = arith.addi %broadcast_in_dim3A_425, %add3A_428 : vector<16xi32>
      %gather3A_430 = tpu.vector_load_idx %arg7[%get3A_364, %add3A_429] : memref<10000x8xf32, #tpu.memory_space<vmem>>[vector<16xi32>, vector<16xi32>], vector<16xf32>,
      %add3A_431 = arith.addf %gather3A_426, %gather3A_430 : vector<16xf32>
      %mul3A_432 = arith.constant 2.000000e-01 : f32
      %mul3A_433 = vector.broadcast %mul3A_432 : f32 to vector<16xf32>
      %mul3A_434 = arith.mulf %mul3A_433, %add3A_431 : vector<16xf32>
      %max3A_435 = arith.maximumf %add3A_431, %mul3A_434 : vector<16xf32>
      %sub3A_436 = arith.subf %max3A_435, %broadcast_in_dim3A_339 : vector<16xf32>
      %exp3A_437 = math.exp %sub3A_436 : vector<16xf32>
      %mul3A_438 = arith.constant 4 : i32
      %mul3A_439 = vector.broadcast %mul3A_438 : i32 to vector<16xi32>
      %mul3A_440 = arith.muli %add3A_367, %mul3A_439 : vector<16xi32>
      %add3A_441 = arith.constant 3 : i32
      %add3A_442 = vector.broadcast %add3A_441 : i32 to vector<16xi32>
      %add3A_443 = arith.addi %mul3A_440, %add3A_442 : vector<16xi32>
      tpu.vector_store_idx %arg11[%add3A_443], %exp3A_437 : memref<320xf32, #tpu.memory_space<vmem>>[vector<16xi32>], vector<16xf32>,
      tpu.vector_store_idx %arg12[%add3A_367, %broadcast_in_dim3A_425], %exp3A_437 : memref<80x16xf32, #tpu.memory_space<vmem>>[vector<16xi32>, vector<16xi32>], vector<16xf32>,
      %get3A_444 = arith.constant 16 : index
      %get3A_445 = tpu.vector_load %arg9[%get3A_444] {strides = array<i32>} : memref<80xi32, #tpu.memory_space<vmem>>, vector<16xi32>,
      %get3A_446 = arith.constant 16 : index
      %get3A_447 = tpu.vector_load %arg10[%get3A_446] {strides = array<i32>} : memref<80xi32, #tpu.memory_space<vmem>>, vector<16xi32>,
      %add3A_448 = arith.constant 16 : i32
      %add3A_449 = vector.broadcast %add3A_448 : i32 to vector<16xi32>
      %add3A_450 = arith.addi %iota3A, %add3A_449 : vector<16xi32>
      %broadcast_in_dim3A_451 = arith.constant 0 : i32
      %broadcast_in_dim3A_452 = vector.broadcast %broadcast_in_dim3A_451 : i32 to vector<16xi32>
      %gather3A_453 = tpu.vector_load_idx %arg7[%get3A_445, %broadcast_in_dim3A_452] : memref<10000x8xf32, #tpu.memory_space<vmem>>[vector<16xi32>, vector<16xi32>], vector<16xf32>,
      %add3A_454 = arith.constant 4 : i32
      %add3A_455 = vector.broadcast %add3A_454 : i32 to vector<16xi32>
      %add3A_456 = arith.addi %broadcast_in_dim3A_452, %add3A_455 : vector<16xi32>
      %gather3A_457 = tpu.vector_load_idx %arg7[%get3A_447, %add3A_456] : memref<10000x8xf32, #tpu.memory_space<vmem>>[vector<16xi32>, vector<16xi32>], vector<16xf32>,
      %add3A_458 = arith.addf %gather3A_453, %gather3A_457 : vector<16xf32>
      %mul3A_459 = arith.constant 2.000000e-01 : f32
      %mul3A_460 = vector.broadcast %mul3A_459 : f32 to vector<16xf32>
      %mul3A_461 = arith.mulf %mul3A_460, %add3A_458 : vector<16xf32>
      %max3A_462 = arith.maximumf %add3A_458, %mul3A_461 : vector<16xf32>
      %sub3A_463 = arith.subf %max3A_462, %broadcast_in_dim3A_330 : vector<16xf32>
      %exp3A_464 = math.exp %sub3A_463 : vector<16xf32>
      %mul3A_465 = arith.constant 4 : i32
      %mul3A_466 = vector.broadcast %mul3A_465 : i32 to vector<16xi32>
      %mul3A_467 = arith.muli %add3A_450, %mul3A_466 : vector<16xi32>
      %add3A_468 = arith.constant 0 : i32
      %add3A_469 = vector.broadcast %add3A_468 : i32 to vector<16xi32>
      %add3A_470 = arith.addi %mul3A_467, %add3A_469 : vector<16xi32>
      tpu.vector_store_idx %arg11[%add3A_470], %exp3A_464 : memref<320xf32, #tpu.memory_space<vmem>>[vector<16xi32>], vector<16xf32>,
      tpu.vector_store_idx %arg12[%add3A_450, %broadcast_in_dim3A_452], %exp3A_464 : memref<80x16xf32, #tpu.memory_space<vmem>>[vector<16xi32>, vector<16xi32>], vector<16xf32>,
      %broadcast_in_dim3A_471 = arith.constant 1 : i32
      %broadcast_in_dim3A_472 = vector.broadcast %broadcast_in_dim3A_471 : i32 to vector<16xi32>
      %gather3A_473 = tpu.vector_load_idx %arg7[%get3A_445, %broadcast_in_dim3A_472] : memref<10000x8xf32, #tpu.memory_space<vmem>>[vector<16xi32>, vector<16xi32>], vector<16xf32>,
      %add3A_474 = arith.constant 4 : i32
      %add3A_475 = vector.broadcast %add3A_474 : i32 to vector<16xi32>
      %add3A_476 = arith.addi %broadcast_in_dim3A_472, %add3A_475 : vector<16xi32>
      %gather3A_477 = tpu.vector_load_idx %arg7[%get3A_447, %add3A_476] : memref<10000x8xf32, #tpu.memory_space<vmem>>[vector<16xi32>, vector<16xi32>], vector<16xf32>,
      %add3A_478 = arith.addf %gather3A_473, %gather3A_477 : vector<16xf32>
      %mul3A_479 = arith.constant 2.000000e-01 : f32
      %mul3A_480 = vector.broadcast %mul3A_479 : f32 to vector<16xf32>
      %mul3A_481 = arith.mulf %mul3A_480, %add3A_478 : vector<16xf32>
      %max3A_482 = arith.maximumf %add3A_478, %mul3A_481 : vector<16xf32>
      %sub3A_483 = arith.subf %max3A_482, %broadcast_in_dim3A_333 : vector<16xf32>
      %exp3A_484 = math.exp %sub3A_483 : vector<16xf32>
      %mul3A_485 = arith.constant 4 : i32
      %mul3A_486 = vector.broadcast %mul3A_485 : i32 to vector<16xi32>
      %mul3A_487 = arith.muli %add3A_450, %mul3A_486 : vector<16xi32>
      %add3A_488 = arith.constant 1 : i32
      %add3A_489 = vector.broadcast %add3A_488 : i32 to vector<16xi32>
      %add3A_490 = arith.addi %mul3A_487, %add3A_489 : vector<16xi32>
      tpu.vector_store_idx %arg11[%add3A_490], %exp3A_484 : memref<320xf32, #tpu.memory_space<vmem>>[vector<16xi32>], vector<16xf32>,
      tpu.vector_store_idx %arg12[%add3A_450, %broadcast_in_dim3A_472], %exp3A_484 : memref<80x16xf32, #tpu.memory_space<vmem>>[vector<16xi32>, vector<16xi32>], vector<16xf32>,
      %broadcast_in_dim3A_491 = arith.constant 2 : i32
      %broadcast_in_dim3A_492 = vector.broadcast %broadcast_in_dim3A_491 : i32 to vector<16xi32>
      %gather3A_493 = tpu.vector_load_idx %arg7[%get3A_445, %broadcast_in_dim3A_492] : memref<10000x8xf32, #tpu.memory_space<vmem>>[vector<16xi32>, vector<16xi32>], vector<16xf32>,
      %add3A_494 = arith.constant 4 : i32
      %add3A_495 = vector.broadcast %add3A_494 : i32 to vector<16xi32>
      %add3A_496 = arith.addi %broadcast_in_dim3A_492, %add3A_495 : vector<16xi32>
      %gather3A_497 = tpu.vector_load_idx %arg7[%get3A_447, %add3A_496] : memref<10000x8xf32, #tpu.memory_space<vmem>>[vector<16xi32>, vector<16xi32>], vector<16xf32>,
      %add3A_498 = arith.addf %gather3A_493, %gather3A_497 : vector<16xf32>
      %mul3A_499 = arith.constant 2.000000e-01 : f32
      %mul3A_500 = vector.broadcast %mul3A_499 : f32 to vector<16xf32>
      %mul3A_501 = arith.mulf %mul3A_500, %add3A_498 : vector<16xf32>
      %max3A_502 = arith.maximumf %add3A_498, %mul3A_501 : vector<16xf32>
      %sub3A_503 = arith.subf %max3A_502, %broadcast_in_dim3A_336 : vector<16xf32>
      %exp3A_504 = math.exp %sub3A_503 : vector<16xf32>
      %mul3A_505 = arith.constant 4 : i32
      %mul3A_506 = vector.broadcast %mul3A_505 : i32 to vector<16xi32>
      %mul3A_507 = arith.muli %add3A_450, %mul3A_506 : vector<16xi32>
      %add3A_508 = arith.constant 2 : i32
      %add3A_509 = vector.broadcast %add3A_508 : i32 to vector<16xi32>
      %add3A_510 = arith.addi %mul3A_507, %add3A_509 : vector<16xi32>
      tpu.vector_store_idx %arg11[%add3A_510], %exp3A_504 : memref<320xf32, #tpu.memory_space<vmem>>[vector<16xi32>], vector<16xf32>,
      tpu.vector_store_idx %arg12[%add3A_450, %broadcast_in_dim3A_492], %exp3A_504 : memref<80x16xf32, #tpu.memory_space<vmem>>[vector<16xi32>, vector<16xi32>], vector<16xf32>,
      %broadcast_in_dim3A_511 = arith.constant 3 : i32
      %broadcast_in_dim3A_512 = vector.broadcast %broadcast_in_dim3A_511 : i32 to vector<16xi32>
      %gather3A_513 = tpu.vector_load_idx %arg7[%get3A_445, %broadcast_in_dim3A_512] : memref<10000x8xf32, #tpu.memory_space<vmem>>[vector<16xi32>, vector<16xi32>], vector<16xf32>,
      %add3A_514 = arith.constant 4 : i32
      %add3A_515 = vector.broadcast %add3A_514 : i32 to vector<16xi32>
      %add3A_516 = arith.addi %broadcast_in_dim3A_512, %add3A_515 : vector<16xi32>
      %gather3A_517 = tpu.vector_load_idx %arg7[%get3A_447, %add3A_516] : memref<10000x8xf32, #tpu.memory_space<vmem>>[vector<16xi32>, vector<16xi32>], vector<16xf32>,
      %add3A_518 = arith.addf %gather3A_513, %gather3A_517 : vector<16xf32>
      %mul3A_519 = arith.constant 2.000000e-01 : f32
      %mul3A_520 = vector.broadcast %mul3A_519 : f32 to vector<16xf32>
      %mul3A_521 = arith.mulf %mul3A_520, %add3A_518 : vector<16xf32>
      %max3A_522 = arith.maximumf %add3A_518, %mul3A_521 : vector<16xf32>
      %sub3A_523 = arith.subf %max3A_522, %broadcast_in_dim3A_339 : vector<16xf32>
      %exp3A_524 = math.exp %sub3A_523 : vector<16xf32>
      %mul3A_525 = arith.constant 4 : i32
      %mul3A_526 = vector.broadcast %mul3A_525 : i32 to vector<16xi32>
      %mul3A_527 = arith.muli %add3A_450, %mul3A_526 : vector<16xi32>
      %add3A_528 = arith.constant 3 : i32
      %add3A_529 = vector.broadcast %add3A_528 : i32 to vector<16xi32>
      %add3A_530 = arith.addi %mul3A_527, %add3A_529 : vector<16xi32>
      tpu.vector_store_idx %arg11[%add3A_530], %exp3A_524 : memref<320xf32, #tpu.memory_space<vmem>>[vector<16xi32>], vector<16xf32>,
      tpu.vector_store_idx %arg12[%add3A_450, %broadcast_in_dim3A_512], %exp3A_524 : memref<80x16xf32, #tpu.memory_space<vmem>>[vector<16xi32>, vector<16xi32>], vector<16xf32>,
      %get3A_531 = arith.constant 32 : index
      %get3A_532 = tpu.vector_load %arg9[%get3A_531] {strides = array<i32>} : memref<80xi32, #tpu.memory_space<vmem>>, vector<16xi32>,
      %get3A_533 = arith.constant 32 : index
      %get3A_534 = tpu.vector_load %arg10[%get3A_533] {strides = array<i32>} : memref<80xi32, #tpu.memory_space<vmem>>, vector<16xi32>,
      %add3A_535 = arith.constant 32 : i32
      %add3A_536 = vector.broadcast %add3A_535 : i32 to vector<16xi32>
      %add3A_537 = arith.addi %iota3A, %add3A_536 : vector<16xi32>
      %broadcast_in_dim3A_538 = arith.constant 0 : i32
      %broadcast_in_dim3A_539 = vector.broadcast %broadcast_in_dim3A_538 : i32 to vector<16xi32>
      %gather3A_540 = tpu.vector_load_idx %arg7[%get3A_532, %broadcast_in_dim3A_539] : memref<10000x8xf32, #tpu.memory_space<vmem>>[vector<16xi32>, vector<16xi32>], vector<16xf32>,
      %add3A_541 = arith.constant 4 : i32
      %add3A_542 = vector.broadcast %add3A_541 : i32 to vector<16xi32>
      %add3A_543 = arith.addi %broadcast_in_dim3A_539, %add3A_542 : vector<16xi32>
      %gather3A_544 = tpu.vector_load_idx %arg7[%get3A_534, %add3A_543] : memref<10000x8xf32, #tpu.memory_space<vmem>>[vector<16xi32>, vector<16xi32>], vector<16xf32>,
      %add3A_545 = arith.addf %gather3A_540, %gather3A_544 : vector<16xf32>
      %mul3A_546 = arith.constant 2.000000e-01 : f32
      %mul3A_547 = vector.broadcast %mul3A_546 : f32 to vector<16xf32>
      %mul3A_548 = arith.mulf %mul3A_547, %add3A_545 : vector<16xf32>
      %max3A_549 = arith.maximumf %add3A_545, %mul3A_548 : vector<16xf32>
      %sub3A_550 = arith.subf %max3A_549, %broadcast_in_dim3A_330 : vector<16xf32>
      %exp3A_551 = math.exp %sub3A_550 : vector<16xf32>
      %mul3A_552 = arith.constant 4 : i32
      %mul3A_553 = vector.broadcast %mul3A_552 : i32 to vector<16xi32>
      %mul3A_554 = arith.muli %add3A_537, %mul3A_553 : vector<16xi32>
      %add3A_555 = arith.constant 0 : i32
      %add3A_556 = vector.broadcast %add3A_555 : i32 to vector<16xi32>
      %add3A_557 = arith.addi %mul3A_554, %add3A_556 : vector<16xi32>
      tpu.vector_store_idx %arg11[%add3A_557], %exp3A_551 : memref<320xf32, #tpu.memory_space<vmem>>[vector<16xi32>], vector<16xf32>,
      tpu.vector_store_idx %arg12[%add3A_537, %broadcast_in_dim3A_539], %exp3A_551 : memref<80x16xf32, #tpu.memory_space<vmem>>[vector<16xi32>, vector<16xi32>], vector<16xf32>,
      %broadcast_in_dim3A_558 = arith.constant 1 : i32
      %broadcast_in_dim3A_559 = vector.broadcast %broadcast_in_dim3A_558 : i32 to vector<16xi32>
      %gather3A_560 = tpu.vector_load_idx %arg7[%get3A_532, %broadcast_in_dim3A_559] : memref<10000x8xf32, #tpu.memory_space<vmem>>[vector<16xi32>, vector<16xi32>], vector<16xf32>,
      %add3A_561 = arith.constant 4 : i32
      %add3A_562 = vector.broadcast %add3A_561 : i32 to vector<16xi32>
      %add3A_563 = arith.addi %broadcast_in_dim3A_559, %add3A_562 : vector<16xi32>
      %gather3A_564 = tpu.vector_load_idx %arg7[%get3A_534, %add3A_563] : memref<10000x8xf32, #tpu.memory_space<vmem>>[vector<16xi32>, vector<16xi32>], vector<16xf32>,
      %add3A_565 = arith.addf %gather3A_560, %gather3A_564 : vector<16xf32>
      %mul3A_566 = arith.constant 2.000000e-01 : f32
      %mul3A_567 = vector.broadcast %mul3A_566 : f32 to vector<16xf32>
      %mul3A_568 = arith.mulf %mul3A_567, %add3A_565 : vector<16xf32>
      %max3A_569 = arith.maximumf %add3A_565, %mul3A_568 : vector<16xf32>
      %sub3A_570 = arith.subf %max3A_569, %broadcast_in_dim3A_333 : vector<16xf32>
      %exp3A_571 = math.exp %sub3A_570 : vector<16xf32>
      %mul3A_572 = arith.constant 4 : i32
      %mul3A_573 = vector.broadcast %mul3A_572 : i32 to vector<16xi32>
      %mul3A_574 = arith.muli %add3A_537, %mul3A_573 : vector<16xi32>
      %add3A_575 = arith.constant 1 : i32
      %add3A_576 = vector.broadcast %add3A_575 : i32 to vector<16xi32>
      %add3A_577 = arith.addi %mul3A_574, %add3A_576 : vector<16xi32>
      tpu.vector_store_idx %arg11[%add3A_577], %exp3A_571 : memref<320xf32, #tpu.memory_space<vmem>>[vector<16xi32>], vector<16xf32>,
      tpu.vector_store_idx %arg12[%add3A_537, %broadcast_in_dim3A_559], %exp3A_571 : memref<80x16xf32, #tpu.memory_space<vmem>>[vector<16xi32>, vector<16xi32>], vector<16xf32>,
      %broadcast_in_dim3A_578 = arith.constant 2 : i32
      %broadcast_in_dim3A_579 = vector.broadcast %broadcast_in_dim3A_578 : i32 to vector<16xi32>
      %gather3A_580 = tpu.vector_load_idx %arg7[%get3A_532, %broadcast_in_dim3A_579] : memref<10000x8xf32, #tpu.memory_space<vmem>>[vector<16xi32>, vector<16xi32>], vector<16xf32>,
      %add3A_581 = arith.constant 4 : i32
      %add3A_582 = vector.broadcast %add3A_581 : i32 to vector<16xi32>
      %add3A_583 = arith.addi %broadcast_in_dim3A_579, %add3A_582 : vector<16xi32>
      %gather3A_584 = tpu.vector_load_idx %arg7[%get3A_534, %add3A_583] : memref<10000x8xf32, #tpu.memory_space<vmem>>[vector<16xi32>, vector<16xi32>], vector<16xf32>,
      %add3A_585 = arith.addf %gather3A_580, %gather3A_584 : vector<16xf32>
      %mul3A_586 = arith.constant 2.000000e-01 : f32
      %mul3A_587 = vector.broadcast %mul3A_586 : f32 to vector<16xf32>
      %mul3A_588 = arith.mulf %mul3A_587, %add3A_585 : vector<16xf32>
      %max3A_589 = arith.maximumf %add3A_585, %mul3A_588 : vector<16xf32>
      %sub3A_590 = arith.subf %max3A_589, %broadcast_in_dim3A_336 : vector<16xf32>
      %exp3A_591 = math.exp %sub3A_590 : vector<16xf32>
      %mul3A_592 = arith.constant 4 : i32
      %mul3A_593 = vector.broadcast %mul3A_592 : i32 to vector<16xi32>
      %mul3A_594 = arith.muli %add3A_537, %mul3A_593 : vector<16xi32>
      %add3A_595 = arith.constant 2 : i32
      %add3A_596 = vector.broadcast %add3A_595 : i32 to vector<16xi32>
      %add3A_597 = arith.addi %mul3A_594, %add3A_596 : vector<16xi32>
      tpu.vector_store_idx %arg11[%add3A_597], %exp3A_591 : memref<320xf32, #tpu.memory_space<vmem>>[vector<16xi32>], vector<16xf32>,
      tpu.vector_store_idx %arg12[%add3A_537, %broadcast_in_dim3A_579], %exp3A_591 : memref<80x16xf32, #tpu.memory_space<vmem>>[vector<16xi32>, vector<16xi32>], vector<16xf32>,
      %broadcast_in_dim3A_598 = arith.constant 3 : i32
      %broadcast_in_dim3A_599 = vector.broadcast %broadcast_in_dim3A_598 : i32 to vector<16xi32>
      %gather3A_600 = tpu.vector_load_idx %arg7[%get3A_532, %broadcast_in_dim3A_599] : memref<10000x8xf32, #tpu.memory_space<vmem>>[vector<16xi32>, vector<16xi32>], vector<16xf32>,
      %add3A_601 = arith.constant 4 : i32
      %add3A_602 = vector.broadcast %add3A_601 : i32 to vector<16xi32>
      %add3A_603 = arith.addi %broadcast_in_dim3A_599, %add3A_602 : vector<16xi32>
      %gather3A_604 = tpu.vector_load_idx %arg7[%get3A_534, %add3A_603] : memref<10000x8xf32, #tpu.memory_space<vmem>>[vector<16xi32>, vector<16xi32>], vector<16xf32>,
      %add3A_605 = arith.addf %gather3A_600, %gather3A_604 : vector<16xf32>
      %mul3A_606 = arith.constant 2.000000e-01 : f32
      %mul3A_607 = vector.broadcast %mul3A_606 : f32 to vector<16xf32>
      %mul3A_608 = arith.mulf %mul3A_607, %add3A_605 : vector<16xf32>
      %max3A_609 = arith.maximumf %add3A_605, %mul3A_608 : vector<16xf32>
      %sub3A_610 = arith.subf %max3A_609, %broadcast_in_dim3A_339 : vector<16xf32>
      %exp3A_611 = math.exp %sub3A_610 : vector<16xf32>
      %mul3A_612 = arith.constant 4 : i32
      %mul3A_613 = vector.broadcast %mul3A_612 : i32 to vector<16xi32>
      %mul3A_614 = arith.muli %add3A_537, %mul3A_613 : vector<16xi32>
      %add3A_615 = arith.constant 3 : i32
      %add3A_616 = vector.broadcast %add3A_615 : i32 to vector<16xi32>
      %add3A_617 = arith.addi %mul3A_614, %add3A_616 : vector<16xi32>
      tpu.vector_store_idx %arg11[%add3A_617], %exp3A_611 : memref<320xf32, #tpu.memory_space<vmem>>[vector<16xi32>], vector<16xf32>,
      tpu.vector_store_idx %arg12[%add3A_537, %broadcast_in_dim3A_599], %exp3A_611 : memref<80x16xf32, #tpu.memory_space<vmem>>[vector<16xi32>, vector<16xi32>], vector<16xf32>,
      %get3A_618 = arith.constant 48 : index
      %get3A_619 = tpu.vector_load %arg9[%get3A_618] {strides = array<i32>} : memref<80xi32, #tpu.memory_space<vmem>>, vector<16xi32>,
      %get3A_620 = arith.constant 48 : index
      %get3A_621 = tpu.vector_load %arg10[%get3A_620] {strides = array<i32>} : memref<80xi32, #tpu.memory_space<vmem>>, vector<16xi32>,
      %add3A_622 = arith.constant 48 : i32
      %add3A_623 = vector.broadcast %add3A_622 : i32 to vector<16xi32>
      %add3A_624 = arith.addi %iota3A, %add3A_623 : vector<16xi32>
      %broadcast_in_dim3A_625 = arith.constant 0 : i32
      %broadcast_in_dim3A_626 = vector.broadcast %broadcast_in_dim3A_625 : i32 to vector<16xi32>
      %gather3A_627 = tpu.vector_load_idx %arg7[%get3A_619, %broadcast_in_dim3A_626] : memref<10000x8xf32, #tpu.memory_space<vmem>>[vector<16xi32>, vector<16xi32>], vector<16xf32>,
      %add3A_628 = arith.constant 4 : i32
      %add3A_629 = vector.broadcast %add3A_628 : i32 to vector<16xi32>
      %add3A_630 = arith.addi %broadcast_in_dim3A_626, %add3A_629 : vector<16xi32>
      %gather3A_631 = tpu.vector_load_idx %arg7[%get3A_621, %add3A_630] : memref<10000x8xf32, #tpu.memory_space<vmem>>[vector<16xi32>, vector<16xi32>], vector<16xf32>,
      %add3A_632 = arith.addf %gather3A_627, %gather3A_631 : vector<16xf32>
      %mul3A_633 = arith.constant 2.000000e-01 : f32
      %mul3A_634 = vector.broadcast %mul3A_633 : f32 to vector<16xf32>
      %mul3A_635 = arith.mulf %mul3A_634, %add3A_632 : vector<16xf32>
      %max3A_636 = arith.maximumf %add3A_632, %mul3A_635 : vector<16xf32>
      %sub3A_637 = arith.subf %max3A_636, %broadcast_in_dim3A_330 : vector<16xf32>
      %exp3A_638 = math.exp %sub3A_637 : vector<16xf32>
      %mul3A_639 = arith.constant 4 : i32
      %mul3A_640 = vector.broadcast %mul3A_639 : i32 to vector<16xi32>
      %mul3A_641 = arith.muli %add3A_624, %mul3A_640 : vector<16xi32>
      %add3A_642 = arith.constant 0 : i32
      %add3A_643 = vector.broadcast %add3A_642 : i32 to vector<16xi32>
      %add3A_644 = arith.addi %mul3A_641, %add3A_643 : vector<16xi32>
      tpu.vector_store_idx %arg11[%add3A_644], %exp3A_638 : memref<320xf32, #tpu.memory_space<vmem>>[vector<16xi32>], vector<16xf32>,
      tpu.vector_store_idx %arg12[%add3A_624, %broadcast_in_dim3A_626], %exp3A_638 : memref<80x16xf32, #tpu.memory_space<vmem>>[vector<16xi32>, vector<16xi32>], vector<16xf32>,
      %broadcast_in_dim3A_645 = arith.constant 1 : i32
      %broadcast_in_dim3A_646 = vector.broadcast %broadcast_in_dim3A_645 : i32 to vector<16xi32>
      %gather3A_647 = tpu.vector_load_idx %arg7[%get3A_619, %broadcast_in_dim3A_646] : memref<10000x8xf32, #tpu.memory_space<vmem>>[vector<16xi32>, vector<16xi32>], vector<16xf32>,
      %add3A_648 = arith.constant 4 : i32
      %add3A_649 = vector.broadcast %add3A_648 : i32 to vector<16xi32>
      %add3A_650 = arith.addi %broadcast_in_dim3A_646, %add3A_649 : vector<16xi32>
      %gather3A_651 = tpu.vector_load_idx %arg7[%get3A_621, %add3A_650] : memref<10000x8xf32, #tpu.memory_space<vmem>>[vector<16xi32>, vector<16xi32>], vector<16xf32>,
      %add3A_652 = arith.addf %gather3A_647, %gather3A_651 : vector<16xf32>
      %mul3A_653 = arith.constant 2.000000e-01 : f32
      %mul3A_654 = vector.broadcast %mul3A_653 : f32 to vector<16xf32>
      %mul3A_655 = arith.mulf %mul3A_654, %add3A_652 : vector<16xf32>
      %max3A_656 = arith.maximumf %add3A_652, %mul3A_655 : vector<16xf32>
      %sub3A_657 = arith.subf %max3A_656, %broadcast_in_dim3A_333 : vector<16xf32>
      %exp3A_658 = math.exp %sub3A_657 : vector<16xf32>
      %mul3A_659 = arith.constant 4 : i32
      %mul3A_660 = vector.broadcast %mul3A_659 : i32 to vector<16xi32>
      %mul3A_661 = arith.muli %add3A_624, %mul3A_660 : vector<16xi32>
      %add3A_662 = arith.constant 1 : i32
      %add3A_663 = vector.broadcast %add3A_662 : i32 to vector<16xi32>
      %add3A_664 = arith.addi %mul3A_661, %add3A_663 : vector<16xi32>
      tpu.vector_store_idx %arg11[%add3A_664], %exp3A_658 : memref<320xf32, #tpu.memory_space<vmem>>[vector<16xi32>], vector<16xf32>,
      tpu.vector_store_idx %arg12[%add3A_624, %broadcast_in_dim3A_646], %exp3A_658 : memref<80x16xf32, #tpu.memory_space<vmem>>[vector<16xi32>, vector<16xi32>], vector<16xf32>,
      %broadcast_in_dim3A_665 = arith.constant 2 : i32
      %broadcast_in_dim3A_666 = vector.broadcast %broadcast_in_dim3A_665 : i32 to vector<16xi32>
      %gather3A_667 = tpu.vector_load_idx %arg7[%get3A_619, %broadcast_in_dim3A_666] : memref<10000x8xf32, #tpu.memory_space<vmem>>[vector<16xi32>, vector<16xi32>], vector<16xf32>,
      %add3A_668 = arith.constant 4 : i32
      %add3A_669 = vector.broadcast %add3A_668 : i32 to vector<16xi32>
      %add3A_670 = arith.addi %broadcast_in_dim3A_666, %add3A_669 : vector<16xi32>
      %gather3A_671 = tpu.vector_load_idx %arg7[%get3A_621, %add3A_670] : memref<10000x8xf32, #tpu.memory_space<vmem>>[vector<16xi32>, vector<16xi32>], vector<16xf32>,
      %add3A_672 = arith.addf %gather3A_667, %gather3A_671 : vector<16xf32>
      %mul3A_673 = arith.constant 2.000000e-01 : f32
      %mul3A_674 = vector.broadcast %mul3A_673 : f32 to vector<16xf32>
      %mul3A_675 = arith.mulf %mul3A_674, %add3A_672 : vector<16xf32>
      %max3A_676 = arith.maximumf %add3A_672, %mul3A_675 : vector<16xf32>
      %sub3A_677 = arith.subf %max3A_676, %broadcast_in_dim3A_336 : vector<16xf32>
      %exp3A_678 = math.exp %sub3A_677 : vector<16xf32>
      %mul3A_679 = arith.constant 4 : i32
      %mul3A_680 = vector.broadcast %mul3A_679 : i32 to vector<16xi32>
      %mul3A_681 = arith.muli %add3A_624, %mul3A_680 : vector<16xi32>
      %add3A_682 = arith.constant 2 : i32
      %add3A_683 = vector.broadcast %add3A_682 : i32 to vector<16xi32>
      %add3A_684 = arith.addi %mul3A_681, %add3A_683 : vector<16xi32>
      tpu.vector_store_idx %arg11[%add3A_684], %exp3A_678 : memref<320xf32, #tpu.memory_space<vmem>>[vector<16xi32>], vector<16xf32>,
      tpu.vector_store_idx %arg12[%add3A_624, %broadcast_in_dim3A_666], %exp3A_678 : memref<80x16xf32, #tpu.memory_space<vmem>>[vector<16xi32>, vector<16xi32>], vector<16xf32>,
      %broadcast_in_dim3A_685 = arith.constant 3 : i32
      %broadcast_in_dim3A_686 = vector.broadcast %broadcast_in_dim3A_685 : i32 to vector<16xi32>
      %gather3A_687 = tpu.vector_load_idx %arg7[%get3A_619, %broadcast_in_dim3A_686] : memref<10000x8xf32, #tpu.memory_space<vmem>>[vector<16xi32>, vector<16xi32>], vector<16xf32>,
      %add3A_688 = arith.constant 4 : i32
      %add3A_689 = vector.broadcast %add3A_688 : i32 to vector<16xi32>
      %add3A_690 = arith.addi %broadcast_in_dim3A_686, %add3A_689 : vector<16xi32>
      %gather3A_691 = tpu.vector_load_idx %arg7[%get3A_621, %add3A_690] : memref<10000x8xf32, #tpu.memory_space<vmem>>[vector<16xi32>, vector<16xi32>], vector<16xf32>,
      %add3A_692 = arith.addf %gather3A_687, %gather3A_691 : vector<16xf32>
      %mul3A_693 = arith.constant 2.000000e-01 : f32
      %mul3A_694 = vector.broadcast %mul3A_693 : f32 to vector<16xf32>
      %mul3A_695 = arith.mulf %mul3A_694, %add3A_692 : vector<16xf32>
      %max3A_696 = arith.maximumf %add3A_692, %mul3A_695 : vector<16xf32>
      %sub3A_697 = arith.subf %max3A_696, %broadcast_in_dim3A_339 : vector<16xf32>
      %exp3A_698 = math.exp %sub3A_697 : vector<16xf32>
      %mul3A_699 = arith.constant 4 : i32
      %mul3A_700 = vector.broadcast %mul3A_699 : i32 to vector<16xi32>
      %mul3A_701 = arith.muli %add3A_624, %mul3A_700 : vector<16xi32>
      %add3A_702 = arith.constant 3 : i32
      %add3A_703 = vector.broadcast %add3A_702 : i32 to vector<16xi32>
      %add3A_704 = arith.addi %mul3A_701, %add3A_703 : vector<16xi32>
      tpu.vector_store_idx %arg11[%add3A_704], %exp3A_698 : memref<320xf32, #tpu.memory_space<vmem>>[vector<16xi32>], vector<16xf32>,
      tpu.vector_store_idx %arg12[%add3A_624, %broadcast_in_dim3A_686], %exp3A_698 : memref<80x16xf32, #tpu.memory_space<vmem>>[vector<16xi32>, vector<16xi32>], vector<16xf32>,
      %get3A_705 = arith.constant 64 : index
      %get3A_706 = tpu.vector_load %arg9[%get3A_705] {strides = array<i32>} : memref<80xi32, #tpu.memory_space<vmem>>, vector<16xi32>,
      %get3A_707 = arith.constant 64 : index
      %get3A_708 = tpu.vector_load %arg10[%get3A_707] {strides = array<i32>} : memref<80xi32, #tpu.memory_space<vmem>>, vector<16xi32>,
      %add3A_709 = arith.constant 64 : i32
      %add3A_710 = vector.broadcast %add3A_709 : i32 to vector<16xi32>
      %add3A_711 = arith.addi %iota3A, %add3A_710 : vector<16xi32>
      %broadcast_in_dim3A_712 = arith.constant 0 : i32
      %broadcast_in_dim3A_713 = vector.broadcast %broadcast_in_dim3A_712 : i32 to vector<16xi32>
      %gather3A_714 = tpu.vector_load_idx %arg7[%get3A_706, %broadcast_in_dim3A_713] : memref<10000x8xf32, #tpu.memory_space<vmem>>[vector<16xi32>, vector<16xi32>], vector<16xf32>,
      %add3A_715 = arith.constant 4 : i32
      %add3A_716 = vector.broadcast %add3A_715 : i32 to vector<16xi32>
      %add3A_717 = arith.addi %broadcast_in_dim3A_713, %add3A_716 : vector<16xi32>
      %gather3A_718 = tpu.vector_load_idx %arg7[%get3A_708, %add3A_717] : memref<10000x8xf32, #tpu.memory_space<vmem>>[vector<16xi32>, vector<16xi32>], vector<16xf32>,
      %add3A_719 = arith.addf %gather3A_714, %gather3A_718 : vector<16xf32>
      %mul3A_720 = arith.constant 2.000000e-01 : f32
      %mul3A_721 = vector.broadcast %mul3A_720 : f32 to vector<16xf32>
      %mul3A_722 = arith.mulf %mul3A_721, %add3A_719 : vector<16xf32>
      %max3A_723 = arith.maximumf %add3A_719, %mul3A_722 : vector<16xf32>
      %sub3A_724 = arith.subf %max3A_723, %broadcast_in_dim3A_330 : vector<16xf32>
      %exp3A_725 = math.exp %sub3A_724 : vector<16xf32>
      %mul3A_726 = arith.constant 4 : i32
      %mul3A_727 = vector.broadcast %mul3A_726 : i32 to vector<16xi32>
      %mul3A_728 = arith.muli %add3A_711, %mul3A_727 : vector<16xi32>
      %add3A_729 = arith.constant 0 : i32
      %add3A_730 = vector.broadcast %add3A_729 : i32 to vector<16xi32>
      %add3A_731 = arith.addi %mul3A_728, %add3A_730 : vector<16xi32>
      tpu.vector_store_idx %arg11[%add3A_731], %exp3A_725 : memref<320xf32, #tpu.memory_space<vmem>>[vector<16xi32>], vector<16xf32>,
      tpu.vector_store_idx %arg12[%add3A_711, %broadcast_in_dim3A_713], %exp3A_725 : memref<80x16xf32, #tpu.memory_space<vmem>>[vector<16xi32>, vector<16xi32>], vector<16xf32>,
      %broadcast_in_dim3A_732 = arith.constant 1 : i32
      %broadcast_in_dim3A_733 = vector.broadcast %broadcast_in_dim3A_732 : i32 to vector<16xi32>
      %gather3A_734 = tpu.vector_load_idx %arg7[%get3A_706, %broadcast_in_dim3A_733] : memref<10000x8xf32, #tpu.memory_space<vmem>>[vector<16xi32>, vector<16xi32>], vector<16xf32>,
      %add3A_735 = arith.constant 4 : i32
      %add3A_736 = vector.broadcast %add3A_735 : i32 to vector<16xi32>
      %add3A_737 = arith.addi %broadcast_in_dim3A_733, %add3A_736 : vector<16xi32>
      %gather3A_738 = tpu.vector_load_idx %arg7[%get3A_708, %add3A_737] : memref<10000x8xf32, #tpu.memory_space<vmem>>[vector<16xi32>, vector<16xi32>], vector<16xf32>,
      %add3A_739 = arith.addf %gather3A_734, %gather3A_738 : vector<16xf32>
      %mul3A_740 = arith.constant 2.000000e-01 : f32
      %mul3A_741 = vector.broadcast %mul3A_740 : f32 to vector<16xf32>
      %mul3A_742 = arith.mulf %mul3A_741, %add3A_739 : vector<16xf32>
      %max3A_743 = arith.maximumf %add3A_739, %mul3A_742 : vector<16xf32>
      %sub3A_744 = arith.subf %max3A_743, %broadcast_in_dim3A_333 : vector<16xf32>
      %exp3A_745 = math.exp %sub3A_744 : vector<16xf32>
      %mul3A_746 = arith.constant 4 : i32
      %mul3A_747 = vector.broadcast %mul3A_746 : i32 to vector<16xi32>
      %mul3A_748 = arith.muli %add3A_711, %mul3A_747 : vector<16xi32>
      %add3A_749 = arith.constant 1 : i32
      %add3A_750 = vector.broadcast %add3A_749 : i32 to vector<16xi32>
      %add3A_751 = arith.addi %mul3A_748, %add3A_750 : vector<16xi32>
      tpu.vector_store_idx %arg11[%add3A_751], %exp3A_745 : memref<320xf32, #tpu.memory_space<vmem>>[vector<16xi32>], vector<16xf32>,
      tpu.vector_store_idx %arg12[%add3A_711, %broadcast_in_dim3A_733], %exp3A_745 : memref<80x16xf32, #tpu.memory_space<vmem>>[vector<16xi32>, vector<16xi32>], vector<16xf32>,
      %broadcast_in_dim3A_752 = arith.constant 2 : i32
      %broadcast_in_dim3A_753 = vector.broadcast %broadcast_in_dim3A_752 : i32 to vector<16xi32>
      %gather3A_754 = tpu.vector_load_idx %arg7[%get3A_706, %broadcast_in_dim3A_753] : memref<10000x8xf32, #tpu.memory_space<vmem>>[vector<16xi32>, vector<16xi32>], vector<16xf32>,
      %add3A_755 = arith.constant 4 : i32
      %add3A_756 = vector.broadcast %add3A_755 : i32 to vector<16xi32>
      %add3A_757 = arith.addi %broadcast_in_dim3A_753, %add3A_756 : vector<16xi32>
      %gather3A_758 = tpu.vector_load_idx %arg7[%get3A_708, %add3A_757] : memref<10000x8xf32, #tpu.memory_space<vmem>>[vector<16xi32>, vector<16xi32>], vector<16xf32>,
      %add3A_759 = arith.addf %gather3A_754, %gather3A_758 : vector<16xf32>
      %mul3A_760 = arith.constant 2.000000e-01 : f32
      %mul3A_761 = vector.broadcast %mul3A_760 : f32 to vector<16xf32>
      %mul3A_762 = arith.mulf %mul3A_761, %add3A_759 : vector<16xf32>
      %max3A_763 = arith.maximumf %add3A_759, %mul3A_762 : vector<16xf32>
      %sub3A_764 = arith.subf %max3A_763, %broadcast_in_dim3A_336 : vector<16xf32>
      %exp3A_765 = math.exp %sub3A_764 : vector<16xf32>
      %mul3A_766 = arith.constant 4 : i32
      %mul3A_767 = vector.broadcast %mul3A_766 : i32 to vector<16xi32>
      %mul3A_768 = arith.muli %add3A_711, %mul3A_767 : vector<16xi32>
      %add3A_769 = arith.constant 2 : i32
      %add3A_770 = vector.broadcast %add3A_769 : i32 to vector<16xi32>
      %add3A_771 = arith.addi %mul3A_768, %add3A_770 : vector<16xi32>
      tpu.vector_store_idx %arg11[%add3A_771], %exp3A_765 : memref<320xf32, #tpu.memory_space<vmem>>[vector<16xi32>], vector<16xf32>,
      tpu.vector_store_idx %arg12[%add3A_711, %broadcast_in_dim3A_753], %exp3A_765 : memref<80x16xf32, #tpu.memory_space<vmem>>[vector<16xi32>, vector<16xi32>], vector<16xf32>,
      %broadcast_in_dim3A_772 = arith.constant 3 : i32
      %broadcast_in_dim3A_773 = vector.broadcast %broadcast_in_dim3A_772 : i32 to vector<16xi32>
      %gather3A_774 = tpu.vector_load_idx %arg7[%get3A_706, %broadcast_in_dim3A_773] : memref<10000x8xf32, #tpu.memory_space<vmem>>[vector<16xi32>, vector<16xi32>], vector<16xf32>,
      %add3A_775 = arith.constant 4 : i32
      %add3A_776 = vector.broadcast %add3A_775 : i32 to vector<16xi32>
      %add3A_777 = arith.addi %broadcast_in_dim3A_773, %add3A_776 : vector<16xi32>
      %gather3A_778 = tpu.vector_load_idx %arg7[%get3A_708, %add3A_777] : memref<10000x8xf32, #tpu.memory_space<vmem>>[vector<16xi32>, vector<16xi32>], vector<16xf32>,
      %add3A_779 = arith.addf %gather3A_774, %gather3A_778 : vector<16xf32>
      %mul3A_780 = arith.constant 2.000000e-01 : f32
      %mul3A_781 = vector.broadcast %mul3A_780 : f32 to vector<16xf32>
      %mul3A_782 = arith.mulf %mul3A_781, %add3A_779 : vector<16xf32>
      %max3A_783 = arith.maximumf %add3A_779, %mul3A_782 : vector<16xf32>
      %sub3A_784 = arith.subf %max3A_783, %broadcast_in_dim3A_339 : vector<16xf32>
      %exp3A_785 = math.exp %sub3A_784 : vector<16xf32>
      %mul3A_786 = arith.constant 4 : i32
      %mul3A_787 = vector.broadcast %mul3A_786 : i32 to vector<16xi32>
      %mul3A_788 = arith.muli %add3A_711, %mul3A_787 : vector<16xi32>
      %add3A_789 = arith.constant 3 : i32
      %add3A_790 = vector.broadcast %add3A_789 : i32 to vector<16xi32>
      %add3A_791 = arith.addi %mul3A_788, %add3A_790 : vector<16xi32>
      tpu.vector_store_idx %arg11[%add3A_791], %exp3A_785 : memref<320xf32, #tpu.memory_space<vmem>>[vector<16xi32>], vector<16xf32>,
      tpu.vector_store_idx %arg12[%add3A_711, %broadcast_in_dim3A_773], %exp3A_785 : memref<80x16xf32, #tpu.memory_space<vmem>>[vector<16xi32>, vector<16xi32>], vector<16xf32>,
      %mul3A_792 = arith.constant 4 : i32
      %mul3A_793 = arith.muli %add3A_358, %mul3A_792 : i32
      "tpu.region"() ({
        %run_scoped3A = tpu.sem_alloc : memref<!tpu.dma_semaphore, #tpu.memory_space<semaphore_mem>>
        %dma_start3A = tpu.memref_slice %arg5[%mul3A_793] : memref<1280000xf32, #tpu.memory_space<hbm>> -> memref<320xf32, #tpu.memory_space<hbm>>
        %dma_start3A_795 = tpu.memref_slice %arg5[%mul3A_793] : memref<1280000xf32, #tpu.memory_space<hbm>> -> memref<320xf32, #tpu.memory_space<hbm>>
        tpu.enqueue_dma source(%arg11 : memref<320xf32, #tpu.memory_space<vmem>>) target(%dma_start3A_795 : memref<320xf32, #tpu.memory_space<hbm>>) target_semaphore(%run_scoped3A : memref<!tpu.dma_semaphore, #tpu.memory_space<semaphore_mem>>)
        %dma_wait3A = tpu.memref_slice %arg5[%mul3A_793] : memref<1280000xf32, #tpu.memory_space<hbm>> -> memref<320xf32, #tpu.memory_space<hbm>>
        %dma_wait3A_796 = tpu.memref_slice %arg5[%mul3A_793] : memref<1280000xf32, #tpu.memory_space<hbm>> -> memref<320xf32, #tpu.memory_space<hbm>>
        tpu.wait_dma2 semaphore(%run_scoped3A : memref<!tpu.dma_semaphore, #tpu.memory_space<semaphore_mem>>) src(%arg11 : memref<320xf32, #tpu.memory_space<vmem>>) dst(%dma_wait3A_796 : memref<320xf32, #tpu.memory_space<hbm>>)
        tpu.yield
      }) : () -> ()
      "tpu.region"() ({
        %run_scoped3A = tpu.sem_alloc : memref<!tpu.dma_semaphore, #tpu.memory_space<semaphore_mem>>
        %dma_start3A = arith.constant 0 : i32
        %dma_start3A_795 = arith.constant 0 : i32
        %dma_start3A_796 = tpu.memref_slice %arg14[%dma_start3A, %dma_start3A_795] : memref<10240x16xf32, #tpu.memory_space<vmem_shared>> -> memref<10240x16xf32, #tpu.memory_space<vmem_shared>>
        tpu.enqueue_indirect_dma source(%arg12 : memref<80x16xf32, #tpu.memory_space<vmem>>) target(%dma_start3A_796 : memref<10240x16xf32, #tpu.memory_space<vmem_shared>>) offsets(%arg10 : memref<80xi32, #tpu.memory_space<vmem>>) semaphore(%run_scoped3A : memref<!tpu.dma_semaphore, #tpu.memory_space<semaphore_mem>>) {add = true}
        %dma_wait3A = arith.constant 0 : i32
        %dma_wait3A_797 = arith.constant 0 : i32
        %dma_wait3A_798 = tpu.memref_slice %arg14[%dma_wait3A, %dma_wait3A_797] : memref<10240x16xf32, #tpu.memory_space<vmem_shared>> -> memref<10240x16xf32, #tpu.memory_space<vmem_shared>>
        tpu.wait_indirect_dma semaphore(%run_scoped3A : memref<!tpu.dma_semaphore, #tpu.memory_space<semaphore_mem>>) src(%arg12 : memref<80x16xf32, #tpu.memory_space<vmem>>) dst(%dma_wait3A_798 : memref<10240x16xf32, #tpu.memory_space<vmem_shared>>)
        tpu.yield
      }) : () -> ()
      %scan3A_794 = arith.constant 0 : i32
      scf.yield %scan3A_794 : i32
    }
    %scan3A_346 = arith.constant 125 : i32
    %barrier3A_347 = arith.constant 0 : index
    tpu.barrier barrier_id(%barrier3A_347)
    %mul3A_348 = arith.constant 640 : i32
    %mul3A_349 = arith.muli %arg1, %mul3A_348 : i32
    %mul3A_350 = arith.constant 640 : i32
    %mul3A_351 = arith.muli %arg1, %mul3A_350 : i32
    "tpu.region"() ({
      %run_scoped3A = tpu.sem_alloc : memref<!tpu.dma_semaphore, #tpu.memory_space<semaphore_mem>>
      %dma_start3A = arith.constant 0 : i32
      %dma_start3A_352 = tpu.memref_slice %arg6[%arg0, %mul3A_351, %dma_start3A] : memref<2x10240x16xf32, #tpu.memory_space<hbm>> -> memref<1x640x16xf32, #tpu.memory_space<hbm>>
      %dma_start3A_353 = tpu.memref_squeeze %dma_start3A_352 : memref<1x640x16xf32, #tpu.memory_space<hbm>> -> memref<640x16xf32, #tpu.memory_space<hbm>>
      %dma_start3A_354 = arith.constant 0 : i32
      %dma_start3A_355 = tpu.memref_slice %arg14[%mul3A_349, %dma_start3A_354] : memref<10240x16xf32, #tpu.memory_space<vmem_shared>> -> memref<640x16xf32, #tpu.memory_space<vmem_shared>>
      tpu.enqueue_dma source(%dma_start3A_355 : memref<640x16xf32, #tpu.memory_space<vmem_shared>>) target(%dma_start3A_353 : memref<640x16xf32, #tpu.memory_space<hbm>>) target_semaphore(%run_scoped3A : memref<!tpu.dma_semaphore, #tpu.memory_space<semaphore_mem>>)
      %dma_wait3A = arith.constant 0 : i32
      %dma_wait3A_356 = tpu.memref_slice %arg6[%arg0, %mul3A_351, %dma_wait3A] : memref<2x10240x16xf32, #tpu.memory_space<hbm>> -> memref<1x640x16xf32, #tpu.memory_space<hbm>>
      %dma_wait3A_357 = tpu.memref_squeeze %dma_wait3A_356 : memref<1x640x16xf32, #tpu.memory_space<hbm>> -> memref<640x16xf32, #tpu.memory_space<hbm>>
      %dma_wait3A_358 = arith.constant 0 : i32
      %dma_wait3A_359 = tpu.memref_slice %arg14[%mul3A_349, %dma_wait3A_358] : memref<10240x16xf32, #tpu.memory_space<vmem_shared>> -> memref<640x16xf32, #tpu.memory_space<vmem_shared>>
      tpu.wait_dma2 semaphore(%run_scoped3A : memref<!tpu.dma_semaphore, #tpu.memory_space<semaphore_mem>>) src(%dma_wait3A_359 : memref<640x16xf32, #tpu.memory_space<vmem_shared>>) dst(%dma_wait3A_357 : memref<640x16xf32, #tpu.memory_space<hbm>>)
      tpu.yield
    }) : () -> ()
    return
  }
}

#map = affine_map<(d0, d1) -> (0)>
#map1 = affine_map<(d0, d1) -> (0, 0)>
#map2 = affine_map<(d0, d1) -> (0, 0, 0)>
module attributes {stable_mosaic.version = 14 : i64} {
  func.func @_scc(%arg0: i32, %arg1: i32, %arg2: memref<640000xi32, #tpu.memory_space<hbm>>, %arg3: memref<1280000xf32, #tpu.memory_space<hbm>>, %arg4: memref<10240x16xf32, #tpu.memory_space<hbm>>, %arg5: memref<10000x128xf32, #tpu.memory_space<hbm>>, %arg6: memref<2x10240x128xf32, #tpu.memory_space<hbm>>, %arg7: memref<80xi32, #tpu.memory_space<vmem>>, %arg8: memref<80xi32, #tpu.memory_space<vmem>>, %arg9: memref<320xf32, #tpu.memory_space<vmem>>, %arg10: memref<320xf32, #tpu.memory_space<vmem>>, %arg11: memref<80x16xf32, #tpu.memory_space<vmem>>, %arg12: memref<80x128xf32, #tpu.memory_space<vmem>>, %arg13: memref<80xi32, #tpu.memory_space<vmem>>, %arg14: memref<80xi32, #tpu.memory_space<vmem>>, %arg15: memref<320xf32, #tpu.memory_space<vmem>>, %arg16: memref<320xf32, #tpu.memory_space<vmem>>, %arg17: memref<80x16xf32, #tpu.memory_space<vmem>>, %arg18: memref<80x128xf32, #tpu.memory_space<vmem>>, %arg19: memref<10240x16xf32, #tpu.memory_space<vmem_shared>>, %arg20: memref<10240x128xf32, #tpu.memory_space<vmem_shared>>, %arg21: memref<!tpu.dma_semaphore, #tpu.memory_space<semaphore_mem>>, %arg22: memref<!tpu.dma_semaphore, #tpu.memory_space<semaphore_mem>>, %arg23: memref<!tpu.dma_semaphore, #tpu.memory_space<semaphore_mem>>, %arg24: memref<!tpu.dma_semaphore, #tpu.memory_space<semaphore_mem>>) attributes {dimension_semantics = [#tpu.dimension_semantics<core_parallel>, #tpu.dimension_semantics<subcore_parallel>], iteration_bounds = array<i64: 2, 16>, scalar_prefetch = 0 : i64, scratch_operands = 18 : i64, tpu.core_type = #tpu.core_type<sc_vector_subcore>, window_params = [{transform_indices = #map}, {transform_indices = #map}, {transform_indices = #map1}, {transform_indices = #map1}, {transform_indices = #map2}]} {
    %mul3A = arith.constant 2 : i32
    %mul3A_0 = arith.muli %arg1, %mul3A : i32
    %add3A = arith.addi %mul3A_0, %arg0 : i32
    %broadcast_in_dim3A = arith.constant 0.000000e+00 : f32
    %broadcast_in_dim3A_1 = vector.broadcast %broadcast_in_dim3A : f32 to vector<16xf32>
    %scan3A = arith.constant 0 : i32
    %scan3A_2 = arith.constant 0 : i32
    %scan3A_3 = arith.constant 80 : i32
    %scan3A_4 = arith.addi %scan3A_2, %scan3A_3 : i32
    %scan3A_5 = arith.constant 1 : i32
    %scan3A_6 = scf.for %scan3A_69 = %scan3A_2 to %scan3A_4 step %scan3A_5 iter_args(%scan3A_70 = %scan3A) -> (i32)  : i32 {
      %swap3A = arith.index_cast %scan3A_69 : i32 to index
      %swap3A_71 = arith.constant 0 : index
      %swap3A_72 = tpu.vector_load %arg12[%swap3A, %swap3A_71] {strides = array<i32>} : memref<80x128xf32, #tpu.memory_space<vmem>>, vector<16xf32>,
      tpu.vector_store %arg12[%swap3A, %swap3A_71], %broadcast_in_dim3A_1 {strides = array<i32>} : memref<80x128xf32, #tpu.memory_space<vmem>>, vector<16xf32>,
      %swap3A_73 = arith.index_cast %scan3A_69 : i32 to index
      %swap3A_74 = arith.constant 16 : index
      %swap3A_75 = tpu.vector_load %arg12[%swap3A_73, %swap3A_74] {strides = array<i32>} : memref<80x128xf32, #tpu.memory_space<vmem>>, vector<16xf32>,
      tpu.vector_store %arg12[%swap3A_73, %swap3A_74], %broadcast_in_dim3A_1 {strides = array<i32>} : memref<80x128xf32, #tpu.memory_space<vmem>>, vector<16xf32>,
      %swap3A_76 = arith.index_cast %scan3A_69 : i32 to index
      %swap3A_77 = arith.constant 32 : index
      %swap3A_78 = tpu.vector_load %arg12[%swap3A_76, %swap3A_77] {strides = array<i32>} : memref<80x128xf32, #tpu.memory_space<vmem>>, vector<16xf32>,
      tpu.vector_store %arg12[%swap3A_76, %swap3A_77], %broadcast_in_dim3A_1 {strides = array<i32>} : memref<80x128xf32, #tpu.memory_space<vmem>>, vector<16xf32>,
      %swap3A_79 = arith.index_cast %scan3A_69 : i32 to index
      %swap3A_80 = arith.constant 48 : index
      %swap3A_81 = tpu.vector_load %arg12[%swap3A_79, %swap3A_80] {strides = array<i32>} : memref<80x128xf32, #tpu.memory_space<vmem>>, vector<16xf32>,
      tpu.vector_store %arg12[%swap3A_79, %swap3A_80], %broadcast_in_dim3A_1 {strides = array<i32>} : memref<80x128xf32, #tpu.memory_space<vmem>>, vector<16xf32>,
      %swap3A_82 = arith.index_cast %scan3A_69 : i32 to index
      %swap3A_83 = arith.constant 64 : index
      %swap3A_84 = tpu.vector_load %arg12[%swap3A_82, %swap3A_83] {strides = array<i32>} : memref<80x128xf32, #tpu.memory_space<vmem>>, vector<16xf32>,
      tpu.vector_store %arg12[%swap3A_82, %swap3A_83], %broadcast_in_dim3A_1 {strides = array<i32>} : memref<80x128xf32, #tpu.memory_space<vmem>>, vector<16xf32>,
      %swap3A_85 = arith.index_cast %scan3A_69 : i32 to index
      %swap3A_86 = arith.constant 80 : index
      %swap3A_87 = tpu.vector_load %arg12[%swap3A_85, %swap3A_86] {strides = array<i32>} : memref<80x128xf32, #tpu.memory_space<vmem>>, vector<16xf32>,
      tpu.vector_store %arg12[%swap3A_85, %swap3A_86], %broadcast_in_dim3A_1 {strides = array<i32>} : memref<80x128xf32, #tpu.memory_space<vmem>>, vector<16xf32>,
      %swap3A_88 = arith.index_cast %scan3A_69 : i32 to index
      %swap3A_89 = arith.constant 96 : index
      %swap3A_90 = tpu.vector_load %arg12[%swap3A_88, %swap3A_89] {strides = array<i32>} : memref<80x128xf32, #tpu.memory_space<vmem>>, vector<16xf32>,
      tpu.vector_store %arg12[%swap3A_88, %swap3A_89], %broadcast_in_dim3A_1 {strides = array<i32>} : memref<80x128xf32, #tpu.memory_space<vmem>>, vector<16xf32>,
      %swap3A_91 = arith.index_cast %scan3A_69 : i32 to index
      %swap3A_92 = arith.constant 112 : index
      %swap3A_93 = tpu.vector_load %arg12[%swap3A_91, %swap3A_92] {strides = array<i32>} : memref<80x128xf32, #tpu.memory_space<vmem>>, vector<16xf32>,
      tpu.vector_store %arg12[%swap3A_91, %swap3A_92], %broadcast_in_dim3A_1 {strides = array<i32>} : memref<80x128xf32, #tpu.memory_space<vmem>>, vector<16xf32>,
      %scan3A_94 = arith.constant 0 : i32
      scf.yield %scan3A_94 : i32
    }
    %scan3A_7 = arith.constant 80 : i32
    %mul3A_8 = arith.constant 640 : i32
    %mul3A_9 = arith.muli %arg1, %mul3A_8 : i32
    %add3A_10 = arith.constant 0 : i32
    %add3A_11 = arith.addi %mul3A_9, %add3A_10 : i32
    "tpu.region"() ({
      %run_scoped3A = tpu.sem_alloc : memref<!tpu.dma_semaphore, #tpu.memory_space<semaphore_mem>>
      %dma_start3A_69 = arith.constant 0 : i32
      %dma_start3A_70 = tpu.memref_slice %arg20[%add3A_11, %dma_start3A_69] : memref<10240x128xf32, #tpu.memory_space<vmem_shared>> -> memref<80x128xf32, #tpu.memory_space<vmem_shared>>
      %dma_start3A_71 = arith.constant 0 : i32
      %dma_start3A_72 = tpu.memref_slice %arg20[%add3A_11, %dma_start3A_71] : memref<10240x128xf32, #tpu.memory_space<vmem_shared>> -> memref<80x128xf32, #tpu.memory_space<vmem_shared>>
      tpu.enqueue_dma source(%arg12 : memref<80x128xf32, #tpu.memory_space<vmem>>) target(%dma_start3A_72 : memref<80x128xf32, #tpu.memory_space<vmem_shared>>) target_semaphore(%run_scoped3A : memref<!tpu.dma_semaphore, #tpu.memory_space<semaphore_mem>>)
      %dma_wait3A = arith.constant 0 : i32
      %dma_wait3A_73 = tpu.memref_slice %arg20[%add3A_11, %dma_wait3A] : memref<10240x128xf32, #tpu.memory_space<vmem_shared>> -> memref<80x128xf32, #tpu.memory_space<vmem_shared>>
      %dma_wait3A_74 = arith.constant 0 : i32
      %dma_wait3A_75 = tpu.memref_slice %arg20[%add3A_11, %dma_wait3A_74] : memref<10240x128xf32, #tpu.memory_space<vmem_shared>> -> memref<80x128xf32, #tpu.memory_space<vmem_shared>>
      tpu.wait_dma2 semaphore(%run_scoped3A : memref<!tpu.dma_semaphore, #tpu.memory_space<semaphore_mem>>) src(%arg12 : memref<80x128xf32, #tpu.memory_space<vmem>>) dst(%dma_wait3A_75 : memref<80x128xf32, #tpu.memory_space<vmem_shared>>)
      tpu.yield
    }) : () -> ()
    %mul3A_12 = arith.constant 640 : i32
    %mul3A_13 = arith.muli %arg1, %mul3A_12 : i32
    %add3A_14 = arith.constant 80 : i32
    %add3A_15 = arith.addi %mul3A_13, %add3A_14 : i32
    "tpu.region"() ({
      %run_scoped3A = tpu.sem_alloc : memref<!tpu.dma_semaphore, #tpu.memory_space<semaphore_mem>>
      %dma_start3A_69 = arith.constant 0 : i32
      %dma_start3A_70 = tpu.memref_slice %arg20[%add3A_15, %dma_start3A_69] : memref<10240x128xf32, #tpu.memory_space<vmem_shared>> -> memref<80x128xf32, #tpu.memory_space<vmem_shared>>
      %dma_start3A_71 = arith.constant 0 : i32
      %dma_start3A_72 = tpu.memref_slice %arg20[%add3A_15, %dma_start3A_71] : memref<10240x128xf32, #tpu.memory_space<vmem_shared>> -> memref<80x128xf32, #tpu.memory_space<vmem_shared>>
      tpu.enqueue_dma source(%arg12 : memref<80x128xf32, #tpu.memory_space<vmem>>) target(%dma_start3A_72 : memref<80x128xf32, #tpu.memory_space<vmem_shared>>) target_semaphore(%run_scoped3A : memref<!tpu.dma_semaphore, #tpu.memory_space<semaphore_mem>>)
      %dma_wait3A = arith.constant 0 : i32
      %dma_wait3A_73 = tpu.memref_slice %arg20[%add3A_15, %dma_wait3A] : memref<10240x128xf32, #tpu.memory_space<vmem_shared>> -> memref<80x128xf32, #tpu.memory_space<vmem_shared>>
      %dma_wait3A_74 = arith.constant 0 : i32
      %dma_wait3A_75 = tpu.memref_slice %arg20[%add3A_15, %dma_wait3A_74] : memref<10240x128xf32, #tpu.memory_space<vmem_shared>> -> memref<80x128xf32, #tpu.memory_space<vmem_shared>>
      tpu.wait_dma2 semaphore(%run_scoped3A : memref<!tpu.dma_semaphore, #tpu.memory_space<semaphore_mem>>) src(%arg12 : memref<80x128xf32, #tpu.memory_space<vmem>>) dst(%dma_wait3A_75 : memref<80x128xf32, #tpu.memory_space<vmem_shared>>)
      tpu.yield
    }) : () -> ()
    %mul3A_16 = arith.constant 640 : i32
    %mul3A_17 = arith.muli %arg1, %mul3A_16 : i32
    %add3A_18 = arith.constant 160 : i32
    %add3A_19 = arith.addi %mul3A_17, %add3A_18 : i32
    "tpu.region"() ({
      %run_scoped3A = tpu.sem_alloc : memref<!tpu.dma_semaphore, #tpu.memory_space<semaphore_mem>>
      %dma_start3A_69 = arith.constant 0 : i32
      %dma_start3A_70 = tpu.memref_slice %arg20[%add3A_19, %dma_start3A_69] : memref<10240x128xf32, #tpu.memory_space<vmem_shared>> -> memref<80x128xf32, #tpu.memory_space<vmem_shared>>
      %dma_start3A_71 = arith.constant 0 : i32
      %dma_start3A_72 = tpu.memref_slice %arg20[%add3A_19, %dma_start3A_71] : memref<10240x128xf32, #tpu.memory_space<vmem_shared>> -> memref<80x128xf32, #tpu.memory_space<vmem_shared>>
      tpu.enqueue_dma source(%arg12 : memref<80x128xf32, #tpu.memory_space<vmem>>) target(%dma_start3A_72 : memref<80x128xf32, #tpu.memory_space<vmem_shared>>) target_semaphore(%run_scoped3A : memref<!tpu.dma_semaphore, #tpu.memory_space<semaphore_mem>>)
      %dma_wait3A = arith.constant 0 : i32
      %dma_wait3A_73 = tpu.memref_slice %arg20[%add3A_19, %dma_wait3A] : memref<10240x128xf32, #tpu.memory_space<vmem_shared>> -> memref<80x128xf32, #tpu.memory_space<vmem_shared>>
      %dma_wait3A_74 = arith.constant 0 : i32
      %dma_wait3A_75 = tpu.memref_slice %arg20[%add3A_19, %dma_wait3A_74] : memref<10240x128xf32, #tpu.memory_space<vmem_shared>> -> memref<80x128xf32, #tpu.memory_space<vmem_shared>>
      tpu.wait_dma2 semaphore(%run_scoped3A : memref<!tpu.dma_semaphore, #tpu.memory_space<semaphore_mem>>) src(%arg12 : memref<80x128xf32, #tpu.memory_space<vmem>>) dst(%dma_wait3A_75 : memref<80x128xf32, #tpu.memory_space<vmem_shared>>)
      tpu.yield
    }) : () -> ()
    %mul3A_20 = arith.constant 640 : i32
    %mul3A_21 = arith.muli %arg1, %mul3A_20 : i32
    %add3A_22 = arith.constant 240 : i32
    %add3A_23 = arith.addi %mul3A_21, %add3A_22 : i32
    "tpu.region"() ({
      %run_scoped3A = tpu.sem_alloc : memref<!tpu.dma_semaphore, #tpu.memory_space<semaphore_mem>>
      %dma_start3A_69 = arith.constant 0 : i32
      %dma_start3A_70 = tpu.memref_slice %arg20[%add3A_23, %dma_start3A_69] : memref<10240x128xf32, #tpu.memory_space<vmem_shared>> -> memref<80x128xf32, #tpu.memory_space<vmem_shared>>
      %dma_start3A_71 = arith.constant 0 : i32
      %dma_start3A_72 = tpu.memref_slice %arg20[%add3A_23, %dma_start3A_71] : memref<10240x128xf32, #tpu.memory_space<vmem_shared>> -> memref<80x128xf32, #tpu.memory_space<vmem_shared>>
      tpu.enqueue_dma source(%arg12 : memref<80x128xf32, #tpu.memory_space<vmem>>) target(%dma_start3A_72 : memref<80x128xf32, #tpu.memory_space<vmem_shared>>) target_semaphore(%run_scoped3A : memref<!tpu.dma_semaphore, #tpu.memory_space<semaphore_mem>>)
      %dma_wait3A = arith.constant 0 : i32
      %dma_wait3A_73 = tpu.memref_slice %arg20[%add3A_23, %dma_wait3A] : memref<10240x128xf32, #tpu.memory_space<vmem_shared>> -> memref<80x128xf32, #tpu.memory_space<vmem_shared>>
      %dma_wait3A_74 = arith.constant 0 : i32
      %dma_wait3A_75 = tpu.memref_slice %arg20[%add3A_23, %dma_wait3A_74] : memref<10240x128xf32, #tpu.memory_space<vmem_shared>> -> memref<80x128xf32, #tpu.memory_space<vmem_shared>>
      tpu.wait_dma2 semaphore(%run_scoped3A : memref<!tpu.dma_semaphore, #tpu.memory_space<semaphore_mem>>) src(%arg12 : memref<80x128xf32, #tpu.memory_space<vmem>>) dst(%dma_wait3A_75 : memref<80x128xf32, #tpu.memory_space<vmem_shared>>)
      tpu.yield
    }) : () -> ()
    %mul3A_24 = arith.constant 640 : i32
    %mul3A_25 = arith.muli %arg1, %mul3A_24 : i32
    %add3A_26 = arith.constant 320 : i32
    %add3A_27 = arith.addi %mul3A_25, %add3A_26 : i32
    "tpu.region"() ({
      %run_scoped3A = tpu.sem_alloc : memref<!tpu.dma_semaphore, #tpu.memory_space<semaphore_mem>>
      %dma_start3A_69 = arith.constant 0 : i32
      %dma_start3A_70 = tpu.memref_slice %arg20[%add3A_27, %dma_start3A_69] : memref<10240x128xf32, #tpu.memory_space<vmem_shared>> -> memref<80x128xf32, #tpu.memory_space<vmem_shared>>
      %dma_start3A_71 = arith.constant 0 : i32
      %dma_start3A_72 = tpu.memref_slice %arg20[%add3A_27, %dma_start3A_71] : memref<10240x128xf32, #tpu.memory_space<vmem_shared>> -> memref<80x128xf32, #tpu.memory_space<vmem_shared>>
      tpu.enqueue_dma source(%arg12 : memref<80x128xf32, #tpu.memory_space<vmem>>) target(%dma_start3A_72 : memref<80x128xf32, #tpu.memory_space<vmem_shared>>) target_semaphore(%run_scoped3A : memref<!tpu.dma_semaphore, #tpu.memory_space<semaphore_mem>>)
      %dma_wait3A = arith.constant 0 : i32
      %dma_wait3A_73 = tpu.memref_slice %arg20[%add3A_27, %dma_wait3A] : memref<10240x128xf32, #tpu.memory_space<vmem_shared>> -> memref<80x128xf32, #tpu.memory_space<vmem_shared>>
      %dma_wait3A_74 = arith.constant 0 : i32
      %dma_wait3A_75 = tpu.memref_slice %arg20[%add3A_27, %dma_wait3A_74] : memref<10240x128xf32, #tpu.memory_space<vmem_shared>> -> memref<80x128xf32, #tpu.memory_space<vmem_shared>>
      tpu.wait_dma2 semaphore(%run_scoped3A : memref<!tpu.dma_semaphore, #tpu.memory_space<semaphore_mem>>) src(%arg12 : memref<80x128xf32, #tpu.memory_space<vmem>>) dst(%dma_wait3A_75 : memref<80x128xf32, #tpu.memory_space<vmem_shared>>)
      tpu.yield
    }) : () -> ()
    %mul3A_28 = arith.constant 640 : i32
    %mul3A_29 = arith.muli %arg1, %mul3A_28 : i32
    %add3A_30 = arith.constant 400 : i32
    %add3A_31 = arith.addi %mul3A_29, %add3A_30 : i32
    "tpu.region"() ({
      %run_scoped3A = tpu.sem_alloc : memref<!tpu.dma_semaphore, #tpu.memory_space<semaphore_mem>>
      %dma_start3A_69 = arith.constant 0 : i32
      %dma_start3A_70 = tpu.memref_slice %arg20[%add3A_31, %dma_start3A_69] : memref<10240x128xf32, #tpu.memory_space<vmem_shared>> -> memref<80x128xf32, #tpu.memory_space<vmem_shared>>
      %dma_start3A_71 = arith.constant 0 : i32
      %dma_start3A_72 = tpu.memref_slice %arg20[%add3A_31, %dma_start3A_71] : memref<10240x128xf32, #tpu.memory_space<vmem_shared>> -> memref<80x128xf32, #tpu.memory_space<vmem_shared>>
      tpu.enqueue_dma source(%arg12 : memref<80x128xf32, #tpu.memory_space<vmem>>) target(%dma_start3A_72 : memref<80x128xf32, #tpu.memory_space<vmem_shared>>) target_semaphore(%run_scoped3A : memref<!tpu.dma_semaphore, #tpu.memory_space<semaphore_mem>>)
      %dma_wait3A = arith.constant 0 : i32
      %dma_wait3A_73 = tpu.memref_slice %arg20[%add3A_31, %dma_wait3A] : memref<10240x128xf32, #tpu.memory_space<vmem_shared>> -> memref<80x128xf32, #tpu.memory_space<vmem_shared>>
      %dma_wait3A_74 = arith.constant 0 : i32
      %dma_wait3A_75 = tpu.memref_slice %arg20[%add3A_31, %dma_wait3A_74] : memref<10240x128xf32, #tpu.memory_space<vmem_shared>> -> memref<80x128xf32, #tpu.memory_space<vmem_shared>>
      tpu.wait_dma2 semaphore(%run_scoped3A : memref<!tpu.dma_semaphore, #tpu.memory_space<semaphore_mem>>) src(%arg12 : memref<80x128xf32, #tpu.memory_space<vmem>>) dst(%dma_wait3A_75 : memref<80x128xf32, #tpu.memory_space<vmem_shared>>)
      tpu.yield
    }) : () -> ()
    %mul3A_32 = arith.constant 640 : i32
    %mul3A_33 = arith.muli %arg1, %mul3A_32 : i32
    %add3A_34 = arith.constant 480 : i32
    %add3A_35 = arith.addi %mul3A_33, %add3A_34 : i32
    "tpu.region"() ({
      %run_scoped3A = tpu.sem_alloc : memref<!tpu.dma_semaphore, #tpu.memory_space<semaphore_mem>>
      %dma_start3A_69 = arith.constant 0 : i32
      %dma_start3A_70 = tpu.memref_slice %arg20[%add3A_35, %dma_start3A_69] : memref<10240x128xf32, #tpu.memory_space<vmem_shared>> -> memref<80x128xf32, #tpu.memory_space<vmem_shared>>
      %dma_start3A_71 = arith.constant 0 : i32
      %dma_start3A_72 = tpu.memref_slice %arg20[%add3A_35, %dma_start3A_71] : memref<10240x128xf32, #tpu.memory_space<vmem_shared>> -> memref<80x128xf32, #tpu.memory_space<vmem_shared>>
      tpu.enqueue_dma source(%arg12 : memref<80x128xf32, #tpu.memory_space<vmem>>) target(%dma_start3A_72 : memref<80x128xf32, #tpu.memory_space<vmem_shared>>) target_semaphore(%run_scoped3A : memref<!tpu.dma_semaphore, #tpu.memory_space<semaphore_mem>>)
      %dma_wait3A = arith.constant 0 : i32
      %dma_wait3A_73 = tpu.memref_slice %arg20[%add3A_35, %dma_wait3A] : memref<10240x128xf32, #tpu.memory_space<vmem_shared>> -> memref<80x128xf32, #tpu.memory_space<vmem_shared>>
      %dma_wait3A_74 = arith.constant 0 : i32
      %dma_wait3A_75 = tpu.memref_slice %arg20[%add3A_35, %dma_wait3A_74] : memref<10240x128xf32, #tpu.memory_space<vmem_shared>> -> memref<80x128xf32, #tpu.memory_space<vmem_shared>>
      tpu.wait_dma2 semaphore(%run_scoped3A : memref<!tpu.dma_semaphore, #tpu.memory_space<semaphore_mem>>) src(%arg12 : memref<80x128xf32, #tpu.memory_space<vmem>>) dst(%dma_wait3A_75 : memref<80x128xf32, #tpu.memory_space<vmem_shared>>)
      tpu.yield
    }) : () -> ()
    %mul3A_36 = arith.constant 640 : i32
    %mul3A_37 = arith.muli %arg1, %mul3A_36 : i32
    %add3A_38 = arith.constant 560 : i32
    %add3A_39 = arith.addi %mul3A_37, %add3A_38 : i32
    "tpu.region"() ({
      %run_scoped3A = tpu.sem_alloc : memref<!tpu.dma_semaphore, #tpu.memory_space<semaphore_mem>>
      %dma_start3A_69 = arith.constant 0 : i32
      %dma_start3A_70 = tpu.memref_slice %arg20[%add3A_39, %dma_start3A_69] : memref<10240x128xf32, #tpu.memory_space<vmem_shared>> -> memref<80x128xf32, #tpu.memory_space<vmem_shared>>
      %dma_start3A_71 = arith.constant 0 : i32
      %dma_start3A_72 = tpu.memref_slice %arg20[%add3A_39, %dma_start3A_71] : memref<10240x128xf32, #tpu.memory_space<vmem_shared>> -> memref<80x128xf32, #tpu.memory_space<vmem_shared>>
      tpu.enqueue_dma source(%arg12 : memref<80x128xf32, #tpu.memory_space<vmem>>) target(%dma_start3A_72 : memref<80x128xf32, #tpu.memory_space<vmem_shared>>) target_semaphore(%run_scoped3A : memref<!tpu.dma_semaphore, #tpu.memory_space<semaphore_mem>>)
      %dma_wait3A = arith.constant 0 : i32
      %dma_wait3A_73 = tpu.memref_slice %arg20[%add3A_39, %dma_wait3A] : memref<10240x128xf32, #tpu.memory_space<vmem_shared>> -> memref<80x128xf32, #tpu.memory_space<vmem_shared>>
      %dma_wait3A_74 = arith.constant 0 : i32
      %dma_wait3A_75 = tpu.memref_slice %arg20[%add3A_39, %dma_wait3A_74] : memref<10240x128xf32, #tpu.memory_space<vmem_shared>> -> memref<80x128xf32, #tpu.memory_space<vmem_shared>>
      tpu.wait_dma2 semaphore(%run_scoped3A : memref<!tpu.dma_semaphore, #tpu.memory_space<semaphore_mem>>) src(%arg12 : memref<80x128xf32, #tpu.memory_space<vmem>>) dst(%dma_wait3A_75 : memref<80x128xf32, #tpu.memory_space<vmem_shared>>)
      tpu.yield
    }) : () -> ()
    %mul3A_40 = arith.constant 640 : i32
    %mul3A_41 = arith.muli %arg1, %mul3A_40 : i32
    %mul3A_42 = arith.constant 640 : i32
    %mul3A_43 = arith.muli %arg1, %mul3A_42 : i32
    "tpu.region"() ({
      %run_scoped3A = tpu.sem_alloc : memref<!tpu.dma_semaphore, #tpu.memory_space<semaphore_mem>>
      %dma_start3A_69 = arith.constant 0 : i32
      %dma_start3A_70 = tpu.memref_slice %arg19[%mul3A_43, %dma_start3A_69] : memref<10240x16xf32, #tpu.memory_space<vmem_shared>> -> memref<640x16xf32, #tpu.memory_space<vmem_shared>>
      %dma_start3A_71 = arith.constant 0 : i32
      %dma_start3A_72 = tpu.memref_slice %arg4[%mul3A_41, %dma_start3A_71] : memref<10240x16xf32, #tpu.memory_space<hbm>> -> memref<640x16xf32, #tpu.memory_space<hbm>>
      tpu.enqueue_dma source(%dma_start3A_72 : memref<640x16xf32, #tpu.memory_space<hbm>>) target(%dma_start3A_70 : memref<640x16xf32, #tpu.memory_space<vmem_shared>>) target_semaphore(%run_scoped3A : memref<!tpu.dma_semaphore, #tpu.memory_space<semaphore_mem>>)
      %dma_wait3A = arith.constant 0 : i32
      %dma_wait3A_73 = tpu.memref_slice %arg19[%mul3A_43, %dma_wait3A] : memref<10240x16xf32, #tpu.memory_space<vmem_shared>> -> memref<640x16xf32, #tpu.memory_space<vmem_shared>>
      %dma_wait3A_74 = arith.constant 0 : i32
      %dma_wait3A_75 = tpu.memref_slice %arg4[%mul3A_41, %dma_wait3A_74] : memref<10240x16xf32, #tpu.memory_space<hbm>> -> memref<640x16xf32, #tpu.memory_space<hbm>>
      tpu.wait_dma2 semaphore(%run_scoped3A : memref<!tpu.dma_semaphore, #tpu.memory_space<semaphore_mem>>) src(%dma_wait3A_75 : memref<640x16xf32, #tpu.memory_space<hbm>>) dst(%dma_wait3A_73 : memref<640x16xf32, #tpu.memory_space<vmem_shared>>)
      tpu.yield
    }) : () -> ()
    %barrier3A = arith.constant 0 : index
    tpu.barrier barrier_id(%barrier3A)
    %iota3A = tpu.iota {dimensions = array<i32: 0>} : vector<16xi32>
    %mul3A_44 = arith.constant 10000 : i32
    %mul3A_45 = arith.muli %add3A, %mul3A_44 : i32
    %add3A_46 = arith.constant 0 : i32
    %add3A_47 = arith.addi %mul3A_45, %add3A_46 : i32
    "tpu.region"() ({
      %run_scoped3A = tpu.sem_alloc : memref<!tpu.dma_semaphore, #tpu.memory_space<semaphore_mem>>
      %dma_start3A_69 = tpu.memref_slice %arg2[%add3A_47] : memref<640000xi32, #tpu.memory_space<hbm>> -> memref<80xi32, #tpu.memory_space<hbm>>
      %dma_start3A_70 = tpu.memref_slice %arg2[%add3A_47] : memref<640000xi32, #tpu.memory_space<hbm>> -> memref<80xi32, #tpu.memory_space<hbm>>
      tpu.enqueue_dma source(%dma_start3A_70 : memref<80xi32, #tpu.memory_space<hbm>>) target(%arg7 : memref<80xi32, #tpu.memory_space<vmem>>) target_semaphore(%run_scoped3A : memref<!tpu.dma_semaphore, #tpu.memory_space<semaphore_mem>>)
      %dma_wait3A = tpu.memref_slice %arg2[%add3A_47] : memref<640000xi32, #tpu.memory_space<hbm>> -> memref<80xi32, #tpu.memory_space<hbm>>
      %dma_wait3A_71 = tpu.memref_slice %arg2[%add3A_47] : memref<640000xi32, #tpu.memory_space<hbm>> -> memref<80xi32, #tpu.memory_space<hbm>>
      tpu.wait_dma2 semaphore(%run_scoped3A : memref<!tpu.dma_semaphore, #tpu.memory_space<semaphore_mem>>) src(%dma_wait3A_71 : memref<80xi32, #tpu.memory_space<hbm>>) dst(%arg7 : memref<80xi32, #tpu.memory_space<vmem>>)
      tpu.yield
    }) : () -> ()
    %add3A_48 = arith.constant 320000 : i32
    %add3A_49 = arith.addi %add3A_48, %add3A_47 : i32
    "tpu.region"() ({
      %run_scoped3A = tpu.sem_alloc : memref<!tpu.dma_semaphore, #tpu.memory_space<semaphore_mem>>
      %dma_start3A_69 = tpu.memref_slice %arg2[%add3A_49] : memref<640000xi32, #tpu.memory_space<hbm>> -> memref<80xi32, #tpu.memory_space<hbm>>
      %dma_start3A_70 = tpu.memref_slice %arg2[%add3A_49] : memref<640000xi32, #tpu.memory_space<hbm>> -> memref<80xi32, #tpu.memory_space<hbm>>
      tpu.enqueue_dma source(%dma_start3A_70 : memref<80xi32, #tpu.memory_space<hbm>>) target(%arg8 : memref<80xi32, #tpu.memory_space<vmem>>) target_semaphore(%run_scoped3A : memref<!tpu.dma_semaphore, #tpu.memory_space<semaphore_mem>>)
      %dma_wait3A = tpu.memref_slice %arg2[%add3A_49] : memref<640000xi32, #tpu.memory_space<hbm>> -> memref<80xi32, #tpu.memory_space<hbm>>
      %dma_wait3A_71 = tpu.memref_slice %arg2[%add3A_49] : memref<640000xi32, #tpu.memory_space<hbm>> -> memref<80xi32, #tpu.memory_space<hbm>>
      tpu.wait_dma2 semaphore(%run_scoped3A : memref<!tpu.dma_semaphore, #tpu.memory_space<semaphore_mem>>) src(%dma_wait3A_71 : memref<80xi32, #tpu.memory_space<hbm>>) dst(%arg8 : memref<80xi32, #tpu.memory_space<vmem>>)
      tpu.yield
    }) : () -> ()
    %mul3A_50 = arith.constant 4 : i32
    %mul3A_51 = arith.muli %add3A_47, %mul3A_50 : i32
    "tpu.region"() ({
      %run_scoped3A = tpu.sem_alloc : memref<!tpu.dma_semaphore, #tpu.memory_space<semaphore_mem>>
      %dma_start3A_69 = tpu.memref_slice %arg3[%mul3A_51] : memref<1280000xf32, #tpu.memory_space<hbm>> -> memref<320xf32, #tpu.memory_space<hbm>>
      %dma_start3A_70 = tpu.memref_slice %arg3[%mul3A_51] : memref<1280000xf32, #tpu.memory_space<hbm>> -> memref<320xf32, #tpu.memory_space<hbm>>
      tpu.enqueue_dma source(%dma_start3A_70 : memref<320xf32, #tpu.memory_space<hbm>>) target(%arg9 : memref<320xf32, #tpu.memory_space<vmem>>) target_semaphore(%run_scoped3A : memref<!tpu.dma_semaphore, #tpu.memory_space<semaphore_mem>>)
      %dma_wait3A = tpu.memref_slice %arg3[%mul3A_51] : memref<1280000xf32, #tpu.memory_space<hbm>> -> memref<320xf32, #tpu.memory_space<hbm>>
      %dma_wait3A_71 = tpu.memref_slice %arg3[%mul3A_51] : memref<1280000xf32, #tpu.memory_space<hbm>> -> memref<320xf32, #tpu.memory_space<hbm>>
      tpu.wait_dma2 semaphore(%run_scoped3A : memref<!tpu.dma_semaphore, #tpu.memory_space<semaphore_mem>>) src(%dma_wait3A_71 : memref<320xf32, #tpu.memory_space<hbm>>) dst(%arg9 : memref<320xf32, #tpu.memory_space<vmem>>)
      tpu.yield
    }) : () -> ()
    %dma_start3A = arith.constant 0 : i32
    %dma_start3A_52 = arith.constant 0 : i32
    %dma_start3A_53 = tpu.memref_slice %arg5[%dma_start3A, %dma_start3A_52] : memref<10000x128xf32, #tpu.memory_space<hbm>> -> memref<10000x128xf32, #tpu.memory_space<hbm>>
    tpu.enqueue_indirect_dma source(%dma_start3A_53 : memref<10000x128xf32, #tpu.memory_space<hbm>>) target(%arg12 : memref<80x128xf32, #tpu.memory_space<vmem>>) offsets(%arg7 : memref<80xi32, #tpu.memory_space<vmem>>) semaphore(%arg21 : memref<!tpu.dma_semaphore, #tpu.memory_space<semaphore_mem>>)
    %dma_start3A_54 = arith.constant 0 : i32
    %dma_start3A_55 = arith.constant 0 : i32
    %dma_start3A_56 = tpu.memref_slice %arg19[%dma_start3A_54, %dma_start3A_55] : memref<10240x16xf32, #tpu.memory_space<vmem_shared>> -> memref<10240x16xf32, #tpu.memory_space<vmem_shared>>
    tpu.enqueue_indirect_dma source(%dma_start3A_56 : memref<10240x16xf32, #tpu.memory_space<vmem_shared>>) target(%arg11 : memref<80x16xf32, #tpu.memory_space<vmem>>) offsets(%arg8 : memref<80xi32, #tpu.memory_space<vmem>>) semaphore(%arg23 : memref<!tpu.dma_semaphore, #tpu.memory_space<semaphore_mem>>)
    %scan3A_57 = arith.constant 0 : i32
    %scan3A_58 = arith.constant 0 : i32
    %scan3A_59 = arith.constant 125 : i32
    %scan3A_60 = arith.addi %scan3A_58, %scan3A_59 : i32
    %scan3A_61 = arith.constant 1 : i32
    %scan3A_62 = scf.for %scan3A_69 = %scan3A_58 to %scan3A_60 step %scan3A_61 iter_args(%scan3A_70 = %scan3A_57) -> (i32)  : i32 {
      %jit3A = arith.constant 2 : i32
      %eq3A = arith.constant 0 : i32
      %eq3A_71 = arith.cmpi eq, %jit3A, %eq3A : i32
      %jit3A_72 = arith.constant 1 : i32
      %select_n3A = arith.select %eq3A_71, %jit3A_72, %jit3A : i32
      %rem3A = arith.remsi %scan3A_69, %select_n3A : i32
      %ne3A = arith.constant 0 : i32
      %ne3A_73 = arith.cmpi ne, %rem3A, %ne3A : i32
      %lt3A = arith.constant 0 : i32
      %lt3A_74 = arith.cmpi slt, %rem3A, %lt3A : i32
      %lt3A_75 = arith.constant 0 : i32
      %lt3A_76 = arith.cmpi slt, %select_n3A, %lt3A_75 : i32
      %ne3A_77 = arith.xori %lt3A_74, %lt3A_76 : i1
      %and3A = arith.andi %ne3A_77, %ne3A_73 : i1
      %add3A_78 = arith.addi %rem3A, %select_n3A : i32
      %select_n3A_79 = arith.select %and3A, %add3A_78, %rem3A : i32
      %eq3A_80 = arith.constant 0 : i32
      %eq3A_81 = arith.cmpi eq, %select_n3A_79, %eq3A_80 : i32
      %convert_element_type3A = arith.extui %eq3A_81 : i1 to i32
      %cond3A = arith.constant 0 : i32
      %cond3A_82 = arith.cmpi ne, %convert_element_type3A, %cond3A : i32
      scf.if %cond3A_82 {
        %add3A_105 = arith.constant 1 : i32
        %add3A_106 = arith.addi %scan3A_69, %add3A_105 : i32
        %lt3A_107 = arith.constant 125 : i32
        %lt3A_108 = arith.cmpi slt, %add3A_106, %lt3A_107 : i32
        %convert_element_type3A_109 = arith.extui %lt3A_108 : i1 to i32
        %cond3A_110 = arith.constant 0 : i32
        %cond3A_111 = arith.cmpi ne, %convert_element_type3A_109, %cond3A_110 : i32
        scf.if %cond3A_111 {
          %add3A_478 = arith.constant 1 : i32
          %add3A_479 = arith.addi %scan3A_69, %add3A_478 : i32
          %mul3A_480 = arith.constant 10000 : i32
          %mul3A_481 = arith.muli %add3A, %mul3A_480 : i32
          %mul3A_482 = arith.constant 80 : i32
          %mul3A_483 = arith.muli %add3A_479, %mul3A_482 : i32
          %add3A_484 = arith.addi %mul3A_481, %mul3A_483 : i32
          "tpu.region"() ({
            %run_scoped3A = tpu.sem_alloc : memref<!tpu.dma_semaphore, #tpu.memory_space<semaphore_mem>>
            %dma_start3A_495 = tpu.memref_slice %arg2[%add3A_484] : memref<640000xi32, #tpu.memory_space<hbm>> -> memref<80xi32, #tpu.memory_space<hbm>>
            %dma_start3A_496 = tpu.memref_slice %arg2[%add3A_484] : memref<640000xi32, #tpu.memory_space<hbm>> -> memref<80xi32, #tpu.memory_space<hbm>>
            tpu.enqueue_dma source(%dma_start3A_496 : memref<80xi32, #tpu.memory_space<hbm>>) target(%arg13 : memref<80xi32, #tpu.memory_space<vmem>>) target_semaphore(%run_scoped3A : memref<!tpu.dma_semaphore, #tpu.memory_space<semaphore_mem>>)
            %dma_wait3A_497 = tpu.memref_slice %arg2[%add3A_484] : memref<640000xi32, #tpu.memory_space<hbm>> -> memref<80xi32, #tpu.memory_space<hbm>>
            %dma_wait3A_498 = tpu.memref_slice %arg2[%add3A_484] : memref<640000xi32, #tpu.memory_space<hbm>> -> memref<80xi32, #tpu.memory_space<hbm>>
            tpu.wait_dma2 semaphore(%run_scoped3A : memref<!tpu.dma_semaphore, #tpu.memory_space<semaphore_mem>>) src(%dma_wait3A_498 : memref<80xi32, #tpu.memory_space<hbm>>) dst(%arg13 : memref<80xi32, #tpu.memory_space<vmem>>)
            tpu.yield
          }) : () -> ()
          %add3A_485 = arith.constant 320000 : i32
          %add3A_486 = arith.addi %add3A_485, %add3A_484 : i32
          "tpu.region"() ({
            %run_scoped3A = tpu.sem_alloc : memref<!tpu.dma_semaphore, #tpu.memory_space<semaphore_mem>>
            %dma_start3A_495 = tpu.memref_slice %arg2[%add3A_486] : memref<640000xi32, #tpu.memory_space<hbm>> -> memref<80xi32, #tpu.memory_space<hbm>>
            %dma_start3A_496 = tpu.memref_slice %arg2[%add3A_486] : memref<640000xi32, #tpu.memory_space<hbm>> -> memref<80xi32, #tpu.memory_space<hbm>>
            tpu.enqueue_dma source(%dma_start3A_496 : memref<80xi32, #tpu.memory_space<hbm>>) target(%arg14 : memref<80xi32, #tpu.memory_space<vmem>>) target_semaphore(%run_scoped3A : memref<!tpu.dma_semaphore, #tpu.memory_space<semaphore_mem>>)
            %dma_wait3A_497 = tpu.memref_slice %arg2[%add3A_486] : memref<640000xi32, #tpu.memory_space<hbm>> -> memref<80xi32, #tpu.memory_space<hbm>>
            %dma_wait3A_498 = tpu.memref_slice %arg2[%add3A_486] : memref<640000xi32, #tpu.memory_space<hbm>> -> memref<80xi32, #tpu.memory_space<hbm>>
            tpu.wait_dma2 semaphore(%run_scoped3A : memref<!tpu.dma_semaphore, #tpu.memory_space<semaphore_mem>>) src(%dma_wait3A_498 : memref<80xi32, #tpu.memory_space<hbm>>) dst(%arg14 : memref<80xi32, #tpu.memory_space<vmem>>)
            tpu.yield
          }) : () -> ()
          %mul3A_487 = arith.constant 4 : i32
          %mul3A_488 = arith.muli %add3A_484, %mul3A_487 : i32
          "tpu.region"() ({
            %run_scoped3A = tpu.sem_alloc : memref<!tpu.dma_semaphore, #tpu.memory_space<semaphore_mem>>
            %dma_start3A_495 = tpu.memref_slice %arg3[%mul3A_488] : memref<1280000xf32, #tpu.memory_space<hbm>> -> memref<320xf32, #tpu.memory_space<hbm>>
            %dma_start3A_496 = tpu.memref_slice %arg3[%mul3A_488] : memref<1280000xf32, #tpu.memory_space<hbm>> -> memref<320xf32, #tpu.memory_space<hbm>>
            tpu.enqueue_dma source(%dma_start3A_496 : memref<320xf32, #tpu.memory_space<hbm>>) target(%arg15 : memref<320xf32, #tpu.memory_space<vmem>>) target_semaphore(%run_scoped3A : memref<!tpu.dma_semaphore, #tpu.memory_space<semaphore_mem>>)
            %dma_wait3A_497 = tpu.memref_slice %arg3[%mul3A_488] : memref<1280000xf32, #tpu.memory_space<hbm>> -> memref<320xf32, #tpu.memory_space<hbm>>
            %dma_wait3A_498 = tpu.memref_slice %arg3[%mul3A_488] : memref<1280000xf32, #tpu.memory_space<hbm>> -> memref<320xf32, #tpu.memory_space<hbm>>
            tpu.wait_dma2 semaphore(%run_scoped3A : memref<!tpu.dma_semaphore, #tpu.memory_space<semaphore_mem>>) src(%dma_wait3A_498 : memref<320xf32, #tpu.memory_space<hbm>>) dst(%arg15 : memref<320xf32, #tpu.memory_space<vmem>>)
            tpu.yield
          }) : () -> ()
          %dma_start3A_489 = arith.constant 0 : i32
          %dma_start3A_490 = arith.constant 0 : i32
          %dma_start3A_491 = tpu.memref_slice %arg5[%dma_start3A_489, %dma_start3A_490] : memref<10000x128xf32, #tpu.memory_space<hbm>> -> memref<10000x128xf32, #tpu.memory_space<hbm>>
          tpu.enqueue_indirect_dma source(%dma_start3A_491 : memref<10000x128xf32, #tpu.memory_space<hbm>>) target(%arg18 : memref<80x128xf32, #tpu.memory_space<vmem>>) offsets(%arg13 : memref<80xi32, #tpu.memory_space<vmem>>) semaphore(%arg22 : memref<!tpu.dma_semaphore, #tpu.memory_space<semaphore_mem>>)
          %dma_start3A_492 = arith.constant 0 : i32
          %dma_start3A_493 = arith.constant 0 : i32
          %dma_start3A_494 = tpu.memref_slice %arg19[%dma_start3A_492, %dma_start3A_493] : memref<10240x16xf32, #tpu.memory_space<vmem_shared>> -> memref<10240x16xf32, #tpu.memory_space<vmem_shared>>
          tpu.enqueue_indirect_dma source(%dma_start3A_494 : memref<10240x16xf32, #tpu.memory_space<vmem_shared>>) target(%arg17 : memref<80x16xf32, #tpu.memory_space<vmem>>) offsets(%arg14 : memref<80xi32, #tpu.memory_space<vmem>>) semaphore(%arg24 : memref<!tpu.dma_semaphore, #tpu.memory_space<semaphore_mem>>)
        } else {
        }
        %dma_wait3A = arith.constant 0 : i32
        %dma_wait3A_112 = arith.constant 0 : i32
        %dma_wait3A_113 = tpu.memref_slice %arg19[%dma_wait3A, %dma_wait3A_112] : memref<10240x16xf32, #tpu.memory_space<vmem_shared>> -> memref<10240x16xf32, #tpu.memory_space<vmem_shared>>
        tpu.wait_indirect_dma semaphore(%arg23 : memref<!tpu.dma_semaphore, #tpu.memory_space<semaphore_mem>>) src(%dma_wait3A_113 : memref<10240x16xf32, #tpu.memory_space<vmem_shared>>) dst(%arg11 : memref<80x16xf32, #tpu.memory_space<vmem>>)
        %add3A_114 = arith.constant 0 : i32
        %add3A_115 = vector.broadcast %add3A_114 : i32 to vector<16xi32>
        %add3A_116 = arith.addi %iota3A, %add3A_115 : vector<16xi32>
        %broadcast_in_dim3A_117 = arith.constant 0 : i32
        %broadcast_in_dim3A_118 = vector.broadcast %broadcast_in_dim3A_117 : i32 to vector<16xi32>
        %gather3A = tpu.vector_load_idx %arg11[%add3A_116, %broadcast_in_dim3A_118] : memref<80x16xf32, #tpu.memory_space<vmem>>[vector<16xi32>, vector<16xi32>], vector<16xf32>,
        %mul3A_119 = arith.constant 4 : i32
        %mul3A_120 = vector.broadcast %mul3A_119 : i32 to vector<16xi32>
        %mul3A_121 = arith.muli %add3A_116, %mul3A_120 : vector<16xi32>
        %add3A_122 = arith.constant 0 : i32
        %add3A_123 = vector.broadcast %add3A_122 : i32 to vector<16xi32>
        %add3A_124 = arith.addi %mul3A_121, %add3A_123 : vector<16xi32>
        %gather3A_125 = tpu.vector_load_idx %arg9[%add3A_124] : memref<320xf32, #tpu.memory_space<vmem>>[vector<16xi32>], vector<16xf32>,
        %mul3A_126 = arith.constant 4 : i32
        %mul3A_127 = vector.broadcast %mul3A_126 : i32 to vector<16xi32>
        %mul3A_128 = arith.muli %add3A_116, %mul3A_127 : vector<16xi32>
        %add3A_129 = arith.constant 0 : i32
        %add3A_130 = vector.broadcast %add3A_129 : i32 to vector<16xi32>
        %add3A_131 = arith.addi %mul3A_128, %add3A_130 : vector<16xi32>
        %mul3A_132 = arith.mulf %gather3A_125, %gather3A : vector<16xf32>
        tpu.vector_store_idx %arg10[%add3A_131], %mul3A_132 : memref<320xf32, #tpu.memory_space<vmem>>[vector<16xi32>], vector<16xf32>,
        %broadcast_in_dim3A_133 = arith.constant 1 : i32
        %broadcast_in_dim3A_134 = vector.broadcast %broadcast_in_dim3A_133 : i32 to vector<16xi32>
        %gather3A_135 = tpu.vector_load_idx %arg11[%add3A_116, %broadcast_in_dim3A_134] : memref<80x16xf32, #tpu.memory_space<vmem>>[vector<16xi32>, vector<16xi32>], vector<16xf32>,
        %mul3A_136 = arith.constant 4 : i32
        %mul3A_137 = vector.broadcast %mul3A_136 : i32 to vector<16xi32>
        %mul3A_138 = arith.muli %add3A_116, %mul3A_137 : vector<16xi32>
        %add3A_139 = arith.constant 1 : i32
        %add3A_140 = vector.broadcast %add3A_139 : i32 to vector<16xi32>
        %add3A_141 = arith.addi %mul3A_138, %add3A_140 : vector<16xi32>
        %gather3A_142 = tpu.vector_load_idx %arg9[%add3A_141] : memref<320xf32, #tpu.memory_space<vmem>>[vector<16xi32>], vector<16xf32>,
        %mul3A_143 = arith.constant 4 : i32
        %mul3A_144 = vector.broadcast %mul3A_143 : i32 to vector<16xi32>
        %mul3A_145 = arith.muli %add3A_116, %mul3A_144 : vector<16xi32>
        %add3A_146 = arith.constant 1 : i32
        %add3A_147 = vector.broadcast %add3A_146 : i32 to vector<16xi32>
        %add3A_148 = arith.addi %mul3A_145, %add3A_147 : vector<16xi32>
        %mul3A_149 = arith.mulf %gather3A_142, %gather3A_135 : vector<16xf32>
        tpu.vector_store_idx %arg10[%add3A_148], %mul3A_149 : memref<320xf32, #tpu.memory_space<vmem>>[vector<16xi32>], vector<16xf32>,
        %broadcast_in_dim3A_150 = arith.constant 2 : i32
        %broadcast_in_dim3A_151 = vector.broadcast %broadcast_in_dim3A_150 : i32 to vector<16xi32>
        %gather3A_152 = tpu.vector_load_idx %arg11[%add3A_116, %broadcast_in_dim3A_151] : memref<80x16xf32, #tpu.memory_space<vmem>>[vector<16xi32>, vector<16xi32>], vector<16xf32>,
        %mul3A_153 = arith.constant 4 : i32
        %mul3A_154 = vector.broadcast %mul3A_153 : i32 to vector<16xi32>
        %mul3A_155 = arith.muli %add3A_116, %mul3A_154 : vector<16xi32>
        %add3A_156 = arith.constant 2 : i32
        %add3A_157 = vector.broadcast %add3A_156 : i32 to vector<16xi32>
        %add3A_158 = arith.addi %mul3A_155, %add3A_157 : vector<16xi32>
        %gather3A_159 = tpu.vector_load_idx %arg9[%add3A_158] : memref<320xf32, #tpu.memory_space<vmem>>[vector<16xi32>], vector<16xf32>,
        %mul3A_160 = arith.constant 4 : i32
        %mul3A_161 = vector.broadcast %mul3A_160 : i32 to vector<16xi32>
        %mul3A_162 = arith.muli %add3A_116, %mul3A_161 : vector<16xi32>
        %add3A_163 = arith.constant 2 : i32
        %add3A_164 = vector.broadcast %add3A_163 : i32 to vector<16xi32>
        %add3A_165 = arith.addi %mul3A_162, %add3A_164 : vector<16xi32>
        %mul3A_166 = arith.mulf %gather3A_159, %gather3A_152 : vector<16xf32>
        tpu.vector_store_idx %arg10[%add3A_165], %mul3A_166 : memref<320xf32, #tpu.memory_space<vmem>>[vector<16xi32>], vector<16xf32>,
        %broadcast_in_dim3A_167 = arith.constant 3 : i32
        %broadcast_in_dim3A_168 = vector.broadcast %broadcast_in_dim3A_167 : i32 to vector<16xi32>
        %gather3A_169 = tpu.vector_load_idx %arg11[%add3A_116, %broadcast_in_dim3A_168] : memref<80x16xf32, #tpu.memory_space<vmem>>[vector<16xi32>, vector<16xi32>], vector<16xf32>,
        %mul3A_170 = arith.constant 4 : i32
        %mul3A_171 = vector.broadcast %mul3A_170 : i32 to vector<16xi32>
        %mul3A_172 = arith.muli %add3A_116, %mul3A_171 : vector<16xi32>
        %add3A_173 = arith.constant 3 : i32
        %add3A_174 = vector.broadcast %add3A_173 : i32 to vector<16xi32>
        %add3A_175 = arith.addi %mul3A_172, %add3A_174 : vector<16xi32>
        %gather3A_176 = tpu.vector_load_idx %arg9[%add3A_175] : memref<320xf32, #tpu.memory_space<vmem>>[vector<16xi32>], vector<16xf32>,
        %mul3A_177 = arith.constant 4 : i32
        %mul3A_178 = vector.broadcast %mul3A_177 : i32 to vector<16xi32>
        %mul3A_179 = arith.muli %add3A_116, %mul3A_178 : vector<16xi32>
        %add3A_180 = arith.constant 3 : i32
        %add3A_181 = vector.broadcast %add3A_180 : i32 to vector<16xi32>
        %add3A_182 = arith.addi %mul3A_179, %add3A_181 : vector<16xi32>
        %mul3A_183 = arith.mulf %gather3A_176, %gather3A_169 : vector<16xf32>
        tpu.vector_store_idx %arg10[%add3A_182], %mul3A_183 : memref<320xf32, #tpu.memory_space<vmem>>[vector<16xi32>], vector<16xf32>,
        %add3A_184 = arith.constant 16 : i32
        %add3A_185 = vector.broadcast %add3A_184 : i32 to vector<16xi32>
        %add3A_186 = arith.addi %iota3A, %add3A_185 : vector<16xi32>
        %broadcast_in_dim3A_187 = arith.constant 0 : i32
        %broadcast_in_dim3A_188 = vector.broadcast %broadcast_in_dim3A_187 : i32 to vector<16xi32>
        %gather3A_189 = tpu.vector_load_idx %arg11[%add3A_186, %broadcast_in_dim3A_188] : memref<80x16xf32, #tpu.memory_space<vmem>>[vector<16xi32>, vector<16xi32>], vector<16xf32>,
        %mul3A_190 = arith.constant 4 : i32
        %mul3A_191 = vector.broadcast %mul3A_190 : i32 to vector<16xi32>
        %mul3A_192 = arith.muli %add3A_186, %mul3A_191 : vector<16xi32>
        %add3A_193 = arith.constant 0 : i32
        %add3A_194 = vector.broadcast %add3A_193 : i32 to vector<16xi32>
        %add3A_195 = arith.addi %mul3A_192, %add3A_194 : vector<16xi32>
        %gather3A_196 = tpu.vector_load_idx %arg9[%add3A_195] : memref<320xf32, #tpu.memory_space<vmem>>[vector<16xi32>], vector<16xf32>,
        %mul3A_197 = arith.constant 4 : i32
        %mul3A_198 = vector.broadcast %mul3A_197 : i32 to vector<16xi32>
        %mul3A_199 = arith.muli %add3A_186, %mul3A_198 : vector<16xi32>
        %add3A_200 = arith.constant 0 : i32
        %add3A_201 = vector.broadcast %add3A_200 : i32 to vector<16xi32>
        %add3A_202 = arith.addi %mul3A_199, %add3A_201 : vector<16xi32>
        %mul3A_203 = arith.mulf %gather3A_196, %gather3A_189 : vector<16xf32>
        tpu.vector_store_idx %arg10[%add3A_202], %mul3A_203 : memref<320xf32, #tpu.memory_space<vmem>>[vector<16xi32>], vector<16xf32>,
        %broadcast_in_dim3A_204 = arith.constant 1 : i32
        %broadcast_in_dim3A_205 = vector.broadcast %broadcast_in_dim3A_204 : i32 to vector<16xi32>
        %gather3A_206 = tpu.vector_load_idx %arg11[%add3A_186, %broadcast_in_dim3A_205] : memref<80x16xf32, #tpu.memory_space<vmem>>[vector<16xi32>, vector<16xi32>], vector<16xf32>,
        %mul3A_207 = arith.constant 4 : i32
        %mul3A_208 = vector.broadcast %mul3A_207 : i32 to vector<16xi32>
        %mul3A_209 = arith.muli %add3A_186, %mul3A_208 : vector<16xi32>
        %add3A_210 = arith.constant 1 : i32
        %add3A_211 = vector.broadcast %add3A_210 : i32 to vector<16xi32>
        %add3A_212 = arith.addi %mul3A_209, %add3A_211 : vector<16xi32>
        %gather3A_213 = tpu.vector_load_idx %arg9[%add3A_212] : memref<320xf32, #tpu.memory_space<vmem>>[vector<16xi32>], vector<16xf32>,
        %mul3A_214 = arith.constant 4 : i32
        %mul3A_215 = vector.broadcast %mul3A_214 : i32 to vector<16xi32>
        %mul3A_216 = arith.muli %add3A_186, %mul3A_215 : vector<16xi32>
        %add3A_217 = arith.constant 1 : i32
        %add3A_218 = vector.broadcast %add3A_217 : i32 to vector<16xi32>
        %add3A_219 = arith.addi %mul3A_216, %add3A_218 : vector<16xi32>
        %mul3A_220 = arith.mulf %gather3A_213, %gather3A_206 : vector<16xf32>
        tpu.vector_store_idx %arg10[%add3A_219], %mul3A_220 : memref<320xf32, #tpu.memory_space<vmem>>[vector<16xi32>], vector<16xf32>,
        %broadcast_in_dim3A_221 = arith.constant 2 : i32
        %broadcast_in_dim3A_222 = vector.broadcast %broadcast_in_dim3A_221 : i32 to vector<16xi32>
        %gather3A_223 = tpu.vector_load_idx %arg11[%add3A_186, %broadcast_in_dim3A_222] : memref<80x16xf32, #tpu.memory_space<vmem>>[vector<16xi32>, vector<16xi32>], vector<16xf32>,
        %mul3A_224 = arith.constant 4 : i32
        %mul3A_225 = vector.broadcast %mul3A_224 : i32 to vector<16xi32>
        %mul3A_226 = arith.muli %add3A_186, %mul3A_225 : vector<16xi32>
        %add3A_227 = arith.constant 2 : i32
        %add3A_228 = vector.broadcast %add3A_227 : i32 to vector<16xi32>
        %add3A_229 = arith.addi %mul3A_226, %add3A_228 : vector<16xi32>
        %gather3A_230 = tpu.vector_load_idx %arg9[%add3A_229] : memref<320xf32, #tpu.memory_space<vmem>>[vector<16xi32>], vector<16xf32>,
        %mul3A_231 = arith.constant 4 : i32
        %mul3A_232 = vector.broadcast %mul3A_231 : i32 to vector<16xi32>
        %mul3A_233 = arith.muli %add3A_186, %mul3A_232 : vector<16xi32>
        %add3A_234 = arith.constant 2 : i32
        %add3A_235 = vector.broadcast %add3A_234 : i32 to vector<16xi32>
        %add3A_236 = arith.addi %mul3A_233, %add3A_235 : vector<16xi32>
        %mul3A_237 = arith.mulf %gather3A_230, %gather3A_223 : vector<16xf32>
        tpu.vector_store_idx %arg10[%add3A_236], %mul3A_237 : memref<320xf32, #tpu.memory_space<vmem>>[vector<16xi32>], vector<16xf32>,
        %broadcast_in_dim3A_238 = arith.constant 3 : i32
        %broadcast_in_dim3A_239 = vector.broadcast %broadcast_in_dim3A_238 : i32 to vector<16xi32>
        %gather3A_240 = tpu.vector_load_idx %arg11[%add3A_186, %broadcast_in_dim3A_239] : memref<80x16xf32, #tpu.memory_space<vmem>>[vector<16xi32>, vector<16xi32>], vector<16xf32>,
        %mul3A_241 = arith.constant 4 : i32
        %mul3A_242 = vector.broadcast %mul3A_241 : i32 to vector<16xi32>
        %mul3A_243 = arith.muli %add3A_186, %mul3A_242 : vector<16xi32>
        %add3A_244 = arith.constant 3 : i32
        %add3A_245 = vector.broadcast %add3A_244 : i32 to vector<16xi32>
        %add3A_246 = arith.addi %mul3A_243, %add3A_245 : vector<16xi32>
        %gather3A_247 = tpu.vector_load_idx %arg9[%add3A_246] : memref<320xf32, #tpu.memory_space<vmem>>[vector<16xi32>], vector<16xf32>,
        %mul3A_248 = arith.constant 4 : i32
        %mul3A_249 = vector.broadcast %mul3A_248 : i32 to vector<16xi32>
        %mul3A_250 = arith.muli %add3A_186, %mul3A_249 : vector<16xi32>
        %add3A_251 = arith.constant 3 : i32
        %add3A_252 = vector.broadcast %add3A_251 : i32 to vector<16xi32>
        %add3A_253 = arith.addi %mul3A_250, %add3A_252 : vector<16xi32>
        %mul3A_254 = arith.mulf %gather3A_247, %gather3A_240 : vector<16xf32>
        tpu.vector_store_idx %arg10[%add3A_253], %mul3A_254 : memref<320xf32, #tpu.memory_space<vmem>>[vector<16xi32>], vector<16xf32>,
        %add3A_255 = arith.constant 32 : i32
        %add3A_256 = vector.broadcast %add3A_255 : i32 to vector<16xi32>
        %add3A_257 = arith.addi %iota3A, %add3A_256 : vector<16xi32>
        %broadcast_in_dim3A_258 = arith.constant 0 : i32
        %broadcast_in_dim3A_259 = vector.broadcast %broadcast_in_dim3A_258 : i32 to vector<16xi32>
        %gather3A_260 = tpu.vector_load_idx %arg11[%add3A_257, %broadcast_in_dim3A_259] : memref<80x16xf32, #tpu.memory_space<vmem>>[vector<16xi32>, vector<16xi32>], vector<16xf32>,
        %mul3A_261 = arith.constant 4 : i32
        %mul3A_262 = vector.broadcast %mul3A_261 : i32 to vector<16xi32>
        %mul3A_263 = arith.muli %add3A_257, %mul3A_262 : vector<16xi32>
        %add3A_264 = arith.constant 0 : i32
        %add3A_265 = vector.broadcast %add3A_264 : i32 to vector<16xi32>
        %add3A_266 = arith.addi %mul3A_263, %add3A_265 : vector<16xi32>
        %gather3A_267 = tpu.vector_load_idx %arg9[%add3A_266] : memref<320xf32, #tpu.memory_space<vmem>>[vector<16xi32>], vector<16xf32>,
        %mul3A_268 = arith.constant 4 : i32
        %mul3A_269 = vector.broadcast %mul3A_268 : i32 to vector<16xi32>
        %mul3A_270 = arith.muli %add3A_257, %mul3A_269 : vector<16xi32>
        %add3A_271 = arith.constant 0 : i32
        %add3A_272 = vector.broadcast %add3A_271 : i32 to vector<16xi32>
        %add3A_273 = arith.addi %mul3A_270, %add3A_272 : vector<16xi32>
        %mul3A_274 = arith.mulf %gather3A_267, %gather3A_260 : vector<16xf32>
        tpu.vector_store_idx %arg10[%add3A_273], %mul3A_274 : memref<320xf32, #tpu.memory_space<vmem>>[vector<16xi32>], vector<16xf32>,
        %broadcast_in_dim3A_275 = arith.constant 1 : i32
        %broadcast_in_dim3A_276 = vector.broadcast %broadcast_in_dim3A_275 : i32 to vector<16xi32>
        %gather3A_277 = tpu.vector_load_idx %arg11[%add3A_257, %broadcast_in_dim3A_276] : memref<80x16xf32, #tpu.memory_space<vmem>>[vector<16xi32>, vector<16xi32>], vector<16xf32>,
        %mul3A_278 = arith.constant 4 : i32
        %mul3A_279 = vector.broadcast %mul3A_278 : i32 to vector<16xi32>
        %mul3A_280 = arith.muli %add3A_257, %mul3A_279 : vector<16xi32>
        %add3A_281 = arith.constant 1 : i32
        %add3A_282 = vector.broadcast %add3A_281 : i32 to vector<16xi32>
        %add3A_283 = arith.addi %mul3A_280, %add3A_282 : vector<16xi32>
        %gather3A_284 = tpu.vector_load_idx %arg9[%add3A_283] : memref<320xf32, #tpu.memory_space<vmem>>[vector<16xi32>], vector<16xf32>,
        %mul3A_285 = arith.constant 4 : i32
        %mul3A_286 = vector.broadcast %mul3A_285 : i32 to vector<16xi32>
        %mul3A_287 = arith.muli %add3A_257, %mul3A_286 : vector<16xi32>
        %add3A_288 = arith.constant 1 : i32
        %add3A_289 = vector.broadcast %add3A_288 : i32 to vector<16xi32>
        %add3A_290 = arith.addi %mul3A_287, %add3A_289 : vector<16xi32>
        %mul3A_291 = arith.mulf %gather3A_284, %gather3A_277 : vector<16xf32>
        tpu.vector_store_idx %arg10[%add3A_290], %mul3A_291 : memref<320xf32, #tpu.memory_space<vmem>>[vector<16xi32>], vector<16xf32>,
        %broadcast_in_dim3A_292 = arith.constant 2 : i32
        %broadcast_in_dim3A_293 = vector.broadcast %broadcast_in_dim3A_292 : i32 to vector<16xi32>
        %gather3A_294 = tpu.vector_load_idx %arg11[%add3A_257, %broadcast_in_dim3A_293] : memref<80x16xf32, #tpu.memory_space<vmem>>[vector<16xi32>, vector<16xi32>], vector<16xf32>,
        %mul3A_295 = arith.constant 4 : i32
        %mul3A_296 = vector.broadcast %mul3A_295 : i32 to vector<16xi32>
        %mul3A_297 = arith.muli %add3A_257, %mul3A_296 : vector<16xi32>
        %add3A_298 = arith.constant 2 : i32
        %add3A_299 = vector.broadcast %add3A_298 : i32 to vector<16xi32>
        %add3A_300 = arith.addi %mul3A_297, %add3A_299 : vector<16xi32>
        %gather3A_301 = tpu.vector_load_idx %arg9[%add3A_300] : memref<320xf32, #tpu.memory_space<vmem>>[vector<16xi32>], vector<16xf32>,
        %mul3A_302 = arith.constant 4 : i32
        %mul3A_303 = vector.broadcast %mul3A_302 : i32 to vector<16xi32>
        %mul3A_304 = arith.muli %add3A_257, %mul3A_303 : vector<16xi32>
        %add3A_305 = arith.constant 2 : i32
        %add3A_306 = vector.broadcast %add3A_305 : i32 to vector<16xi32>
        %add3A_307 = arith.addi %mul3A_304, %add3A_306 : vector<16xi32>
        %mul3A_308 = arith.mulf %gather3A_301, %gather3A_294 : vector<16xf32>
        tpu.vector_store_idx %arg10[%add3A_307], %mul3A_308 : memref<320xf32, #tpu.memory_space<vmem>>[vector<16xi32>], vector<16xf32>,
        %broadcast_in_dim3A_309 = arith.constant 3 : i32
        %broadcast_in_dim3A_310 = vector.broadcast %broadcast_in_dim3A_309 : i32 to vector<16xi32>
        %gather3A_311 = tpu.vector_load_idx %arg11[%add3A_257, %broadcast_in_dim3A_310] : memref<80x16xf32, #tpu.memory_space<vmem>>[vector<16xi32>, vector<16xi32>], vector<16xf32>,
        %mul3A_312 = arith.constant 4 : i32
        %mul3A_313 = vector.broadcast %mul3A_312 : i32 to vector<16xi32>
        %mul3A_314 = arith.muli %add3A_257, %mul3A_313 : vector<16xi32>
        %add3A_315 = arith.constant 3 : i32
        %add3A_316 = vector.broadcast %add3A_315 : i32 to vector<16xi32>
        %add3A_317 = arith.addi %mul3A_314, %add3A_316 : vector<16xi32>
        %gather3A_318 = tpu.vector_load_idx %arg9[%add3A_317] : memref<320xf32, #tpu.memory_space<vmem>>[vector<16xi32>], vector<16xf32>,
        %mul3A_319 = arith.constant 4 : i32
        %mul3A_320 = vector.broadcast %mul3A_319 : i32 to vector<16xi32>
        %mul3A_321 = arith.muli %add3A_257, %mul3A_320 : vector<16xi32>
        %add3A_322 = arith.constant 3 : i32
        %add3A_323 = vector.broadcast %add3A_322 : i32 to vector<16xi32>
        %add3A_324 = arith.addi %mul3A_321, %add3A_323 : vector<16xi32>
        %mul3A_325 = arith.mulf %gather3A_318, %gather3A_311 : vector<16xf32>
        tpu.vector_store_idx %arg10[%add3A_324], %mul3A_325 : memref<320xf32, #tpu.memory_space<vmem>>[vector<16xi32>], vector<16xf32>,
        %add3A_326 = arith.constant 48 : i32
        %add3A_327 = vector.broadcast %add3A_326 : i32 to vector<16xi32>
        %add3A_328 = arith.addi %iota3A, %add3A_327 : vector<16xi32>
        %broadcast_in_dim3A_329 = arith.constant 0 : i32
        %broadcast_in_dim3A_330 = vector.broadcast %broadcast_in_dim3A_329 : i32 to vector<16xi32>
        %gather3A_331 = tpu.vector_load_idx %arg11[%add3A_328, %broadcast_in_dim3A_330] : memref<80x16xf32, #tpu.memory_space<vmem>>[vector<16xi32>, vector<16xi32>], vector<16xf32>,
        %mul3A_332 = arith.constant 4 : i32
        %mul3A_333 = vector.broadcast %mul3A_332 : i32 to vector<16xi32>
        %mul3A_334 = arith.muli %add3A_328, %mul3A_333 : vector<16xi32>
        %add3A_335 = arith.constant 0 : i32
        %add3A_336 = vector.broadcast %add3A_335 : i32 to vector<16xi32>
        %add3A_337 = arith.addi %mul3A_334, %add3A_336 : vector<16xi32>
        %gather3A_338 = tpu.vector_load_idx %arg9[%add3A_337] : memref<320xf32, #tpu.memory_space<vmem>>[vector<16xi32>], vector<16xf32>,
        %mul3A_339 = arith.constant 4 : i32
        %mul3A_340 = vector.broadcast %mul3A_339 : i32 to vector<16xi32>
        %mul3A_341 = arith.muli %add3A_328, %mul3A_340 : vector<16xi32>
        %add3A_342 = arith.constant 0 : i32
        %add3A_343 = vector.broadcast %add3A_342 : i32 to vector<16xi32>
        %add3A_344 = arith.addi %mul3A_341, %add3A_343 : vector<16xi32>
        %mul3A_345 = arith.mulf %gather3A_338, %gather3A_331 : vector<16xf32>
        tpu.vector_store_idx %arg10[%add3A_344], %mul3A_345 : memref<320xf32, #tpu.memory_space<vmem>>[vector<16xi32>], vector<16xf32>,
        %broadcast_in_dim3A_346 = arith.constant 1 : i32
        %broadcast_in_dim3A_347 = vector.broadcast %broadcast_in_dim3A_346 : i32 to vector<16xi32>
        %gather3A_348 = tpu.vector_load_idx %arg11[%add3A_328, %broadcast_in_dim3A_347] : memref<80x16xf32, #tpu.memory_space<vmem>>[vector<16xi32>, vector<16xi32>], vector<16xf32>,
        %mul3A_349 = arith.constant 4 : i32
        %mul3A_350 = vector.broadcast %mul3A_349 : i32 to vector<16xi32>
        %mul3A_351 = arith.muli %add3A_328, %mul3A_350 : vector<16xi32>
        %add3A_352 = arith.constant 1 : i32
        %add3A_353 = vector.broadcast %add3A_352 : i32 to vector<16xi32>
        %add3A_354 = arith.addi %mul3A_351, %add3A_353 : vector<16xi32>
        %gather3A_355 = tpu.vector_load_idx %arg9[%add3A_354] : memref<320xf32, #tpu.memory_space<vmem>>[vector<16xi32>], vector<16xf32>,
        %mul3A_356 = arith.constant 4 : i32
        %mul3A_357 = vector.broadcast %mul3A_356 : i32 to vector<16xi32>
        %mul3A_358 = arith.muli %add3A_328, %mul3A_357 : vector<16xi32>
        %add3A_359 = arith.constant 1 : i32
        %add3A_360 = vector.broadcast %add3A_359 : i32 to vector<16xi32>
        %add3A_361 = arith.addi %mul3A_358, %add3A_360 : vector<16xi32>
        %mul3A_362 = arith.mulf %gather3A_355, %gather3A_348 : vector<16xf32>
        tpu.vector_store_idx %arg10[%add3A_361], %mul3A_362 : memref<320xf32, #tpu.memory_space<vmem>>[vector<16xi32>], vector<16xf32>,
        %broadcast_in_dim3A_363 = arith.constant 2 : i32
        %broadcast_in_dim3A_364 = vector.broadcast %broadcast_in_dim3A_363 : i32 to vector<16xi32>
        %gather3A_365 = tpu.vector_load_idx %arg11[%add3A_328, %broadcast_in_dim3A_364] : memref<80x16xf32, #tpu.memory_space<vmem>>[vector<16xi32>, vector<16xi32>], vector<16xf32>,
        %mul3A_366 = arith.constant 4 : i32
        %mul3A_367 = vector.broadcast %mul3A_366 : i32 to vector<16xi32>
        %mul3A_368 = arith.muli %add3A_328, %mul3A_367 : vector<16xi32>
        %add3A_369 = arith.constant 2 : i32
        %add3A_370 = vector.broadcast %add3A_369 : i32 to vector<16xi32>
        %add3A_371 = arith.addi %mul3A_368, %add3A_370 : vector<16xi32>
        %gather3A_372 = tpu.vector_load_idx %arg9[%add3A_371] : memref<320xf32, #tpu.memory_space<vmem>>[vector<16xi32>], vector<16xf32>,
        %mul3A_373 = arith.constant 4 : i32
        %mul3A_374 = vector.broadcast %mul3A_373 : i32 to vector<16xi32>
        %mul3A_375 = arith.muli %add3A_328, %mul3A_374 : vector<16xi32>
        %add3A_376 = arith.constant 2 : i32
        %add3A_377 = vector.broadcast %add3A_376 : i32 to vector<16xi32>
        %add3A_378 = arith.addi %mul3A_375, %add3A_377 : vector<16xi32>
        %mul3A_379 = arith.mulf %gather3A_372, %gather3A_365 : vector<16xf32>
        tpu.vector_store_idx %arg10[%add3A_378], %mul3A_379 : memref<320xf32, #tpu.memory_space<vmem>>[vector<16xi32>], vector<16xf32>,
        %broadcast_in_dim3A_380 = arith.constant 3 : i32
        %broadcast_in_dim3A_381 = vector.broadcast %broadcast_in_dim3A_380 : i32 to vector<16xi32>
        %gather3A_382 = tpu.vector_load_idx %arg11[%add3A_328, %broadcast_in_dim3A_381] : memref<80x16xf32, #tpu.memory_space<vmem>>[vector<16xi32>, vector<16xi32>], vector<16xf32>,
        %mul3A_383 = arith.constant 4 : i32
        %mul3A_384 = vector.broadcast %mul3A_383 : i32 to vector<16xi32>
        %mul3A_385 = arith.muli %add3A_328, %mul3A_384 : vector<16xi32>
        %add3A_386 = arith.constant 3 : i32
        %add3A_387 = vector.broadcast %add3A_386 : i32 to vector<16xi32>
        %add3A_388 = arith.addi %mul3A_385, %add3A_387 : vector<16xi32>
        %gather3A_389 = tpu.vector_load_idx %arg9[%add3A_388] : memref<320xf32, #tpu.memory_space<vmem>>[vector<16xi32>], vector<16xf32>,
        %mul3A_390 = arith.constant 4 : i32
        %mul3A_391 = vector.broadcast %mul3A_390 : i32 to vector<16xi32>
        %mul3A_392 = arith.muli %add3A_328, %mul3A_391 : vector<16xi32>
        %add3A_393 = arith.constant 3 : i32
        %add3A_394 = vector.broadcast %add3A_393 : i32 to vector<16xi32>
        %add3A_395 = arith.addi %mul3A_392, %add3A_394 : vector<16xi32>
        %mul3A_396 = arith.mulf %gather3A_389, %gather3A_382 : vector<16xf32>
        tpu.vector_store_idx %arg10[%add3A_395], %mul3A_396 : memref<320xf32, #tpu.memory_space<vmem>>[vector<16xi32>], vector<16xf32>,
        %add3A_397 = arith.constant 64 : i32
        %add3A_398 = vector.broadcast %add3A_397 : i32 to vector<16xi32>
        %add3A_399 = arith.addi %iota3A, %add3A_398 : vector<16xi32>
        %broadcast_in_dim3A_400 = arith.constant 0 : i32
        %broadcast_in_dim3A_401 = vector.broadcast %broadcast_in_dim3A_400 : i32 to vector<16xi32>
        %gather3A_402 = tpu.vector_load_idx %arg11[%add3A_399, %broadcast_in_dim3A_401] : memref<80x16xf32, #tpu.memory_space<vmem>>[vector<16xi32>, vector<16xi32>], vector<16xf32>,
        %mul3A_403 = arith.constant 4 : i32
        %mul3A_404 = vector.broadcast %mul3A_403 : i32 to vector<16xi32>
        %mul3A_405 = arith.muli %add3A_399, %mul3A_404 : vector<16xi32>
        %add3A_406 = arith.constant 0 : i32
        %add3A_407 = vector.broadcast %add3A_406 : i32 to vector<16xi32>
        %add3A_408 = arith.addi %mul3A_405, %add3A_407 : vector<16xi32>
        %gather3A_409 = tpu.vector_load_idx %arg9[%add3A_408] : memref<320xf32, #tpu.memory_space<vmem>>[vector<16xi32>], vector<16xf32>,
        %mul3A_410 = arith.constant 4 : i32
        %mul3A_411 = vector.broadcast %mul3A_410 : i32 to vector<16xi32>
        %mul3A_412 = arith.muli %add3A_399, %mul3A_411 : vector<16xi32>
        %add3A_413 = arith.constant 0 : i32
        %add3A_414 = vector.broadcast %add3A_413 : i32 to vector<16xi32>
        %add3A_415 = arith.addi %mul3A_412, %add3A_414 : vector<16xi32>
        %mul3A_416 = arith.mulf %gather3A_409, %gather3A_402 : vector<16xf32>
        tpu.vector_store_idx %arg10[%add3A_415], %mul3A_416 : memref<320xf32, #tpu.memory_space<vmem>>[vector<16xi32>], vector<16xf32>,
        %broadcast_in_dim3A_417 = arith.constant 1 : i32
        %broadcast_in_dim3A_418 = vector.broadcast %broadcast_in_dim3A_417 : i32 to vector<16xi32>
        %gather3A_419 = tpu.vector_load_idx %arg11[%add3A_399, %broadcast_in_dim3A_418] : memref<80x16xf32, #tpu.memory_space<vmem>>[vector<16xi32>, vector<16xi32>], vector<16xf32>,
        %mul3A_420 = arith.constant 4 : i32
        %mul3A_421 = vector.broadcast %mul3A_420 : i32 to vector<16xi32>
        %mul3A_422 = arith.muli %add3A_399, %mul3A_421 : vector<16xi32>
        %add3A_423 = arith.constant 1 : i32
        %add3A_424 = vector.broadcast %add3A_423 : i32 to vector<16xi32>
        %add3A_425 = arith.addi %mul3A_422, %add3A_424 : vector<16xi32>
        %gather3A_426 = tpu.vector_load_idx %arg9[%add3A_425] : memref<320xf32, #tpu.memory_space<vmem>>[vector<16xi32>], vector<16xf32>,
        %mul3A_427 = arith.constant 4 : i32
        %mul3A_428 = vector.broadcast %mul3A_427 : i32 to vector<16xi32>
        %mul3A_429 = arith.muli %add3A_399, %mul3A_428 : vector<16xi32>
        %add3A_430 = arith.constant 1 : i32
        %add3A_431 = vector.broadcast %add3A_430 : i32 to vector<16xi32>
        %add3A_432 = arith.addi %mul3A_429, %add3A_431 : vector<16xi32>
        %mul3A_433 = arith.mulf %gather3A_426, %gather3A_419 : vector<16xf32>
        tpu.vector_store_idx %arg10[%add3A_432], %mul3A_433 : memref<320xf32, #tpu.memory_space<vmem>>[vector<16xi32>], vector<16xf32>,
        %broadcast_in_dim3A_434 = arith.constant 2 : i32
        %broadcast_in_dim3A_435 = vector.broadcast %broadcast_in_dim3A_434 : i32 to vector<16xi32>
        %gather3A_436 = tpu.vector_load_idx %arg11[%add3A_399, %broadcast_in_dim3A_435] : memref<80x16xf32, #tpu.memory_space<vmem>>[vector<16xi32>, vector<16xi32>], vector<16xf32>,
        %mul3A_437 = arith.constant 4 : i32
        %mul3A_438 = vector.broadcast %mul3A_437 : i32 to vector<16xi32>
        %mul3A_439 = arith.muli %add3A_399, %mul3A_438 : vector<16xi32>
        %add3A_440 = arith.constant 2 : i32
        %add3A_441 = vector.broadcast %add3A_440 : i32 to vector<16xi32>
        %add3A_442 = arith.addi %mul3A_439, %add3A_441 : vector<16xi32>
        %gather3A_443 = tpu.vector_load_idx %arg9[%add3A_442] : memref<320xf32, #tpu.memory_space<vmem>>[vector<16xi32>], vector<16xf32>,
        %mul3A_444 = arith.constant 4 : i32
        %mul3A_445 = vector.broadcast %mul3A_444 : i32 to vector<16xi32>
        %mul3A_446 = arith.muli %add3A_399, %mul3A_445 : vector<16xi32>
        %add3A_447 = arith.constant 2 : i32
        %add3A_448 = vector.broadcast %add3A_447 : i32 to vector<16xi32>
        %add3A_449 = arith.addi %mul3A_446, %add3A_448 : vector<16xi32>
        %mul3A_450 = arith.mulf %gather3A_443, %gather3A_436 : vector<16xf32>
        tpu.vector_store_idx %arg10[%add3A_449], %mul3A_450 : memref<320xf32, #tpu.memory_space<vmem>>[vector<16xi32>], vector<16xf32>,
        %broadcast_in_dim3A_451 = arith.constant 3 : i32
        %broadcast_in_dim3A_452 = vector.broadcast %broadcast_in_dim3A_451 : i32 to vector<16xi32>
        %gather3A_453 = tpu.vector_load_idx %arg11[%add3A_399, %broadcast_in_dim3A_452] : memref<80x16xf32, #tpu.memory_space<vmem>>[vector<16xi32>, vector<16xi32>], vector<16xf32>,
        %mul3A_454 = arith.constant 4 : i32
        %mul3A_455 = vector.broadcast %mul3A_454 : i32 to vector<16xi32>
        %mul3A_456 = arith.muli %add3A_399, %mul3A_455 : vector<16xi32>
        %add3A_457 = arith.constant 3 : i32
        %add3A_458 = vector.broadcast %add3A_457 : i32 to vector<16xi32>
        %add3A_459 = arith.addi %mul3A_456, %add3A_458 : vector<16xi32>
        %gather3A_460 = tpu.vector_load_idx %arg9[%add3A_459] : memref<320xf32, #tpu.memory_space<vmem>>[vector<16xi32>], vector<16xf32>,
        %mul3A_461 = arith.constant 4 : i32
        %mul3A_462 = vector.broadcast %mul3A_461 : i32 to vector<16xi32>
        %mul3A_463 = arith.muli %add3A_399, %mul3A_462 : vector<16xi32>
        %add3A_464 = arith.constant 3 : i32
        %add3A_465 = vector.broadcast %add3A_464 : i32 to vector<16xi32>
        %add3A_466 = arith.addi %mul3A_463, %add3A_465 : vector<16xi32>
        %mul3A_467 = arith.mulf %gather3A_460, %gather3A_453 : vector<16xf32>
        tpu.vector_store_idx %arg10[%add3A_466], %mul3A_467 : memref<320xf32, #tpu.memory_space<vmem>>[vector<16xi32>], vector<16xf32>,
        %dma_wait3A_468 = arith.constant 0 : i32
        %dma_wait3A_469 = arith.constant 0 : i32
        %dma_wait3A_470 = tpu.memref_slice %arg5[%dma_wait3A_468, %dma_wait3A_469] : memref<10000x128xf32, #tpu.memory_space<hbm>> -> memref<10000x128xf32, #tpu.memory_space<hbm>>
        tpu.wait_indirect_dma semaphore(%arg21 : memref<!tpu.dma_semaphore, #tpu.memory_space<semaphore_mem>>) src(%dma_wait3A_470 : memref<10000x128xf32, #tpu.memory_space<hbm>>) dst(%arg12 : memref<80x128xf32, #tpu.memory_space<vmem>>)
        %scan3A_471 = arith.constant 0 : i32
        %scan3A_472 = arith.constant 0 : i32
        %scan3A_473 = arith.constant 20 : i32
        %scan3A_474 = arith.addi %scan3A_472, %scan3A_473 : i32
        %scan3A_475 = arith.constant 1 : i32
        %scan3A_476 = scf.for %scan3A_478 = %scan3A_472 to %scan3A_474 step %scan3A_475 iter_args(%scan3A_479 = %scan3A_471) -> (i32)  : i32 {
          %mul3A_480 = arith.constant 16 : i32
          %mul3A_481 = arith.muli %scan3A_478, %mul3A_480 : i32
          %get3A = arith.index_cast %mul3A_481 : i32 to index
          %get3A_482 = tpu.vector_load %arg10[%get3A] {strides = array<i32>} : memref<320xf32, #tpu.memory_space<vmem>>, vector<16xf32>,
          %slice3A = vector.extract_strided_slice %get3A_482 {offsets = [0], sizes = [1], strides = [1]} : vector<16xf32> to vector<1xf32>
          %squeeze3A = vector.extract %slice3A[0] : f32 from vector<1xf32>
          %broadcast_in_dim3A_483 = vector.broadcast %squeeze3A : f32 to vector<16xf32>
          %mul3A_484 = arith.constant 4 : i32
          %mul3A_485 = arith.muli %scan3A_478, %mul3A_484 : i32
          %add3A_486 = arith.constant 0 : i32
          %add3A_487 = arith.addi %mul3A_485, %add3A_486 : i32
          %get3A_488 = arith.index_cast %add3A_487 : i32 to index
          %get3A_489 = arith.constant 0 : index
          %get3A_490 = tpu.vector_load %arg12[%get3A_488, %get3A_489] {strides = array<i32>} : memref<80x128xf32, #tpu.memory_space<vmem>>, vector<16xf32>,
          %mul3A_491 = arith.mulf %get3A_490, %broadcast_in_dim3A_483 : vector<16xf32>
          %mul3A_492 = arith.constant 4 : i32
          %mul3A_493 = arith.muli %scan3A_478, %mul3A_492 : i32
          %add3A_494 = arith.constant 0 : i32
          %add3A_495 = arith.addi %mul3A_493, %add3A_494 : i32
          %swap3A = arith.index_cast %add3A_495 : i32 to index
          %swap3A_496 = arith.constant 0 : index
          %swap3A_497 = tpu.vector_load %arg12[%swap3A, %swap3A_496] {strides = array<i32>} : memref<80x128xf32, #tpu.memory_space<vmem>>, vector<16xf32>,
          tpu.vector_store %arg12[%swap3A, %swap3A_496], %mul3A_491 {strides = array<i32>} : memref<80x128xf32, #tpu.memory_space<vmem>>, vector<16xf32>,
          %mul3A_498 = arith.constant 4 : i32
          %mul3A_499 = arith.muli %scan3A_478, %mul3A_498 : i32
          %add3A_500 = arith.constant 0 : i32
          %add3A_501 = arith.addi %mul3A_499, %add3A_500 : i32
          %get3A_502 = arith.index_cast %add3A_501 : i32 to index
          %get3A_503 = arith.constant 16 : index
          %get3A_504 = tpu.vector_load %arg12[%get3A_502, %get3A_503] {strides = array<i32>} : memref<80x128xf32, #tpu.memory_space<vmem>>, vector<16xf32>,
          %mul3A_505 = arith.mulf %get3A_504, %broadcast_in_dim3A_483 : vector<16xf32>
          %mul3A_506 = arith.constant 4 : i32
          %mul3A_507 = arith.muli %scan3A_478, %mul3A_506 : i32
          %add3A_508 = arith.constant 0 : i32
          %add3A_509 = arith.addi %mul3A_507, %add3A_508 : i32
          %swap3A_510 = arith.index_cast %add3A_509 : i32 to index
          %swap3A_511 = arith.constant 16 : index
          %swap3A_512 = tpu.vector_load %arg12[%swap3A_510, %swap3A_511] {strides = array<i32>} : memref<80x128xf32, #tpu.memory_space<vmem>>, vector<16xf32>,
          tpu.vector_store %arg12[%swap3A_510, %swap3A_511], %mul3A_505 {strides = array<i32>} : memref<80x128xf32, #tpu.memory_space<vmem>>, vector<16xf32>,
          %slice3A_513 = vector.extract_strided_slice %get3A_482 {offsets = [1], sizes = [1], strides = [1]} : vector<16xf32> to vector<1xf32>
          %squeeze3A_514 = vector.extract %slice3A_513[0] : f32 from vector<1xf32>
          %broadcast_in_dim3A_515 = vector.broadcast %squeeze3A_514 : f32 to vector<16xf32>
          %mul3A_516 = arith.constant 4 : i32
          %mul3A_517 = arith.muli %scan3A_478, %mul3A_516 : i32
          %add3A_518 = arith.constant 0 : i32
          %add3A_519 = arith.addi %mul3A_517, %add3A_518 : i32
          %get3A_520 = arith.index_cast %add3A_519 : i32 to index
          %get3A_521 = arith.constant 32 : index
          %get3A_522 = tpu.vector_load %arg12[%get3A_520, %get3A_521] {strides = array<i32>} : memref<80x128xf32, #tpu.memory_space<vmem>>, vector<16xf32>,
          %mul3A_523 = arith.mulf %get3A_522, %broadcast_in_dim3A_515 : vector<16xf32>
          %mul3A_524 = arith.constant 4 : i32
          %mul3A_525 = arith.muli %scan3A_478, %mul3A_524 : i32
          %add3A_526 = arith.constant 0 : i32
          %add3A_527 = arith.addi %mul3A_525, %add3A_526 : i32
          %swap3A_528 = arith.index_cast %add3A_527 : i32 to index
          %swap3A_529 = arith.constant 32 : index
          %swap3A_530 = tpu.vector_load %arg12[%swap3A_528, %swap3A_529] {strides = array<i32>} : memref<80x128xf32, #tpu.memory_space<vmem>>, vector<16xf32>,
          tpu.vector_store %arg12[%swap3A_528, %swap3A_529], %mul3A_523 {strides = array<i32>} : memref<80x128xf32, #tpu.memory_space<vmem>>, vector<16xf32>,
          %mul3A_531 = arith.constant 4 : i32
          %mul3A_532 = arith.muli %scan3A_478, %mul3A_531 : i32
          %add3A_533 = arith.constant 0 : i32
          %add3A_534 = arith.addi %mul3A_532, %add3A_533 : i32
          %get3A_535 = arith.index_cast %add3A_534 : i32 to index
          %get3A_536 = arith.constant 48 : index
          %get3A_537 = tpu.vector_load %arg12[%get3A_535, %get3A_536] {strides = array<i32>} : memref<80x128xf32, #tpu.memory_space<vmem>>, vector<16xf32>,
          %mul3A_538 = arith.mulf %get3A_537, %broadcast_in_dim3A_515 : vector<16xf32>
          %mul3A_539 = arith.constant 4 : i32
          %mul3A_540 = arith.muli %scan3A_478, %mul3A_539 : i32
          %add3A_541 = arith.constant 0 : i32
          %add3A_542 = arith.addi %mul3A_540, %add3A_541 : i32
          %swap3A_543 = arith.index_cast %add3A_542 : i32 to index
          %swap3A_544 = arith.constant 48 : index
          %swap3A_545 = tpu.vector_load %arg12[%swap3A_543, %swap3A_544] {strides = array<i32>} : memref<80x128xf32, #tpu.memory_space<vmem>>, vector<16xf32>,
          tpu.vector_store %arg12[%swap3A_543, %swap3A_544], %mul3A_538 {strides = array<i32>} : memref<80x128xf32, #tpu.memory_space<vmem>>, vector<16xf32>,
          %slice3A_546 = vector.extract_strided_slice %get3A_482 {offsets = [2], sizes = [1], strides = [1]} : vector<16xf32> to vector<1xf32>
          %squeeze3A_547 = vector.extract %slice3A_546[0] : f32 from vector<1xf32>
          %broadcast_in_dim3A_548 = vector.broadcast %squeeze3A_547 : f32 to vector<16xf32>
          %mul3A_549 = arith.constant 4 : i32
          %mul3A_550 = arith.muli %scan3A_478, %mul3A_549 : i32
          %add3A_551 = arith.constant 0 : i32
          %add3A_552 = arith.addi %mul3A_550, %add3A_551 : i32
          %get3A_553 = arith.index_cast %add3A_552 : i32 to index
          %get3A_554 = arith.constant 64 : index
          %get3A_555 = tpu.vector_load %arg12[%get3A_553, %get3A_554] {strides = array<i32>} : memref<80x128xf32, #tpu.memory_space<vmem>>, vector<16xf32>,
          %mul3A_556 = arith.mulf %get3A_555, %broadcast_in_dim3A_548 : vector<16xf32>
          %mul3A_557 = arith.constant 4 : i32
          %mul3A_558 = arith.muli %scan3A_478, %mul3A_557 : i32
          %add3A_559 = arith.constant 0 : i32
          %add3A_560 = arith.addi %mul3A_558, %add3A_559 : i32
          %swap3A_561 = arith.index_cast %add3A_560 : i32 to index
          %swap3A_562 = arith.constant 64 : index
          %swap3A_563 = tpu.vector_load %arg12[%swap3A_561, %swap3A_562] {strides = array<i32>} : memref<80x128xf32, #tpu.memory_space<vmem>>, vector<16xf32>,
          tpu.vector_store %arg12[%swap3A_561, %swap3A_562], %mul3A_556 {strides = array<i32>} : memref<80x128xf32, #tpu.memory_space<vmem>>, vector<16xf32>,
          %mul3A_564 = arith.constant 4 : i32
          %mul3A_565 = arith.muli %scan3A_478, %mul3A_564 : i32
          %add3A_566 = arith.constant 0 : i32
          %add3A_567 = arith.addi %mul3A_565, %add3A_566 : i32
          %get3A_568 = arith.index_cast %add3A_567 : i32 to index
          %get3A_569 = arith.constant 80 : index
          %get3A_570 = tpu.vector_load %arg12[%get3A_568, %get3A_569] {strides = array<i32>} : memref<80x128xf32, #tpu.memory_space<vmem>>, vector<16xf32>,
          %mul3A_571 = arith.mulf %get3A_570, %broadcast_in_dim3A_548 : vector<16xf32>
          %mul3A_572 = arith.constant 4 : i32
          %mul3A_573 = arith.muli %scan3A_478, %mul3A_572 : i32
          %add3A_574 = arith.constant 0 : i32
          %add3A_575 = arith.addi %mul3A_573, %add3A_574 : i32
          %swap3A_576 = arith.index_cast %add3A_575 : i32 to index
          %swap3A_577 = arith.constant 80 : index
          %swap3A_578 = tpu.vector_load %arg12[%swap3A_576, %swap3A_577] {strides = array<i32>} : memref<80x128xf32, #tpu.memory_space<vmem>>, vector<16xf32>,
          tpu.vector_store %arg12[%swap3A_576, %swap3A_577], %mul3A_571 {strides = array<i32>} : memref<80x128xf32, #tpu.memory_space<vmem>>, vector<16xf32>,
          %slice3A_579 = vector.extract_strided_slice %get3A_482 {offsets = [3], sizes = [1], strides = [1]} : vector<16xf32> to vector<1xf32>
          %squeeze3A_580 = vector.extract %slice3A_579[0] : f32 from vector<1xf32>
          %broadcast_in_dim3A_581 = vector.broadcast %squeeze3A_580 : f32 to vector<16xf32>
          %mul3A_582 = arith.constant 4 : i32
          %mul3A_583 = arith.muli %scan3A_478, %mul3A_582 : i32
          %add3A_584 = arith.constant 0 : i32
          %add3A_585 = arith.addi %mul3A_583, %add3A_584 : i32
          %get3A_586 = arith.index_cast %add3A_585 : i32 to index
          %get3A_587 = arith.constant 96 : index
          %get3A_588 = tpu.vector_load %arg12[%get3A_586, %get3A_587] {strides = array<i32>} : memref<80x128xf32, #tpu.memory_space<vmem>>, vector<16xf32>,
          %mul3A_589 = arith.mulf %get3A_588, %broadcast_in_dim3A_581 : vector<16xf32>
          %mul3A_590 = arith.constant 4 : i32
          %mul3A_591 = arith.muli %scan3A_478, %mul3A_590 : i32
          %add3A_592 = arith.constant 0 : i32
          %add3A_593 = arith.addi %mul3A_591, %add3A_592 : i32
          %swap3A_594 = arith.index_cast %add3A_593 : i32 to index
          %swap3A_595 = arith.constant 96 : index
          %swap3A_596 = tpu.vector_load %arg12[%swap3A_594, %swap3A_595] {strides = array<i32>} : memref<80x128xf32, #tpu.memory_space<vmem>>, vector<16xf32>,
          tpu.vector_store %arg12[%swap3A_594, %swap3A_595], %mul3A_589 {strides = array<i32>} : memref<80x128xf32, #tpu.memory_space<vmem>>, vector<16xf32>,
          %mul3A_597 = arith.constant 4 : i32
          %mul3A_598 = arith.muli %scan3A_478, %mul3A_597 : i32
          %add3A_599 = arith.constant 0 : i32
          %add3A_600 = arith.addi %mul3A_598, %add3A_599 : i32
          %get3A_601 = arith.index_cast %add3A_600 : i32 to index
          %get3A_602 = arith.constant 112 : index
          %get3A_603 = tpu.vector_load %arg12[%get3A_601, %get3A_602] {strides = array<i32>} : memref<80x128xf32, #tpu.memory_space<vmem>>, vector<16xf32>,
          %mul3A_604 = arith.mulf %get3A_603, %broadcast_in_dim3A_581 : vector<16xf32>
          %mul3A_605 = arith.constant 4 : i32
          %mul3A_606 = arith.muli %scan3A_478, %mul3A_605 : i32
          %add3A_607 = arith.constant 0 : i32
          %add3A_608 = arith.addi %mul3A_606, %add3A_607 : i32
          %swap3A_609 = arith.index_cast %add3A_608 : i32 to index
          %swap3A_610 = arith.constant 112 : index
          %swap3A_611 = tpu.vector_load %arg12[%swap3A_609, %swap3A_610] {strides = array<i32>} : memref<80x128xf32, #tpu.memory_space<vmem>>, vector<16xf32>,
          tpu.vector_store %arg12[%swap3A_609, %swap3A_610], %mul3A_604 {strides = array<i32>} : memref<80x128xf32, #tpu.memory_space<vmem>>, vector<16xf32>,
          %slice3A_612 = vector.extract_strided_slice %get3A_482 {offsets = [4], sizes = [1], strides = [1]} : vector<16xf32> to vector<1xf32>
          %squeeze3A_613 = vector.extract %slice3A_612[0] : f32 from vector<1xf32>
          %broadcast_in_dim3A_614 = vector.broadcast %squeeze3A_613 : f32 to vector<16xf32>
          %mul3A_615 = arith.constant 4 : i32
          %mul3A_616 = arith.muli %scan3A_478, %mul3A_615 : i32
          %add3A_617 = arith.constant 1 : i32
          %add3A_618 = arith.addi %mul3A_616, %add3A_617 : i32
          %get3A_619 = arith.index_cast %add3A_618 : i32 to index
          %get3A_620 = arith.constant 0 : index
          %get3A_621 = tpu.vector_load %arg12[%get3A_619, %get3A_620] {strides = array<i32>} : memref<80x128xf32, #tpu.memory_space<vmem>>, vector<16xf32>,
          %mul3A_622 = arith.mulf %get3A_621, %broadcast_in_dim3A_614 : vector<16xf32>
          %mul3A_623 = arith.constant 4 : i32
          %mul3A_624 = arith.muli %scan3A_478, %mul3A_623 : i32
          %add3A_625 = arith.constant 1 : i32
          %add3A_626 = arith.addi %mul3A_624, %add3A_625 : i32
          %swap3A_627 = arith.index_cast %add3A_626 : i32 to index
          %swap3A_628 = arith.constant 0 : index
          %swap3A_629 = tpu.vector_load %arg12[%swap3A_627, %swap3A_628] {strides = array<i32>} : memref<80x128xf32, #tpu.memory_space<vmem>>, vector<16xf32>,
          tpu.vector_store %arg12[%swap3A_627, %swap3A_628], %mul3A_622 {strides = array<i32>} : memref<80x128xf32, #tpu.memory_space<vmem>>, vector<16xf32>,
          %mul3A_630 = arith.constant 4 : i32
          %mul3A_631 = arith.muli %scan3A_478, %mul3A_630 : i32
          %add3A_632 = arith.constant 1 : i32
          %add3A_633 = arith.addi %mul3A_631, %add3A_632 : i32
          %get3A_634 = arith.index_cast %add3A_633 : i32 to index
          %get3A_635 = arith.constant 16 : index
          %get3A_636 = tpu.vector_load %arg12[%get3A_634, %get3A_635] {strides = array<i32>} : memref<80x128xf32, #tpu.memory_space<vmem>>, vector<16xf32>,
          %mul3A_637 = arith.mulf %get3A_636, %broadcast_in_dim3A_614 : vector<16xf32>
          %mul3A_638 = arith.constant 4 : i32
          %mul3A_639 = arith.muli %scan3A_478, %mul3A_638 : i32
          %add3A_640 = arith.constant 1 : i32
          %add3A_641 = arith.addi %mul3A_639, %add3A_640 : i32
          %swap3A_642 = arith.index_cast %add3A_641 : i32 to index
          %swap3A_643 = arith.constant 16 : index
          %swap3A_644 = tpu.vector_load %arg12[%swap3A_642, %swap3A_643] {strides = array<i32>} : memref<80x128xf32, #tpu.memory_space<vmem>>, vector<16xf32>,
          tpu.vector_store %arg12[%swap3A_642, %swap3A_643], %mul3A_637 {strides = array<i32>} : memref<80x128xf32, #tpu.memory_space<vmem>>, vector<16xf32>,
          %slice3A_645 = vector.extract_strided_slice %get3A_482 {offsets = [5], sizes = [1], strides = [1]} : vector<16xf32> to vector<1xf32>
          %squeeze3A_646 = vector.extract %slice3A_645[0] : f32 from vector<1xf32>
          %broadcast_in_dim3A_647 = vector.broadcast %squeeze3A_646 : f32 to vector<16xf32>
          %mul3A_648 = arith.constant 4 : i32
          %mul3A_649 = arith.muli %scan3A_478, %mul3A_648 : i32
          %add3A_650 = arith.constant 1 : i32
          %add3A_651 = arith.addi %mul3A_649, %add3A_650 : i32
          %get3A_652 = arith.index_cast %add3A_651 : i32 to index
          %get3A_653 = arith.constant 32 : index
          %get3A_654 = tpu.vector_load %arg12[%get3A_652, %get3A_653] {strides = array<i32>} : memref<80x128xf32, #tpu.memory_space<vmem>>, vector<16xf32>,
          %mul3A_655 = arith.mulf %get3A_654, %broadcast_in_dim3A_647 : vector<16xf32>
          %mul3A_656 = arith.constant 4 : i32
          %mul3A_657 = arith.muli %scan3A_478, %mul3A_656 : i32
          %add3A_658 = arith.constant 1 : i32
          %add3A_659 = arith.addi %mul3A_657, %add3A_658 : i32
          %swap3A_660 = arith.index_cast %add3A_659 : i32 to index
          %swap3A_661 = arith.constant 32 : index
          %swap3A_662 = tpu.vector_load %arg12[%swap3A_660, %swap3A_661] {strides = array<i32>} : memref<80x128xf32, #tpu.memory_space<vmem>>, vector<16xf32>,
          tpu.vector_store %arg12[%swap3A_660, %swap3A_661], %mul3A_655 {strides = array<i32>} : memref<80x128xf32, #tpu.memory_space<vmem>>, vector<16xf32>,
          %mul3A_663 = arith.constant 4 : i32
          %mul3A_664 = arith.muli %scan3A_478, %mul3A_663 : i32
          %add3A_665 = arith.constant 1 : i32
          %add3A_666 = arith.addi %mul3A_664, %add3A_665 : i32
          %get3A_667 = arith.index_cast %add3A_666 : i32 to index
          %get3A_668 = arith.constant 48 : index
          %get3A_669 = tpu.vector_load %arg12[%get3A_667, %get3A_668] {strides = array<i32>} : memref<80x128xf32, #tpu.memory_space<vmem>>, vector<16xf32>,
          %mul3A_670 = arith.mulf %get3A_669, %broadcast_in_dim3A_647 : vector<16xf32>
          %mul3A_671 = arith.constant 4 : i32
          %mul3A_672 = arith.muli %scan3A_478, %mul3A_671 : i32
          %add3A_673 = arith.constant 1 : i32
          %add3A_674 = arith.addi %mul3A_672, %add3A_673 : i32
          %swap3A_675 = arith.index_cast %add3A_674 : i32 to index
          %swap3A_676 = arith.constant 48 : index
          %swap3A_677 = tpu.vector_load %arg12[%swap3A_675, %swap3A_676] {strides = array<i32>} : memref<80x128xf32, #tpu.memory_space<vmem>>, vector<16xf32>,
          tpu.vector_store %arg12[%swap3A_675, %swap3A_676], %mul3A_670 {strides = array<i32>} : memref<80x128xf32, #tpu.memory_space<vmem>>, vector<16xf32>,
          %slice3A_678 = vector.extract_strided_slice %get3A_482 {offsets = [6], sizes = [1], strides = [1]} : vector<16xf32> to vector<1xf32>
          %squeeze3A_679 = vector.extract %slice3A_678[0] : f32 from vector<1xf32>
          %broadcast_in_dim3A_680 = vector.broadcast %squeeze3A_679 : f32 to vector<16xf32>
          %mul3A_681 = arith.constant 4 : i32
          %mul3A_682 = arith.muli %scan3A_478, %mul3A_681 : i32
          %add3A_683 = arith.constant 1 : i32
          %add3A_684 = arith.addi %mul3A_682, %add3A_683 : i32
          %get3A_685 = arith.index_cast %add3A_684 : i32 to index
          %get3A_686 = arith.constant 64 : index
          %get3A_687 = tpu.vector_load %arg12[%get3A_685, %get3A_686] {strides = array<i32>} : memref<80x128xf32, #tpu.memory_space<vmem>>, vector<16xf32>,
          %mul3A_688 = arith.mulf %get3A_687, %broadcast_in_dim3A_680 : vector<16xf32>
          %mul3A_689 = arith.constant 4 : i32
          %mul3A_690 = arith.muli %scan3A_478, %mul3A_689 : i32
          %add3A_691 = arith.constant 1 : i32
          %add3A_692 = arith.addi %mul3A_690, %add3A_691 : i32
          %swap3A_693 = arith.index_cast %add3A_692 : i32 to index
          %swap3A_694 = arith.constant 64 : index
          %swap3A_695 = tpu.vector_load %arg12[%swap3A_693, %swap3A_694] {strides = array<i32>} : memref<80x128xf32, #tpu.memory_space<vmem>>, vector<16xf32>,
          tpu.vector_store %arg12[%swap3A_693, %swap3A_694], %mul3A_688 {strides = array<i32>} : memref<80x128xf32, #tpu.memory_space<vmem>>, vector<16xf32>,
          %mul3A_696 = arith.constant 4 : i32
          %mul3A_697 = arith.muli %scan3A_478, %mul3A_696 : i32
          %add3A_698 = arith.constant 1 : i32
          %add3A_699 = arith.addi %mul3A_697, %add3A_698 : i32
          %get3A_700 = arith.index_cast %add3A_699 : i32 to index
          %get3A_701 = arith.constant 80 : index
          %get3A_702 = tpu.vector_load %arg12[%get3A_700, %get3A_701] {strides = array<i32>} : memref<80x128xf32, #tpu.memory_space<vmem>>, vector<16xf32>,
          %mul3A_703 = arith.mulf %get3A_702, %broadcast_in_dim3A_680 : vector<16xf32>
          %mul3A_704 = arith.constant 4 : i32
          %mul3A_705 = arith.muli %scan3A_478, %mul3A_704 : i32
          %add3A_706 = arith.constant 1 : i32
          %add3A_707 = arith.addi %mul3A_705, %add3A_706 : i32
          %swap3A_708 = arith.index_cast %add3A_707 : i32 to index
          %swap3A_709 = arith.constant 80 : index
          %swap3A_710 = tpu.vector_load %arg12[%swap3A_708, %swap3A_709] {strides = array<i32>} : memref<80x128xf32, #tpu.memory_space<vmem>>, vector<16xf32>,
          tpu.vector_store %arg12[%swap3A_708, %swap3A_709], %mul3A_703 {strides = array<i32>} : memref<80x128xf32, #tpu.memory_space<vmem>>, vector<16xf32>,
          %slice3A_711 = vector.extract_strided_slice %get3A_482 {offsets = [7], sizes = [1], strides = [1]} : vector<16xf32> to vector<1xf32>
          %squeeze3A_712 = vector.extract %slice3A_711[0] : f32 from vector<1xf32>
          %broadcast_in_dim3A_713 = vector.broadcast %squeeze3A_712 : f32 to vector<16xf32>
          %mul3A_714 = arith.constant 4 : i32
          %mul3A_715 = arith.muli %scan3A_478, %mul3A_714 : i32
          %add3A_716 = arith.constant 1 : i32
          %add3A_717 = arith.addi %mul3A_715, %add3A_716 : i32
          %get3A_718 = arith.index_cast %add3A_717 : i32 to index
          %get3A_719 = arith.constant 96 : index
          %get3A_720 = tpu.vector_load %arg12[%get3A_718, %get3A_719] {strides = array<i32>} : memref<80x128xf32, #tpu.memory_space<vmem>>, vector<16xf32>,
          %mul3A_721 = arith.mulf %get3A_720, %broadcast_in_dim3A_713 : vector<16xf32>
          %mul3A_722 = arith.constant 4 : i32
          %mul3A_723 = arith.muli %scan3A_478, %mul3A_722 : i32
          %add3A_724 = arith.constant 1 : i32
          %add3A_725 = arith.addi %mul3A_723, %add3A_724 : i32
          %swap3A_726 = arith.index_cast %add3A_725 : i32 to index
          %swap3A_727 = arith.constant 96 : index
          %swap3A_728 = tpu.vector_load %arg12[%swap3A_726, %swap3A_727] {strides = array<i32>} : memref<80x128xf32, #tpu.memory_space<vmem>>, vector<16xf32>,
          tpu.vector_store %arg12[%swap3A_726, %swap3A_727], %mul3A_721 {strides = array<i32>} : memref<80x128xf32, #tpu.memory_space<vmem>>, vector<16xf32>,
          %mul3A_729 = arith.constant 4 : i32
          %mul3A_730 = arith.muli %scan3A_478, %mul3A_729 : i32
          %add3A_731 = arith.constant 1 : i32
          %add3A_732 = arith.addi %mul3A_730, %add3A_731 : i32
          %get3A_733 = arith.index_cast %add3A_732 : i32 to index
          %get3A_734 = arith.constant 112 : index
          %get3A_735 = tpu.vector_load %arg12[%get3A_733, %get3A_734] {strides = array<i32>} : memref<80x128xf32, #tpu.memory_space<vmem>>, vector<16xf32>,
          %mul3A_736 = arith.mulf %get3A_735, %broadcast_in_dim3A_713 : vector<16xf32>
          %mul3A_737 = arith.constant 4 : i32
          %mul3A_738 = arith.muli %scan3A_478, %mul3A_737 : i32
          %add3A_739 = arith.constant 1 : i32
          %add3A_740 = arith.addi %mul3A_738, %add3A_739 : i32
          %swap3A_741 = arith.index_cast %add3A_740 : i32 to index
          %swap3A_742 = arith.constant 112 : index
          %swap3A_743 = tpu.vector_load %arg12[%swap3A_741, %swap3A_742] {strides = array<i32>} : memref<80x128xf32, #tpu.memory_space<vmem>>, vector<16xf32>,
          tpu.vector_store %arg12[%swap3A_741, %swap3A_742], %mul3A_736 {strides = array<i32>} : memref<80x128xf32, #tpu.memory_space<vmem>>, vector<16xf32>,
          %slice3A_744 = vector.extract_strided_slice %get3A_482 {offsets = [8], sizes = [1], strides = [1]} : vector<16xf32> to vector<1xf32>
          %squeeze3A_745 = vector.extract %slice3A_744[0] : f32 from vector<1xf32>
          %broadcast_in_dim3A_746 = vector.broadcast %squeeze3A_745 : f32 to vector<16xf32>
          %mul3A_747 = arith.constant 4 : i32
          %mul3A_748 = arith.muli %scan3A_478, %mul3A_747 : i32
          %add3A_749 = arith.constant 2 : i32
          %add3A_750 = arith.addi %mul3A_748, %add3A_749 : i32
          %get3A_751 = arith.index_cast %add3A_750 : i32 to index
          %get3A_752 = arith.constant 0 : index
          %get3A_753 = tpu.vector_load %arg12[%get3A_751, %get3A_752] {strides = array<i32>} : memref<80x128xf32, #tpu.memory_space<vmem>>, vector<16xf32>,
          %mul3A_754 = arith.mulf %get3A_753, %broadcast_in_dim3A_746 : vector<16xf32>
          %mul3A_755 = arith.constant 4 : i32
          %mul3A_756 = arith.muli %scan3A_478, %mul3A_755 : i32
          %add3A_757 = arith.constant 2 : i32
          %add3A_758 = arith.addi %mul3A_756, %add3A_757 : i32
          %swap3A_759 = arith.index_cast %add3A_758 : i32 to index
          %swap3A_760 = arith.constant 0 : index
          %swap3A_761 = tpu.vector_load %arg12[%swap3A_759, %swap3A_760] {strides = array<i32>} : memref<80x128xf32, #tpu.memory_space<vmem>>, vector<16xf32>,
          tpu.vector_store %arg12[%swap3A_759, %swap3A_760], %mul3A_754 {strides = array<i32>} : memref<80x128xf32, #tpu.memory_space<vmem>>, vector<16xf32>,
          %mul3A_762 = arith.constant 4 : i32
          %mul3A_763 = arith.muli %scan3A_478, %mul3A_762 : i32
          %add3A_764 = arith.constant 2 : i32
          %add3A_765 = arith.addi %mul3A_763, %add3A_764 : i32
          %get3A_766 = arith.index_cast %add3A_765 : i32 to index
          %get3A_767 = arith.constant 16 : index
          %get3A_768 = tpu.vector_load %arg12[%get3A_766, %get3A_767] {strides = array<i32>} : memref<80x128xf32, #tpu.memory_space<vmem>>, vector<16xf32>,
          %mul3A_769 = arith.mulf %get3A_768, %broadcast_in_dim3A_746 : vector<16xf32>
          %mul3A_770 = arith.constant 4 : i32
          %mul3A_771 = arith.muli %scan3A_478, %mul3A_770 : i32
          %add3A_772 = arith.constant 2 : i32
          %add3A_773 = arith.addi %mul3A_771, %add3A_772 : i32
          %swap3A_774 = arith.index_cast %add3A_773 : i32 to index
          %swap3A_775 = arith.constant 16 : index
          %swap3A_776 = tpu.vector_load %arg12[%swap3A_774, %swap3A_775] {strides = array<i32>} : memref<80x128xf32, #tpu.memory_space<vmem>>, vector<16xf32>,
          tpu.vector_store %arg12[%swap3A_774, %swap3A_775], %mul3A_769 {strides = array<i32>} : memref<80x128xf32, #tpu.memory_space<vmem>>, vector<16xf32>,
          %slice3A_777 = vector.extract_strided_slice %get3A_482 {offsets = [9], sizes = [1], strides = [1]} : vector<16xf32> to vector<1xf32>
          %squeeze3A_778 = vector.extract %slice3A_777[0] : f32 from vector<1xf32>
          %broadcast_in_dim3A_779 = vector.broadcast %squeeze3A_778 : f32 to vector<16xf32>
          %mul3A_780 = arith.constant 4 : i32
          %mul3A_781 = arith.muli %scan3A_478, %mul3A_780 : i32
          %add3A_782 = arith.constant 2 : i32
          %add3A_783 = arith.addi %mul3A_781, %add3A_782 : i32
          %get3A_784 = arith.index_cast %add3A_783 : i32 to index
          %get3A_785 = arith.constant 32 : index
          %get3A_786 = tpu.vector_load %arg12[%get3A_784, %get3A_785] {strides = array<i32>} : memref<80x128xf32, #tpu.memory_space<vmem>>, vector<16xf32>,
          %mul3A_787 = arith.mulf %get3A_786, %broadcast_in_dim3A_779 : vector<16xf32>
          %mul3A_788 = arith.constant 4 : i32
          %mul3A_789 = arith.muli %scan3A_478, %mul3A_788 : i32
          %add3A_790 = arith.constant 2 : i32
          %add3A_791 = arith.addi %mul3A_789, %add3A_790 : i32
          %swap3A_792 = arith.index_cast %add3A_791 : i32 to index
          %swap3A_793 = arith.constant 32 : index
          %swap3A_794 = tpu.vector_load %arg12[%swap3A_792, %swap3A_793] {strides = array<i32>} : memref<80x128xf32, #tpu.memory_space<vmem>>, vector<16xf32>,
          tpu.vector_store %arg12[%swap3A_792, %swap3A_793], %mul3A_787 {strides = array<i32>} : memref<80x128xf32, #tpu.memory_space<vmem>>, vector<16xf32>,
          %mul3A_795 = arith.constant 4 : i32
          %mul3A_796 = arith.muli %scan3A_478, %mul3A_795 : i32
          %add3A_797 = arith.constant 2 : i32
          %add3A_798 = arith.addi %mul3A_796, %add3A_797 : i32
          %get3A_799 = arith.index_cast %add3A_798 : i32 to index
          %get3A_800 = arith.constant 48 : index
          %get3A_801 = tpu.vector_load %arg12[%get3A_799, %get3A_800] {strides = array<i32>} : memref<80x128xf32, #tpu.memory_space<vmem>>, vector<16xf32>,
          %mul3A_802 = arith.mulf %get3A_801, %broadcast_in_dim3A_779 : vector<16xf32>
          %mul3A_803 = arith.constant 4 : i32
          %mul3A_804 = arith.muli %scan3A_478, %mul3A_803 : i32
          %add3A_805 = arith.constant 2 : i32
          %add3A_806 = arith.addi %mul3A_804, %add3A_805 : i32
          %swap3A_807 = arith.index_cast %add3A_806 : i32 to index
          %swap3A_808 = arith.constant 48 : index
          %swap3A_809 = tpu.vector_load %arg12[%swap3A_807, %swap3A_808] {strides = array<i32>} : memref<80x128xf32, #tpu.memory_space<vmem>>, vector<16xf32>,
          tpu.vector_store %arg12[%swap3A_807, %swap3A_808], %mul3A_802 {strides = array<i32>} : memref<80x128xf32, #tpu.memory_space<vmem>>, vector<16xf32>,
          %slice3A_810 = vector.extract_strided_slice %get3A_482 {offsets = [10], sizes = [1], strides = [1]} : vector<16xf32> to vector<1xf32>
          %squeeze3A_811 = vector.extract %slice3A_810[0] : f32 from vector<1xf32>
          %broadcast_in_dim3A_812 = vector.broadcast %squeeze3A_811 : f32 to vector<16xf32>
          %mul3A_813 = arith.constant 4 : i32
          %mul3A_814 = arith.muli %scan3A_478, %mul3A_813 : i32
          %add3A_815 = arith.constant 2 : i32
          %add3A_816 = arith.addi %mul3A_814, %add3A_815 : i32
          %get3A_817 = arith.index_cast %add3A_816 : i32 to index
          %get3A_818 = arith.constant 64 : index
          %get3A_819 = tpu.vector_load %arg12[%get3A_817, %get3A_818] {strides = array<i32>} : memref<80x128xf32, #tpu.memory_space<vmem>>, vector<16xf32>,
          %mul3A_820 = arith.mulf %get3A_819, %broadcast_in_dim3A_812 : vector<16xf32>
          %mul3A_821 = arith.constant 4 : i32
          %mul3A_822 = arith.muli %scan3A_478, %mul3A_821 : i32
          %add3A_823 = arith.constant 2 : i32
          %add3A_824 = arith.addi %mul3A_822, %add3A_823 : i32
          %swap3A_825 = arith.index_cast %add3A_824 : i32 to index
          %swap3A_826 = arith.constant 64 : index
          %swap3A_827 = tpu.vector_load %arg12[%swap3A_825, %swap3A_826] {strides = array<i32>} : memref<80x128xf32, #tpu.memory_space<vmem>>, vector<16xf32>,
          tpu.vector_store %arg12[%swap3A_825, %swap3A_826], %mul3A_820 {strides = array<i32>} : memref<80x128xf32, #tpu.memory_space<vmem>>, vector<16xf32>,
          %mul3A_828 = arith.constant 4 : i32
          %mul3A_829 = arith.muli %scan3A_478, %mul3A_828 : i32
          %add3A_830 = arith.constant 2 : i32
          %add3A_831 = arith.addi %mul3A_829, %add3A_830 : i32
          %get3A_832 = arith.index_cast %add3A_831 : i32 to index
          %get3A_833 = arith.constant 80 : index
          %get3A_834 = tpu.vector_load %arg12[%get3A_832, %get3A_833] {strides = array<i32>} : memref<80x128xf32, #tpu.memory_space<vmem>>, vector<16xf32>,
          %mul3A_835 = arith.mulf %get3A_834, %broadcast_in_dim3A_812 : vector<16xf32>
          %mul3A_836 = arith.constant 4 : i32
          %mul3A_837 = arith.muli %scan3A_478, %mul3A_836 : i32
          %add3A_838 = arith.constant 2 : i32
          %add3A_839 = arith.addi %mul3A_837, %add3A_838 : i32
          %swap3A_840 = arith.index_cast %add3A_839 : i32 to index
          %swap3A_841 = arith.constant 80 : index
          %swap3A_842 = tpu.vector_load %arg12[%swap3A_840, %swap3A_841] {strides = array<i32>} : memref<80x128xf32, #tpu.memory_space<vmem>>, vector<16xf32>,
          tpu.vector_store %arg12[%swap3A_840, %swap3A_841], %mul3A_835 {strides = array<i32>} : memref<80x128xf32, #tpu.memory_space<vmem>>, vector<16xf32>,
          %slice3A_843 = vector.extract_strided_slice %get3A_482 {offsets = [11], sizes = [1], strides = [1]} : vector<16xf32> to vector<1xf32>
          %squeeze3A_844 = vector.extract %slice3A_843[0] : f32 from vector<1xf32>
          %broadcast_in_dim3A_845 = vector.broadcast %squeeze3A_844 : f32 to vector<16xf32>
          %mul3A_846 = arith.constant 4 : i32
          %mul3A_847 = arith.muli %scan3A_478, %mul3A_846 : i32
          %add3A_848 = arith.constant 2 : i32
          %add3A_849 = arith.addi %mul3A_847, %add3A_848 : i32
          %get3A_850 = arith.index_cast %add3A_849 : i32 to index
          %get3A_851 = arith.constant 96 : index
          %get3A_852 = tpu.vector_load %arg12[%get3A_850, %get3A_851] {strides = array<i32>} : memref<80x128xf32, #tpu.memory_space<vmem>>, vector<16xf32>,
          %mul3A_853 = arith.mulf %get3A_852, %broadcast_in_dim3A_845 : vector<16xf32>
          %mul3A_854 = arith.constant 4 : i32
          %mul3A_855 = arith.muli %scan3A_478, %mul3A_854 : i32
          %add3A_856 = arith.constant 2 : i32
          %add3A_857 = arith.addi %mul3A_855, %add3A_856 : i32
          %swap3A_858 = arith.index_cast %add3A_857 : i32 to index
          %swap3A_859 = arith.constant 96 : index
          %swap3A_860 = tpu.vector_load %arg12[%swap3A_858, %swap3A_859] {strides = array<i32>} : memref<80x128xf32, #tpu.memory_space<vmem>>, vector<16xf32>,
          tpu.vector_store %arg12[%swap3A_858, %swap3A_859], %mul3A_853 {strides = array<i32>} : memref<80x128xf32, #tpu.memory_space<vmem>>, vector<16xf32>,
          %mul3A_861 = arith.constant 4 : i32
          %mul3A_862 = arith.muli %scan3A_478, %mul3A_861 : i32
          %add3A_863 = arith.constant 2 : i32
          %add3A_864 = arith.addi %mul3A_862, %add3A_863 : i32
          %get3A_865 = arith.index_cast %add3A_864 : i32 to index
          %get3A_866 = arith.constant 112 : index
          %get3A_867 = tpu.vector_load %arg12[%get3A_865, %get3A_866] {strides = array<i32>} : memref<80x128xf32, #tpu.memory_space<vmem>>, vector<16xf32>,
          %mul3A_868 = arith.mulf %get3A_867, %broadcast_in_dim3A_845 : vector<16xf32>
          %mul3A_869 = arith.constant 4 : i32
          %mul3A_870 = arith.muli %scan3A_478, %mul3A_869 : i32
          %add3A_871 = arith.constant 2 : i32
          %add3A_872 = arith.addi %mul3A_870, %add3A_871 : i32
          %swap3A_873 = arith.index_cast %add3A_872 : i32 to index
          %swap3A_874 = arith.constant 112 : index
          %swap3A_875 = tpu.vector_load %arg12[%swap3A_873, %swap3A_874] {strides = array<i32>} : memref<80x128xf32, #tpu.memory_space<vmem>>, vector<16xf32>,
          tpu.vector_store %arg12[%swap3A_873, %swap3A_874], %mul3A_868 {strides = array<i32>} : memref<80x128xf32, #tpu.memory_space<vmem>>, vector<16xf32>,
          %slice3A_876 = vector.extract_strided_slice %get3A_482 {offsets = [12], sizes = [1], strides = [1]} : vector<16xf32> to vector<1xf32>
          %squeeze3A_877 = vector.extract %slice3A_876[0] : f32 from vector<1xf32>
          %broadcast_in_dim3A_878 = vector.broadcast %squeeze3A_877 : f32 to vector<16xf32>
          %mul3A_879 = arith.constant 4 : i32
          %mul3A_880 = arith.muli %scan3A_478, %mul3A_879 : i32
          %add3A_881 = arith.constant 3 : i32
          %add3A_882 = arith.addi %mul3A_880, %add3A_881 : i32
          %get3A_883 = arith.index_cast %add3A_882 : i32 to index
          %get3A_884 = arith.constant 0 : index
          %get3A_885 = tpu.vector_load %arg12[%get3A_883, %get3A_884] {strides = array<i32>} : memref<80x128xf32, #tpu.memory_space<vmem>>, vector<16xf32>,
          %mul3A_886 = arith.mulf %get3A_885, %broadcast_in_dim3A_878 : vector<16xf32>
          %mul3A_887 = arith.constant 4 : i32
          %mul3A_888 = arith.muli %scan3A_478, %mul3A_887 : i32
          %add3A_889 = arith.constant 3 : i32
          %add3A_890 = arith.addi %mul3A_888, %add3A_889 : i32
          %swap3A_891 = arith.index_cast %add3A_890 : i32 to index
          %swap3A_892 = arith.constant 0 : index
          %swap3A_893 = tpu.vector_load %arg12[%swap3A_891, %swap3A_892] {strides = array<i32>} : memref<80x128xf32, #tpu.memory_space<vmem>>, vector<16xf32>,
          tpu.vector_store %arg12[%swap3A_891, %swap3A_892], %mul3A_886 {strides = array<i32>} : memref<80x128xf32, #tpu.memory_space<vmem>>, vector<16xf32>,
          %mul3A_894 = arith.constant 4 : i32
          %mul3A_895 = arith.muli %scan3A_478, %mul3A_894 : i32
          %add3A_896 = arith.constant 3 : i32
          %add3A_897 = arith.addi %mul3A_895, %add3A_896 : i32
          %get3A_898 = arith.index_cast %add3A_897 : i32 to index
          %get3A_899 = arith.constant 16 : index
          %get3A_900 = tpu.vector_load %arg12[%get3A_898, %get3A_899] {strides = array<i32>} : memref<80x128xf32, #tpu.memory_space<vmem>>, vector<16xf32>,
          %mul3A_901 = arith.mulf %get3A_900, %broadcast_in_dim3A_878 : vector<16xf32>
          %mul3A_902 = arith.constant 4 : i32
          %mul3A_903 = arith.muli %scan3A_478, %mul3A_902 : i32
          %add3A_904 = arith.constant 3 : i32
          %add3A_905 = arith.addi %mul3A_903, %add3A_904 : i32
          %swap3A_906 = arith.index_cast %add3A_905 : i32 to index
          %swap3A_907 = arith.constant 16 : index
          %swap3A_908 = tpu.vector_load %arg12[%swap3A_906, %swap3A_907] {strides = array<i32>} : memref<80x128xf32, #tpu.memory_space<vmem>>, vector<16xf32>,
          tpu.vector_store %arg12[%swap3A_906, %swap3A_907], %mul3A_901 {strides = array<i32>} : memref<80x128xf32, #tpu.memory_space<vmem>>, vector<16xf32>,
          %slice3A_909 = vector.extract_strided_slice %get3A_482 {offsets = [13], sizes = [1], strides = [1]} : vector<16xf32> to vector<1xf32>
          %squeeze3A_910 = vector.extract %slice3A_909[0] : f32 from vector<1xf32>
          %broadcast_in_dim3A_911 = vector.broadcast %squeeze3A_910 : f32 to vector<16xf32>
          %mul3A_912 = arith.constant 4 : i32
          %mul3A_913 = arith.muli %scan3A_478, %mul3A_912 : i32
          %add3A_914 = arith.constant 3 : i32
          %add3A_915 = arith.addi %mul3A_913, %add3A_914 : i32
          %get3A_916 = arith.index_cast %add3A_915 : i32 to index
          %get3A_917 = arith.constant 32 : index
          %get3A_918 = tpu.vector_load %arg12[%get3A_916, %get3A_917] {strides = array<i32>} : memref<80x128xf32, #tpu.memory_space<vmem>>, vector<16xf32>,
          %mul3A_919 = arith.mulf %get3A_918, %broadcast_in_dim3A_911 : vector<16xf32>
          %mul3A_920 = arith.constant 4 : i32
          %mul3A_921 = arith.muli %scan3A_478, %mul3A_920 : i32
          %add3A_922 = arith.constant 3 : i32
          %add3A_923 = arith.addi %mul3A_921, %add3A_922 : i32
          %swap3A_924 = arith.index_cast %add3A_923 : i32 to index
          %swap3A_925 = arith.constant 32 : index
          %swap3A_926 = tpu.vector_load %arg12[%swap3A_924, %swap3A_925] {strides = array<i32>} : memref<80x128xf32, #tpu.memory_space<vmem>>, vector<16xf32>,
          tpu.vector_store %arg12[%swap3A_924, %swap3A_925], %mul3A_919 {strides = array<i32>} : memref<80x128xf32, #tpu.memory_space<vmem>>, vector<16xf32>,
          %mul3A_927 = arith.constant 4 : i32
          %mul3A_928 = arith.muli %scan3A_478, %mul3A_927 : i32
          %add3A_929 = arith.constant 3 : i32
          %add3A_930 = arith.addi %mul3A_928, %add3A_929 : i32
          %get3A_931 = arith.index_cast %add3A_930 : i32 to index
          %get3A_932 = arith.constant 48 : index
          %get3A_933 = tpu.vector_load %arg12[%get3A_931, %get3A_932] {strides = array<i32>} : memref<80x128xf32, #tpu.memory_space<vmem>>, vector<16xf32>,
          %mul3A_934 = arith.mulf %get3A_933, %broadcast_in_dim3A_911 : vector<16xf32>
          %mul3A_935 = arith.constant 4 : i32
          %mul3A_936 = arith.muli %scan3A_478, %mul3A_935 : i32
          %add3A_937 = arith.constant 3 : i32
          %add3A_938 = arith.addi %mul3A_936, %add3A_937 : i32
          %swap3A_939 = arith.index_cast %add3A_938 : i32 to index
          %swap3A_940 = arith.constant 48 : index
          %swap3A_941 = tpu.vector_load %arg12[%swap3A_939, %swap3A_940] {strides = array<i32>} : memref<80x128xf32, #tpu.memory_space<vmem>>, vector<16xf32>,
          tpu.vector_store %arg12[%swap3A_939, %swap3A_940], %mul3A_934 {strides = array<i32>} : memref<80x128xf32, #tpu.memory_space<vmem>>, vector<16xf32>,
          %slice3A_942 = vector.extract_strided_slice %get3A_482 {offsets = [14], sizes = [1], strides = [1]} : vector<16xf32> to vector<1xf32>
          %squeeze3A_943 = vector.extract %slice3A_942[0] : f32 from vector<1xf32>
          %broadcast_in_dim3A_944 = vector.broadcast %squeeze3A_943 : f32 to vector<16xf32>
          %mul3A_945 = arith.constant 4 : i32
          %mul3A_946 = arith.muli %scan3A_478, %mul3A_945 : i32
          %add3A_947 = arith.constant 3 : i32
          %add3A_948 = arith.addi %mul3A_946, %add3A_947 : i32
          %get3A_949 = arith.index_cast %add3A_948 : i32 to index
          %get3A_950 = arith.constant 64 : index
          %get3A_951 = tpu.vector_load %arg12[%get3A_949, %get3A_950] {strides = array<i32>} : memref<80x128xf32, #tpu.memory_space<vmem>>, vector<16xf32>,
          %mul3A_952 = arith.mulf %get3A_951, %broadcast_in_dim3A_944 : vector<16xf32>
          %mul3A_953 = arith.constant 4 : i32
          %mul3A_954 = arith.muli %scan3A_478, %mul3A_953 : i32
          %add3A_955 = arith.constant 3 : i32
          %add3A_956 = arith.addi %mul3A_954, %add3A_955 : i32
          %swap3A_957 = arith.index_cast %add3A_956 : i32 to index
          %swap3A_958 = arith.constant 64 : index
          %swap3A_959 = tpu.vector_load %arg12[%swap3A_957, %swap3A_958] {strides = array<i32>} : memref<80x128xf32, #tpu.memory_space<vmem>>, vector<16xf32>,
          tpu.vector_store %arg12[%swap3A_957, %swap3A_958], %mul3A_952 {strides = array<i32>} : memref<80x128xf32, #tpu.memory_space<vmem>>, vector<16xf32>,
          %mul3A_960 = arith.constant 4 : i32
          %mul3A_961 = arith.muli %scan3A_478, %mul3A_960 : i32
          %add3A_962 = arith.constant 3 : i32
          %add3A_963 = arith.addi %mul3A_961, %add3A_962 : i32
          %get3A_964 = arith.index_cast %add3A_963 : i32 to index
          %get3A_965 = arith.constant 80 : index
          %get3A_966 = tpu.vector_load %arg12[%get3A_964, %get3A_965] {strides = array<i32>} : memref<80x128xf32, #tpu.memory_space<vmem>>, vector<16xf32>,
          %mul3A_967 = arith.mulf %get3A_966, %broadcast_in_dim3A_944 : vector<16xf32>
          %mul3A_968 = arith.constant 4 : i32
          %mul3A_969 = arith.muli %scan3A_478, %mul3A_968 : i32
          %add3A_970 = arith.constant 3 : i32
          %add3A_971 = arith.addi %mul3A_969, %add3A_970 : i32
          %swap3A_972 = arith.index_cast %add3A_971 : i32 to index
          %swap3A_973 = arith.constant 80 : index
          %swap3A_974 = tpu.vector_load %arg12[%swap3A_972, %swap3A_973] {strides = array<i32>} : memref<80x128xf32, #tpu.memory_space<vmem>>, vector<16xf32>,
          tpu.vector_store %arg12[%swap3A_972, %swap3A_973], %mul3A_967 {strides = array<i32>} : memref<80x128xf32, #tpu.memory_space<vmem>>, vector<16xf32>,
          %slice3A_975 = vector.extract_strided_slice %get3A_482 {offsets = [15], sizes = [1], strides = [1]} : vector<16xf32> to vector<1xf32>
          %squeeze3A_976 = vector.extract %slice3A_975[0] : f32 from vector<1xf32>
          %broadcast_in_dim3A_977 = vector.broadcast %squeeze3A_976 : f32 to vector<16xf32>
          %mul3A_978 = arith.constant 4 : i32
          %mul3A_979 = arith.muli %scan3A_478, %mul3A_978 : i32
          %add3A_980 = arith.constant 3 : i32
          %add3A_981 = arith.addi %mul3A_979, %add3A_980 : i32
          %get3A_982 = arith.index_cast %add3A_981 : i32 to index
          %get3A_983 = arith.constant 96 : index
          %get3A_984 = tpu.vector_load %arg12[%get3A_982, %get3A_983] {strides = array<i32>} : memref<80x128xf32, #tpu.memory_space<vmem>>, vector<16xf32>,
          %mul3A_985 = arith.mulf %get3A_984, %broadcast_in_dim3A_977 : vector<16xf32>
          %mul3A_986 = arith.constant 4 : i32
          %mul3A_987 = arith.muli %scan3A_478, %mul3A_986 : i32
          %add3A_988 = arith.constant 3 : i32
          %add3A_989 = arith.addi %mul3A_987, %add3A_988 : i32
          %swap3A_990 = arith.index_cast %add3A_989 : i32 to index
          %swap3A_991 = arith.constant 96 : index
          %swap3A_992 = tpu.vector_load %arg12[%swap3A_990, %swap3A_991] {strides = array<i32>} : memref<80x128xf32, #tpu.memory_space<vmem>>, vector<16xf32>,
          tpu.vector_store %arg12[%swap3A_990, %swap3A_991], %mul3A_985 {strides = array<i32>} : memref<80x128xf32, #tpu.memory_space<vmem>>, vector<16xf32>,
          %mul3A_993 = arith.constant 4 : i32
          %mul3A_994 = arith.muli %scan3A_478, %mul3A_993 : i32
          %add3A_995 = arith.constant 3 : i32
          %add3A_996 = arith.addi %mul3A_994, %add3A_995 : i32
          %get3A_997 = arith.index_cast %add3A_996 : i32 to index
          %get3A_998 = arith.constant 112 : index
          %get3A_999 = tpu.vector_load %arg12[%get3A_997, %get3A_998] {strides = array<i32>} : memref<80x128xf32, #tpu.memory_space<vmem>>, vector<16xf32>,
          %mul3A_1000 = arith.mulf %get3A_999, %broadcast_in_dim3A_977 : vector<16xf32>
          %mul3A_1001 = arith.constant 4 : i32
          %mul3A_1002 = arith.muli %scan3A_478, %mul3A_1001 : i32
          %add3A_1003 = arith.constant 3 : i32
          %add3A_1004 = arith.addi %mul3A_1002, %add3A_1003 : i32
          %swap3A_1005 = arith.index_cast %add3A_1004 : i32 to index
          %swap3A_1006 = arith.constant 112 : index
          %swap3A_1007 = tpu.vector_load %arg12[%swap3A_1005, %swap3A_1006] {strides = array<i32>} : memref<80x128xf32, #tpu.memory_space<vmem>>, vector<16xf32>,
          tpu.vector_store %arg12[%swap3A_1005, %swap3A_1006], %mul3A_1000 {strides = array<i32>} : memref<80x128xf32, #tpu.memory_space<vmem>>, vector<16xf32>,
          %scan3A_1008 = arith.constant 0 : i32
          scf.yield %scan3A_1008 : i32
        }
        %scan3A_477 = arith.constant 20 : i32
        "tpu.region"() ({
          %run_scoped3A = tpu.sem_alloc : memref<!tpu.dma_semaphore, #tpu.memory_space<semaphore_mem>>
          %dma_start3A_478 = arith.constant 0 : i32
          %dma_start3A_479 = arith.constant 0 : i32
          %dma_start3A_480 = tpu.memref_slice %arg20[%dma_start3A_478, %dma_start3A_479] : memref<10240x128xf32, #tpu.memory_space<vmem_shared>> -> memref<10240x128xf32, #tpu.memory_space<vmem_shared>>
          tpu.enqueue_indirect_dma source(%arg12 : memref<80x128xf32, #tpu.memory_space<vmem>>) target(%dma_start3A_480 : memref<10240x128xf32, #tpu.memory_space<vmem_shared>>) offsets(%arg8 : memref<80xi32, #tpu.memory_space<vmem>>) semaphore(%run_scoped3A : memref<!tpu.dma_semaphore, #tpu.memory_space<semaphore_mem>>) {add = true}
          %dma_wait3A_481 = arith.constant 0 : i32
          %dma_wait3A_482 = arith.constant 0 : i32
          %dma_wait3A_483 = tpu.memref_slice %arg20[%dma_wait3A_481, %dma_wait3A_482] : memref<10240x128xf32, #tpu.memory_space<vmem_shared>> -> memref<10240x128xf32, #tpu.memory_space<vmem_shared>>
          tpu.wait_indirect_dma semaphore(%run_scoped3A : memref<!tpu.dma_semaphore, #tpu.memory_space<semaphore_mem>>) src(%arg12 : memref<80x128xf32, #tpu.memory_space<vmem>>) dst(%dma_wait3A_483 : memref<10240x128xf32, #tpu.memory_space<vmem_shared>>)
          tpu.yield
        }) : () -> ()
      } else {
      }
      %jit3A_83 = arith.constant 2 : i32
      %eq3A_84 = arith.constant 0 : i32
      %eq3A_85 = arith.cmpi eq, %jit3A_83, %eq3A_84 : i32
      %jit3A_86 = arith.constant 1 : i32
      %select_n3A_87 = arith.select %eq3A_85, %jit3A_86, %jit3A_83 : i32
      %rem3A_88 = arith.remsi %scan3A_69, %select_n3A_87 : i32
      %ne3A_89 = arith.constant 0 : i32
      %ne3A_90 = arith.cmpi ne, %rem3A_88, %ne3A_89 : i32
      %lt3A_91 = arith.constant 0 : i32
      %lt3A_92 = arith.cmpi slt, %rem3A_88, %lt3A_91 : i32
      %lt3A_93 = arith.constant 0 : i32
      %lt3A_94 = arith.cmpi slt, %select_n3A_87, %lt3A_93 : i32
      %ne3A_95 = arith.xori %lt3A_92, %lt3A_94 : i1
      %and3A_96 = arith.andi %ne3A_95, %ne3A_90 : i1
      %add3A_97 = arith.addi %rem3A_88, %select_n3A_87 : i32
      %select_n3A_98 = arith.select %and3A_96, %add3A_97, %rem3A_88 : i32
      %eq3A_99 = arith.constant 1 : i32
      %eq3A_100 = arith.cmpi eq, %select_n3A_98, %eq3A_99 : i32
      %convert_element_type3A_101 = arith.extui %eq3A_100 : i1 to i32
      %cond3A_102 = arith.constant 0 : i32
      %cond3A_103 = arith.cmpi ne, %convert_element_type3A_101, %cond3A_102 : i32
      scf.if %cond3A_103 {
        %add3A_105 = arith.constant 1 : i32
        %add3A_106 = arith.addi %scan3A_69, %add3A_105 : i32
        %lt3A_107 = arith.constant 125 : i32
        %lt3A_108 = arith.cmpi slt, %add3A_106, %lt3A_107 : i32
        %convert_element_type3A_109 = arith.extui %lt3A_108 : i1 to i32
        %cond3A_110 = arith.constant 0 : i32
        %cond3A_111 = arith.cmpi ne, %convert_element_type3A_109, %cond3A_110 : i32
        scf.if %cond3A_111 {
          %add3A_478 = arith.constant 1 : i32
          %add3A_479 = arith.addi %scan3A_69, %add3A_478 : i32
          %mul3A_480 = arith.constant 10000 : i32
          %mul3A_481 = arith.muli %add3A, %mul3A_480 : i32
          %mul3A_482 = arith.constant 80 : i32
          %mul3A_483 = arith.muli %add3A_479, %mul3A_482 : i32
          %add3A_484 = arith.addi %mul3A_481, %mul3A_483 : i32
          "tpu.region"() ({
            %run_scoped3A = tpu.sem_alloc : memref<!tpu.dma_semaphore, #tpu.memory_space<semaphore_mem>>
            %dma_start3A_495 = tpu.memref_slice %arg2[%add3A_484] : memref<640000xi32, #tpu.memory_space<hbm>> -> memref<80xi32, #tpu.memory_space<hbm>>
            %dma_start3A_496 = tpu.memref_slice %arg2[%add3A_484] : memref<640000xi32, #tpu.memory_space<hbm>> -> memref<80xi32, #tpu.memory_space<hbm>>
            tpu.enqueue_dma source(%dma_start3A_496 : memref<80xi32, #tpu.memory_space<hbm>>) target(%arg7 : memref<80xi32, #tpu.memory_space<vmem>>) target_semaphore(%run_scoped3A : memref<!tpu.dma_semaphore, #tpu.memory_space<semaphore_mem>>)
            %dma_wait3A_497 = tpu.memref_slice %arg2[%add3A_484] : memref<640000xi32, #tpu.memory_space<hbm>> -> memref<80xi32, #tpu.memory_space<hbm>>
            %dma_wait3A_498 = tpu.memref_slice %arg2[%add3A_484] : memref<640000xi32, #tpu.memory_space<hbm>> -> memref<80xi32, #tpu.memory_space<hbm>>
            tpu.wait_dma2 semaphore(%run_scoped3A : memref<!tpu.dma_semaphore, #tpu.memory_space<semaphore_mem>>) src(%dma_wait3A_498 : memref<80xi32, #tpu.memory_space<hbm>>) dst(%arg7 : memref<80xi32, #tpu.memory_space<vmem>>)
            tpu.yield
          }) : () -> ()
          %add3A_485 = arith.constant 320000 : i32
          %add3A_486 = arith.addi %add3A_485, %add3A_484 : i32
          "tpu.region"() ({
            %run_scoped3A = tpu.sem_alloc : memref<!tpu.dma_semaphore, #tpu.memory_space<semaphore_mem>>
            %dma_start3A_495 = tpu.memref_slice %arg2[%add3A_486] : memref<640000xi32, #tpu.memory_space<hbm>> -> memref<80xi32, #tpu.memory_space<hbm>>
            %dma_start3A_496 = tpu.memref_slice %arg2[%add3A_486] : memref<640000xi32, #tpu.memory_space<hbm>> -> memref<80xi32, #tpu.memory_space<hbm>>
            tpu.enqueue_dma source(%dma_start3A_496 : memref<80xi32, #tpu.memory_space<hbm>>) target(%arg8 : memref<80xi32, #tpu.memory_space<vmem>>) target_semaphore(%run_scoped3A : memref<!tpu.dma_semaphore, #tpu.memory_space<semaphore_mem>>)
            %dma_wait3A_497 = tpu.memref_slice %arg2[%add3A_486] : memref<640000xi32, #tpu.memory_space<hbm>> -> memref<80xi32, #tpu.memory_space<hbm>>
            %dma_wait3A_498 = tpu.memref_slice %arg2[%add3A_486] : memref<640000xi32, #tpu.memory_space<hbm>> -> memref<80xi32, #tpu.memory_space<hbm>>
            tpu.wait_dma2 semaphore(%run_scoped3A : memref<!tpu.dma_semaphore, #tpu.memory_space<semaphore_mem>>) src(%dma_wait3A_498 : memref<80xi32, #tpu.memory_space<hbm>>) dst(%arg8 : memref<80xi32, #tpu.memory_space<vmem>>)
            tpu.yield
          }) : () -> ()
          %mul3A_487 = arith.constant 4 : i32
          %mul3A_488 = arith.muli %add3A_484, %mul3A_487 : i32
          "tpu.region"() ({
            %run_scoped3A = tpu.sem_alloc : memref<!tpu.dma_semaphore, #tpu.memory_space<semaphore_mem>>
            %dma_start3A_495 = tpu.memref_slice %arg3[%mul3A_488] : memref<1280000xf32, #tpu.memory_space<hbm>> -> memref<320xf32, #tpu.memory_space<hbm>>
            %dma_start3A_496 = tpu.memref_slice %arg3[%mul3A_488] : memref<1280000xf32, #tpu.memory_space<hbm>> -> memref<320xf32, #tpu.memory_space<hbm>>
            tpu.enqueue_dma source(%dma_start3A_496 : memref<320xf32, #tpu.memory_space<hbm>>) target(%arg9 : memref<320xf32, #tpu.memory_space<vmem>>) target_semaphore(%run_scoped3A : memref<!tpu.dma_semaphore, #tpu.memory_space<semaphore_mem>>)
            %dma_wait3A_497 = tpu.memref_slice %arg3[%mul3A_488] : memref<1280000xf32, #tpu.memory_space<hbm>> -> memref<320xf32, #tpu.memory_space<hbm>>
            %dma_wait3A_498 = tpu.memref_slice %arg3[%mul3A_488] : memref<1280000xf32, #tpu.memory_space<hbm>> -> memref<320xf32, #tpu.memory_space<hbm>>
            tpu.wait_dma2 semaphore(%run_scoped3A : memref<!tpu.dma_semaphore, #tpu.memory_space<semaphore_mem>>) src(%dma_wait3A_498 : memref<320xf32, #tpu.memory_space<hbm>>) dst(%arg9 : memref<320xf32, #tpu.memory_space<vmem>>)
            tpu.yield
          }) : () -> ()
          %dma_start3A_489 = arith.constant 0 : i32
          %dma_start3A_490 = arith.constant 0 : i32
          %dma_start3A_491 = tpu.memref_slice %arg5[%dma_start3A_489, %dma_start3A_490] : memref<10000x128xf32, #tpu.memory_space<hbm>> -> memref<10000x128xf32, #tpu.memory_space<hbm>>
          tpu.enqueue_indirect_dma source(%dma_start3A_491 : memref<10000x128xf32, #tpu.memory_space<hbm>>) target(%arg12 : memref<80x128xf32, #tpu.memory_space<vmem>>) offsets(%arg7 : memref<80xi32, #tpu.memory_space<vmem>>) semaphore(%arg21 : memref<!tpu.dma_semaphore, #tpu.memory_space<semaphore_mem>>)
          %dma_start3A_492 = arith.constant 0 : i32
          %dma_start3A_493 = arith.constant 0 : i32
          %dma_start3A_494 = tpu.memref_slice %arg19[%dma_start3A_492, %dma_start3A_493] : memref<10240x16xf32, #tpu.memory_space<vmem_shared>> -> memref<10240x16xf32, #tpu.memory_space<vmem_shared>>
          tpu.enqueue_indirect_dma source(%dma_start3A_494 : memref<10240x16xf32, #tpu.memory_space<vmem_shared>>) target(%arg11 : memref<80x16xf32, #tpu.memory_space<vmem>>) offsets(%arg8 : memref<80xi32, #tpu.memory_space<vmem>>) semaphore(%arg23 : memref<!tpu.dma_semaphore, #tpu.memory_space<semaphore_mem>>)
        } else {
        }
        %dma_wait3A = arith.constant 0 : i32
        %dma_wait3A_112 = arith.constant 0 : i32
        %dma_wait3A_113 = tpu.memref_slice %arg19[%dma_wait3A, %dma_wait3A_112] : memref<10240x16xf32, #tpu.memory_space<vmem_shared>> -> memref<10240x16xf32, #tpu.memory_space<vmem_shared>>
        tpu.wait_indirect_dma semaphore(%arg24 : memref<!tpu.dma_semaphore, #tpu.memory_space<semaphore_mem>>) src(%dma_wait3A_113 : memref<10240x16xf32, #tpu.memory_space<vmem_shared>>) dst(%arg17 : memref<80x16xf32, #tpu.memory_space<vmem>>)
        %add3A_114 = arith.constant 0 : i32
        %add3A_115 = vector.broadcast %add3A_114 : i32 to vector<16xi32>
        %add3A_116 = arith.addi %iota3A, %add3A_115 : vector<16xi32>
        %broadcast_in_dim3A_117 = arith.constant 0 : i32
        %broadcast_in_dim3A_118 = vector.broadcast %broadcast_in_dim3A_117 : i32 to vector<16xi32>
        %gather3A = tpu.vector_load_idx %arg17[%add3A_116, %broadcast_in_dim3A_118] : memref<80x16xf32, #tpu.memory_space<vmem>>[vector<16xi32>, vector<16xi32>], vector<16xf32>,
        %mul3A_119 = arith.constant 4 : i32
        %mul3A_120 = vector.broadcast %mul3A_119 : i32 to vector<16xi32>
        %mul3A_121 = arith.muli %add3A_116, %mul3A_120 : vector<16xi32>
        %add3A_122 = arith.constant 0 : i32
        %add3A_123 = vector.broadcast %add3A_122 : i32 to vector<16xi32>
        %add3A_124 = arith.addi %mul3A_121, %add3A_123 : vector<16xi32>
        %gather3A_125 = tpu.vector_load_idx %arg15[%add3A_124] : memref<320xf32, #tpu.memory_space<vmem>>[vector<16xi32>], vector<16xf32>,
        %mul3A_126 = arith.constant 4 : i32
        %mul3A_127 = vector.broadcast %mul3A_126 : i32 to vector<16xi32>
        %mul3A_128 = arith.muli %add3A_116, %mul3A_127 : vector<16xi32>
        %add3A_129 = arith.constant 0 : i32
        %add3A_130 = vector.broadcast %add3A_129 : i32 to vector<16xi32>
        %add3A_131 = arith.addi %mul3A_128, %add3A_130 : vector<16xi32>
        %mul3A_132 = arith.mulf %gather3A_125, %gather3A : vector<16xf32>
        tpu.vector_store_idx %arg16[%add3A_131], %mul3A_132 : memref<320xf32, #tpu.memory_space<vmem>>[vector<16xi32>], vector<16xf32>,
        %broadcast_in_dim3A_133 = arith.constant 1 : i32
        %broadcast_in_dim3A_134 = vector.broadcast %broadcast_in_dim3A_133 : i32 to vector<16xi32>
        %gather3A_135 = tpu.vector_load_idx %arg17[%add3A_116, %broadcast_in_dim3A_134] : memref<80x16xf32, #tpu.memory_space<vmem>>[vector<16xi32>, vector<16xi32>], vector<16xf32>,
        %mul3A_136 = arith.constant 4 : i32
        %mul3A_137 = vector.broadcast %mul3A_136 : i32 to vector<16xi32>
        %mul3A_138 = arith.muli %add3A_116, %mul3A_137 : vector<16xi32>
        %add3A_139 = arith.constant 1 : i32
        %add3A_140 = vector.broadcast %add3A_139 : i32 to vector<16xi32>
        %add3A_141 = arith.addi %mul3A_138, %add3A_140 : vector<16xi32>
        %gather3A_142 = tpu.vector_load_idx %arg15[%add3A_141] : memref<320xf32, #tpu.memory_space<vmem>>[vector<16xi32>], vector<16xf32>,
        %mul3A_143 = arith.constant 4 : i32
        %mul3A_144 = vector.broadcast %mul3A_143 : i32 to vector<16xi32>
        %mul3A_145 = arith.muli %add3A_116, %mul3A_144 : vector<16xi32>
        %add3A_146 = arith.constant 1 : i32
        %add3A_147 = vector.broadcast %add3A_146 : i32 to vector<16xi32>
        %add3A_148 = arith.addi %mul3A_145, %add3A_147 : vector<16xi32>
        %mul3A_149 = arith.mulf %gather3A_142, %gather3A_135 : vector<16xf32>
        tpu.vector_store_idx %arg16[%add3A_148], %mul3A_149 : memref<320xf32, #tpu.memory_space<vmem>>[vector<16xi32>], vector<16xf32>,
        %broadcast_in_dim3A_150 = arith.constant 2 : i32
        %broadcast_in_dim3A_151 = vector.broadcast %broadcast_in_dim3A_150 : i32 to vector<16xi32>
        %gather3A_152 = tpu.vector_load_idx %arg17[%add3A_116, %broadcast_in_dim3A_151] : memref<80x16xf32, #tpu.memory_space<vmem>>[vector<16xi32>, vector<16xi32>], vector<16xf32>,
        %mul3A_153 = arith.constant 4 : i32
        %mul3A_154 = vector.broadcast %mul3A_153 : i32 to vector<16xi32>
        %mul3A_155 = arith.muli %add3A_116, %mul3A_154 : vector<16xi32>
        %add3A_156 = arith.constant 2 : i32
        %add3A_157 = vector.broadcast %add3A_156 : i32 to vector<16xi32>
        %add3A_158 = arith.addi %mul3A_155, %add3A_157 : vector<16xi32>
        %gather3A_159 = tpu.vector_load_idx %arg15[%add3A_158] : memref<320xf32, #tpu.memory_space<vmem>>[vector<16xi32>], vector<16xf32>,
        %mul3A_160 = arith.constant 4 : i32
        %mul3A_161 = vector.broadcast %mul3A_160 : i32 to vector<16xi32>
        %mul3A_162 = arith.muli %add3A_116, %mul3A_161 : vector<16xi32>
        %add3A_163 = arith.constant 2 : i32
        %add3A_164 = vector.broadcast %add3A_163 : i32 to vector<16xi32>
        %add3A_165 = arith.addi %mul3A_162, %add3A_164 : vector<16xi32>
        %mul3A_166 = arith.mulf %gather3A_159, %gather3A_152 : vector<16xf32>
        tpu.vector_store_idx %arg16[%add3A_165], %mul3A_166 : memref<320xf32, #tpu.memory_space<vmem>>[vector<16xi32>], vector<16xf32>,
        %broadcast_in_dim3A_167 = arith.constant 3 : i32
        %broadcast_in_dim3A_168 = vector.broadcast %broadcast_in_dim3A_167 : i32 to vector<16xi32>
        %gather3A_169 = tpu.vector_load_idx %arg17[%add3A_116, %broadcast_in_dim3A_168] : memref<80x16xf32, #tpu.memory_space<vmem>>[vector<16xi32>, vector<16xi32>], vector<16xf32>,
        %mul3A_170 = arith.constant 4 : i32
        %mul3A_171 = vector.broadcast %mul3A_170 : i32 to vector<16xi32>
        %mul3A_172 = arith.muli %add3A_116, %mul3A_171 : vector<16xi32>
        %add3A_173 = arith.constant 3 : i32
        %add3A_174 = vector.broadcast %add3A_173 : i32 to vector<16xi32>
        %add3A_175 = arith.addi %mul3A_172, %add3A_174 : vector<16xi32>
        %gather3A_176 = tpu.vector_load_idx %arg15[%add3A_175] : memref<320xf32, #tpu.memory_space<vmem>>[vector<16xi32>], vector<16xf32>,
        %mul3A_177 = arith.constant 4 : i32
        %mul3A_178 = vector.broadcast %mul3A_177 : i32 to vector<16xi32>
        %mul3A_179 = arith.muli %add3A_116, %mul3A_178 : vector<16xi32>
        %add3A_180 = arith.constant 3 : i32
        %add3A_181 = vector.broadcast %add3A_180 : i32 to vector<16xi32>
        %add3A_182 = arith.addi %mul3A_179, %add3A_181 : vector<16xi32>
        %mul3A_183 = arith.mulf %gather3A_176, %gather3A_169 : vector<16xf32>
        tpu.vector_store_idx %arg16[%add3A_182], %mul3A_183 : memref<320xf32, #tpu.memory_space<vmem>>[vector<16xi32>], vector<16xf32>,
        %add3A_184 = arith.constant 16 : i32
        %add3A_185 = vector.broadcast %add3A_184 : i32 to vector<16xi32>
        %add3A_186 = arith.addi %iota3A, %add3A_185 : vector<16xi32>
        %broadcast_in_dim3A_187 = arith.constant 0 : i32
        %broadcast_in_dim3A_188 = vector.broadcast %broadcast_in_dim3A_187 : i32 to vector<16xi32>
        %gather3A_189 = tpu.vector_load_idx %arg17[%add3A_186, %broadcast_in_dim3A_188] : memref<80x16xf32, #tpu.memory_space<vmem>>[vector<16xi32>, vector<16xi32>], vector<16xf32>,
        %mul3A_190 = arith.constant 4 : i32
        %mul3A_191 = vector.broadcast %mul3A_190 : i32 to vector<16xi32>
        %mul3A_192 = arith.muli %add3A_186, %mul3A_191 : vector<16xi32>
        %add3A_193 = arith.constant 0 : i32
        %add3A_194 = vector.broadcast %add3A_193 : i32 to vector<16xi32>
        %add3A_195 = arith.addi %mul3A_192, %add3A_194 : vector<16xi32>
        %gather3A_196 = tpu.vector_load_idx %arg15[%add3A_195] : memref<320xf32, #tpu.memory_space<vmem>>[vector<16xi32>], vector<16xf32>,
        %mul3A_197 = arith.constant 4 : i32
        %mul3A_198 = vector.broadcast %mul3A_197 : i32 to vector<16xi32>
        %mul3A_199 = arith.muli %add3A_186, %mul3A_198 : vector<16xi32>
        %add3A_200 = arith.constant 0 : i32
        %add3A_201 = vector.broadcast %add3A_200 : i32 to vector<16xi32>
        %add3A_202 = arith.addi %mul3A_199, %add3A_201 : vector<16xi32>
        %mul3A_203 = arith.mulf %gather3A_196, %gather3A_189 : vector<16xf32>
        tpu.vector_store_idx %arg16[%add3A_202], %mul3A_203 : memref<320xf32, #tpu.memory_space<vmem>>[vector<16xi32>], vector<16xf32>,
        %broadcast_in_dim3A_204 = arith.constant 1 : i32
        %broadcast_in_dim3A_205 = vector.broadcast %broadcast_in_dim3A_204 : i32 to vector<16xi32>
        %gather3A_206 = tpu.vector_load_idx %arg17[%add3A_186, %broadcast_in_dim3A_205] : memref<80x16xf32, #tpu.memory_space<vmem>>[vector<16xi32>, vector<16xi32>], vector<16xf32>,
        %mul3A_207 = arith.constant 4 : i32
        %mul3A_208 = vector.broadcast %mul3A_207 : i32 to vector<16xi32>
        %mul3A_209 = arith.muli %add3A_186, %mul3A_208 : vector<16xi32>
        %add3A_210 = arith.constant 1 : i32
        %add3A_211 = vector.broadcast %add3A_210 : i32 to vector<16xi32>
        %add3A_212 = arith.addi %mul3A_209, %add3A_211 : vector<16xi32>
        %gather3A_213 = tpu.vector_load_idx %arg15[%add3A_212] : memref<320xf32, #tpu.memory_space<vmem>>[vector<16xi32>], vector<16xf32>,
        %mul3A_214 = arith.constant 4 : i32
        %mul3A_215 = vector.broadcast %mul3A_214 : i32 to vector<16xi32>
        %mul3A_216 = arith.muli %add3A_186, %mul3A_215 : vector<16xi32>
        %add3A_217 = arith.constant 1 : i32
        %add3A_218 = vector.broadcast %add3A_217 : i32 to vector<16xi32>
        %add3A_219 = arith.addi %mul3A_216, %add3A_218 : vector<16xi32>
        %mul3A_220 = arith.mulf %gather3A_213, %gather3A_206 : vector<16xf32>
        tpu.vector_store_idx %arg16[%add3A_219], %mul3A_220 : memref<320xf32, #tpu.memory_space<vmem>>[vector<16xi32>], vector<16xf32>,
        %broadcast_in_dim3A_221 = arith.constant 2 : i32
        %broadcast_in_dim3A_222 = vector.broadcast %broadcast_in_dim3A_221 : i32 to vector<16xi32>
        %gather3A_223 = tpu.vector_load_idx %arg17[%add3A_186, %broadcast_in_dim3A_222] : memref<80x16xf32, #tpu.memory_space<vmem>>[vector<16xi32>, vector<16xi32>], vector<16xf32>,
        %mul3A_224 = arith.constant 4 : i32
        %mul3A_225 = vector.broadcast %mul3A_224 : i32 to vector<16xi32>
        %mul3A_226 = arith.muli %add3A_186, %mul3A_225 : vector<16xi32>
        %add3A_227 = arith.constant 2 : i32
        %add3A_228 = vector.broadcast %add3A_227 : i32 to vector<16xi32>
        %add3A_229 = arith.addi %mul3A_226, %add3A_228 : vector<16xi32>
        %gather3A_230 = tpu.vector_load_idx %arg15[%add3A_229] : memref<320xf32, #tpu.memory_space<vmem>>[vector<16xi32>], vector<16xf32>,
        %mul3A_231 = arith.constant 4 : i32
        %mul3A_232 = vector.broadcast %mul3A_231 : i32 to vector<16xi32>
        %mul3A_233 = arith.muli %add3A_186, %mul3A_232 : vector<16xi32>
        %add3A_234 = arith.constant 2 : i32
        %add3A_235 = vector.broadcast %add3A_234 : i32 to vector<16xi32>
        %add3A_236 = arith.addi %mul3A_233, %add3A_235 : vector<16xi32>
        %mul3A_237 = arith.mulf %gather3A_230, %gather3A_223 : vector<16xf32>
        tpu.vector_store_idx %arg16[%add3A_236], %mul3A_237 : memref<320xf32, #tpu.memory_space<vmem>>[vector<16xi32>], vector<16xf32>,
        %broadcast_in_dim3A_238 = arith.constant 3 : i32
        %broadcast_in_dim3A_239 = vector.broadcast %broadcast_in_dim3A_238 : i32 to vector<16xi32>
        %gather3A_240 = tpu.vector_load_idx %arg17[%add3A_186, %broadcast_in_dim3A_239] : memref<80x16xf32, #tpu.memory_space<vmem>>[vector<16xi32>, vector<16xi32>], vector<16xf32>,
        %mul3A_241 = arith.constant 4 : i32
        %mul3A_242 = vector.broadcast %mul3A_241 : i32 to vector<16xi32>
        %mul3A_243 = arith.muli %add3A_186, %mul3A_242 : vector<16xi32>
        %add3A_244 = arith.constant 3 : i32
        %add3A_245 = vector.broadcast %add3A_244 : i32 to vector<16xi32>
        %add3A_246 = arith.addi %mul3A_243, %add3A_245 : vector<16xi32>
        %gather3A_247 = tpu.vector_load_idx %arg15[%add3A_246] : memref<320xf32, #tpu.memory_space<vmem>>[vector<16xi32>], vector<16xf32>,
        %mul3A_248 = arith.constant 4 : i32
        %mul3A_249 = vector.broadcast %mul3A_248 : i32 to vector<16xi32>
        %mul3A_250 = arith.muli %add3A_186, %mul3A_249 : vector<16xi32>
        %add3A_251 = arith.constant 3 : i32
        %add3A_252 = vector.broadcast %add3A_251 : i32 to vector<16xi32>
        %add3A_253 = arith.addi %mul3A_250, %add3A_252 : vector<16xi32>
        %mul3A_254 = arith.mulf %gather3A_247, %gather3A_240 : vector<16xf32>
        tpu.vector_store_idx %arg16[%add3A_253], %mul3A_254 : memref<320xf32, #tpu.memory_space<vmem>>[vector<16xi32>], vector<16xf32>,
        %add3A_255 = arith.constant 32 : i32
        %add3A_256 = vector.broadcast %add3A_255 : i32 to vector<16xi32>
        %add3A_257 = arith.addi %iota3A, %add3A_256 : vector<16xi32>
        %broadcast_in_dim3A_258 = arith.constant 0 : i32
        %broadcast_in_dim3A_259 = vector.broadcast %broadcast_in_dim3A_258 : i32 to vector<16xi32>
        %gather3A_260 = tpu.vector_load_idx %arg17[%add3A_257, %broadcast_in_dim3A_259] : memref<80x16xf32, #tpu.memory_space<vmem>>[vector<16xi32>, vector<16xi32>], vector<16xf32>,
        %mul3A_261 = arith.constant 4 : i32
        %mul3A_262 = vector.broadcast %mul3A_261 : i32 to vector<16xi32>
        %mul3A_263 = arith.muli %add3A_257, %mul3A_262 : vector<16xi32>
        %add3A_264 = arith.constant 0 : i32
        %add3A_265 = vector.broadcast %add3A_264 : i32 to vector<16xi32>
        %add3A_266 = arith.addi %mul3A_263, %add3A_265 : vector<16xi32>
        %gather3A_267 = tpu.vector_load_idx %arg15[%add3A_266] : memref<320xf32, #tpu.memory_space<vmem>>[vector<16xi32>], vector<16xf32>,
        %mul3A_268 = arith.constant 4 : i32
        %mul3A_269 = vector.broadcast %mul3A_268 : i32 to vector<16xi32>
        %mul3A_270 = arith.muli %add3A_257, %mul3A_269 : vector<16xi32>
        %add3A_271 = arith.constant 0 : i32
        %add3A_272 = vector.broadcast %add3A_271 : i32 to vector<16xi32>
        %add3A_273 = arith.addi %mul3A_270, %add3A_272 : vector<16xi32>
        %mul3A_274 = arith.mulf %gather3A_267, %gather3A_260 : vector<16xf32>
        tpu.vector_store_idx %arg16[%add3A_273], %mul3A_274 : memref<320xf32, #tpu.memory_space<vmem>>[vector<16xi32>], vector<16xf32>,
        %broadcast_in_dim3A_275 = arith.constant 1 : i32
        %broadcast_in_dim3A_276 = vector.broadcast %broadcast_in_dim3A_275 : i32 to vector<16xi32>
        %gather3A_277 = tpu.vector_load_idx %arg17[%add3A_257, %broadcast_in_dim3A_276] : memref<80x16xf32, #tpu.memory_space<vmem>>[vector<16xi32>, vector<16xi32>], vector<16xf32>,
        %mul3A_278 = arith.constant 4 : i32
        %mul3A_279 = vector.broadcast %mul3A_278 : i32 to vector<16xi32>
        %mul3A_280 = arith.muli %add3A_257, %mul3A_279 : vector<16xi32>
        %add3A_281 = arith.constant 1 : i32
        %add3A_282 = vector.broadcast %add3A_281 : i32 to vector<16xi32>
        %add3A_283 = arith.addi %mul3A_280, %add3A_282 : vector<16xi32>
        %gather3A_284 = tpu.vector_load_idx %arg15[%add3A_283] : memref<320xf32, #tpu.memory_space<vmem>>[vector<16xi32>], vector<16xf32>,
        %mul3A_285 = arith.constant 4 : i32
        %mul3A_286 = vector.broadcast %mul3A_285 : i32 to vector<16xi32>
        %mul3A_287 = arith.muli %add3A_257, %mul3A_286 : vector<16xi32>
        %add3A_288 = arith.constant 1 : i32
        %add3A_289 = vector.broadcast %add3A_288 : i32 to vector<16xi32>
        %add3A_290 = arith.addi %mul3A_287, %add3A_289 : vector<16xi32>
        %mul3A_291 = arith.mulf %gather3A_284, %gather3A_277 : vector<16xf32>
        tpu.vector_store_idx %arg16[%add3A_290], %mul3A_291 : memref<320xf32, #tpu.memory_space<vmem>>[vector<16xi32>], vector<16xf32>,
        %broadcast_in_dim3A_292 = arith.constant 2 : i32
        %broadcast_in_dim3A_293 = vector.broadcast %broadcast_in_dim3A_292 : i32 to vector<16xi32>
        %gather3A_294 = tpu.vector_load_idx %arg17[%add3A_257, %broadcast_in_dim3A_293] : memref<80x16xf32, #tpu.memory_space<vmem>>[vector<16xi32>, vector<16xi32>], vector<16xf32>,
        %mul3A_295 = arith.constant 4 : i32
        %mul3A_296 = vector.broadcast %mul3A_295 : i32 to vector<16xi32>
        %mul3A_297 = arith.muli %add3A_257, %mul3A_296 : vector<16xi32>
        %add3A_298 = arith.constant 2 : i32
        %add3A_299 = vector.broadcast %add3A_298 : i32 to vector<16xi32>
        %add3A_300 = arith.addi %mul3A_297, %add3A_299 : vector<16xi32>
        %gather3A_301 = tpu.vector_load_idx %arg15[%add3A_300] : memref<320xf32, #tpu.memory_space<vmem>>[vector<16xi32>], vector<16xf32>,
        %mul3A_302 = arith.constant 4 : i32
        %mul3A_303 = vector.broadcast %mul3A_302 : i32 to vector<16xi32>
        %mul3A_304 = arith.muli %add3A_257, %mul3A_303 : vector<16xi32>
        %add3A_305 = arith.constant 2 : i32
        %add3A_306 = vector.broadcast %add3A_305 : i32 to vector<16xi32>
        %add3A_307 = arith.addi %mul3A_304, %add3A_306 : vector<16xi32>
        %mul3A_308 = arith.mulf %gather3A_301, %gather3A_294 : vector<16xf32>
        tpu.vector_store_idx %arg16[%add3A_307], %mul3A_308 : memref<320xf32, #tpu.memory_space<vmem>>[vector<16xi32>], vector<16xf32>,
        %broadcast_in_dim3A_309 = arith.constant 3 : i32
        %broadcast_in_dim3A_310 = vector.broadcast %broadcast_in_dim3A_309 : i32 to vector<16xi32>
        %gather3A_311 = tpu.vector_load_idx %arg17[%add3A_257, %broadcast_in_dim3A_310] : memref<80x16xf32, #tpu.memory_space<vmem>>[vector<16xi32>, vector<16xi32>], vector<16xf32>,
        %mul3A_312 = arith.constant 4 : i32
        %mul3A_313 = vector.broadcast %mul3A_312 : i32 to vector<16xi32>
        %mul3A_314 = arith.muli %add3A_257, %mul3A_313 : vector<16xi32>
        %add3A_315 = arith.constant 3 : i32
        %add3A_316 = vector.broadcast %add3A_315 : i32 to vector<16xi32>
        %add3A_317 = arith.addi %mul3A_314, %add3A_316 : vector<16xi32>
        %gather3A_318 = tpu.vector_load_idx %arg15[%add3A_317] : memref<320xf32, #tpu.memory_space<vmem>>[vector<16xi32>], vector<16xf32>,
        %mul3A_319 = arith.constant 4 : i32
        %mul3A_320 = vector.broadcast %mul3A_319 : i32 to vector<16xi32>
        %mul3A_321 = arith.muli %add3A_257, %mul3A_320 : vector<16xi32>
        %add3A_322 = arith.constant 3 : i32
        %add3A_323 = vector.broadcast %add3A_322 : i32 to vector<16xi32>
        %add3A_324 = arith.addi %mul3A_321, %add3A_323 : vector<16xi32>
        %mul3A_325 = arith.mulf %gather3A_318, %gather3A_311 : vector<16xf32>
        tpu.vector_store_idx %arg16[%add3A_324], %mul3A_325 : memref<320xf32, #tpu.memory_space<vmem>>[vector<16xi32>], vector<16xf32>,
        %add3A_326 = arith.constant 48 : i32
        %add3A_327 = vector.broadcast %add3A_326 : i32 to vector<16xi32>
        %add3A_328 = arith.addi %iota3A, %add3A_327 : vector<16xi32>
        %broadcast_in_dim3A_329 = arith.constant 0 : i32
        %broadcast_in_dim3A_330 = vector.broadcast %broadcast_in_dim3A_329 : i32 to vector<16xi32>
        %gather3A_331 = tpu.vector_load_idx %arg17[%add3A_328, %broadcast_in_dim3A_330] : memref<80x16xf32, #tpu.memory_space<vmem>>[vector<16xi32>, vector<16xi32>], vector<16xf32>,
        %mul3A_332 = arith.constant 4 : i32
        %mul3A_333 = vector.broadcast %mul3A_332 : i32 to vector<16xi32>
        %mul3A_334 = arith.muli %add3A_328, %mul3A_333 : vector<16xi32>
        %add3A_335 = arith.constant 0 : i32
        %add3A_336 = vector.broadcast %add3A_335 : i32 to vector<16xi32>
        %add3A_337 = arith.addi %mul3A_334, %add3A_336 : vector<16xi32>
        %gather3A_338 = tpu.vector_load_idx %arg15[%add3A_337] : memref<320xf32, #tpu.memory_space<vmem>>[vector<16xi32>], vector<16xf32>,
        %mul3A_339 = arith.constant 4 : i32
        %mul3A_340 = vector.broadcast %mul3A_339 : i32 to vector<16xi32>
        %mul3A_341 = arith.muli %add3A_328, %mul3A_340 : vector<16xi32>
        %add3A_342 = arith.constant 0 : i32
        %add3A_343 = vector.broadcast %add3A_342 : i32 to vector<16xi32>
        %add3A_344 = arith.addi %mul3A_341, %add3A_343 : vector<16xi32>
        %mul3A_345 = arith.mulf %gather3A_338, %gather3A_331 : vector<16xf32>
        tpu.vector_store_idx %arg16[%add3A_344], %mul3A_345 : memref<320xf32, #tpu.memory_space<vmem>>[vector<16xi32>], vector<16xf32>,
        %broadcast_in_dim3A_346 = arith.constant 1 : i32
        %broadcast_in_dim3A_347 = vector.broadcast %broadcast_in_dim3A_346 : i32 to vector<16xi32>
        %gather3A_348 = tpu.vector_load_idx %arg17[%add3A_328, %broadcast_in_dim3A_347] : memref<80x16xf32, #tpu.memory_space<vmem>>[vector<16xi32>, vector<16xi32>], vector<16xf32>,
        %mul3A_349 = arith.constant 4 : i32
        %mul3A_350 = vector.broadcast %mul3A_349 : i32 to vector<16xi32>
        %mul3A_351 = arith.muli %add3A_328, %mul3A_350 : vector<16xi32>
        %add3A_352 = arith.constant 1 : i32
        %add3A_353 = vector.broadcast %add3A_352 : i32 to vector<16xi32>
        %add3A_354 = arith.addi %mul3A_351, %add3A_353 : vector<16xi32>
        %gather3A_355 = tpu.vector_load_idx %arg15[%add3A_354] : memref<320xf32, #tpu.memory_space<vmem>>[vector<16xi32>], vector<16xf32>,
        %mul3A_356 = arith.constant 4 : i32
        %mul3A_357 = vector.broadcast %mul3A_356 : i32 to vector<16xi32>
        %mul3A_358 = arith.muli %add3A_328, %mul3A_357 : vector<16xi32>
        %add3A_359 = arith.constant 1 : i32
        %add3A_360 = vector.broadcast %add3A_359 : i32 to vector<16xi32>
        %add3A_361 = arith.addi %mul3A_358, %add3A_360 : vector<16xi32>
        %mul3A_362 = arith.mulf %gather3A_355, %gather3A_348 : vector<16xf32>
        tpu.vector_store_idx %arg16[%add3A_361], %mul3A_362 : memref<320xf32, #tpu.memory_space<vmem>>[vector<16xi32>], vector<16xf32>,
        %broadcast_in_dim3A_363 = arith.constant 2 : i32
        %broadcast_in_dim3A_364 = vector.broadcast %broadcast_in_dim3A_363 : i32 to vector<16xi32>
        %gather3A_365 = tpu.vector_load_idx %arg17[%add3A_328, %broadcast_in_dim3A_364] : memref<80x16xf32, #tpu.memory_space<vmem>>[vector<16xi32>, vector<16xi32>], vector<16xf32>,
        %mul3A_366 = arith.constant 4 : i32
        %mul3A_367 = vector.broadcast %mul3A_366 : i32 to vector<16xi32>
        %mul3A_368 = arith.muli %add3A_328, %mul3A_367 : vector<16xi32>
        %add3A_369 = arith.constant 2 : i32
        %add3A_370 = vector.broadcast %add3A_369 : i32 to vector<16xi32>
        %add3A_371 = arith.addi %mul3A_368, %add3A_370 : vector<16xi32>
        %gather3A_372 = tpu.vector_load_idx %arg15[%add3A_371] : memref<320xf32, #tpu.memory_space<vmem>>[vector<16xi32>], vector<16xf32>,
        %mul3A_373 = arith.constant 4 : i32
        %mul3A_374 = vector.broadcast %mul3A_373 : i32 to vector<16xi32>
        %mul3A_375 = arith.muli %add3A_328, %mul3A_374 : vector<16xi32>
        %add3A_376 = arith.constant 2 : i32
        %add3A_377 = vector.broadcast %add3A_376 : i32 to vector<16xi32>
        %add3A_378 = arith.addi %mul3A_375, %add3A_377 : vector<16xi32>
        %mul3A_379 = arith.mulf %gather3A_372, %gather3A_365 : vector<16xf32>
        tpu.vector_store_idx %arg16[%add3A_378], %mul3A_379 : memref<320xf32, #tpu.memory_space<vmem>>[vector<16xi32>], vector<16xf32>,
        %broadcast_in_dim3A_380 = arith.constant 3 : i32
        %broadcast_in_dim3A_381 = vector.broadcast %broadcast_in_dim3A_380 : i32 to vector<16xi32>
        %gather3A_382 = tpu.vector_load_idx %arg17[%add3A_328, %broadcast_in_dim3A_381] : memref<80x16xf32, #tpu.memory_space<vmem>>[vector<16xi32>, vector<16xi32>], vector<16xf32>,
        %mul3A_383 = arith.constant 4 : i32
        %mul3A_384 = vector.broadcast %mul3A_383 : i32 to vector<16xi32>
        %mul3A_385 = arith.muli %add3A_328, %mul3A_384 : vector<16xi32>
        %add3A_386 = arith.constant 3 : i32
        %add3A_387 = vector.broadcast %add3A_386 : i32 to vector<16xi32>
        %add3A_388 = arith.addi %mul3A_385, %add3A_387 : vector<16xi32>
        %gather3A_389 = tpu.vector_load_idx %arg15[%add3A_388] : memref<320xf32, #tpu.memory_space<vmem>>[vector<16xi32>], vector<16xf32>,
        %mul3A_390 = arith.constant 4 : i32
        %mul3A_391 = vector.broadcast %mul3A_390 : i32 to vector<16xi32>
        %mul3A_392 = arith.muli %add3A_328, %mul3A_391 : vector<16xi32>
        %add3A_393 = arith.constant 3 : i32
        %add3A_394 = vector.broadcast %add3A_393 : i32 to vector<16xi32>
        %add3A_395 = arith.addi %mul3A_392, %add3A_394 : vector<16xi32>
        %mul3A_396 = arith.mulf %gather3A_389, %gather3A_382 : vector<16xf32>
        tpu.vector_store_idx %arg16[%add3A_395], %mul3A_396 : memref<320xf32, #tpu.memory_space<vmem>>[vector<16xi32>], vector<16xf32>,
        %add3A_397 = arith.constant 64 : i32
        %add3A_398 = vector.broadcast %add3A_397 : i32 to vector<16xi32>
        %add3A_399 = arith.addi %iota3A, %add3A_398 : vector<16xi32>
        %broadcast_in_dim3A_400 = arith.constant 0 : i32
        %broadcast_in_dim3A_401 = vector.broadcast %broadcast_in_dim3A_400 : i32 to vector<16xi32>
        %gather3A_402 = tpu.vector_load_idx %arg17[%add3A_399, %broadcast_in_dim3A_401] : memref<80x16xf32, #tpu.memory_space<vmem>>[vector<16xi32>, vector<16xi32>], vector<16xf32>,
        %mul3A_403 = arith.constant 4 : i32
        %mul3A_404 = vector.broadcast %mul3A_403 : i32 to vector<16xi32>
        %mul3A_405 = arith.muli %add3A_399, %mul3A_404 : vector<16xi32>
        %add3A_406 = arith.constant 0 : i32
        %add3A_407 = vector.broadcast %add3A_406 : i32 to vector<16xi32>
        %add3A_408 = arith.addi %mul3A_405, %add3A_407 : vector<16xi32>
        %gather3A_409 = tpu.vector_load_idx %arg15[%add3A_408] : memref<320xf32, #tpu.memory_space<vmem>>[vector<16xi32>], vector<16xf32>,
        %mul3A_410 = arith.constant 4 : i32
        %mul3A_411 = vector.broadcast %mul3A_410 : i32 to vector<16xi32>
        %mul3A_412 = arith.muli %add3A_399, %mul3A_411 : vector<16xi32>
        %add3A_413 = arith.constant 0 : i32
        %add3A_414 = vector.broadcast %add3A_413 : i32 to vector<16xi32>
        %add3A_415 = arith.addi %mul3A_412, %add3A_414 : vector<16xi32>
        %mul3A_416 = arith.mulf %gather3A_409, %gather3A_402 : vector<16xf32>
        tpu.vector_store_idx %arg16[%add3A_415], %mul3A_416 : memref<320xf32, #tpu.memory_space<vmem>>[vector<16xi32>], vector<16xf32>,
        %broadcast_in_dim3A_417 = arith.constant 1 : i32
        %broadcast_in_dim3A_418 = vector.broadcast %broadcast_in_dim3A_417 : i32 to vector<16xi32>
        %gather3A_419 = tpu.vector_load_idx %arg17[%add3A_399, %broadcast_in_dim3A_418] : memref<80x16xf32, #tpu.memory_space<vmem>>[vector<16xi32>, vector<16xi32>], vector<16xf32>,
        %mul3A_420 = arith.constant 4 : i32
        %mul3A_421 = vector.broadcast %mul3A_420 : i32 to vector<16xi32>
        %mul3A_422 = arith.muli %add3A_399, %mul3A_421 : vector<16xi32>
        %add3A_423 = arith.constant 1 : i32
        %add3A_424 = vector.broadcast %add3A_423 : i32 to vector<16xi32>
        %add3A_425 = arith.addi %mul3A_422, %add3A_424 : vector<16xi32>
        %gather3A_426 = tpu.vector_load_idx %arg15[%add3A_425] : memref<320xf32, #tpu.memory_space<vmem>>[vector<16xi32>], vector<16xf32>,
        %mul3A_427 = arith.constant 4 : i32
        %mul3A_428 = vector.broadcast %mul3A_427 : i32 to vector<16xi32>
        %mul3A_429 = arith.muli %add3A_399, %mul3A_428 : vector<16xi32>
        %add3A_430 = arith.constant 1 : i32
        %add3A_431 = vector.broadcast %add3A_430 : i32 to vector<16xi32>
        %add3A_432 = arith.addi %mul3A_429, %add3A_431 : vector<16xi32>
        %mul3A_433 = arith.mulf %gather3A_426, %gather3A_419 : vector<16xf32>
        tpu.vector_store_idx %arg16[%add3A_432], %mul3A_433 : memref<320xf32, #tpu.memory_space<vmem>>[vector<16xi32>], vector<16xf32>,
        %broadcast_in_dim3A_434 = arith.constant 2 : i32
        %broadcast_in_dim3A_435 = vector.broadcast %broadcast_in_dim3A_434 : i32 to vector<16xi32>
        %gather3A_436 = tpu.vector_load_idx %arg17[%add3A_399, %broadcast_in_dim3A_435] : memref<80x16xf32, #tpu.memory_space<vmem>>[vector<16xi32>, vector<16xi32>], vector<16xf32>,
        %mul3A_437 = arith.constant 4 : i32
        %mul3A_438 = vector.broadcast %mul3A_437 : i32 to vector<16xi32>
        %mul3A_439 = arith.muli %add3A_399, %mul3A_438 : vector<16xi32>
        %add3A_440 = arith.constant 2 : i32
        %add3A_441 = vector.broadcast %add3A_440 : i32 to vector<16xi32>
        %add3A_442 = arith.addi %mul3A_439, %add3A_441 : vector<16xi32>
        %gather3A_443 = tpu.vector_load_idx %arg15[%add3A_442] : memref<320xf32, #tpu.memory_space<vmem>>[vector<16xi32>], vector<16xf32>,
        %mul3A_444 = arith.constant 4 : i32
        %mul3A_445 = vector.broadcast %mul3A_444 : i32 to vector<16xi32>
        %mul3A_446 = arith.muli %add3A_399, %mul3A_445 : vector<16xi32>
        %add3A_447 = arith.constant 2 : i32
        %add3A_448 = vector.broadcast %add3A_447 : i32 to vector<16xi32>
        %add3A_449 = arith.addi %mul3A_446, %add3A_448 : vector<16xi32>
        %mul3A_450 = arith.mulf %gather3A_443, %gather3A_436 : vector<16xf32>
        tpu.vector_store_idx %arg16[%add3A_449], %mul3A_450 : memref<320xf32, #tpu.memory_space<vmem>>[vector<16xi32>], vector<16xf32>,
        %broadcast_in_dim3A_451 = arith.constant 3 : i32
        %broadcast_in_dim3A_452 = vector.broadcast %broadcast_in_dim3A_451 : i32 to vector<16xi32>
        %gather3A_453 = tpu.vector_load_idx %arg17[%add3A_399, %broadcast_in_dim3A_452] : memref<80x16xf32, #tpu.memory_space<vmem>>[vector<16xi32>, vector<16xi32>], vector<16xf32>,
        %mul3A_454 = arith.constant 4 : i32
        %mul3A_455 = vector.broadcast %mul3A_454 : i32 to vector<16xi32>
        %mul3A_456 = arith.muli %add3A_399, %mul3A_455 : vector<16xi32>
        %add3A_457 = arith.constant 3 : i32
        %add3A_458 = vector.broadcast %add3A_457 : i32 to vector<16xi32>
        %add3A_459 = arith.addi %mul3A_456, %add3A_458 : vector<16xi32>
        %gather3A_460 = tpu.vector_load_idx %arg15[%add3A_459] : memref<320xf32, #tpu.memory_space<vmem>>[vector<16xi32>], vector<16xf32>,
        %mul3A_461 = arith.constant 4 : i32
        %mul3A_462 = vector.broadcast %mul3A_461 : i32 to vector<16xi32>
        %mul3A_463 = arith.muli %add3A_399, %mul3A_462 : vector<16xi32>
        %add3A_464 = arith.constant 3 : i32
        %add3A_465 = vector.broadcast %add3A_464 : i32 to vector<16xi32>
        %add3A_466 = arith.addi %mul3A_463, %add3A_465 : vector<16xi32>
        %mul3A_467 = arith.mulf %gather3A_460, %gather3A_453 : vector<16xf32>
        tpu.vector_store_idx %arg16[%add3A_466], %mul3A_467 : memref<320xf32, #tpu.memory_space<vmem>>[vector<16xi32>], vector<16xf32>,
        %dma_wait3A_468 = arith.constant 0 : i32
        %dma_wait3A_469 = arith.constant 0 : i32
        %dma_wait3A_470 = tpu.memref_slice %arg5[%dma_wait3A_468, %dma_wait3A_469] : memref<10000x128xf32, #tpu.memory_space<hbm>> -> memref<10000x128xf32, #tpu.memory_space<hbm>>
        tpu.wait_indirect_dma semaphore(%arg22 : memref<!tpu.dma_semaphore, #tpu.memory_space<semaphore_mem>>) src(%dma_wait3A_470 : memref<10000x128xf32, #tpu.memory_space<hbm>>) dst(%arg18 : memref<80x128xf32, #tpu.memory_space<vmem>>)
        %scan3A_471 = arith.constant 0 : i32
        %scan3A_472 = arith.constant 0 : i32
        %scan3A_473 = arith.constant 20 : i32
        %scan3A_474 = arith.addi %scan3A_472, %scan3A_473 : i32
        %scan3A_475 = arith.constant 1 : i32
        %scan3A_476 = scf.for %scan3A_478 = %scan3A_472 to %scan3A_474 step %scan3A_475 iter_args(%scan3A_479 = %scan3A_471) -> (i32)  : i32 {
          %mul3A_480 = arith.constant 16 : i32
          %mul3A_481 = arith.muli %scan3A_478, %mul3A_480 : i32
          %get3A = arith.index_cast %mul3A_481 : i32 to index
          %get3A_482 = tpu.vector_load %arg16[%get3A] {strides = array<i32>} : memref<320xf32, #tpu.memory_space<vmem>>, vector<16xf32>,
          %slice3A = vector.extract_strided_slice %get3A_482 {offsets = [0], sizes = [1], strides = [1]} : vector<16xf32> to vector<1xf32>
          %squeeze3A = vector.extract %slice3A[0] : f32 from vector<1xf32>
          %broadcast_in_dim3A_483 = vector.broadcast %squeeze3A : f32 to vector<16xf32>
          %mul3A_484 = arith.constant 4 : i32
          %mul3A_485 = arith.muli %scan3A_478, %mul3A_484 : i32
          %add3A_486 = arith.constant 0 : i32
          %add3A_487 = arith.addi %mul3A_485, %add3A_486 : i32
          %get3A_488 = arith.index_cast %add3A_487 : i32 to index
          %get3A_489 = arith.constant 0 : index
          %get3A_490 = tpu.vector_load %arg18[%get3A_488, %get3A_489] {strides = array<i32>} : memref<80x128xf32, #tpu.memory_space<vmem>>, vector<16xf32>,
          %mul3A_491 = arith.mulf %get3A_490, %broadcast_in_dim3A_483 : vector<16xf32>
          %mul3A_492 = arith.constant 4 : i32
          %mul3A_493 = arith.muli %scan3A_478, %mul3A_492 : i32
          %add3A_494 = arith.constant 0 : i32
          %add3A_495 = arith.addi %mul3A_493, %add3A_494 : i32
          %swap3A = arith.index_cast %add3A_495 : i32 to index
          %swap3A_496 = arith.constant 0 : index
          %swap3A_497 = tpu.vector_load %arg18[%swap3A, %swap3A_496] {strides = array<i32>} : memref<80x128xf32, #tpu.memory_space<vmem>>, vector<16xf32>,
          tpu.vector_store %arg18[%swap3A, %swap3A_496], %mul3A_491 {strides = array<i32>} : memref<80x128xf32, #tpu.memory_space<vmem>>, vector<16xf32>,
          %mul3A_498 = arith.constant 4 : i32
          %mul3A_499 = arith.muli %scan3A_478, %mul3A_498 : i32
          %add3A_500 = arith.constant 0 : i32
          %add3A_501 = arith.addi %mul3A_499, %add3A_500 : i32
          %get3A_502 = arith.index_cast %add3A_501 : i32 to index
          %get3A_503 = arith.constant 16 : index
          %get3A_504 = tpu.vector_load %arg18[%get3A_502, %get3A_503] {strides = array<i32>} : memref<80x128xf32, #tpu.memory_space<vmem>>, vector<16xf32>,
          %mul3A_505 = arith.mulf %get3A_504, %broadcast_in_dim3A_483 : vector<16xf32>
          %mul3A_506 = arith.constant 4 : i32
          %mul3A_507 = arith.muli %scan3A_478, %mul3A_506 : i32
          %add3A_508 = arith.constant 0 : i32
          %add3A_509 = arith.addi %mul3A_507, %add3A_508 : i32
          %swap3A_510 = arith.index_cast %add3A_509 : i32 to index
          %swap3A_511 = arith.constant 16 : index
          %swap3A_512 = tpu.vector_load %arg18[%swap3A_510, %swap3A_511] {strides = array<i32>} : memref<80x128xf32, #tpu.memory_space<vmem>>, vector<16xf32>,
          tpu.vector_store %arg18[%swap3A_510, %swap3A_511], %mul3A_505 {strides = array<i32>} : memref<80x128xf32, #tpu.memory_space<vmem>>, vector<16xf32>,
          %slice3A_513 = vector.extract_strided_slice %get3A_482 {offsets = [1], sizes = [1], strides = [1]} : vector<16xf32> to vector<1xf32>
          %squeeze3A_514 = vector.extract %slice3A_513[0] : f32 from vector<1xf32>
          %broadcast_in_dim3A_515 = vector.broadcast %squeeze3A_514 : f32 to vector<16xf32>
          %mul3A_516 = arith.constant 4 : i32
          %mul3A_517 = arith.muli %scan3A_478, %mul3A_516 : i32
          %add3A_518 = arith.constant 0 : i32
          %add3A_519 = arith.addi %mul3A_517, %add3A_518 : i32
          %get3A_520 = arith.index_cast %add3A_519 : i32 to index
          %get3A_521 = arith.constant 32 : index
          %get3A_522 = tpu.vector_load %arg18[%get3A_520, %get3A_521] {strides = array<i32>} : memref<80x128xf32, #tpu.memory_space<vmem>>, vector<16xf32>,
          %mul3A_523 = arith.mulf %get3A_522, %broadcast_in_dim3A_515 : vector<16xf32>
          %mul3A_524 = arith.constant 4 : i32
          %mul3A_525 = arith.muli %scan3A_478, %mul3A_524 : i32
          %add3A_526 = arith.constant 0 : i32
          %add3A_527 = arith.addi %mul3A_525, %add3A_526 : i32
          %swap3A_528 = arith.index_cast %add3A_527 : i32 to index
          %swap3A_529 = arith.constant 32 : index
          %swap3A_530 = tpu.vector_load %arg18[%swap3A_528, %swap3A_529] {strides = array<i32>} : memref<80x128xf32, #tpu.memory_space<vmem>>, vector<16xf32>,
          tpu.vector_store %arg18[%swap3A_528, %swap3A_529], %mul3A_523 {strides = array<i32>} : memref<80x128xf32, #tpu.memory_space<vmem>>, vector<16xf32>,
          %mul3A_531 = arith.constant 4 : i32
          %mul3A_532 = arith.muli %scan3A_478, %mul3A_531 : i32
          %add3A_533 = arith.constant 0 : i32
          %add3A_534 = arith.addi %mul3A_532, %add3A_533 : i32
          %get3A_535 = arith.index_cast %add3A_534 : i32 to index
          %get3A_536 = arith.constant 48 : index
          %get3A_537 = tpu.vector_load %arg18[%get3A_535, %get3A_536] {strides = array<i32>} : memref<80x128xf32, #tpu.memory_space<vmem>>, vector<16xf32>,
          %mul3A_538 = arith.mulf %get3A_537, %broadcast_in_dim3A_515 : vector<16xf32>
          %mul3A_539 = arith.constant 4 : i32
          %mul3A_540 = arith.muli %scan3A_478, %mul3A_539 : i32
          %add3A_541 = arith.constant 0 : i32
          %add3A_542 = arith.addi %mul3A_540, %add3A_541 : i32
          %swap3A_543 = arith.index_cast %add3A_542 : i32 to index
          %swap3A_544 = arith.constant 48 : index
          %swap3A_545 = tpu.vector_load %arg18[%swap3A_543, %swap3A_544] {strides = array<i32>} : memref<80x128xf32, #tpu.memory_space<vmem>>, vector<16xf32>,
          tpu.vector_store %arg18[%swap3A_543, %swap3A_544], %mul3A_538 {strides = array<i32>} : memref<80x128xf32, #tpu.memory_space<vmem>>, vector<16xf32>,
          %slice3A_546 = vector.extract_strided_slice %get3A_482 {offsets = [2], sizes = [1], strides = [1]} : vector<16xf32> to vector<1xf32>
          %squeeze3A_547 = vector.extract %slice3A_546[0] : f32 from vector<1xf32>
          %broadcast_in_dim3A_548 = vector.broadcast %squeeze3A_547 : f32 to vector<16xf32>
          %mul3A_549 = arith.constant 4 : i32
          %mul3A_550 = arith.muli %scan3A_478, %mul3A_549 : i32
          %add3A_551 = arith.constant 0 : i32
          %add3A_552 = arith.addi %mul3A_550, %add3A_551 : i32
          %get3A_553 = arith.index_cast %add3A_552 : i32 to index
          %get3A_554 = arith.constant 64 : index
          %get3A_555 = tpu.vector_load %arg18[%get3A_553, %get3A_554] {strides = array<i32>} : memref<80x128xf32, #tpu.memory_space<vmem>>, vector<16xf32>,
          %mul3A_556 = arith.mulf %get3A_555, %broadcast_in_dim3A_548 : vector<16xf32>
          %mul3A_557 = arith.constant 4 : i32
          %mul3A_558 = arith.muli %scan3A_478, %mul3A_557 : i32
          %add3A_559 = arith.constant 0 : i32
          %add3A_560 = arith.addi %mul3A_558, %add3A_559 : i32
          %swap3A_561 = arith.index_cast %add3A_560 : i32 to index
          %swap3A_562 = arith.constant 64 : index
          %swap3A_563 = tpu.vector_load %arg18[%swap3A_561, %swap3A_562] {strides = array<i32>} : memref<80x128xf32, #tpu.memory_space<vmem>>, vector<16xf32>,
          tpu.vector_store %arg18[%swap3A_561, %swap3A_562], %mul3A_556 {strides = array<i32>} : memref<80x128xf32, #tpu.memory_space<vmem>>, vector<16xf32>,
          %mul3A_564 = arith.constant 4 : i32
          %mul3A_565 = arith.muli %scan3A_478, %mul3A_564 : i32
          %add3A_566 = arith.constant 0 : i32
          %add3A_567 = arith.addi %mul3A_565, %add3A_566 : i32
          %get3A_568 = arith.index_cast %add3A_567 : i32 to index
          %get3A_569 = arith.constant 80 : index
          %get3A_570 = tpu.vector_load %arg18[%get3A_568, %get3A_569] {strides = array<i32>} : memref<80x128xf32, #tpu.memory_space<vmem>>, vector<16xf32>,
          %mul3A_571 = arith.mulf %get3A_570, %broadcast_in_dim3A_548 : vector<16xf32>
          %mul3A_572 = arith.constant 4 : i32
          %mul3A_573 = arith.muli %scan3A_478, %mul3A_572 : i32
          %add3A_574 = arith.constant 0 : i32
          %add3A_575 = arith.addi %mul3A_573, %add3A_574 : i32
          %swap3A_576 = arith.index_cast %add3A_575 : i32 to index
          %swap3A_577 = arith.constant 80 : index
          %swap3A_578 = tpu.vector_load %arg18[%swap3A_576, %swap3A_577] {strides = array<i32>} : memref<80x128xf32, #tpu.memory_space<vmem>>, vector<16xf32>,
          tpu.vector_store %arg18[%swap3A_576, %swap3A_577], %mul3A_571 {strides = array<i32>} : memref<80x128xf32, #tpu.memory_space<vmem>>, vector<16xf32>,
          %slice3A_579 = vector.extract_strided_slice %get3A_482 {offsets = [3], sizes = [1], strides = [1]} : vector<16xf32> to vector<1xf32>
          %squeeze3A_580 = vector.extract %slice3A_579[0] : f32 from vector<1xf32>
          %broadcast_in_dim3A_581 = vector.broadcast %squeeze3A_580 : f32 to vector<16xf32>
          %mul3A_582 = arith.constant 4 : i32
          %mul3A_583 = arith.muli %scan3A_478, %mul3A_582 : i32
          %add3A_584 = arith.constant 0 : i32
          %add3A_585 = arith.addi %mul3A_583, %add3A_584 : i32
          %get3A_586 = arith.index_cast %add3A_585 : i32 to index
          %get3A_587 = arith.constant 96 : index
          %get3A_588 = tpu.vector_load %arg18[%get3A_586, %get3A_587] {strides = array<i32>} : memref<80x128xf32, #tpu.memory_space<vmem>>, vector<16xf32>,
          %mul3A_589 = arith.mulf %get3A_588, %broadcast_in_dim3A_581 : vector<16xf32>
          %mul3A_590 = arith.constant 4 : i32
          %mul3A_591 = arith.muli %scan3A_478, %mul3A_590 : i32
          %add3A_592 = arith.constant 0 : i32
          %add3A_593 = arith.addi %mul3A_591, %add3A_592 : i32
          %swap3A_594 = arith.index_cast %add3A_593 : i32 to index
          %swap3A_595 = arith.constant 96 : index
          %swap3A_596 = tpu.vector_load %arg18[%swap3A_594, %swap3A_595] {strides = array<i32>} : memref<80x128xf32, #tpu.memory_space<vmem>>, vector<16xf32>,
          tpu.vector_store %arg18[%swap3A_594, %swap3A_595], %mul3A_589 {strides = array<i32>} : memref<80x128xf32, #tpu.memory_space<vmem>>, vector<16xf32>,
          %mul3A_597 = arith.constant 4 : i32
          %mul3A_598 = arith.muli %scan3A_478, %mul3A_597 : i32
          %add3A_599 = arith.constant 0 : i32
          %add3A_600 = arith.addi %mul3A_598, %add3A_599 : i32
          %get3A_601 = arith.index_cast %add3A_600 : i32 to index
          %get3A_602 = arith.constant 112 : index
          %get3A_603 = tpu.vector_load %arg18[%get3A_601, %get3A_602] {strides = array<i32>} : memref<80x128xf32, #tpu.memory_space<vmem>>, vector<16xf32>,
          %mul3A_604 = arith.mulf %get3A_603, %broadcast_in_dim3A_581 : vector<16xf32>
          %mul3A_605 = arith.constant 4 : i32
          %mul3A_606 = arith.muli %scan3A_478, %mul3A_605 : i32
          %add3A_607 = arith.constant 0 : i32
          %add3A_608 = arith.addi %mul3A_606, %add3A_607 : i32
          %swap3A_609 = arith.index_cast %add3A_608 : i32 to index
          %swap3A_610 = arith.constant 112 : index
          %swap3A_611 = tpu.vector_load %arg18[%swap3A_609, %swap3A_610] {strides = array<i32>} : memref<80x128xf32, #tpu.memory_space<vmem>>, vector<16xf32>,
          tpu.vector_store %arg18[%swap3A_609, %swap3A_610], %mul3A_604 {strides = array<i32>} : memref<80x128xf32, #tpu.memory_space<vmem>>, vector<16xf32>,
          %slice3A_612 = vector.extract_strided_slice %get3A_482 {offsets = [4], sizes = [1], strides = [1]} : vector<16xf32> to vector<1xf32>
          %squeeze3A_613 = vector.extract %slice3A_612[0] : f32 from vector<1xf32>
          %broadcast_in_dim3A_614 = vector.broadcast %squeeze3A_613 : f32 to vector<16xf32>
          %mul3A_615 = arith.constant 4 : i32
          %mul3A_616 = arith.muli %scan3A_478, %mul3A_615 : i32
          %add3A_617 = arith.constant 1 : i32
          %add3A_618 = arith.addi %mul3A_616, %add3A_617 : i32
          %get3A_619 = arith.index_cast %add3A_618 : i32 to index
          %get3A_620 = arith.constant 0 : index
          %get3A_621 = tpu.vector_load %arg18[%get3A_619, %get3A_620] {strides = array<i32>} : memref<80x128xf32, #tpu.memory_space<vmem>>, vector<16xf32>,
          %mul3A_622 = arith.mulf %get3A_621, %broadcast_in_dim3A_614 : vector<16xf32>
          %mul3A_623 = arith.constant 4 : i32
          %mul3A_624 = arith.muli %scan3A_478, %mul3A_623 : i32
          %add3A_625 = arith.constant 1 : i32
          %add3A_626 = arith.addi %mul3A_624, %add3A_625 : i32
          %swap3A_627 = arith.index_cast %add3A_626 : i32 to index
          %swap3A_628 = arith.constant 0 : index
          %swap3A_629 = tpu.vector_load %arg18[%swap3A_627, %swap3A_628] {strides = array<i32>} : memref<80x128xf32, #tpu.memory_space<vmem>>, vector<16xf32>,
          tpu.vector_store %arg18[%swap3A_627, %swap3A_628], %mul3A_622 {strides = array<i32>} : memref<80x128xf32, #tpu.memory_space<vmem>>, vector<16xf32>,
          %mul3A_630 = arith.constant 4 : i32
          %mul3A_631 = arith.muli %scan3A_478, %mul3A_630 : i32
          %add3A_632 = arith.constant 1 : i32
          %add3A_633 = arith.addi %mul3A_631, %add3A_632 : i32
          %get3A_634 = arith.index_cast %add3A_633 : i32 to index
          %get3A_635 = arith.constant 16 : index
          %get3A_636 = tpu.vector_load %arg18[%get3A_634, %get3A_635] {strides = array<i32>} : memref<80x128xf32, #tpu.memory_space<vmem>>, vector<16xf32>,
          %mul3A_637 = arith.mulf %get3A_636, %broadcast_in_dim3A_614 : vector<16xf32>
          %mul3A_638 = arith.constant 4 : i32
          %mul3A_639 = arith.muli %scan3A_478, %mul3A_638 : i32
          %add3A_640 = arith.constant 1 : i32
          %add3A_641 = arith.addi %mul3A_639, %add3A_640 : i32
          %swap3A_642 = arith.index_cast %add3A_641 : i32 to index
          %swap3A_643 = arith.constant 16 : index
          %swap3A_644 = tpu.vector_load %arg18[%swap3A_642, %swap3A_643] {strides = array<i32>} : memref<80x128xf32, #tpu.memory_space<vmem>>, vector<16xf32>,
          tpu.vector_store %arg18[%swap3A_642, %swap3A_643], %mul3A_637 {strides = array<i32>} : memref<80x128xf32, #tpu.memory_space<vmem>>, vector<16xf32>,
          %slice3A_645 = vector.extract_strided_slice %get3A_482 {offsets = [5], sizes = [1], strides = [1]} : vector<16xf32> to vector<1xf32>
          %squeeze3A_646 = vector.extract %slice3A_645[0] : f32 from vector<1xf32>
          %broadcast_in_dim3A_647 = vector.broadcast %squeeze3A_646 : f32 to vector<16xf32>
          %mul3A_648 = arith.constant 4 : i32
          %mul3A_649 = arith.muli %scan3A_478, %mul3A_648 : i32
          %add3A_650 = arith.constant 1 : i32
          %add3A_651 = arith.addi %mul3A_649, %add3A_650 : i32
          %get3A_652 = arith.index_cast %add3A_651 : i32 to index
          %get3A_653 = arith.constant 32 : index
          %get3A_654 = tpu.vector_load %arg18[%get3A_652, %get3A_653] {strides = array<i32>} : memref<80x128xf32, #tpu.memory_space<vmem>>, vector<16xf32>,
          %mul3A_655 = arith.mulf %get3A_654, %broadcast_in_dim3A_647 : vector<16xf32>
          %mul3A_656 = arith.constant 4 : i32
          %mul3A_657 = arith.muli %scan3A_478, %mul3A_656 : i32
          %add3A_658 = arith.constant 1 : i32
          %add3A_659 = arith.addi %mul3A_657, %add3A_658 : i32
          %swap3A_660 = arith.index_cast %add3A_659 : i32 to index
          %swap3A_661 = arith.constant 32 : index
          %swap3A_662 = tpu.vector_load %arg18[%swap3A_660, %swap3A_661] {strides = array<i32>} : memref<80x128xf32, #tpu.memory_space<vmem>>, vector<16xf32>,
          tpu.vector_store %arg18[%swap3A_660, %swap3A_661], %mul3A_655 {strides = array<i32>} : memref<80x128xf32, #tpu.memory_space<vmem>>, vector<16xf32>,
          %mul3A_663 = arith.constant 4 : i32
          %mul3A_664 = arith.muli %scan3A_478, %mul3A_663 : i32
          %add3A_665 = arith.constant 1 : i32
          %add3A_666 = arith.addi %mul3A_664, %add3A_665 : i32
          %get3A_667 = arith.index_cast %add3A_666 : i32 to index
          %get3A_668 = arith.constant 48 : index
          %get3A_669 = tpu.vector_load %arg18[%get3A_667, %get3A_668] {strides = array<i32>} : memref<80x128xf32, #tpu.memory_space<vmem>>, vector<16xf32>,
          %mul3A_670 = arith.mulf %get3A_669, %broadcast_in_dim3A_647 : vector<16xf32>
          %mul3A_671 = arith.constant 4 : i32
          %mul3A_672 = arith.muli %scan3A_478, %mul3A_671 : i32
          %add3A_673 = arith.constant 1 : i32
          %add3A_674 = arith.addi %mul3A_672, %add3A_673 : i32
          %swap3A_675 = arith.index_cast %add3A_674 : i32 to index
          %swap3A_676 = arith.constant 48 : index
          %swap3A_677 = tpu.vector_load %arg18[%swap3A_675, %swap3A_676] {strides = array<i32>} : memref<80x128xf32, #tpu.memory_space<vmem>>, vector<16xf32>,
          tpu.vector_store %arg18[%swap3A_675, %swap3A_676], %mul3A_670 {strides = array<i32>} : memref<80x128xf32, #tpu.memory_space<vmem>>, vector<16xf32>,
          %slice3A_678 = vector.extract_strided_slice %get3A_482 {offsets = [6], sizes = [1], strides = [1]} : vector<16xf32> to vector<1xf32>
          %squeeze3A_679 = vector.extract %slice3A_678[0] : f32 from vector<1xf32>
          %broadcast_in_dim3A_680 = vector.broadcast %squeeze3A_679 : f32 to vector<16xf32>
          %mul3A_681 = arith.constant 4 : i32
          %mul3A_682 = arith.muli %scan3A_478, %mul3A_681 : i32
          %add3A_683 = arith.constant 1 : i32
          %add3A_684 = arith.addi %mul3A_682, %add3A_683 : i32
          %get3A_685 = arith.index_cast %add3A_684 : i32 to index
          %get3A_686 = arith.constant 64 : index
          %get3A_687 = tpu.vector_load %arg18[%get3A_685, %get3A_686] {strides = array<i32>} : memref<80x128xf32, #tpu.memory_space<vmem>>, vector<16xf32>,
          %mul3A_688 = arith.mulf %get3A_687, %broadcast_in_dim3A_680 : vector<16xf32>
          %mul3A_689 = arith.constant 4 : i32
          %mul3A_690 = arith.muli %scan3A_478, %mul3A_689 : i32
          %add3A_691 = arith.constant 1 : i32
          %add3A_692 = arith.addi %mul3A_690, %add3A_691 : i32
          %swap3A_693 = arith.index_cast %add3A_692 : i32 to index
          %swap3A_694 = arith.constant 64 : index
          %swap3A_695 = tpu.vector_load %arg18[%swap3A_693, %swap3A_694] {strides = array<i32>} : memref<80x128xf32, #tpu.memory_space<vmem>>, vector<16xf32>,
          tpu.vector_store %arg18[%swap3A_693, %swap3A_694], %mul3A_688 {strides = array<i32>} : memref<80x128xf32, #tpu.memory_space<vmem>>, vector<16xf32>,
          %mul3A_696 = arith.constant 4 : i32
          %mul3A_697 = arith.muli %scan3A_478, %mul3A_696 : i32
          %add3A_698 = arith.constant 1 : i32
          %add3A_699 = arith.addi %mul3A_697, %add3A_698 : i32
          %get3A_700 = arith.index_cast %add3A_699 : i32 to index
          %get3A_701 = arith.constant 80 : index
          %get3A_702 = tpu.vector_load %arg18[%get3A_700, %get3A_701] {strides = array<i32>} : memref<80x128xf32, #tpu.memory_space<vmem>>, vector<16xf32>,
          %mul3A_703 = arith.mulf %get3A_702, %broadcast_in_dim3A_680 : vector<16xf32>
          %mul3A_704 = arith.constant 4 : i32
          %mul3A_705 = arith.muli %scan3A_478, %mul3A_704 : i32
          %add3A_706 = arith.constant 1 : i32
          %add3A_707 = arith.addi %mul3A_705, %add3A_706 : i32
          %swap3A_708 = arith.index_cast %add3A_707 : i32 to index
          %swap3A_709 = arith.constant 80 : index
          %swap3A_710 = tpu.vector_load %arg18[%swap3A_708, %swap3A_709] {strides = array<i32>} : memref<80x128xf32, #tpu.memory_space<vmem>>, vector<16xf32>,
          tpu.vector_store %arg18[%swap3A_708, %swap3A_709], %mul3A_703 {strides = array<i32>} : memref<80x128xf32, #tpu.memory_space<vmem>>, vector<16xf32>,
          %slice3A_711 = vector.extract_strided_slice %get3A_482 {offsets = [7], sizes = [1], strides = [1]} : vector<16xf32> to vector<1xf32>
          %squeeze3A_712 = vector.extract %slice3A_711[0] : f32 from vector<1xf32>
          %broadcast_in_dim3A_713 = vector.broadcast %squeeze3A_712 : f32 to vector<16xf32>
          %mul3A_714 = arith.constant 4 : i32
          %mul3A_715 = arith.muli %scan3A_478, %mul3A_714 : i32
          %add3A_716 = arith.constant 1 : i32
          %add3A_717 = arith.addi %mul3A_715, %add3A_716 : i32
          %get3A_718 = arith.index_cast %add3A_717 : i32 to index
          %get3A_719 = arith.constant 96 : index
          %get3A_720 = tpu.vector_load %arg18[%get3A_718, %get3A_719] {strides = array<i32>} : memref<80x128xf32, #tpu.memory_space<vmem>>, vector<16xf32>,
          %mul3A_721 = arith.mulf %get3A_720, %broadcast_in_dim3A_713 : vector<16xf32>
          %mul3A_722 = arith.constant 4 : i32
          %mul3A_723 = arith.muli %scan3A_478, %mul3A_722 : i32
          %add3A_724 = arith.constant 1 : i32
          %add3A_725 = arith.addi %mul3A_723, %add3A_724 : i32
          %swap3A_726 = arith.index_cast %add3A_725 : i32 to index
          %swap3A_727 = arith.constant 96 : index
          %swap3A_728 = tpu.vector_load %arg18[%swap3A_726, %swap3A_727] {strides = array<i32>} : memref<80x128xf32, #tpu.memory_space<vmem>>, vector<16xf32>,
          tpu.vector_store %arg18[%swap3A_726, %swap3A_727], %mul3A_721 {strides = array<i32>} : memref<80x128xf32, #tpu.memory_space<vmem>>, vector<16xf32>,
          %mul3A_729 = arith.constant 4 : i32
          %mul3A_730 = arith.muli %scan3A_478, %mul3A_729 : i32
          %add3A_731 = arith.constant 1 : i32
          %add3A_732 = arith.addi %mul3A_730, %add3A_731 : i32
          %get3A_733 = arith.index_cast %add3A_732 : i32 to index
          %get3A_734 = arith.constant 112 : index
          %get3A_735 = tpu.vector_load %arg18[%get3A_733, %get3A_734] {strides = array<i32>} : memref<80x128xf32, #tpu.memory_space<vmem>>, vector<16xf32>,
          %mul3A_736 = arith.mulf %get3A_735, %broadcast_in_dim3A_713 : vector<16xf32>
          %mul3A_737 = arith.constant 4 : i32
          %mul3A_738 = arith.muli %scan3A_478, %mul3A_737 : i32
          %add3A_739 = arith.constant 1 : i32
          %add3A_740 = arith.addi %mul3A_738, %add3A_739 : i32
          %swap3A_741 = arith.index_cast %add3A_740 : i32 to index
          %swap3A_742 = arith.constant 112 : index
          %swap3A_743 = tpu.vector_load %arg18[%swap3A_741, %swap3A_742] {strides = array<i32>} : memref<80x128xf32, #tpu.memory_space<vmem>>, vector<16xf32>,
          tpu.vector_store %arg18[%swap3A_741, %swap3A_742], %mul3A_736 {strides = array<i32>} : memref<80x128xf32, #tpu.memory_space<vmem>>, vector<16xf32>,
          %slice3A_744 = vector.extract_strided_slice %get3A_482 {offsets = [8], sizes = [1], strides = [1]} : vector<16xf32> to vector<1xf32>
          %squeeze3A_745 = vector.extract %slice3A_744[0] : f32 from vector<1xf32>
          %broadcast_in_dim3A_746 = vector.broadcast %squeeze3A_745 : f32 to vector<16xf32>
          %mul3A_747 = arith.constant 4 : i32
          %mul3A_748 = arith.muli %scan3A_478, %mul3A_747 : i32
          %add3A_749 = arith.constant 2 : i32
          %add3A_750 = arith.addi %mul3A_748, %add3A_749 : i32
          %get3A_751 = arith.index_cast %add3A_750 : i32 to index
          %get3A_752 = arith.constant 0 : index
          %get3A_753 = tpu.vector_load %arg18[%get3A_751, %get3A_752] {strides = array<i32>} : memref<80x128xf32, #tpu.memory_space<vmem>>, vector<16xf32>,
          %mul3A_754 = arith.mulf %get3A_753, %broadcast_in_dim3A_746 : vector<16xf32>
          %mul3A_755 = arith.constant 4 : i32
          %mul3A_756 = arith.muli %scan3A_478, %mul3A_755 : i32
          %add3A_757 = arith.constant 2 : i32
          %add3A_758 = arith.addi %mul3A_756, %add3A_757 : i32
          %swap3A_759 = arith.index_cast %add3A_758 : i32 to index
          %swap3A_760 = arith.constant 0 : index
          %swap3A_761 = tpu.vector_load %arg18[%swap3A_759, %swap3A_760] {strides = array<i32>} : memref<80x128xf32, #tpu.memory_space<vmem>>, vector<16xf32>,
          tpu.vector_store %arg18[%swap3A_759, %swap3A_760], %mul3A_754 {strides = array<i32>} : memref<80x128xf32, #tpu.memory_space<vmem>>, vector<16xf32>,
          %mul3A_762 = arith.constant 4 : i32
          %mul3A_763 = arith.muli %scan3A_478, %mul3A_762 : i32
          %add3A_764 = arith.constant 2 : i32
          %add3A_765 = arith.addi %mul3A_763, %add3A_764 : i32
          %get3A_766 = arith.index_cast %add3A_765 : i32 to index
          %get3A_767 = arith.constant 16 : index
          %get3A_768 = tpu.vector_load %arg18[%get3A_766, %get3A_767] {strides = array<i32>} : memref<80x128xf32, #tpu.memory_space<vmem>>, vector<16xf32>,
          %mul3A_769 = arith.mulf %get3A_768, %broadcast_in_dim3A_746 : vector<16xf32>
          %mul3A_770 = arith.constant 4 : i32
          %mul3A_771 = arith.muli %scan3A_478, %mul3A_770 : i32
          %add3A_772 = arith.constant 2 : i32
          %add3A_773 = arith.addi %mul3A_771, %add3A_772 : i32
          %swap3A_774 = arith.index_cast %add3A_773 : i32 to index
          %swap3A_775 = arith.constant 16 : index
          %swap3A_776 = tpu.vector_load %arg18[%swap3A_774, %swap3A_775] {strides = array<i32>} : memref<80x128xf32, #tpu.memory_space<vmem>>, vector<16xf32>,
          tpu.vector_store %arg18[%swap3A_774, %swap3A_775], %mul3A_769 {strides = array<i32>} : memref<80x128xf32, #tpu.memory_space<vmem>>, vector<16xf32>,
          %slice3A_777 = vector.extract_strided_slice %get3A_482 {offsets = [9], sizes = [1], strides = [1]} : vector<16xf32> to vector<1xf32>
          %squeeze3A_778 = vector.extract %slice3A_777[0] : f32 from vector<1xf32>
          %broadcast_in_dim3A_779 = vector.broadcast %squeeze3A_778 : f32 to vector<16xf32>
          %mul3A_780 = arith.constant 4 : i32
          %mul3A_781 = arith.muli %scan3A_478, %mul3A_780 : i32
          %add3A_782 = arith.constant 2 : i32
          %add3A_783 = arith.addi %mul3A_781, %add3A_782 : i32
          %get3A_784 = arith.index_cast %add3A_783 : i32 to index
          %get3A_785 = arith.constant 32 : index
          %get3A_786 = tpu.vector_load %arg18[%get3A_784, %get3A_785] {strides = array<i32>} : memref<80x128xf32, #tpu.memory_space<vmem>>, vector<16xf32>,
          %mul3A_787 = arith.mulf %get3A_786, %broadcast_in_dim3A_779 : vector<16xf32>
          %mul3A_788 = arith.constant 4 : i32
          %mul3A_789 = arith.muli %scan3A_478, %mul3A_788 : i32
          %add3A_790 = arith.constant 2 : i32
          %add3A_791 = arith.addi %mul3A_789, %add3A_790 : i32
          %swap3A_792 = arith.index_cast %add3A_791 : i32 to index
          %swap3A_793 = arith.constant 32 : index
          %swap3A_794 = tpu.vector_load %arg18[%swap3A_792, %swap3A_793] {strides = array<i32>} : memref<80x128xf32, #tpu.memory_space<vmem>>, vector<16xf32>,
          tpu.vector_store %arg18[%swap3A_792, %swap3A_793], %mul3A_787 {strides = array<i32>} : memref<80x128xf32, #tpu.memory_space<vmem>>, vector<16xf32>,
          %mul3A_795 = arith.constant 4 : i32
          %mul3A_796 = arith.muli %scan3A_478, %mul3A_795 : i32
          %add3A_797 = arith.constant 2 : i32
          %add3A_798 = arith.addi %mul3A_796, %add3A_797 : i32
          %get3A_799 = arith.index_cast %add3A_798 : i32 to index
          %get3A_800 = arith.constant 48 : index
          %get3A_801 = tpu.vector_load %arg18[%get3A_799, %get3A_800] {strides = array<i32>} : memref<80x128xf32, #tpu.memory_space<vmem>>, vector<16xf32>,
          %mul3A_802 = arith.mulf %get3A_801, %broadcast_in_dim3A_779 : vector<16xf32>
          %mul3A_803 = arith.constant 4 : i32
          %mul3A_804 = arith.muli %scan3A_478, %mul3A_803 : i32
          %add3A_805 = arith.constant 2 : i32
          %add3A_806 = arith.addi %mul3A_804, %add3A_805 : i32
          %swap3A_807 = arith.index_cast %add3A_806 : i32 to index
          %swap3A_808 = arith.constant 48 : index
          %swap3A_809 = tpu.vector_load %arg18[%swap3A_807, %swap3A_808] {strides = array<i32>} : memref<80x128xf32, #tpu.memory_space<vmem>>, vector<16xf32>,
          tpu.vector_store %arg18[%swap3A_807, %swap3A_808], %mul3A_802 {strides = array<i32>} : memref<80x128xf32, #tpu.memory_space<vmem>>, vector<16xf32>,
          %slice3A_810 = vector.extract_strided_slice %get3A_482 {offsets = [10], sizes = [1], strides = [1]} : vector<16xf32> to vector<1xf32>
          %squeeze3A_811 = vector.extract %slice3A_810[0] : f32 from vector<1xf32>
          %broadcast_in_dim3A_812 = vector.broadcast %squeeze3A_811 : f32 to vector<16xf32>
          %mul3A_813 = arith.constant 4 : i32
          %mul3A_814 = arith.muli %scan3A_478, %mul3A_813 : i32
          %add3A_815 = arith.constant 2 : i32
          %add3A_816 = arith.addi %mul3A_814, %add3A_815 : i32
          %get3A_817 = arith.index_cast %add3A_816 : i32 to index
          %get3A_818 = arith.constant 64 : index
          %get3A_819 = tpu.vector_load %arg18[%get3A_817, %get3A_818] {strides = array<i32>} : memref<80x128xf32, #tpu.memory_space<vmem>>, vector<16xf32>,
          %mul3A_820 = arith.mulf %get3A_819, %broadcast_in_dim3A_812 : vector<16xf32>
          %mul3A_821 = arith.constant 4 : i32
          %mul3A_822 = arith.muli %scan3A_478, %mul3A_821 : i32
          %add3A_823 = arith.constant 2 : i32
          %add3A_824 = arith.addi %mul3A_822, %add3A_823 : i32
          %swap3A_825 = arith.index_cast %add3A_824 : i32 to index
          %swap3A_826 = arith.constant 64 : index
          %swap3A_827 = tpu.vector_load %arg18[%swap3A_825, %swap3A_826] {strides = array<i32>} : memref<80x128xf32, #tpu.memory_space<vmem>>, vector<16xf32>,
          tpu.vector_store %arg18[%swap3A_825, %swap3A_826], %mul3A_820 {strides = array<i32>} : memref<80x128xf32, #tpu.memory_space<vmem>>, vector<16xf32>,
          %mul3A_828 = arith.constant 4 : i32
          %mul3A_829 = arith.muli %scan3A_478, %mul3A_828 : i32
          %add3A_830 = arith.constant 2 : i32
          %add3A_831 = arith.addi %mul3A_829, %add3A_830 : i32
          %get3A_832 = arith.index_cast %add3A_831 : i32 to index
          %get3A_833 = arith.constant 80 : index
          %get3A_834 = tpu.vector_load %arg18[%get3A_832, %get3A_833] {strides = array<i32>} : memref<80x128xf32, #tpu.memory_space<vmem>>, vector<16xf32>,
          %mul3A_835 = arith.mulf %get3A_834, %broadcast_in_dim3A_812 : vector<16xf32>
          %mul3A_836 = arith.constant 4 : i32
          %mul3A_837 = arith.muli %scan3A_478, %mul3A_836 : i32
          %add3A_838 = arith.constant 2 : i32
          %add3A_839 = arith.addi %mul3A_837, %add3A_838 : i32
          %swap3A_840 = arith.index_cast %add3A_839 : i32 to index
          %swap3A_841 = arith.constant 80 : index
          %swap3A_842 = tpu.vector_load %arg18[%swap3A_840, %swap3A_841] {strides = array<i32>} : memref<80x128xf32, #tpu.memory_space<vmem>>, vector<16xf32>,
          tpu.vector_store %arg18[%swap3A_840, %swap3A_841], %mul3A_835 {strides = array<i32>} : memref<80x128xf32, #tpu.memory_space<vmem>>, vector<16xf32>,
          %slice3A_843 = vector.extract_strided_slice %get3A_482 {offsets = [11], sizes = [1], strides = [1]} : vector<16xf32> to vector<1xf32>
          %squeeze3A_844 = vector.extract %slice3A_843[0] : f32 from vector<1xf32>
          %broadcast_in_dim3A_845 = vector.broadcast %squeeze3A_844 : f32 to vector<16xf32>
          %mul3A_846 = arith.constant 4 : i32
          %mul3A_847 = arith.muli %scan3A_478, %mul3A_846 : i32
          %add3A_848 = arith.constant 2 : i32
          %add3A_849 = arith.addi %mul3A_847, %add3A_848 : i32
          %get3A_850 = arith.index_cast %add3A_849 : i32 to index
          %get3A_851 = arith.constant 96 : index
          %get3A_852 = tpu.vector_load %arg18[%get3A_850, %get3A_851] {strides = array<i32>} : memref<80x128xf32, #tpu.memory_space<vmem>>, vector<16xf32>,
          %mul3A_853 = arith.mulf %get3A_852, %broadcast_in_dim3A_845 : vector<16xf32>
          %mul3A_854 = arith.constant 4 : i32
          %mul3A_855 = arith.muli %scan3A_478, %mul3A_854 : i32
          %add3A_856 = arith.constant 2 : i32
          %add3A_857 = arith.addi %mul3A_855, %add3A_856 : i32
          %swap3A_858 = arith.index_cast %add3A_857 : i32 to index
          %swap3A_859 = arith.constant 96 : index
          %swap3A_860 = tpu.vector_load %arg18[%swap3A_858, %swap3A_859] {strides = array<i32>} : memref<80x128xf32, #tpu.memory_space<vmem>>, vector<16xf32>,
          tpu.vector_store %arg18[%swap3A_858, %swap3A_859], %mul3A_853 {strides = array<i32>} : memref<80x128xf32, #tpu.memory_space<vmem>>, vector<16xf32>,
          %mul3A_861 = arith.constant 4 : i32
          %mul3A_862 = arith.muli %scan3A_478, %mul3A_861 : i32
          %add3A_863 = arith.constant 2 : i32
          %add3A_864 = arith.addi %mul3A_862, %add3A_863 : i32
          %get3A_865 = arith.index_cast %add3A_864 : i32 to index
          %get3A_866 = arith.constant 112 : index
          %get3A_867 = tpu.vector_load %arg18[%get3A_865, %get3A_866] {strides = array<i32>} : memref<80x128xf32, #tpu.memory_space<vmem>>, vector<16xf32>,
          %mul3A_868 = arith.mulf %get3A_867, %broadcast_in_dim3A_845 : vector<16xf32>
          %mul3A_869 = arith.constant 4 : i32
          %mul3A_870 = arith.muli %scan3A_478, %mul3A_869 : i32
          %add3A_871 = arith.constant 2 : i32
          %add3A_872 = arith.addi %mul3A_870, %add3A_871 : i32
          %swap3A_873 = arith.index_cast %add3A_872 : i32 to index
          %swap3A_874 = arith.constant 112 : index
          %swap3A_875 = tpu.vector_load %arg18[%swap3A_873, %swap3A_874] {strides = array<i32>} : memref<80x128xf32, #tpu.memory_space<vmem>>, vector<16xf32>,
          tpu.vector_store %arg18[%swap3A_873, %swap3A_874], %mul3A_868 {strides = array<i32>} : memref<80x128xf32, #tpu.memory_space<vmem>>, vector<16xf32>,
          %slice3A_876 = vector.extract_strided_slice %get3A_482 {offsets = [12], sizes = [1], strides = [1]} : vector<16xf32> to vector<1xf32>
          %squeeze3A_877 = vector.extract %slice3A_876[0] : f32 from vector<1xf32>
          %broadcast_in_dim3A_878 = vector.broadcast %squeeze3A_877 : f32 to vector<16xf32>
          %mul3A_879 = arith.constant 4 : i32
          %mul3A_880 = arith.muli %scan3A_478, %mul3A_879 : i32
          %add3A_881 = arith.constant 3 : i32
          %add3A_882 = arith.addi %mul3A_880, %add3A_881 : i32
          %get3A_883 = arith.index_cast %add3A_882 : i32 to index
          %get3A_884 = arith.constant 0 : index
          %get3A_885 = tpu.vector_load %arg18[%get3A_883, %get3A_884] {strides = array<i32>} : memref<80x128xf32, #tpu.memory_space<vmem>>, vector<16xf32>,
          %mul3A_886 = arith.mulf %get3A_885, %broadcast_in_dim3A_878 : vector<16xf32>
          %mul3A_887 = arith.constant 4 : i32
          %mul3A_888 = arith.muli %scan3A_478, %mul3A_887 : i32
          %add3A_889 = arith.constant 3 : i32
          %add3A_890 = arith.addi %mul3A_888, %add3A_889 : i32
          %swap3A_891 = arith.index_cast %add3A_890 : i32 to index
          %swap3A_892 = arith.constant 0 : index
          %swap3A_893 = tpu.vector_load %arg18[%swap3A_891, %swap3A_892] {strides = array<i32>} : memref<80x128xf32, #tpu.memory_space<vmem>>, vector<16xf32>,
          tpu.vector_store %arg18[%swap3A_891, %swap3A_892], %mul3A_886 {strides = array<i32>} : memref<80x128xf32, #tpu.memory_space<vmem>>, vector<16xf32>,
          %mul3A_894 = arith.constant 4 : i32
          %mul3A_895 = arith.muli %scan3A_478, %mul3A_894 : i32
          %add3A_896 = arith.constant 3 : i32
          %add3A_897 = arith.addi %mul3A_895, %add3A_896 : i32
          %get3A_898 = arith.index_cast %add3A_897 : i32 to index
          %get3A_899 = arith.constant 16 : index
          %get3A_900 = tpu.vector_load %arg18[%get3A_898, %get3A_899] {strides = array<i32>} : memref<80x128xf32, #tpu.memory_space<vmem>>, vector<16xf32>,
          %mul3A_901 = arith.mulf %get3A_900, %broadcast_in_dim3A_878 : vector<16xf32>
          %mul3A_902 = arith.constant 4 : i32
          %mul3A_903 = arith.muli %scan3A_478, %mul3A_902 : i32
          %add3A_904 = arith.constant 3 : i32
          %add3A_905 = arith.addi %mul3A_903, %add3A_904 : i32
          %swap3A_906 = arith.index_cast %add3A_905 : i32 to index
          %swap3A_907 = arith.constant 16 : index
          %swap3A_908 = tpu.vector_load %arg18[%swap3A_906, %swap3A_907] {strides = array<i32>} : memref<80x128xf32, #tpu.memory_space<vmem>>, vector<16xf32>,
          tpu.vector_store %arg18[%swap3A_906, %swap3A_907], %mul3A_901 {strides = array<i32>} : memref<80x128xf32, #tpu.memory_space<vmem>>, vector<16xf32>,
          %slice3A_909 = vector.extract_strided_slice %get3A_482 {offsets = [13], sizes = [1], strides = [1]} : vector<16xf32> to vector<1xf32>
          %squeeze3A_910 = vector.extract %slice3A_909[0] : f32 from vector<1xf32>
          %broadcast_in_dim3A_911 = vector.broadcast %squeeze3A_910 : f32 to vector<16xf32>
          %mul3A_912 = arith.constant 4 : i32
          %mul3A_913 = arith.muli %scan3A_478, %mul3A_912 : i32
          %add3A_914 = arith.constant 3 : i32
          %add3A_915 = arith.addi %mul3A_913, %add3A_914 : i32
          %get3A_916 = arith.index_cast %add3A_915 : i32 to index
          %get3A_917 = arith.constant 32 : index
          %get3A_918 = tpu.vector_load %arg18[%get3A_916, %get3A_917] {strides = array<i32>} : memref<80x128xf32, #tpu.memory_space<vmem>>, vector<16xf32>,
          %mul3A_919 = arith.mulf %get3A_918, %broadcast_in_dim3A_911 : vector<16xf32>
          %mul3A_920 = arith.constant 4 : i32
          %mul3A_921 = arith.muli %scan3A_478, %mul3A_920 : i32
          %add3A_922 = arith.constant 3 : i32
          %add3A_923 = arith.addi %mul3A_921, %add3A_922 : i32
          %swap3A_924 = arith.index_cast %add3A_923 : i32 to index
          %swap3A_925 = arith.constant 32 : index
          %swap3A_926 = tpu.vector_load %arg18[%swap3A_924, %swap3A_925] {strides = array<i32>} : memref<80x128xf32, #tpu.memory_space<vmem>>, vector<16xf32>,
          tpu.vector_store %arg18[%swap3A_924, %swap3A_925], %mul3A_919 {strides = array<i32>} : memref<80x128xf32, #tpu.memory_space<vmem>>, vector<16xf32>,
          %mul3A_927 = arith.constant 4 : i32
          %mul3A_928 = arith.muli %scan3A_478, %mul3A_927 : i32
          %add3A_929 = arith.constant 3 : i32
          %add3A_930 = arith.addi %mul3A_928, %add3A_929 : i32
          %get3A_931 = arith.index_cast %add3A_930 : i32 to index
          %get3A_932 = arith.constant 48 : index
          %get3A_933 = tpu.vector_load %arg18[%get3A_931, %get3A_932] {strides = array<i32>} : memref<80x128xf32, #tpu.memory_space<vmem>>, vector<16xf32>,
          %mul3A_934 = arith.mulf %get3A_933, %broadcast_in_dim3A_911 : vector<16xf32>
          %mul3A_935 = arith.constant 4 : i32
          %mul3A_936 = arith.muli %scan3A_478, %mul3A_935 : i32
          %add3A_937 = arith.constant 3 : i32
          %add3A_938 = arith.addi %mul3A_936, %add3A_937 : i32
          %swap3A_939 = arith.index_cast %add3A_938 : i32 to index
          %swap3A_940 = arith.constant 48 : index
          %swap3A_941 = tpu.vector_load %arg18[%swap3A_939, %swap3A_940] {strides = array<i32>} : memref<80x128xf32, #tpu.memory_space<vmem>>, vector<16xf32>,
          tpu.vector_store %arg18[%swap3A_939, %swap3A_940], %mul3A_934 {strides = array<i32>} : memref<80x128xf32, #tpu.memory_space<vmem>>, vector<16xf32>,
          %slice3A_942 = vector.extract_strided_slice %get3A_482 {offsets = [14], sizes = [1], strides = [1]} : vector<16xf32> to vector<1xf32>
          %squeeze3A_943 = vector.extract %slice3A_942[0] : f32 from vector<1xf32>
          %broadcast_in_dim3A_944 = vector.broadcast %squeeze3A_943 : f32 to vector<16xf32>
          %mul3A_945 = arith.constant 4 : i32
          %mul3A_946 = arith.muli %scan3A_478, %mul3A_945 : i32
          %add3A_947 = arith.constant 3 : i32
          %add3A_948 = arith.addi %mul3A_946, %add3A_947 : i32
          %get3A_949 = arith.index_cast %add3A_948 : i32 to index
          %get3A_950 = arith.constant 64 : index
          %get3A_951 = tpu.vector_load %arg18[%get3A_949, %get3A_950] {strides = array<i32>} : memref<80x128xf32, #tpu.memory_space<vmem>>, vector<16xf32>,
          %mul3A_952 = arith.mulf %get3A_951, %broadcast_in_dim3A_944 : vector<16xf32>
          %mul3A_953 = arith.constant 4 : i32
          %mul3A_954 = arith.muli %scan3A_478, %mul3A_953 : i32
          %add3A_955 = arith.constant 3 : i32
          %add3A_956 = arith.addi %mul3A_954, %add3A_955 : i32
          %swap3A_957 = arith.index_cast %add3A_956 : i32 to index
          %swap3A_958 = arith.constant 64 : index
          %swap3A_959 = tpu.vector_load %arg18[%swap3A_957, %swap3A_958] {strides = array<i32>} : memref<80x128xf32, #tpu.memory_space<vmem>>, vector<16xf32>,
          tpu.vector_store %arg18[%swap3A_957, %swap3A_958], %mul3A_952 {strides = array<i32>} : memref<80x128xf32, #tpu.memory_space<vmem>>, vector<16xf32>,
          %mul3A_960 = arith.constant 4 : i32
          %mul3A_961 = arith.muli %scan3A_478, %mul3A_960 : i32
          %add3A_962 = arith.constant 3 : i32
          %add3A_963 = arith.addi %mul3A_961, %add3A_962 : i32
          %get3A_964 = arith.index_cast %add3A_963 : i32 to index
          %get3A_965 = arith.constant 80 : index
          %get3A_966 = tpu.vector_load %arg18[%get3A_964, %get3A_965] {strides = array<i32>} : memref<80x128xf32, #tpu.memory_space<vmem>>, vector<16xf32>,
          %mul3A_967 = arith.mulf %get3A_966, %broadcast_in_dim3A_944 : vector<16xf32>
          %mul3A_968 = arith.constant 4 : i32
          %mul3A_969 = arith.muli %scan3A_478, %mul3A_968 : i32
          %add3A_970 = arith.constant 3 : i32
          %add3A_971 = arith.addi %mul3A_969, %add3A_970 : i32
          %swap3A_972 = arith.index_cast %add3A_971 : i32 to index
          %swap3A_973 = arith.constant 80 : index
          %swap3A_974 = tpu.vector_load %arg18[%swap3A_972, %swap3A_973] {strides = array<i32>} : memref<80x128xf32, #tpu.memory_space<vmem>>, vector<16xf32>,
          tpu.vector_store %arg18[%swap3A_972, %swap3A_973], %mul3A_967 {strides = array<i32>} : memref<80x128xf32, #tpu.memory_space<vmem>>, vector<16xf32>,
          %slice3A_975 = vector.extract_strided_slice %get3A_482 {offsets = [15], sizes = [1], strides = [1]} : vector<16xf32> to vector<1xf32>
          %squeeze3A_976 = vector.extract %slice3A_975[0] : f32 from vector<1xf32>
          %broadcast_in_dim3A_977 = vector.broadcast %squeeze3A_976 : f32 to vector<16xf32>
          %mul3A_978 = arith.constant 4 : i32
          %mul3A_979 = arith.muli %scan3A_478, %mul3A_978 : i32
          %add3A_980 = arith.constant 3 : i32
          %add3A_981 = arith.addi %mul3A_979, %add3A_980 : i32
          %get3A_982 = arith.index_cast %add3A_981 : i32 to index
          %get3A_983 = arith.constant 96 : index
          %get3A_984 = tpu.vector_load %arg18[%get3A_982, %get3A_983] {strides = array<i32>} : memref<80x128xf32, #tpu.memory_space<vmem>>, vector<16xf32>,
          %mul3A_985 = arith.mulf %get3A_984, %broadcast_in_dim3A_977 : vector<16xf32>
          %mul3A_986 = arith.constant 4 : i32
          %mul3A_987 = arith.muli %scan3A_478, %mul3A_986 : i32
          %add3A_988 = arith.constant 3 : i32
          %add3A_989 = arith.addi %mul3A_987, %add3A_988 : i32
          %swap3A_990 = arith.index_cast %add3A_989 : i32 to index
          %swap3A_991 = arith.constant 96 : index
          %swap3A_992 = tpu.vector_load %arg18[%swap3A_990, %swap3A_991] {strides = array<i32>} : memref<80x128xf32, #tpu.memory_space<vmem>>, vector<16xf32>,
          tpu.vector_store %arg18[%swap3A_990, %swap3A_991], %mul3A_985 {strides = array<i32>} : memref<80x128xf32, #tpu.memory_space<vmem>>, vector<16xf32>,
          %mul3A_993 = arith.constant 4 : i32
          %mul3A_994 = arith.muli %scan3A_478, %mul3A_993 : i32
          %add3A_995 = arith.constant 3 : i32
          %add3A_996 = arith.addi %mul3A_994, %add3A_995 : i32
          %get3A_997 = arith.index_cast %add3A_996 : i32 to index
          %get3A_998 = arith.constant 112 : index
          %get3A_999 = tpu.vector_load %arg18[%get3A_997, %get3A_998] {strides = array<i32>} : memref<80x128xf32, #tpu.memory_space<vmem>>, vector<16xf32>,
          %mul3A_1000 = arith.mulf %get3A_999, %broadcast_in_dim3A_977 : vector<16xf32>
          %mul3A_1001 = arith.constant 4 : i32
          %mul3A_1002 = arith.muli %scan3A_478, %mul3A_1001 : i32
          %add3A_1003 = arith.constant 3 : i32
          %add3A_1004 = arith.addi %mul3A_1002, %add3A_1003 : i32
          %swap3A_1005 = arith.index_cast %add3A_1004 : i32 to index
          %swap3A_1006 = arith.constant 112 : index
          %swap3A_1007 = tpu.vector_load %arg18[%swap3A_1005, %swap3A_1006] {strides = array<i32>} : memref<80x128xf32, #tpu.memory_space<vmem>>, vector<16xf32>,
          tpu.vector_store %arg18[%swap3A_1005, %swap3A_1006], %mul3A_1000 {strides = array<i32>} : memref<80x128xf32, #tpu.memory_space<vmem>>, vector<16xf32>,
          %scan3A_1008 = arith.constant 0 : i32
          scf.yield %scan3A_1008 : i32
        }
        %scan3A_477 = arith.constant 20 : i32
        "tpu.region"() ({
          %run_scoped3A = tpu.sem_alloc : memref<!tpu.dma_semaphore, #tpu.memory_space<semaphore_mem>>
          %dma_start3A_478 = arith.constant 0 : i32
          %dma_start3A_479 = arith.constant 0 : i32
          %dma_start3A_480 = tpu.memref_slice %arg20[%dma_start3A_478, %dma_start3A_479] : memref<10240x128xf32, #tpu.memory_space<vmem_shared>> -> memref<10240x128xf32, #tpu.memory_space<vmem_shared>>
          tpu.enqueue_indirect_dma source(%arg18 : memref<80x128xf32, #tpu.memory_space<vmem>>) target(%dma_start3A_480 : memref<10240x128xf32, #tpu.memory_space<vmem_shared>>) offsets(%arg14 : memref<80xi32, #tpu.memory_space<vmem>>) semaphore(%run_scoped3A : memref<!tpu.dma_semaphore, #tpu.memory_space<semaphore_mem>>) {add = true}
          %dma_wait3A_481 = arith.constant 0 : i32
          %dma_wait3A_482 = arith.constant 0 : i32
          %dma_wait3A_483 = tpu.memref_slice %arg20[%dma_wait3A_481, %dma_wait3A_482] : memref<10240x128xf32, #tpu.memory_space<vmem_shared>> -> memref<10240x128xf32, #tpu.memory_space<vmem_shared>>
          tpu.wait_indirect_dma semaphore(%run_scoped3A : memref<!tpu.dma_semaphore, #tpu.memory_space<semaphore_mem>>) src(%arg18 : memref<80x128xf32, #tpu.memory_space<vmem>>) dst(%dma_wait3A_483 : memref<10240x128xf32, #tpu.memory_space<vmem_shared>>)
          tpu.yield
        }) : () -> ()
      } else {
      }
      %scan3A_104 = arith.constant 0 : i32
      scf.yield %scan3A_104 : i32
    }
    %scan3A_63 = arith.constant 125 : i32
    %barrier3A_64 = arith.constant 0 : index
    tpu.barrier barrier_id(%barrier3A_64)
    %mul3A_65 = arith.constant 640 : i32
    %mul3A_66 = arith.muli %arg1, %mul3A_65 : i32
    %mul3A_67 = arith.constant 640 : i32
    %mul3A_68 = arith.muli %arg1, %mul3A_67 : i32
    "tpu.region"() ({
      %run_scoped3A = tpu.sem_alloc : memref<!tpu.dma_semaphore, #tpu.memory_space<semaphore_mem>>
      %dma_start3A_69 = arith.constant 0 : i32
      %dma_start3A_70 = tpu.memref_slice %arg6[%arg0, %mul3A_68, %dma_start3A_69] : memref<2x10240x128xf32, #tpu.memory_space<hbm>> -> memref<1x640x128xf32, #tpu.memory_space<hbm>>
      %dma_start3A_71 = tpu.memref_squeeze %dma_start3A_70 : memref<1x640x128xf32, #tpu.memory_space<hbm>> -> memref<640x128xf32, #tpu.memory_space<hbm>>
      %dma_start3A_72 = arith.constant 0 : i32
      %dma_start3A_73 = tpu.memref_slice %arg20[%mul3A_66, %dma_start3A_72] : memref<10240x128xf32, #tpu.memory_space<vmem_shared>> -> memref<640x128xf32, #tpu.memory_space<vmem_shared>>
      tpu.enqueue_dma source(%dma_start3A_73 : memref<640x128xf32, #tpu.memory_space<vmem_shared>>) target(%dma_start3A_71 : memref<640x128xf32, #tpu.memory_space<hbm>>) target_semaphore(%run_scoped3A : memref<!tpu.dma_semaphore, #tpu.memory_space<semaphore_mem>>)
      %dma_wait3A = arith.constant 0 : i32
      %dma_wait3A_74 = tpu.memref_slice %arg6[%arg0, %mul3A_68, %dma_wait3A] : memref<2x10240x128xf32, #tpu.memory_space<hbm>> -> memref<1x640x128xf32, #tpu.memory_space<hbm>>
      %dma_wait3A_75 = tpu.memref_squeeze %dma_wait3A_74 : memref<1x640x128xf32, #tpu.memory_space<hbm>> -> memref<640x128xf32, #tpu.memory_space<hbm>>
      %dma_wait3A_76 = arith.constant 0 : i32
      %dma_wait3A_77 = tpu.memref_slice %arg20[%mul3A_66, %dma_wait3A_76] : memref<10240x128xf32, #tpu.memory_space<vmem_shared>> -> memref<640x128xf32, #tpu.memory_space<vmem_shared>>
      tpu.wait_dma2 semaphore(%run_scoped3A : memref<!tpu.dma_semaphore, #tpu.memory_space<semaphore_mem>>) src(%dma_wait3A_77 : memref<640x128xf32, #tpu.memory_space<vmem_shared>>) dst(%dma_wait3A_75 : memref<640x128xf32, #tpu.memory_space<hbm>>)
      tpu.yield
    }) : () -> ()
    return
  }
}

module attributes {stable_mosaic.version = 14 : i64} {
  func.func @_tc0_body(%arg0: memref<10000x128xf32, #tpu.memory_space<vmem>>, %arg1: memref<128x128xf32, #tpu.memory_space<vmem>>, %arg2: memref<128x8xf32, #tpu.memory_space<vmem>>, %arg3: memref<10000x128xf32, #tpu.memory_space<vmem>>, %arg4: memref<10000x8xf32, #tpu.memory_space<vmem>>, %arg5: memref<1x16xf32, #tpu.memory_space<vmem>>) attributes {dimension_semantics = [], scalar_prefetch = 0 : i64, scratch_operands = 0 : i64, tpu.core_type = #tpu.core_type<tc>} {
    %get3A = arith.constant 0 : index
    %get3A_0 = arith.constant 0 : index
    %get3A_1 = vector.load %arg0[%get3A, %get3A_0] : memref<10000x128xf32, #tpu.memory_space<vmem>>, vector<10000x128xf32>
    %get3A_2 = arith.constant 0 : index
    %get3A_3 = arith.constant 0 : index
    %get3A_4 = vector.load %arg1[%get3A_2, %get3A_3] : memref<128x128xf32, #tpu.memory_space<vmem>>, vector<128x128xf32>
    %dot_general3A = arith.constant dense<0.000000e+00> : vector<10000x128xf32>
    %dot_general3A_5 = tpu.matmul %get3A_1, %get3A_4, %dot_general3A {dimension_numbers = #tpu.dot_dimension_numbers<[1], [0], [0], [1], [0, 0, 1, 1], [], []>, transpose_lhs_hint = false} : vector<10000x128xf32>, vector<128x128xf32>, vector<10000x128xf32> -> vector<10000x128xf32>
    %swap3A = arith.constant 0 : index
    %swap3A_6 = arith.constant 0 : index
    %swap3A_7 = vector.load %arg3[%swap3A, %swap3A_6] : memref<10000x128xf32, #tpu.memory_space<vmem>>, vector<10000x128xf32>
    tpu.vector_store %arg3[%swap3A, %swap3A_6], %dot_general3A_5 {strides = array<i32>} : memref<10000x128xf32, #tpu.memory_space<vmem>>, vector<10000x128xf32>,
    %get3A_8 = arith.constant 0 : index
    %get3A_9 = arith.constant 0 : index
    %get3A_10 = vector.load %arg2[%get3A_8, %get3A_9] : memref<128x8xf32, #tpu.memory_space<vmem>>, vector<128x8xf32>
    %dot_general3A_11 = arith.constant dense<0.000000e+00> : vector<10000x8xf32>
    %dot_general3A_12 = tpu.matmul %dot_general3A_5, %get3A_10, %dot_general3A_11 {dimension_numbers = #tpu.dot_dimension_numbers<[1], [0], [0], [1], [0, 0, 1, 1], [], []>, transpose_lhs_hint = false} : vector<10000x128xf32>, vector<128x8xf32>, vector<10000x8xf32> -> vector<10000x8xf32>
    %swap3A_13 = arith.constant 0 : index
    %swap3A_14 = arith.constant 0 : index
    %swap3A_15 = vector.load %arg4[%swap3A_13, %swap3A_14] : memref<10000x8xf32, #tpu.memory_space<vmem>>, vector<10000x8xf32>
    tpu.vector_store %arg4[%swap3A_13, %swap3A_14], %dot_general3A_12 {strides = array<i32>} : memref<10000x8xf32, #tpu.memory_space<vmem>>, vector<10000x8xf32>,
    %reduce_max3A = arith.constant dense<0xFF800000> : vector<8xf32>
    %reduce_max3A_16 = vector.multi_reduction <maximumf>, %dot_general3A_12, %reduce_max3A [0] : vector<10000x8xf32> to vector<8xf32>
    %broadcast_in_dim3A = vector.shape_cast %reduce_max3A_16 : vector<8xf32> to vector<1x8xf32>
    %slice3A = vector.extract_strided_slice %broadcast_in_dim3A {offsets = [0, 0], sizes = [1, 4], strides = [1, 1]} : vector<1x8xf32> to vector<1x4xf32>
    %slice3A_17 = vector.extract_strided_slice %broadcast_in_dim3A {offsets = [0, 4], sizes = [1, 4], strides = [1, 1]} : vector<1x8xf32> to vector<1x4xf32>
    %add3A = arith.addf %slice3A, %slice3A_17 : vector<1x4xf32>
    %mul3A = arith.constant 2.000000e-01 : f32
    %mul3A_18 = vector.broadcast %mul3A : f32 to vector<1x4xf32>
    %mul3A_19 = arith.mulf %mul3A_18, %add3A : vector<1x4xf32>
    %max3A = arith.maximumf %add3A, %mul3A_19 : vector<1x4xf32>
    %jit3A = arith.constant 0 : i32
    %convert_element_type3A = arith.sitofp %jit3A : i32 to f32
    %pad3A = vector.broadcast %convert_element_type3A : f32 to vector<1x12xf32>
    %pad3A_20 = tpu.concatenate %max3A, %pad3A in 1 : vector<1x4xf32>, vector<1x12xf32> -> vector<1x16xf32>
    %swap3A_21 = arith.constant 0 : index
    %swap3A_22 = arith.constant 0 : index
    %swap3A_23 = vector.load %arg5[%swap3A_21, %swap3A_22] : memref<1x16xf32, #tpu.memory_space<vmem>>, vector<1x16xf32>
    tpu.vector_store %arg5[%swap3A_21, %swap3A_22], %pad3A_20 {strides = array<i32>} : memref<1x16xf32, #tpu.memory_space<vmem>>, vector<1x16xf32>,
    return
  }
}

module attributes {stable_mosaic.version = 14 : i64} {
  func.func @_tcb_body(%arg0: memref<2x10240x16xf32, #tpu.memory_space<vmem>>, %arg1: memref<10240x16xf32, #tpu.memory_space<vmem>>) attributes {dimension_semantics = [], scalar_prefetch = 0 : i64, scratch_operands = 0 : i64, tpu.core_type = #tpu.core_type<tc>} {
    %get3A = arith.constant 0 : index
    %get3A_0 = arith.constant 0 : index
    %get3A_1 = arith.constant 0 : index
    %get3A_2 = vector.load %arg0[%get3A, %get3A_0, %get3A_1] : memref<2x10240x16xf32, #tpu.memory_space<vmem>>, vector<1x10240x16xf32>
    %get3A_3 = vector.shape_cast %get3A_2 : vector<1x10240x16xf32> to vector<10240x16xf32>
    %get3A_4 = arith.constant 1 : index
    %get3A_5 = arith.constant 0 : index
    %get3A_6 = arith.constant 0 : index
    %get3A_7 = vector.load %arg0[%get3A_4, %get3A_5, %get3A_6] : memref<2x10240x16xf32, #tpu.memory_space<vmem>>, vector<1x10240x16xf32>
    %get3A_8 = vector.shape_cast %get3A_7 : vector<1x10240x16xf32> to vector<10240x16xf32>
    %add3A = arith.addf %get3A_3, %get3A_8 : vector<10240x16xf32>
    %add3A_9 = arith.constant 1.000000e-16 : f32
    %add3A_10 = vector.broadcast %add3A_9 : f32 to vector<10240x16xf32>
    %add3A_11 = arith.addf %add3A, %add3A_10 : vector<10240x16xf32>
    %div3A = arith.constant 1.000000e+00 : f32
    %div3A_12 = vector.broadcast %div3A : f32 to vector<10240x16xf32>
    %div3A_13 = arith.divf %div3A_12, %add3A_11 : vector<10240x16xf32>
    %swap3A = arith.constant 0 : index
    %swap3A_14 = arith.constant 0 : index
    %swap3A_15 = vector.load %arg1[%swap3A, %swap3A_14] : memref<10240x16xf32, #tpu.memory_space<vmem>>, vector<10240x16xf32>
    tpu.vector_store %arg1[%swap3A, %swap3A_14], %div3A_13 {strides = array<i32>} : memref<10240x16xf32, #tpu.memory_space<vmem>>, vector<10240x16xf32>,
    return
  }
}

module attributes {stable_mosaic.version = 14 : i64} {
  func.func @_tce_body(%arg0: i32, %arg1: memref<2x1000x128xf32, #tpu.memory_space<vmem>>, %arg2: memref<1000x128xf32, #tpu.memory_space<vmem>>, %arg3: memref<1x128xf32, #tpu.memory_space<vmem>>, %arg4: memref<1x128xf32, #tpu.memory_space<vmem>>, %arg5: memref<1x128xf32, #tpu.memory_space<vmem>>, %arg6: memref<1000x128xf32, #tpu.memory_space<vmem>>) attributes {dimension_semantics = [#tpu.dimension_semantics<arbitrary>], iteration_bounds = array<i64: 10>, scalar_prefetch = 0 : i64, scratch_operands = 0 : i64, tpu.core_type = #tpu.core_type<tc>, window_params = [{transform_indices = @transform_0, window_bounds = array<i64: 2, 1000, 128>}, {transform_indices = @transform_1, window_bounds = array<i64: 1000, 128>}, {pipeline_mode = #tpu.pipeline_mode<synchronous>, transform_indices = @transform_2, window_bounds = array<i64: 1, 128>}, {pipeline_mode = #tpu.pipeline_mode<synchronous>, transform_indices = @transform_3, window_bounds = array<i64: 1, 128>}, {pipeline_mode = #tpu.pipeline_mode<synchronous>, transform_indices = @transform_4, window_bounds = array<i64: 1, 128>}, {transform_indices = @transform_5, window_bounds = array<i64: 1000, 128>}]} {
    %get3A = arith.constant 0 : index
    %get3A_0 = arith.constant 0 : index
    %get3A_1 = arith.constant 0 : index
    %get3A_2 = vector.load %arg1[%get3A, %get3A_0, %get3A_1] : memref<2x1000x128xf32, #tpu.memory_space<vmem>>, vector<1x1000x128xf32>
    %get3A_3 = vector.shape_cast %get3A_2 : vector<1x1000x128xf32> to vector<1000x128xf32>
    %get3A_4 = arith.constant 1 : index
    %get3A_5 = arith.constant 0 : index
    %get3A_6 = arith.constant 0 : index
    %get3A_7 = vector.load %arg1[%get3A_4, %get3A_5, %get3A_6] : memref<2x1000x128xf32, #tpu.memory_space<vmem>>, vector<1x1000x128xf32>
    %get3A_8 = vector.shape_cast %get3A_7 : vector<1x1000x128xf32> to vector<1000x128xf32>
    %add3A = arith.addf %get3A_3, %get3A_8 : vector<1000x128xf32>
    %get3A_9 = arith.constant 0 : index
    %get3A_10 = arith.constant 0 : index
    %get3A_11 = vector.load %arg2[%get3A_9, %get3A_10] : memref<1000x128xf32, #tpu.memory_space<vmem>>, vector<1000x128xf32>
    %add3A_12 = arith.addf %add3A, %get3A_11 : vector<1000x128xf32>
    %get3A_13 = arith.constant 0 : index
    %get3A_14 = arith.constant 0 : index
    %get3A_15 = vector.load %arg3[%get3A_13, %get3A_14] : memref<1x128xf32, #tpu.memory_space<vmem>>, vector<1x128xf32>
    %add3A_16 = vector.broadcast %get3A_15 : vector<1x128xf32> to vector<1000x128xf32>
    %add3A_17 = arith.addf %add3A_12, %add3A_16 : vector<1000x128xf32>
    %reduce_sum3A = arith.constant dense<0.000000e+00> : vector<1000xf32>
    %reduce_sum3A_18 = vector.multi_reduction <add>, %add3A_17, %reduce_sum3A [1] : vector<1000x128xf32> to vector<1000xf32>
    %broadcast_in_dim3A = vector.shape_cast %reduce_sum3A_18 : vector<1000xf32> to vector<1000x1xf32>
    %div3A = arith.constant 1.280000e+02 : f32
    %div3A_19 = vector.broadcast %div3A : f32 to vector<1000x1xf32>
    %div3A_20 = arith.divf %broadcast_in_dim3A, %div3A_19 : vector<1000x1xf32>
    %sub3A = vector.broadcast %div3A_20 : vector<1000x1xf32> to vector<1000x128xf32>
    %sub3A_21 = arith.subf %add3A_17, %sub3A : vector<1000x128xf32>
    %mul3A = arith.mulf %sub3A_21, %sub3A_21 : vector<1000x128xf32>
    %reduce_sum3A_22 = arith.constant dense<0.000000e+00> : vector<1000xf32>
    %reduce_sum3A_23 = vector.multi_reduction <add>, %mul3A, %reduce_sum3A_22 [1] : vector<1000x128xf32> to vector<1000xf32>
    %broadcast_in_dim3A_24 = vector.shape_cast %reduce_sum3A_23 : vector<1000xf32> to vector<1000x1xf32>
    %div3A_25 = arith.constant 1.280000e+02 : f32
    %div3A_26 = vector.broadcast %div3A_25 : f32 to vector<1000x1xf32>
    %div3A_27 = arith.divf %broadcast_in_dim3A_24, %div3A_26 : vector<1000x1xf32>
    %add3A_28 = arith.constant 9.99999974E-6 : f32
    %add3A_29 = vector.broadcast %add3A_28 : f32 to vector<1000x1xf32>
    %add3A_30 = arith.addf %div3A_27, %add3A_29 : vector<1000x1xf32>
    %rsqrt3A = math.rsqrt %add3A_30 : vector<1000x1xf32>
    %mul3A_31 = vector.broadcast %rsqrt3A : vector<1000x1xf32> to vector<1000x128xf32>
    %mul3A_32 = arith.mulf %sub3A_21, %mul3A_31 : vector<1000x128xf32>
    %get3A_33 = arith.constant 0 : index
    %get3A_34 = arith.constant 0 : index
    %get3A_35 = vector.load %arg4[%get3A_33, %get3A_34] : memref<1x128xf32, #tpu.memory_space<vmem>>, vector<1x128xf32>
    %mul3A_36 = vector.broadcast %get3A_35 : vector<1x128xf32> to vector<1000x128xf32>
    %mul3A_37 = arith.mulf %mul3A_32, %mul3A_36 : vector<1000x128xf32>
    %get3A_38 = arith.constant 0 : index
    %get3A_39 = arith.constant 0 : index
    %get3A_40 = vector.load %arg5[%get3A_38, %get3A_39] : memref<1x128xf32, #tpu.memory_space<vmem>>, vector<1x128xf32>
    %add3A_41 = vector.broadcast %get3A_40 : vector<1x128xf32> to vector<1000x128xf32>
    %add3A_42 = arith.addf %mul3A_37, %add3A_41 : vector<1000x128xf32>
    %max3A = arith.constant 0.000000e+00 : f32
    %max3A_43 = vector.broadcast %max3A : f32 to vector<1000x128xf32>
    %max3A_44 = arith.maximumf %add3A_42, %max3A_43 : vector<1000x128xf32>
    %swap3A = arith.constant 0 : index
    %swap3A_45 = arith.constant 0 : index
    %swap3A_46 = vector.load %arg6[%swap3A, %swap3A_45] : memref<1000x128xf32, #tpu.memory_space<vmem>>, vector<1000x128xf32>
    tpu.vector_store %arg6[%swap3A, %swap3A_45], %max3A_44 {strides = array<i32>} : memref<1000x128xf32, #tpu.memory_space<vmem>>, vector<1000x128xf32>,
    return
  }
  func.func @transform_0(%arg0: i32) -> (i32, i32, i32) {
    %c0_i32 = arith.constant 0 : i32
    %c0_i32_0 = arith.constant 0 : i32
    %c0_i32_1 = arith.constant 0 : i32
    return %c0_i32, %arg0, %c0_i32_0 : i32, i32, i32
  }
  func.func @transform_1(%arg0: i32) -> (i32, i32) {
    %c0_i32 = arith.constant 0 : i32
    %c0_i32_0 = arith.constant 0 : i32
    return %arg0, %c0_i32 : i32, i32
  }
  func.func @transform_2(%arg0: i32) -> (i32, i32) {
    %c0_i32 = arith.constant 0 : i32
    %c0_i32_0 = arith.constant 0 : i32
    %c0_i32_1 = arith.constant 0 : i32
    return %c0_i32, %c0_i32_0 : i32, i32
  }
  func.func @transform_3(%arg0: i32) -> (i32, i32) {
    %c0_i32 = arith.constant 0 : i32
    %c0_i32_0 = arith.constant 0 : i32
    %c0_i32_1 = arith.constant 0 : i32
    return %c0_i32, %c0_i32_0 : i32, i32
  }
  func.func @transform_4(%arg0: i32) -> (i32, i32) {
    %c0_i32 = arith.constant 0 : i32
    %c0_i32_0 = arith.constant 0 : i32
    %c0_i32_1 = arith.constant 0 : i32
    return %c0_i32, %c0_i32_0 : i32, i32
  }
  func.func @transform_5(%arg0: i32) -> (i32, i32) {
    %c0_i32 = arith.constant 0 : i32
    %c0_i32_0 = arith.constant 0 : i32
    return %arg0, %c0_i32 : i32, i32
  }
}

</mosaic_0001>

<sc_bundles>
// kernel: kernel.10.cloned.1.call-start
scs
__scs_entry_jumppad:
0x0: {  	(pc) =	sbr.rel $0x88, $3  }
0x1: {  	(tag) =	ssettag $0x0;
	lr =	simm.s32 $0x1  }
0x2: {  	[smem:$0x3F99] =	sst lr;
	_ =	strace $0xD0000000  }
0x3: {  	_ = 	snop  }
0x4: {  	_ = 	snop  }
0x5: {  	_ = 	snop  }
0x6: {  	_ = 	snop  }
0x7: {  	_ = 	snop  }
__scs_overlays_trampoline_lowered:
0x8: {  	[smem:$0x3FA8] =	sst s0  }
0x9: {  	[smem:$0x3FA9] =	sst s1  }
0xa: {  	[smem:$0x3FAA] =	sst s2  }
0xb: {  	[smem:$0x3FAB] =	sst s3  }
0xc: {  	[smem:$0x3FAC] =	sst s4  }
0xd: {  	[smem:$0x3FAD] =	sst s5  }
0xe: {  	[smem:$0x3FAE] =	sst s6  }
0xf: {  	[smem:$0x3FAF] =	sst s7  }
0x10: {  	[smem:$0x3FB0] =	sst s8  }
0x11: {  	[smem:$0x3FB1] =	sst s9;
	s0 =	simm.s32 @!p0 $0x0  }
0x12: {  	s1 =	sld [smem:$0x3F97];
	s0 =	simm.s32 @p0 $0x1  }
0x13: {  	[smem:$0x3FB2] =	sst s0;
	s0 =	simm.s32 @!p1 $0x0  }
0x14: {  	s2 =	sld [smem:$0x3F96];
	s0 =	simm.s32 @p1 $0x1  }
0x15: {  	[smem:$0x3FB3] =	sst s0;
	s0 =	simm.s32 @!p2 $0x0  }
0x16: {  	s3 =	sld [smem:$0x3FDB];
	s0 =	simm.s32 @p2 $0x1  }
0x17: {  	s4 =	simm.s32 $0x1BF5;
	[smem:$0x3FB5] =	sst s0  }
0x18: {  	s0 =	sld [smem:$0x3F98];
	_ =	swait.ge [sflag:s4], $0x0  }
0x19: {  	s7 =	sld [smem:$0x3F99]  }
0x1a: {  	s8 =	sadd.s32 $0xFFFFE003, lr  }
0x1b: {  	s9 =	sadd.s32 $0xFFFFFEF7, lr;
	s5 =	simm.s32 $0xFFFFFFFF;
	p2 =	slt.u32 s8, $0xFFFFF086  }
0x1c: {  	p1 =	slt.u32 s9, $0xF7A;
	s5 =	simm.s32 @!p2 $0x0  }
0x1d: {  	s5 =	simm.s32 @p1 $0x1;
	p0 =	seq.s32 s7, s2  }
0x1e: {  	s7 =	smul.u32 @!p0 $0xF7A, s2;
	p2 =	seq.s32 @!p0 s5, $0x0  }
0x1f: {  	s9 =	smul.u32 $0xF7A, s1;
	s8 =	simm.s32 @!p0 $0x1BF5;
	p2 =	por !p2, p0  }
0x20: {  	[sflag:s8] =	ssyncset.s32 @!p0 $0xFFFFF086;
	s6 =	sadd.s32 @!p0 s3, s7;
	s7 =	simm.s32 @!p0 $0x108  }
0x21: {  	s3 =	sadd.s32 s3, s9;
	s6 =	sadd.s32 @!p0 $0x88, s6;
	s7 =	simm.s32 @p2 $0x1082  }
0x22: {  	[simem:s7], [sflag:s8] =	dma.local @!p0 [hbm:s6], $0xF7A  }
0x23: {  	s9 =	sor.u32 $0xD0000000, s2;
	s6 =	simm.s32 $0x108;
	_ =	swait.ge @!p0 [sflag:s8], $0x0  }
0x24: {  	s3 =	sadd.s32 $0x88, s3;
	s6 =	simm.s32 @!p1 $0x1082;
	[sflag:s4] =	ssyncset.s32 $0xFFFFF086  }
0x25: {  	[simem:s6], [sflag:s4] =	dma.local [hbm:s3], $0xF7A  }
0x26: {  	[smem:$0x3F99] =	sst s1;
	(tag) =	ssettag s2;
	_ =	strace s9  }
0x27: {  	s1 =	sld [smem:$0x3FA9]  }
0x28: {  	s2 =	sld [smem:$0x3FAA]  }
0x29: {  	s4 =	sld [smem:$0x3FAC]  }
0x2a: {  	p0 =	seq.s32 s5, $0x0;
	s5 =	sld [smem:$0x3FAD]  }
0x2b: {  	s6 =	sld [smem:$0x3FAE]  }
0x2c: {  	s7 =	sld [smem:$0x3FAF]  }
0x2d: {  	s3 =	simm.s32 $0x108;
	s8 =	sld [smem:$0x3FB0]  }
0x2e: {  	s3 =	simm.s32 @!p0 $0x1082;
	s9 =	sld [smem:$0x3FB1]  }
0x2f: {  	lr =	sadd.s32 s0, s3;
	s0 =	sld [smem:$0x3FA8]  }
0x30: {  	s3 =	sld [smem:$0x3FAB]  }
0x31: {  	[smem:$0x3FB4] =	sst s10  }
0x32: {  	s10 =	sld [smem:$0x3FB2];
	_ =	sdelay $0x3  }
0x33: {  	p0 =	seq.s32 s10, $0x1;
	s10 =	sld [smem:$0x3FB4];
	_ =	sdelay $0x3  }
0x34: {  	[smem:$0x3FB4] =	sst s10  }
0x35: {  	s10 =	sld [smem:$0x3FB3];
	_ =	sdelay $0x3  }
0x36: {  	p1 =	seq.s32 s10, $0x1;
	s10 =	sld [smem:$0x3FB4];
	_ =	sdelay $0x3  }
0x37: {  	[smem:$0x3FB4] =	sst s10  }
0x38: {  	s10 =	sld [smem:$0x3FB5]  }
0x39: {  	_ = 	snop;
	(pc) =	sbr.ind lr, $3  }
0x3a: {  	_ = 	snop  }
0x3b: {  	_ = 	snop  }
0x3c: {  	p2 =	seq.s32 s10, $0x1;
	s10 =	sld [smem:$0x3FB4]  }
0x3d: {  	_ =	shalt  }
0x3e: {  	_ =	shalt  }
0x3f: {  	_ =	shalt  }
0x40: {  	_ =	shalt  }
0x41: {  	_ =	shalt  }
0x42: {  	_ =	shalt  }
0x43: {  	_ =	shalt  }
0x44: {  	_ =	shalt  }
0x45: {  	_ =	shalt  }
0x46: {  	_ =	shalt  }
0x47: {  	_ =	shalt  }
0x48: {  	_ =	shalt  }
0x49: {  	_ =	shalt  }
0x4a: {  	_ =	shalt  }
0x4b: {  	_ =	shalt  }
0x4c: {  	_ =	shalt  }
0x4d: {  	_ =	shalt  }
0x4e: {  	_ =	shalt  }
0x4f: {  	_ =	shalt  }
0x50: {  	_ =	shalt  }
0x51: {  	_ =	shalt  }
0x52: {  	_ =	shalt  }
0x53: {  	_ =	shalt  }
0x54: {  	_ =	shalt  }
0x55: {  	_ =	shalt  }
0x56: {  	_ =	shalt  }
0x57: {  	_ =	shalt  }
0x58: {  	_ =	shalt  }
0x59: {  	_ =	shalt  }
0x5a: {  	_ =	shalt  }
0x5b: {  	_ =	shalt  }
0x5c: {  	_ =	shalt  }
0x5d: {  	_ =	shalt  }
0x5e: {  	_ =	shalt  }
0x5f: {  	_ =	shalt  }
0x60: {  	_ =	shalt  }
0x61: {  	_ =	shalt  }
0x62: {  	_ =	shalt  }
0x63: {  	_ =	shalt  }
0x64: {  	_ =	shalt  }
0x65: {  	_ =	shalt  }
0x66: {  	_ =	shalt  }
0x67: {  	_ =	shalt  }
0x68: {  	_ =	shalt  }
0x69: {  	_ =	shalt  }
0x6a: {  	_ =	shalt  }
0x6b: {  	_ =	shalt  }
0x6c: {  	_ =	shalt  }
0x6d: {  	_ =	shalt  }
0x6e: {  	_ =	shalt  }
0x6f: {  	_ =	shalt  }
0x70: {  	_ =	shalt  }
0x71: {  	_ =	shalt  }
0x72: {  	_ =	shalt  }
0x73: {  	_ =	shalt  }
0x74: {  	_ =	shalt  }
0x75: {  	_ =	shalt  }
0x76: {  	_ =	shalt  }
0x77: {  	_ =	shalt  }
0x78: {  	_ =	shalt  }
0x79: {  	_ =	shalt  }
0x7a: {  	_ =	shalt  }
0x7b: {  	_ =	shalt  }
0x7c: {  	_ =	shalt  }
0x7d: {  	_ =	shalt  }
0x7e: {  	_ =	shalt  }
0x7f: {  	_ =	shalt  }
0x80: {  	_ =	shalt  }
0x81: {  	_ =	shalt  }
0x82: {  	_ =	shalt  }
0x83: {  	_ =	shalt  }
0x84: {  	_ =	shalt  }
0x85: {  	_ =	shalt  }
0x86: {  	_ =	shalt  }
0x87: {  	_ =	shalt  }
.Lfunc_end0:
.L_simem_size_0:
called_computation.1_lowered:
.L_overlay_start_0:
0x88: {  	s2 =	sld [smem:$0x3FD9]  }
0x89: {  	s3 =	sld [smem:$0x3FFE];
	_ =	sdelay $0x1  }
0x8a: {  	s1 =	srdreg.scid  }
0x8b: {  	s0 =	sand.u32 $0x1, s1  }
0x8c: {  	s17 =	sshll.u32 s0, $0xA;
	s2 =	sadd.s32 s3, s2  }
0x8d: {  	s2 =	sadd.s32 s2, s17  }
0x8e: {  	[smem:$0x3FC0] =	sst s2  }
0x8f: {  	_ = 	snop  }
0x90: {  	s2 =	sld [smem:$0x3FD0];
	(tm) =	ssettm $0x1  }
0x91: {  	s18 =	sld [smem:$0x3FFB];
	_ =	sdelay $0x3  }
0x92: {  	_ =	strace s18  }
0x93: {  	s3 =	sld [smem:$0x3FFC];
	_ =	sdelay $0x3  }
0x94: {  	_ =	strace s3  }
0x95: {  	s3 =	sld [smem:$0x3FFD];
	_ =	sdelay $0x3  }
0x96: {  	_ =	strace s3  }
0x97: {  	_ =	strace $0x8FFFFFFF  }
0x98: {  	s19 =	sld [smem:$0x3FDB];
	_ =	sdelay $0x1  }
0x99: {  	s4 =	simm.s32 $_scs_section_size  }
0x9a: {  	s5 =	simm.s32 $_size__tile_overlayer_lowered;
	s6 =	simm.s32 $_tile_overlayer_lowered  }
0x9b: {  	s22 =	simm.s32 $0x1BFF;
	s21 =	sshll.u32 s6, $0x1;
	s3 =	sadd.s32 s4, s19  }
0x9c: {  	s7 =	simm.s32 $0x0;
	s20 =	sshll.u32 s5, $0x1;
	s5 =	sadd.s32 s21, s3  }
0x9d: {  	[timem:s7], [sflag:s22] =	dma.local [hbm:s5], s20  }
0x9e: {  	_ =	swait.ge [sflag:s22], s20  }
0x9f: {  	s4 =	ssub.s32 $0x0, s20;
	[sflag:s22] =	ssyncset.done $0x0  }
0xa0: {  	[sflag:s22] =	ssyncadd.s32 s4;
	_ =	sdelay $0x1  }
0xa1: {  	s23 =	simm.s32 $0x1B8B  }
0xa2: {  	_ =	swait.ge [sflag:s23], $0x1  }
0xa3: {  	[sflag:s23] =	ssyncset.done $0x0  }
0xa4: {  	s25 =	simm.s32 $0x1B8E;
	s24 =	sld [smem:$0x3FFE];
	[sflag:s23] =	ssyncadd.s32 $0xFFFFFFFF  }
0xa5: {  	s26 =	simm.s32 $execute0_lowered;
	[smem:$0x3FD2] =	sst s25  }
0xa6: {  	s5 =	sshll.u32 s26, $0x1;
	_ =	strace $0x80000049;
	[dreg:$0x1] =	wrdreg $0xFFFFFFFF  }
0xa7: {  	s28 =	simm.s32 $_size_execute0_lowered;
	s3 =	sadd.s32 s3, s5;
	[dreg:$0x0] =	wrdreg $0x0  }
0xa8: {  	s5 =	sshll.u32 s28, $0x1;
	[dreg:$0x2] =	wrdreg s3  }
0xa9: {  	[dreg:$0x3] =	wrdreg s5  }
0xaa: {  	[dreg:$0x4] =	wrdreg $0xC0  }
0xab: {  	_ =	task [dreg:s7], $0x5FFFF  }
0xac: {  	[dreg:$0x1] =	wrdreg $0xFFFFFFFF  }
0xad: {  	[dreg:$0x0] =	wrdreg $0x60  }
0xae: {  	[dreg:$0x2] =	wrdreg s24  }
0xaf: {  	[dreg:$0x3] =	wrdreg s2  }
0xb0: {  	[dreg:$0x4] =	wrdreg $0x88400  }
0xb1: {  	[dreg:$0x5] =	wrdreg $0x60400  }
0xb2: {  	[dreg:$0x6] =	wrdreg $0x9  }
0xb3: {  	_ =	task.clear_ibuf [dreg:s7], $0x7FFFF;
	_ =	strace $0x90000049  }
0xb4: {  	s29 =	simm.s32 $0x9;
	_ =	strace $0x8000004B  }
0xb5: {  	_ =	swait.ge [sflag:s29], $0x1  }
0xb6: {  	[sflag:s29] =	ssyncadd.s32 $0xFFFFFFFF  }
0xb7: {  	_ =	strace $0x9000004B  }
0xb8: {  	_ =	sfence  }
0xb9: {  	s30 =	sld [smem:$0x0];
	_ =	sdelay $0x2  }
0xba: {  	s31 =	sshll.u32 s1, $0xD;
	s1 =	sshrl.u32 s1, $0x2  }
0xbb: {  	s3 =	sand.u32 $0x4000, s31;
	s1 =	sadd.s32 s1, s30  }
0xbc: {  	s0 =	sor.u32 s3, s0;
	s1 =	sshll.u32 s1, $0x11  }
0xbd: {  	s0 =	sor.u32 s1, s0  }
0xbe: {  	s0 =	sadd.s32 $0x8F2B, s0  }
0xbf: {  	[sflag:s0] =	ssyncadd.remote.s32 $0x1  }
0xc0: {  	_ =	sfence.sel $0xFFFF  }
0xc1: {  	[dreg:$0x0] =	wrdreg $0xFFFFFFFF;
	(pc) =	sbr.abs _section_cstart, $3  }
0xc2: {  	[dreg:$0x1] =	wrdreg $0xFFFFFFFF  }
0xc3: {  	_ =	task.clear_ibuf [dreg:s7], $0x2FFFF;
	_ =	strace $0x9FFFFFFF  }
0xc4: {  	(tm) =	ssettm $0x7FFFFFFF  }
0xc5: {  	_ =	shalt  }
tec
execute0_lowered:
.L_overlay_start_1:
0x0: {  	(tag) =	ssettag $0x1  }
0x1: {  	s0 =	rddreg [dreg:$0x0]  }
0x2: {  	s2 =	rddreg [dreg:$0x1]  }
0x3: {  	s3 =	rddreg [dreg:$0x2]  }
0x4: {  	s4 =	rddreg [dreg:$0x3];
	s14 =	stileid.u32  }
0x5: {  	s1 =	srdreg.scid;
	s5 =	simm.s32 $0x0;
	s28 =	simm.s32 $0x50  }
0x6: {  	s29 =	simm.s32 $0xA0;
	s30 =	simm.s32 $0x320;
	s8 =	smul.u32 $0x14000, s14  }
0x7: {  	s31 =	simm.s32 $0x3;
	s1 =	sand.u32 $0x1, s1;
	s11 =	smul.u32 $0x2800, s14  }
0x8: {  	[smem:$0x7FF] =	sst s5;
	s6 =	sadd.s32 $0x2000, s0;
	s12 =	smul.u32 $0x50000, s14  }
0x9: {  	s7 =	sadd.s32 $0x22400, s0;
	s14 =	sshll.u32 s14, $0x1;
	s9 =	smul.u32 $0x140000, s1  }
0xa: {  	_ =	strace $0x8000004A;
	s25 =	ssub.s32 $0x2, s1;
	s1 =	sor.u32 s1, s14  }
0xb: {  	s10 =	sshrl.u32 s11, $0x3;
	s26 =	sshrl.u32 s25, $0x1;
	s12 =	sshrl.u32 s12, $0x2  }
0xc: {  	s20 =	sadd.s32 s8, s3;
	s11 =	sadd.s32 s11, s4;
	s12 =	sadd.s32 s12, s3  }
0xd: {  	s9 =	sadd.s32 s8, s9;
	[dreg:$0x5] =	wrdreg s20;
	s14 =	sadd.s32 $0x2800, s12  }
0xe: {  	v1 =	vlaneseq.u32;
	s13 =	sadd.s32 s10, s0;
	s15 =	sadd.s32 $0x5000, s12;
	[dreg:$0x6] =	wrdreg s14  }
0xf: {  	v0 =	vmul.u32 $0x10, v1;
	v1 =	vmul.u32 $0x4, v1;
	s10 =	smul.u32 $0x2710, s1;
	s16 =	sadd.s32 $0x7800, s12;
	[dreg:$0x7] =	wrdreg s15  }
0x10: {  	s1 =	smul.u32 $0x1388, s1;
	s17 =	sadd.s32 $0xA000, s12;
	[dreg:$0x8] =	wrdreg s16  }
0x11: {  	v2 =	vimm.f32 $0.0e+00;
	v3 =	vor.u32 $0x1, v0;
	v4 =	vor.u32 $0x1, v1;
	s9 =	sshrl.u32 s9, $0x3;
	s18 =	sadd.s32 $0xC800, s12;
	[dreg:$0x9] =	wrdreg s17  }
0x12: {  	v6 =	vor.u32 $0x2, v1;
	v8 =	vor.u32 $0x3, v1;
	v9 =	vor.u32 $0x100, v0;
	s19 =	sadd.s32 $0xF000, s12;
	s22 =	sadd.s32 $0x11800, s12;
	[dreg:$0xa] =	wrdreg s18  }
0x13: {  	v10 =	vor.u32 $0x40, v1;
	v11 =	vor.u32 $0x101, v0;
	v12 =	vor.u32 $0x41, v1;
	s24 =	sadd.s32 $0x15A00, s13;
	s12 =	simm.s32 $0x3340;
	[dreg:$0xb] =	wrdreg s19  }
0x14: {  	v13 =	vor.u32 $0x102, v0;
	v14 =	vor.u32 $0x42, v1;
	v15 =	vor.u32 $0x103, v0;
	s13 =	simm.s32 $0x30C0;
	s0 =	sadd.s32 s9, s0;
	[dreg:$0xc] =	wrdreg s22  }
0x15: {  	v16 =	vor.u32 $0x43, v1;
	v17 =	vor.u32 $0x200, v0;
	v18 =	vor.u32 $0x80, v1;
	s9 =	ssub.s32 s25, s26;
	s21 =	sshrl.u32 s10, $0x3;
	[dreg:$0xe] =	wrdreg s24  }
0x16: {  	v19 =	vor.u32 $0x201, v0;
	v20 =	vor.u32 $0x81, v1;
	v21 =	vor.u32 $0x202, v0;
	s1 =	sadd.s32 s7, s1;
	s24 =	simm.s32 $0x820;
	s26 =	sshrl.u32 s11, $0x3  }
0x17: {  	v22 =	vor.u32 $0x82, v1;
	v23 =	vor.u32 $0x203, v0;
	v24 =	vor.u32 $0x83, v1;
	s11 =	simm.s32 $0x4;
	s14 =	simm.s32 $0x3200;
	s15 =	simm.s32 $0x2  }
0x18: {  	v25 =	vor.u32 $0x300, v0;
	v26 =	vor.u32 $0xC0, v1;
	v27 =	vor.u32 $0x301, v0;
	s16 =	simm.s32 $0x3070;
	s18 =	simm.s32 $0x3840;
	[dreg:$0x10] =	wrdreg s1  }
.Ltmp0:
0x19: {  	v28 =	vor.u32 $0xC1, v1;
	v29 =	vor.u32 $0x302, v0;
	v30 =	vor.u32 $0xC2, v1;
	s23 =	sadd.s32 s6, s21;
	[dreg:$0x13] =	wrdreg s26;
	(pc) =	sbr.rel .LBB2_1-.Ltmp0, $4  }
0x1a: {  	v31 =	vor.u32 $0x303, v0;
	v32 =	vor.u32 $0xC3, v1;
	v33 =	vor.u32 $0x400, v0;
	s21 =	sadd.s32 $0x50, s10;
	s0 =	sadd.s32 $0x49600, s0;
	[dreg:$0xd] =	wrdreg s23  }
0x1b: {  	v34 =	vor.u32 $0x100, v1;
	v35 =	vor.u32 $0x401, v0;
	[tilespmem:$0x1FFD0] =	vst v3;
	v3 =	vor.u32 $0x2, v0;
	s25 =	smax.u32 s9, $0x1;
	s26 =	simm.s32 $0x5;
	[dreg:$0x11] =	wrdreg s0  }
0x1c: {  	v36 =	vor.u32 $0x101, v1;
	v37 =	vor.u32 $0x402, v0;
	[tilespmem:$0x1FFE0] =	vst v3;
	v3 =	vor.u32 $0x3, v0;
	s1 =	simm.s32 $0x1;
	s8 =	sadd.s32 $0x9C40, s23;
	[dreg:$0x12] =	wrdreg s25  }
0x1d: {  	v38 =	vor.u32 $0x102, v1;
	v39 =	vor.u32 $0x403, v0;
	v40 =	vor.u32 $0x103, v1;
	[tilespmem:$0x1FFF0] =	vst v3;
	s9 =	simm.s32 $0x6;
	s0 =	simm.s32 $0x1E0;
	[dreg:$0xf] =	wrdreg s8  }
.LBB2_12:
0x1e: {  	[bflag:$0x0] =	sbarrier.arrive $0xFFFF  }
0x1f: {  	s20 =	rddreg [dreg:$0x5]  }
0x20: {  	s17 =	rddreg [dreg:$0x11]  }
0x21: {  	s19 =	rddreg [dreg:$0x14];
	s8 =	sshrl.u32 s20, $0x3  }
0x22: {  	[hbm:s17], [sflag:s19] =	dma.local [spmem:s8], $0x2800  }
0x23: {  	_ =	swait.ge [sflag:s26], $0x2800  }
0x24: {  	s5 =	sadd.s32 $0x1, s5;
	s25 =	rddreg [dreg:$0x12]  }
0x25: {  	p0 =	sne.s32 s5, s25  }
.Ltmp1:
0x26: {  	_ = 	snop;
	(pc) =	sbr.rel @!p0 .LBB2_13-.Ltmp1, $3  }
0x27: {  	_ =	sdelay $0x1  }
0x28: {  	[sflag:s26] =	ssyncset.done $0x0  }
0x29: {  	[sflag:s26] =	ssyncadd.s32 $0xFFFFD800  }
.LBB2_1:
0x2a: {  	s17 =	simm.s32 $0x0;
	s19 =	simm.s32 $0x200  }
.LBB2_2:
0x2b: {  	p0 =	sne.s32 s19, $0x9E00;
	[tilespmem:s17+$0x890] =	vst v2  }
0x2c: {  	[tilespmem:s17+$0x820] =	vst v2  }
0x2d: {  	[tilespmem:s17+$0x830] =	vst v2  }
.Ltmp2:
0x2e: {  	[tilespmem:s17+$0x840] =	vst v2;
	(pc) =	sbr.rel @p0 .LBB2_2-.Ltmp2, $4  }
0x2f: {  	[tilespmem:s17+$0x850] =	vst v2  }
0x30: {  	[tilespmem:s17+$0x860] =	vst v2  }
0x31: {  	[tilespmem:s17+$0x870] =	vst v2  }
0x32: {  	[tilespmem:s17+$0x880] =	vst v2;
	s17 =	sshra.s32 s19, $0x2;
	s19 =	sadd.s32 $0x200, s19  }
0x33: {  	[tilespmem:s17+$0x890] =	vst v2  }
0x34: {  	[tilespmem:s17+$0x820] =	vst v2  }
0x35: {  	[tilespmem:s17+$0x830] =	vst v2  }
0x36: {  	[tilespmem:s17+$0x840] =	vst v2  }
0x37: {  	[tilespmem:s17+$0x850] =	vst v2  }
0x38: {  	[tilespmem:s17+$0x860] =	vst v2  }
0x39: {  	[tilespmem:s17+$0x870] =	vst v2  }
0x3a: {  	[tilespmem:s17+$0x880] =	vst v2  }
0x3b: {  	[spmem:s20] =	stream.linear.scatter [tilespmem:s24], [sflag:$0x5], $0x2800, $0x38;
	[tilespmem:$0x1C840] =	vst v63  }
0x3c: {  	_ =	swait.ge [sflag:s26], $0x2800  }
0x3d: {  	[sflag:s26] =	ssyncset.done $0x0  }
0x3e: {  	s8 =	rddreg [dreg:$0x6];
	[sflag:s26] =	ssyncadd.s32 $0xFFFFD800  }
0x3f: {  	[spmem:s8] =	stream.linear.scatter [tilespmem:s24], [sflag:$0x5], $0x2800, $0x38;
	[tilespmem:$0x1C840] =	vst v63  }
0x40: {  	_ =	swait.ge [sflag:s26], $0x2800  }
0x41: {  	[sflag:s26] =	ssyncset.done $0x0  }
0x42: {  	s25 =	rddreg [dreg:$0x7];
	[sflag:s26] =	ssyncadd.s32 $0xFFFFD800  }
0x43: {  	[spmem:s25] =	stream.linear.scatter [tilespmem:s24], [sflag:$0x5], $0x2800, $0x38;
	[tilespmem:$0x1C840] =	vst v63  }
0x44: {  	_ =	swait.ge [sflag:s26], $0x2800  }
0x45: {  	[sflag:s26] =	ssyncset.done $0x0  }
0x46: {  	s17 =	rddreg [dreg:$0x8];
	[sflag:s26] =	ssyncadd.s32 $0xFFFFD800  }
0x47: {  	[spmem:s17] =	stream.linear.scatter [tilespmem:s24], [sflag:$0x5], $0x2800, $0x38;
	[tilespmem:$0x1C840] =	vst v63  }
0x48: {  	_ =	swait.ge [sflag:s26], $0x2800  }
0x49: {  	[sflag:s26] =	ssyncset.done $0x0  }
0x4a: {  	s19 =	rddreg [dreg:$0x9];
	[sflag:s26] =	ssyncadd.s32 $0xFFFFD800  }
0x4b: {  	[spmem:s19] =	stream.linear.scatter [tilespmem:s24], [sflag:$0x5], $0x2800, $0x38;
	[tilespmem:$0x1C840] =	vst v63  }
0x4c: {  	_ =	swait.ge [sflag:s26], $0x2800  }
0x4d: {  	[sflag:s26] =	ssyncset.done $0x0  }
0x4e: {  	s20 =	rddreg [dreg:$0xa];
	[sflag:s26] =	ssyncadd.s32 $0xFFFFD800  }
0x4f: {  	[spmem:s20] =	stream.linear.scatter [tilespmem:s24], [sflag:$0x5], $0x2800, $0x38;
	[tilespmem:$0x1C840] =	vst v63  }
0x50: {  	_ =	swait.ge [sflag:s26], $0x2800  }
0x51: {  	[sflag:s26] =	ssyncset.done $0x0  }
0x52: {  	s22 =	rddreg [dreg:$0xb];
	[sflag:s26] =	ssyncadd.s32 $0xFFFFD800  }
0x53: {  	[spmem:s22] =	stream.linear.scatter [tilespmem:s24], [sflag:$0x5], $0x2800, $0x38;
	[tilespmem:$0x1C840] =	vst v63  }
0x54: {  	s25 =	stileid.u32;
	_ =	swait.ge [sflag:s26], $0x2800  }
0x55: {  	s8 =	sshll.u32 s25, $0x6;
	[sflag:s26] =	ssyncset.done $0x0  }
0x56: {  	s19 =	sor.u32 $0x1C05, s8;
	s23 =	rddreg [dreg:$0xc];
	[sflag:s26] =	ssyncadd.s32 $0xFFFFD800  }
0x57: {  	[spmem:s23] =	stream.linear.scatter [tilespmem:s24], [sflag:$0x5], $0x2800, $0x38;
	[tilespmem:$0x1C840] =	vst v63  }
0x58: {  	_ =	swait.ge [sflag:s26], $0x2800;
	[dreg:$0x14] =	wrdreg s19  }
0x59: {  	[sflag:s26] =	ssyncset.done $0x0;
	s17 =	rddreg [dreg:$0xe]  }
0x5a: {  	s20 =	rddreg [dreg:$0x13];
	[sflag:s26] =	ssyncadd.s32 $0xFFFFD800  }
0x5b: {  	[spmem:s20], [sflag:s19] =	dma.local [hbm:s17], $0x500  }
0x5c: {  	_ =	swait.ge [sflag:s26], $0x500  }
0x5d: {  	[sflag:s26] =	ssyncset.done $0x0  }
0x5e: {  	[sflag:s26] =	ssyncadd.s32 $0xFFFFFB00  }
0x5f: {  	[bflag:$0x0] =	sbarrier.arrive $0xFFFF  }
0x60: {  	s20 =	simm.s32 $0x0;
	s22 =	rddreg [dreg:$0xd]  }
0x61: {  	[tilespmem:s20], [sflag:$0x5] =	stream.linear.gather [hbm4b:s22+s20], $0x50, $0x38;
	[tilespmem:$0x1C840] =	vst v63  }
0x62: {  	_ =	swait.ge [sflag:s26], $0x50  }
0x63: {  	[sflag:s26] =	ssyncset.done $0x0  }
0x64: {  	s23 =	rddreg [dreg:$0xf];
	[sflag:s26] =	ssyncadd.s32 $0xFFFFFFB0  }
0x65: {  	[tilespmem:s28], [sflag:$0x5] =	stream.linear.gather [hbm4b:s23+s20], $0x50, $0x38;
	[tilespmem:$0x1C840] =	vst v63  }
0x66: {  	_ =	swait.ge [sflag:s26], $0x50  }
0x67: {  	[sflag:s26] =	ssyncset.done $0x0  }
0x68: {  	s25 =	rddreg [dreg:$0x10];
	[sflag:s26] =	ssyncadd.s32 $0xFFFFFFB0  }
0x69: {  	[tilespmem:s29], [sflag:$0x5] =	stream.linear.gather [hbm4b:s25+s20], $0x140, $0x38;
	[tilespmem:$0x1C840] =	vst v63  }
0x6a: {  	_ =	swait.ge [sflag:s26], $0x140  }
.Ltmp3:
0x6b: {  	[sflag:s26] =	ssyncset.done $0x0;
	(pc) =	sbr.rel .LBB2_4-.Ltmp3, $4  }
0x6c: {  	[sflag:s26] =	ssyncadd.s32 $0xFFFFFEC0  }
0x6d: {  	[tilespmem:s24], [sflag:$0x1] =	stream.indirect.gather [hbm4b:s2+s28], $0x80, s20, s28, $0xb8;
	[tilespmem:$0x1C840] =	vst v63  }
0x6e: {  	_ = 	snop  }
0x6f: {  	[tilespmem:s30], [sflag:$0x3] =	stream.indirect.gather [spmem:s4], $0x10, s28, s28, $0xb8;
	[tilespmem:$0x1C840] =	vst v63  }
.LBB2_10:
0x70: {  	[tilespmem:s22+$0xFFFFFF00] =	vst v3;
	v3 =	vmul.f32 v55, v45  }
0x71: {  	v5 =	vmul.f32 v62, v57;
	[tilespmem:s22+$0xFFFFFF40] =	vst v63  }
0x72: {  	v51 =	vmul.f32 v51, v58;
	[tilespmem:s22+$0xE0] =	vst v3  }
0x73: {  	v7 =	vld [tilespmem:s22+$0xA0];
	v48 =	vmul.f32 v48, v54;
	[tilespmem:s22+$0xC0] =	vst v5  }
0x74: {  	v63 =	vld [tilespmem:s22+$0x70];
	v3 =	vmul.f32 v60, v54;
	[tilespmem:s22+$0xFFFFFF10] =	vst v51  }
0x75: {  	v62 =	vbroadcast v43, $0xB;
	v60 =	vmul.f32 v61, v59;
	[tilespmem:s22+$0x80] =	vst v48  }
0x76: {  	v61 =	vmul.f32 v53, v57;
	[tilespmem:s22+$0x90] =	vst v3  }
0x77: {  	v50 =	vmul.f32 v50, v62;
	[tilespmem:s22+$0xFFFFFF50] =	vst v60  }
0x78: {  	[tilespmem:s22+$0xD0] =	vst v61;
	v61 =	vbroadcast v43, $0x7;
	v7 =	vmul.f32 v7, v52  }
0x79: {  	v5 =	vld [tilespmem:s22+$0xFFFFFFB0];
	[tilespmem:s22+$0x60] =	vst v50;
	v55 =	vmul.f32 v63, v62  }
0x7a: {  	v63 =	vbroadcast v43, $0x6;
	v44 =	vmul.f32 v44, v61;
	[tilespmem:s22+$0xA0] =	vst v7  }
0x7b: {  	v53 =	vld [tilespmem:s22+$0xFFFFFF20];
	v7 =	vmul.f32 v56, v52;
	[tilespmem:s22+$0x70] =	vst v55  }
0x7c: {  	v58 =	vld [tilespmem:s22+$0x40];
	v60 =	vbroadcast v43, $0x5;
	v47 =	vmul.f32 v47, v63;
	[tilespmem:s22+$0xFFFFFFF0] =	vst v44  }
0x7d: {  	v3 =	vld [tilespmem:s22+$0xFFFFFFE0];
	v49 =	vmul.f32 v49, v63;
	[tilespmem:s22+$0xB0] =	vst v7  }
0x7e: {  	v62 =	vld [tilespmem:s22+$0xF0];
	v56 =	vbroadcast v43, $0x1;
	v5 =	vmul.f32 v5, v60;
	[tilespmem:s22+$0xFFFFFFD0] =	vst v47  }
0x7f: {  	v63 =	vbroadcast v43, $0xA;
	v7 =	vmul.f32 v46, v60;
	[tilespmem:s22+$0xFFFFFFC0] =	vst v49  }
0x80: {  	v53 =	vmul.f32 v53, v56;
	[tilespmem:s22+$0xFFFFFFB0] =	vst v5  }
0x81: {  	v46 =	vld [tilespmem:s22+$0xFFFFFF70];
	v5 =	vmul.f32 v58, v63;
	[tilespmem:s22+$0xFFFFFFA0] =	vst v7  }
0x82: {  	v52 =	vld [tilespmem:s22+$0x20];
	v3 =	vmul.f32 v3, v61;
	v60 =	vbroadcast v43, $0x4;
	[tilespmem:s22+$0xFFFFFF20] =	vst v53  }
0x83: {  	v55 =	vld [tilespmem:s22+$0x30];
	v61 =	vmul.f32 v62, v45;
	v7 =	vbroadcast v43, $0x3;
	[tilespmem:s22+$0x40] =	vst v5  }
0x84: {  	v47 =	vld [tilespmem:s22+$0xFFFFFF80];
	v42 =	vmul.f32 v42, v60;
	[tilespmem:s22+$0xFFFFFFE0] =	vst v3  }
0x85: {  	v59 =	vld [tilespmem:s22+$0x50];
	v5 =	vbroadcast v43, $0x9;
	[tilespmem:s22+$0xF0] =	vst v61;
	v41 =	vmul.f32 v41, v7  }
0x86: {  	v57 =	vld [tilespmem:s22+$0xFFFFFF30];
	[tilespmem:s22+$0xFFFFFF90] =	vst v42;
	v3 =	vmul.f32 v46, v7  }
0x87: {  	v51 =	vld [tilespmem:s22+$0x0];
	v7 =	vmul.f32 v52, v5;
	[tilespmem:s22+$0xFFFFFF60] =	vst v41  }
0x88: {  	v49 =	vld [tilespmem:s22+$0x10];
	v5 =	vmul.f32 v55, v5;
	[tilespmem:s22+$0xFFFFFF70] =	vst v3  }
0x89: {  	v62 =	vmul.f32 v47, v60;
	[tilespmem:s22+$0x20] =	vst v7  }
0x8a: {  	v3 =	vbroadcast v43, $0x8;
	v7 =	vmul.f32 v59, v63;
	[tilespmem:s22+$0x30] =	vst v5  }
0x8b: {  	[tilespmem:s22+$0xFFFFFF80] =	vst v62;
	v63 =	vmul.f32 v57, v56  }
0x8c: {  	v5 =	vmul.f32 v51, v3;
	[tilespmem:s22+$0x50] =	vst v7  }
0x8d: {  	v3 =	vmul.f32 v49, v3;
	[tilespmem:s22+$0xFFFFFF30] =	vst v63  }
0x8e: {  	[tilespmem:s22+$0x0] =	vst v5  }
0x8f: {  	s17 =	simm.s32 $0x5;
	[tilespmem:s22+$0x10] =	vst v3  }
0x90: {  	[spmem:s3] =	stream.indirect.scatter.add.f32 [tilespmem:s18], [sflag:$0x5], $0x80, s16, s28, $0xb8;
	[tilespmem:$0x1C840] =	vst v63  }
.LBB2_11:
0x91: {  	s20 =	sadd.s32 $0x1, s20  }
0x92: {  	p0 =	sne.s32 s20, $0x7D  }
.Ltmp4:
0x93: {  	_ = 	snop;
	(pc) =	sbr.rel @!p0 .LBB2_12-.Ltmp4, $4  }
0x94: {  	_ = 	snop  }
0x95: {  	_ =	swait.ge [sflag:s17], $0x2800  }
0x96: {  	[sflag:s17] =	ssyncset.done $0x0  }
0x97: {  	[sflag:s17] =	ssyncadd.s32 $0xFFFFD800  }
.LBB2_4:
0x98: {  	s17 =	sand.u32 $0x1, s20  }
0x99: {  	p0 =	seq.s32 s17, $0x1  }
.Ltmp5:
0x9a: {  	_ = 	snop;
	(pc) =	sbr.rel @p0 .LBB2_8-.Ltmp5, $1  }
0x9b: {  	_ =	sdelay $0x3  }
0x9c: {  	s17 =	sor.u32 $0x1, s20  }
0x9d: {  	p0 =	sgt.u32 s17, $0x7C  }
0x9e: {  	s17 =	smul.u32 @!p0 $0x50, s17;
	_ =	sdelay $0x1  }
0x9f: {  	s17 =	sadd.s32 @!p0 s10, s17  }
0xa0: {  	s23 =	simm.s32 @!p0 $0x0;
	s22 =	sshrl.u32 @!p0 s17, $0x3  }
0xa1: {  	s25 =	simm.s32 @!p0 $0x3020;
	s8 =	simm.s32 @!p0 $0x6;
	s22 =	sadd.s32 @!p0 s6, s22  }
0xa2: {  	[tilespmem:s25], [sflag:$0x6] =	stream.linear.gather @!p0 [hbm4b:s22+s23], $0x50, $0x38;
	[tilespmem:$0x1C840] =	vst v63  }
0xa3: {  	_ =	swait.ge @!p0 [sflag:s8], $0x50  }
0xa4: {  	[sflag:s8] =	ssyncset.done @!p0 $0x0  }
0xa5: {  	s19 =	simm.s32 @!p0 $0x3070;
	s22 =	sadd.s32 @!p0 $0x9C40, s22;
	[sflag:s8] =	ssyncadd.s32 @!p0 $0xFFFFFFB0  }
0xa6: {  	[tilespmem:s19], [sflag:$0x6] =	stream.linear.gather @!p0 [hbm4b:s22+s23], $0x50, $0x38;
	[tilespmem:$0x1C840] =	vst v63  }
0xa7: {  	s17 =	sshrl.u32 @!p0 s17, $0x1;
	_ =	swait.ge @!p0 [sflag:s8], $0x50  }
0xa8: {  	s17 =	sand.u32 @!p0 $0x1FFFFFF8, s17;
	[sflag:s8] =	ssyncset.done @!p0 $0x0  }
0xa9: {  	s17 =	sadd.s32 @!p0 s7, s17;
	s22 =	simm.s32 @!p0 $0x30C0;
	[sflag:s8] =	ssyncadd.s32 @!p0 $0xFFFFFFB0  }
0xaa: {  	[tilespmem:s22], [sflag:$0x6] =	stream.linear.gather @!p0 [hbm4b:s17+s23], $0x140, $0x38;
	[tilespmem:$0x1C840] =	vst v63  }
0xab: {  	_ =	swait.ge @!p0 [sflag:s8], $0x140  }
0xac: {  	[sflag:s8] =	ssyncset.done @!p0 $0x0  }
0xad: {  	s17 =	simm.s32 @!p0 $0x3840;
	[sflag:s8] =	ssyncadd.s32 @!p0 $0xFFFFFEC0;
	s8 =	simm.s32 @!p0 $0x50  }
0xae: {  	[tilespmem:s17], [sflag:$0x2] =	stream.indirect.gather @!p0 [hbm4b:s2+s8], $0x80, s25, s8, $0xb8;
	[tilespmem:$0x1C840] =	vst v63  }
0xaf: {  	s17 =	simm.s32 @!p0 $0x3340  }
0xb0: {  	[tilespmem:s17], [sflag:$0x4] =	stream.indirect.gather @!p0 [spmem:s4], $0x10, s19, s8, $0xb8;
	[tilespmem:$0x1C840] =	vst v63  }
0xb1: {  	_ =	swait.ge [sflag:s31], $0x500  }
0xb2: {  	[sflag:s31] =	ssyncset.done $0x0  }
0xb3: {  	[sflag:s31] =	ssyncadd.s32 $0xFFFFFB00  }
0xb4: {  	v3 =	vld.idx.msk [tilespmem:v0+s30+$0x0], $0xffff  }
0xb5: {  	v41 =	vld.idx.msk [tilespmem:v1+s29+$0x0], $0xffff;
	_ =	sdelay $0x4  }
0xb6: {  	v3 =	vmul.f32 v41, v3;
	_ =	sdelay $0x1  }
0xb7: {  	[tilespmem:v1+s0+$0x0] =	vst.idx.msk $0xffff, v3;
	v3 =	vld [tilespmem:$0x1FFD0];
	_ =	sdelay $0x6  }
0xb8: {  	v45 =	vld.idx.msk [tilespmem:v4+s29+$0x0], $0xffff  }
0xb9: {  	v3 =	vld.idx.msk [tilespmem:v3+s30+$0x0], $0xffff;
	_ =	sdelay $0x4  }
0xba: {  	v3 =	vmul.f32 v45, v3;
	_ =	sdelay $0x1  }
0xbb: {  	[tilespmem:v4+s0+$0x0] =	vst.idx.msk $0xffff, v3;
	v3 =	vld [tilespmem:$0x1FFE0];
	_ =	sdelay $0x6  }
0xbc: {  	v46 =	vld.idx.msk [tilespmem:v6+s29+$0x0], $0xffff  }
0xbd: {  	v3 =	vld.idx.msk [tilespmem:v3+s30+$0x0], $0xffff;
	_ =	sdelay $0x4  }
0xbe: {  	v3 =	vmul.f32 v46, v3;
	_ =	sdelay $0x1  }
0xbf: {  	[tilespmem:v6+s0+$0x0] =	vst.idx.msk $0xffff, v3;
	v3 =	vld [tilespmem:$0x1FFF0];
	_ =	sdelay $0x6  }
0xc0: {  	v47 =	vld.idx.msk [tilespmem:v8+s29+$0x0], $0xffff  }
0xc1: {  	v3 =	vld.idx.msk [tilespmem:v3+s30+$0x0], $0xffff;
	_ =	sdelay $0x4  }
0xc2: {  	v3 =	vmul.f32 v47, v3;
	_ =	sdelay $0x1  }
0xc3: {  	[tilespmem:v8+s0+$0x0] =	vst.idx.msk $0xffff, v3  }
0xc4: {  	v3 =	vld.idx.msk [tilespmem:v9+s30+$0x0], $0xffff  }
0xc5: {  	v48 =	vld.idx.msk [tilespmem:v10+s29+$0x0], $0xffff;
	_ =	sdelay $0x4  }
0xc6: {  	v3 =	vmul.f32 v48, v3;
	_ =	sdelay $0x1  }
0xc7: {  	[tilespmem:v10+s0+$0x0] =	vst.idx.msk $0xffff, v3  }
0xc8: {  	v3 =	vld.idx.msk [tilespmem:v11+s30+$0x0], $0xffff  }
0xc9: {  	v49 =	vld.idx.msk [tilespmem:v12+s29+$0x0], $0xffff;
	_ =	sdelay $0x4  }
0xca: {  	v3 =	vmul.f32 v49, v3;
	_ =	sdelay $0x1  }
0xcb: {  	[tilespmem:v12+s0+$0x0] =	vst.idx.msk $0xffff, v3  }
0xcc: {  	v3 =	vld.idx.msk [tilespmem:v13+s30+$0x0], $0xffff  }
0xcd: {  	v50 =	vld.idx.msk [tilespmem:v14+s29+$0x0], $0xffff;
	_ =	sdelay $0x4  }
0xce: {  	v3 =	vmul.f32 v50, v3;
	_ =	sdelay $0x1  }
0xcf: {  	[tilespmem:v14+s0+$0x0] =	vst.idx.msk $0xffff, v3  }
0xd0: {  	v3 =	vld.idx.msk [tilespmem:v15+s30+$0x0], $0xffff  }
0xd1: {  	v51 =	vld.idx.msk [tilespmem:v16+s29+$0x0], $0xffff;
	_ =	sdelay $0x4  }
0xd2: {  	v3 =	vmul.f32 v51, v3;
	_ =	sdelay $0x1  }
0xd3: {  	[tilespmem:v16+s0+$0x0] =	vst.idx.msk $0xffff, v3  }
0xd4: {  	v3 =	vld.idx.msk [tilespmem:v17+s30+$0x0], $0xffff  }
0xd5: {  	v52 =	vld.idx.msk [tilespmem:v18+s29+$0x0], $0xffff;
	_ =	sdelay $0x4  }
0xd6: {  	v3 =	vmul.f32 v52, v3;
	_ =	sdelay $0x1  }
0xd7: {  	[tilespmem:v18+s0+$0x0] =	vst.idx.msk $0xffff, v3  }
0xd8: {  	v3 =	vld.idx.msk [tilespmem:v19+s30+$0x0], $0xffff  }
0xd9: {  	v53 =	vld.idx.msk [tilespmem:v20+s29+$0x0], $0xffff;
	_ =	sdelay $0x4  }
0xda: {  	v3 =	vmul.f32 v53, v3;
	_ =	sdelay $0x1  }
0xdb: {  	[tilespmem:v20+s0+$0x0] =	vst.idx.msk $0xffff, v3  }
0xdc: {  	v3 =	vld.idx.msk [tilespmem:v21+s30+$0x0], $0xffff  }
0xdd: {  	v54 =	vld.idx.msk [tilespmem:v22+s29+$0x0], $0xffff;
	_ =	sdelay $0x4  }
0xde: {  	v3 =	vmul.f32 v54, v3;
	_ =	sdelay $0x1  }
0xdf: {  	[tilespmem:v22+s0+$0x0] =	vst.idx.msk $0xffff, v3  }
0xe0: {  	v3 =	vld.idx.msk [tilespmem:v23+s30+$0x0], $0xffff  }
0xe1: {  	v55 =	vld.idx.msk [tilespmem:v24+s29+$0x0], $0xffff;
	_ =	sdelay $0x4  }
0xe2: {  	v3 =	vmul.f32 v55, v3;
	_ =	sdelay $0x1  }
0xe3: {  	[tilespmem:v24+s0+$0x0] =	vst.idx.msk $0xffff, v3  }
0xe4: {  	v3 =	vld.idx.msk [tilespmem:v25+s30+$0x0], $0xffff  }
0xe5: {  	v56 =	vld.idx.msk [tilespmem:v26+s29+$0x0], $0xffff;
	_ =	sdelay $0x4  }
0xe6: {  	v3 =	vmul.f32 v56, v3;
	_ =	sdelay $0x1  }
0xe7: {  	[tilespmem:v26+s0+$0x0] =	vst.idx.msk $0xffff, v3  }
0xe8: {  	v3 =	vld.idx.msk [tilespmem:v27+s30+$0x0], $0xffff  }
0xe9: {  	v57 =	vld.idx.msk [tilespmem:v28+s29+$0x0], $0xffff;
	_ =	sdelay $0x4  }
0xea: {  	v3 =	vmul.f32 v57, v3;
	_ =	sdelay $0x1  }
0xeb: {  	[tilespmem:v28+s0+$0x0] =	vst.idx.msk $0xffff, v3  }
0xec: {  	v3 =	vld.idx.msk [tilespmem:v29+s30+$0x0], $0xffff  }
0xed: {  	v58 =	vld.idx.msk [tilespmem:v30+s29+$0x0], $0xffff;
	_ =	sdelay $0x4  }
0xee: {  	v3 =	vmul.f32 v58, v3;
	_ =	sdelay $0x1  }
0xef: {  	[tilespmem:v30+s0+$0x0] =	vst.idx.msk $0xffff, v3  }
0xf0: {  	v3 =	vld.idx.msk [tilespmem:v31+s30+$0x0], $0xffff  }
0xf1: {  	v59 =	vld.idx.msk [tilespmem:v32+s29+$0x0], $0xffff;
	_ =	sdelay $0x4  }
0xf2: {  	v3 =	vmul.f32 v59, v3;
	_ =	sdelay $0x1  }
0xf3: {  	[tilespmem:v32+s0+$0x0] =	vst.idx.msk $0xffff, v3  }
0xf4: {  	v3 =	vld.idx.msk [tilespmem:v33+s30+$0x0], $0xffff  }
0xf5: {  	v60 =	vld.idx.msk [tilespmem:v34+s29+$0x0], $0xffff;
	_ =	sdelay $0x4  }
0xf6: {  	v3 =	vmul.f32 v60, v3;
	_ =	sdelay $0x1  }
0xf7: {  	[tilespmem:v34+s0+$0x0] =	vst.idx.msk $0xffff, v3  }
0xf8: {  	v3 =	vld.idx.msk [tilespmem:v35+s30+$0x0], $0xffff  }
0xf9: {  	v61 =	vld.idx.msk [tilespmem:v36+s29+$0x0], $0xffff;
	_ =	sdelay $0x4  }
0xfa: {  	v3 =	vmul.f32 v61, v3;
	_ =	sdelay $0x1  }
0xfb: {  	[tilespmem:v36+s0+$0x0] =	vst.idx.msk $0xffff, v3  }
0xfc: {  	v3 =	vld.idx.msk [tilespmem:v37+s30+$0x0], $0xffff  }
0xfd: {  	v62 =	vld.idx.msk [tilespmem:v38+s29+$0x0], $0xffff;
	_ =	sdelay $0x4  }
0xfe: {  	v3 =	vmul.f32 v62, v3;
	_ =	sdelay $0x1  }
0xff: {  	[tilespmem:v38+s0+$0x0] =	vst.idx.msk $0xffff, v3  }
0x100: {  	v3 =	vld.idx.msk [tilespmem:v39+s30+$0x0], $0xffff  }
0x101: {  	v63 =	vld.idx.msk [tilespmem:v40+s29+$0x0], $0xffff;
	_ =	sdelay $0x4  }
0x102: {  	v3 =	vmul.f32 v63, v3;
	_ =	sdelay $0x1  }
0x103: {  	[tilespmem:v40+s0+$0x0] =	vst.idx.msk $0xffff, v3  }
0x104: {  	_ =	swait.ge [sflag:s1], $0x2800  }
0x105: {  	[sflag:s1] =	ssyncset.done $0x0  }
0x106: {  	s22 =	simm.s32 $0x920;
	[sflag:s1] =	ssyncadd.s32 $0xFFFFD800  }
0x107: {  	v46 =	vld [tilespmem:s22+$0xFFFFFFA0]  }
0x108: {  	v44 =	vld [tilespmem:s22+$0xFFFFFFF0]  }
0x109: {  	v41 =	vld [tilespmem:s22+$0xFFFFFF60]  }
0x10a: {  	v47 =	vld [tilespmem:s22+$0xFFFFFFD0]  }
0x10b: {  	v48 =	vld [tilespmem:s22+$0x80]  }
0x10c: {  	v51 =	vld [tilespmem:s22+$0xFFFFFF10]  }
0x10d: {  	v55 =	vld [tilespmem:s22+$0xE0]  }
0x10e: {  	v50 =	vld [tilespmem:s22+$0xFFFFFF40]  }
0x10f: {  	s25 =	simm.s32 $0x0;
	v42 =	vld [tilespmem:s22+$0xFFFFFF90]  }
0x110: {  	v43 =	vld [tilespmem:s25+$0x1E0]  }
0x111: {  	v49 =	vld [tilespmem:s22+$0xFFFFFFC0]  }
0x112: {  	v3 =	vld [tilespmem:s22+$0xFFFFFF00]  }
0x113: {  	v53 =	vld [tilespmem:s22+$0xD0]  }
0x114: {  	v62 =	vld [tilespmem:s22+$0xC0]  }
0x115: {  	v60 =	vld [tilespmem:s22+$0x90];
	v58 =	vbroadcast v43, $0x0;
	v45 =	vbroadcast v43, $0xF  }
0x116: {  	v61 =	vld [tilespmem:s22+$0xFFFFFF50];
	v59 =	vbroadcast v43, $0x2;
	v57 =	vbroadcast v43, $0xE  }
0x117: {  	v56 =	vld [tilespmem:s22+$0xB0];
	v52 =	vbroadcast v43, $0xD;
	v54 =	vbroadcast v43, $0xC  }
0x118: {  	s23 =	simm.s32 $0x40;
	s25 =	simm.s32 $0x920;
	v3 =	vmul.f32 v58, v3;
	v63 =	vmul.f32 v50, v59;
	v50 =	vld [tilespmem:s22+$0x60]  }
.LBB2_6:
0x119: {  	p0 =	sne.s32 s23, $0x4C0  }
0x11a: {  	[tilespmem:s22+$0xFFFFFF00] =	vst v3;
	v3 =	vld [tilespmem:s22+$0xFFFFFFB0];
	v62 =	vmul.f32 v62, v57;
	v55 =	vmul.f32 v55, v45;
	s25 =	sadd.s32 $0x200, s25;
	s17 =	smov.u32 s23;
	s23 =	sadd.s32 $0x40, s23  }
0x11b: {  	[tilespmem:s22+$0xFFFFFF40] =	vst v63;
	v63 =	vbroadcast v43, $0xA;
	v60 =	vmul.f32 v60, v54;
	v5 =	vld [tilespmem:s22+$0xA0]  }
0x11c: {  	v51 =	vmul.f32 v51, v58;
	v58 =	vmul.f32 v61, v59;
	v59 =	vld [tilespmem:s22+$0x70];
	[tilespmem:s22+$0xE0] =	vst v55  }
0x11d: {  	v55 =	vbroadcast v43, $0x5;
	v61 =	vld [tilespmem:s22+$0xFFFFFFE0];
	v56 =	vmul.f32 v56, v52;
	[tilespmem:s22+$0xC0] =	vst v62  }
0x11e: {  	v53 =	vmul.f32 v53, v57;
	[tilespmem:s22+$0xFFFFFF10] =	vst v51;
	v51 =	vbroadcast v43, $0x6;
	v62 =	vld [tilespmem:s22+$0x40]  }
0x11f: {  	v7 =	vbroadcast v43, $0xB;
	v46 =	vmul.f32 v46, v55;
	v57 =	vld [tilespmem:s22+$0xFFFFFF20];
	[tilespmem:s22+$0x90] =	vst v60  }
0x120: {  	[tilespmem:s22+$0xFFFFFF50] =	vst v58;
	v58 =	vbroadcast v43, $0x9;
	v60 =	vld [tilespmem:s22+$0x20];
	v5 =	vmul.f32 v5, v52  }
0x121: {  	v3 =	vmul.f32 v3, v55;
	v52 =	vld [tilespmem:s22+$0x50];
	v55 =	vmul.f32 v59, v7;
	[tilespmem:s22+$0xD0] =	vst v53  }
0x122: {  	v48 =	vmul.f32 v48, v54;
	v53 =	vbroadcast v43, $0x7;
	v59 =	vld [tilespmem:s22+$0x30];
	[tilespmem:s22+$0xA0] =	vst v5  }
0x123: {  	v49 =	vmul.f32 v49, v51;
	v5 =	vbroadcast v43, $0x3;
	v54 =	vld [tilespmem:s22+$0x0];
	[tilespmem:s22+$0x70] =	vst v55  }
0x124: {  	v47 =	vmul.f32 v47, v51;
	v7 =	vmul.f32 v50, v7;
	v51 =	vld [tilespmem:s22+$0x10];
	[tilespmem:s22+$0x80] =	vst v48  }
0x125: {  	v50 =	vbroadcast v43, $0x8;
	v55 =	vmul.f32 v62, v63;
	v48 =	vld [tilespmem:s22+$0xFFFFFF30];
	[tilespmem:s22+$0xB0] =	vst v56  }
0x126: {  	v56 =	vbroadcast v43, $0x1;
	v62 =	vld [tilespmem:s22+$0xFFFFFF70];
	[tilespmem:s22+$0xFFFFFFD0] =	vst v47;
	v52 =	vmul.f32 v52, v63  }
0x127: {  	v44 =	vmul.f32 v44, v53;
	v47 =	vmul.f32 v61, v53;
	[tilespmem:s22+$0xFFFFFFC0] =	vst v49;
	v49 =	vld [tilespmem:s22+$0xF0]  }
0x128: {  	v59 =	vmul.f32 v59, v58;
	v53 =	vld [tilespmem:s22+$0xFFFFFF80];
	[tilespmem:s22+$0xFFFFFFA0] =	vst v46;
	v54 =	vmul.f32 v54, v50  }
0x129: {  	v46 =	vld [tilespmem:s25+$0xFFFFFFA0];
	[tilespmem:s22+$0xFFFFFFF0] =	vst v44;
	v50 =	vmul.f32 v51, v50;
	v51 =	vmul.f32 v60, v58  }
0x12a: {  	v44 =	vmul.f32 v57, v56;
	v56 =	vmul.f32 v48, v56;
	[tilespmem:s22+$0x60] =	vst v7  }
0x12b: {  	v7 =	vmul.f32 v41, v5;
	v5 =	vmul.f32 v62, v5;
	[tilespmem:s22+$0xFFFFFFB0] =	vst v3  }
0x12c: {  	v3 =	vbroadcast v43, $0x4;
	[tilespmem:s22+$0xFFFFFF20] =	vst v44;
	v41 =	vmul.f32 v49, v45  }
0x12d: {  	[tilespmem:s22+$0xFFFFFF60] =	vst v7  }
0x12e: {  	v7 =	vmul.f32 v53, v3;
	v3 =	vmul.f32 v42, v3;
	[tilespmem:s22+$0x40] =	vst v55  }
0x12f: {  	[tilespmem:s22+$0xFFFFFFE0] =	vst v47  }
0x130: {  	[tilespmem:s22+$0xF0] =	vst v41  }
0x131: {  	[tilespmem:s22+$0xFFFFFF90] =	vst v3  }
0x132: {  	v44 =	vld [tilespmem:s25+$0xFFFFFFF0];
	[tilespmem:s22+$0xFFFFFF70] =	vst v5  }
0x133: {  	v41 =	vld [tilespmem:s25+$0xFFFFFF60];
	[tilespmem:s22+$0x20] =	vst v51  }
0x134: {  	v47 =	vld [tilespmem:s25+$0xFFFFFFD0];
	[tilespmem:s22+$0x30] =	vst v59  }
0x135: {  	v48 =	vld [tilespmem:s25+$0x80];
	[tilespmem:s22+$0xFFFFFF80] =	vst v7  }
0x136: {  	v51 =	vld [tilespmem:s25+$0xFFFFFF10];
	[tilespmem:s22+$0x50] =	vst v52  }
0x137: {  	v55 =	vld [tilespmem:s25+$0xE0];
	[tilespmem:s22+$0x0] =	vst v54  }
0x138: {  	v5 =	vld [tilespmem:s25+$0xFFFFFF40];
	[tilespmem:s22+$0xFFFFFF30] =	vst v56  }
0x139: {  	s8 =	sshra.s32 s17, $0x2;
	v42 =	vld [tilespmem:s25+$0xFFFFFF90];
	[tilespmem:s22+$0x10] =	vst v50;
	s22 =	smov.u32 s25  }
0x13a: {  	v43 =	vld [tilespmem:s8+$0x1E0]  }
0x13b: {  	v49 =	vld [tilespmem:s25+$0xFFFFFFC0]  }
0x13c: {  	v3 =	vld [tilespmem:s25+$0xFFFFFF00]  }
0x13d: {  	v53 =	vld [tilespmem:s25+$0xD0]  }
.Ltmp6:
0x13e: {  	v62 =	vld [tilespmem:s25+$0xC0];
	(pc) =	sbr.rel @p0 .LBB2_6-.Ltmp6, $4  }
0x13f: {  	v58 =	vbroadcast v43, $0x0;
	v60 =	vld [tilespmem:s25+$0x90];
	v45 =	vbroadcast v43, $0xF  }
0x140: {  	v59 =	vbroadcast v43, $0x2;
	v57 =	vbroadcast v43, $0xE;
	v61 =	vld [tilespmem:s25+$0xFFFFFF50]  }
0x141: {  	v52 =	vbroadcast v43, $0xD;
	v3 =	vmul.f32 v58, v3;
	v56 =	vld [tilespmem:s25+$0xB0]  }
0x142: {  	v54 =	vbroadcast v43, $0xC;
	v63 =	vmul.f32 v5, v59;
	v50 =	vld [tilespmem:s25+$0x60]  }
0x143: {  	[tilespmem:s22+$0xFFFFFF00] =	vst v3;
	v3 =	vmul.f32 v55, v45  }
0x144: {  	v5 =	vmul.f32 v62, v57;
	[tilespmem:s22+$0xFFFFFF40] =	vst v63  }
0x145: {  	v51 =	vmul.f32 v51, v58;
	[tilespmem:s22+$0xE0] =	vst v3  }
0x146: {  	v7 =	vld [tilespmem:s22+$0xA0];
	v48 =	vmul.f32 v48, v54;
	[tilespmem:s22+$0xC0] =	vst v5  }
0x147: {  	v63 =	vld [tilespmem:s22+$0x70];
	v3 =	vmul.f32 v60, v54;
	[tilespmem:s22+$0xFFFFFF10] =	vst v51  }
0x148: {  	v62 =	vbroadcast v43, $0xB;
	v60 =	vmul.f32 v61, v59;
	[tilespmem:s22+$0x80] =	vst v48  }
0x149: {  	v61 =	vmul.f32 v53, v57;
	[tilespmem:s22+$0x90] =	vst v3  }
0x14a: {  	v5 =	vld [tilespmem:s22+$0xFFFFFFB0];
	[tilespmem:s22+$0xFFFFFF50] =	vst v60;
	v50 =	vmul.f32 v50, v62  }
0x14b: {  	[tilespmem:s22+$0xD0] =	vst v61;
	v61 =	vbroadcast v43, $0x7;
	v7 =	vmul.f32 v7, v52  }
0x14c: {  	v55 =	vmul.f32 v63, v62;
	[tilespmem:s22+$0x60] =	vst v50  }
0x14d: {  	v60 =	vbroadcast v43, $0x5;
	v44 =	vmul.f32 v44, v61;
	[tilespmem:s22+$0xA0] =	vst v7  }
0x14e: {  	v53 =	vld [tilespmem:s22+$0xFFFFFF20];
	v63 =	vbroadcast v43, $0x6;
	v7 =	vmul.f32 v56, v52;
	[tilespmem:s22+$0x70] =	vst v55  }
0x14f: {  	v3 =	vld [tilespmem:s22+$0xFFFFFFE0];
	v5 =	vmul.f32 v5, v60;
	[tilespmem:s22+$0xFFFFFFF0] =	vst v44  }
0x150: {  	v58 =	vld [tilespmem:s22+$0x40];
	v47 =	vmul.f32 v47, v63;
	[tilespmem:s22+$0xB0] =	vst v7  }
0x151: {  	v62 =	vld [tilespmem:s22+$0xF0];
	v56 =	vbroadcast v43, $0x1;
	v49 =	vmul.f32 v49, v63;
	[tilespmem:s22+$0xFFFFFFB0] =	vst v5  }
0x152: {  	v7 =	vmul.f32 v46, v60;
	[tilespmem:s22+$0xFFFFFFD0] =	vst v47  }
0x153: {  	v63 =	vbroadcast v43, $0xA;
	v53 =	vmul.f32 v53, v56;
	[tilespmem:s22+$0xFFFFFFC0] =	vst v49  }
0x154: {  	v46 =	vld [tilespmem:s22+$0xFFFFFF70];
	v3 =	vmul.f32 v3, v61;
	[tilespmem:s22+$0xFFFFFFA0] =	vst v7  }
0x155: {  	v52 =	vld [tilespmem:s22+$0x20];
	v60 =	vbroadcast v43, $0x4;
	v5 =	vmul.f32 v58, v63;
	[tilespmem:s22+$0xFFFFFF20] =	vst v53  }
0x156: {  	v55 =	vld [tilespmem:s22+$0x30];
	v7 =	vbroadcast v43, $0x3;
	v61 =	vmul.f32 v62, v45;
	[tilespmem:s22+$0xFFFFFFE0] =	vst v3  }
0x157: {  	v47 =	vld [tilespmem:s22+$0xFFFFFF80];
	v42 =	vmul.f32 v42, v60;
	[tilespmem:s22+$0x40] =	vst v5  }
0x158: {  	v59 =	vld [tilespmem:s22+$0x50];
	v5 =	vbroadcast v43, $0x9;
	v41 =	vmul.f32 v41, v7;
	[tilespmem:s22+$0xF0] =	vst v61  }
0x159: {  	v57 =	vld [tilespmem:s22+$0xFFFFFF30];
	[tilespmem:s22+$0xFFFFFF90] =	vst v42;
	v3 =	vmul.f32 v46, v7  }
0x15a: {  	v51 =	vld [tilespmem:s22+$0x0];
	v7 =	vmul.f32 v52, v5;
	[tilespmem:s22+$0xFFFFFF60] =	vst v41  }
0x15b: {  	v49 =	vld [tilespmem:s22+$0x10];
	v5 =	vmul.f32 v55, v5;
	[tilespmem:s22+$0xFFFFFF70] =	vst v3  }
0x15c: {  	v62 =	vmul.f32 v47, v60;
	[tilespmem:s22+$0x20] =	vst v7  }
0x15d: {  	v3 =	vbroadcast v43, $0x8;
	v7 =	vmul.f32 v59, v63;
	[tilespmem:s22+$0x30] =	vst v5  }
0x15e: {  	v63 =	vmul.f32 v57, v56;
	[tilespmem:s22+$0xFFFFFF80] =	vst v62  }
.Ltmp7:
0x15f: {  	v5 =	vmul.f32 v51, v3;
	[tilespmem:s22+$0x50] =	vst v7;
	(pc) =	sbr.rel .LBB2_11-.Ltmp7, $4  }
0x160: {  	v3 =	vmul.f32 v49, v3;
	[tilespmem:s22+$0xFFFFFF30] =	vst v63  }
0x161: {  	[tilespmem:s22+$0x0] =	vst v5  }
0x162: {  	s17 =	simm.s32 $0x6;
	[tilespmem:s22+$0x10] =	vst v3  }
0x163: {  	[spmem:s3] =	stream.indirect.scatter.add.f32 [tilespmem:s24], [sflag:$0x6], $0x80, s28, s28, $0xb8;
	[tilespmem:$0x1C840] =	vst v63  }
.LBB2_8:
0x164: {  	s8 =	smul.u32 $0x50, s20;
	_ =	sdelay $0x1  }
0x165: {  	s8 =	sadd.s32 s8, s21  }
0x166: {  	s17 =	sshrl.u32 s8, $0x3  }
0x167: {  	s19 =	simm.s32 $0x0;
	s17 =	sadd.s32 s6, s17  }
0x168: {  	[tilespmem:s19], [sflag:$0x6] =	stream.linear.gather [hbm4b:s17+s19], $0x50, $0x38;
	[tilespmem:$0x1C840] =	vst v63  }
0x169: {  	_ =	swait.ge [sflag:s9], $0x50  }
0x16a: {  	[sflag:s9] =	ssyncset.done $0x0  }
0x16b: {  	s17 =	sadd.s32 $0x9C40, s17;
	[sflag:s9] =	ssyncadd.s32 $0xFFFFFFB0  }
0x16c: {  	[tilespmem:s28], [sflag:$0x6] =	stream.linear.gather [hbm4b:s17+s19], $0x50, $0x38;
	[tilespmem:$0x1C840] =	vst v63  }
0x16d: {  	s8 =	sshrl.u32 s8, $0x1;
	_ =	swait.ge [sflag:s9], $0x50  }
0x16e: {  	s8 =	sand.u32 $0x1FFFFFF8, s8;
	[sflag:s9] =	ssyncset.done $0x0  }
0x16f: {  	s8 =	sadd.s32 s7, s8;
	[sflag:s9] =	ssyncadd.s32 $0xFFFFFFB0  }
0x170: {  	[tilespmem:s29], [sflag:$0x6] =	stream.linear.gather [hbm4b:s8+s19], $0x140, $0x38;
	[tilespmem:$0x1C840] =	vst v63  }
0x171: {  	_ =	swait.ge [sflag:s9], $0x140  }
0x172: {  	[sflag:s9] =	ssyncset.done $0x0  }
0x173: {  	[sflag:s9] =	ssyncadd.s32 $0xFFFFFEC0  }
0x174: {  	[tilespmem:s24], [sflag:$0x1] =	stream.indirect.gather [hbm4b:s2+s28], $0x80, s19, s28, $0xb8;
	[tilespmem:$0x1C840] =	vst v63  }
0x175: {  	_ = 	snop  }
0x176: {  	[tilespmem:s30], [sflag:$0x3] =	stream.indirect.gather [spmem:s4], $0x10, s28, s28, $0xb8;
	[tilespmem:$0x1C840] =	vst v63  }
0x177: {  	_ =	swait.ge [sflag:s11], $0x500  }
0x178: {  	[sflag:s11] =	ssyncset.done $0x0  }
0x179: {  	[sflag:s11] =	ssyncadd.s32 $0xFFFFFB00  }
0x17a: {  	v3 =	vld.idx.msk [tilespmem:v0+s12+$0x0], $0xffff  }
0x17b: {  	v5 =	vld.idx.msk [tilespmem:v1+s13+$0x0], $0xffff;
	_ =	sdelay $0x4  }
0x17c: {  	v3 =	vmul.f32 v5, v3;
	_ =	sdelay $0x1  }
0x17d: {  	[tilespmem:v1+s14+$0x0] =	vst.idx.msk $0xffff, v3;
	v3 =	vld [tilespmem:$0x1FFD0];
	_ =	sdelay $0x6  }
0x17e: {  	v5 =	vld.idx.msk [tilespmem:v4+s13+$0x0], $0xffff  }
0x17f: {  	v3 =	vld.idx.msk [tilespmem:v3+s12+$0x0], $0xffff;
	_ =	sdelay $0x4  }
0x180: {  	v3 =	vmul.f32 v5, v3;
	_ =	sdelay $0x1  }
0x181: {  	[tilespmem:v4+s14+$0x0] =	vst.idx.msk $0xffff, v3;
	v3 =	vld [tilespmem:$0x1FFE0];
	_ =	sdelay $0x6  }
0x182: {  	v5 =	vld.idx.msk [tilespmem:v6+s13+$0x0], $0xffff  }
0x183: {  	v3 =	vld.idx.msk [tilespmem:v3+s12+$0x0], $0xffff;
	_ =	sdelay $0x4  }
0x184: {  	v3 =	vmul.f32 v5, v3;
	_ =	sdelay $0x1  }
0x185: {  	[tilespmem:v6+s14+$0x0] =	vst.idx.msk $0xffff, v3;
	v3 =	vld [tilespmem:$0x1FFF0];
	_ =	sdelay $0x6  }
0x186: {  	v5 =	vld.idx.msk [tilespmem:v8+s13+$0x0], $0xffff  }
0x187: {  	v3 =	vld.idx.msk [tilespmem:v3+s12+$0x0], $0xffff;
	_ =	sdelay $0x4  }
0x188: {  	v3 =	vmul.f32 v5, v3;
	_ =	sdelay $0x1  }
0x189: {  	[tilespmem:v8+s14+$0x0] =	vst.idx.msk $0xffff, v3  }
0x18a: {  	v3 =	vld.idx.msk [tilespmem:v9+s12+$0x0], $0xffff  }
0x18b: {  	v5 =	vld.idx.msk [tilespmem:v10+s13+$0x0], $0xffff;
	_ =	sdelay $0x4  }
0x18c: {  	v3 =	vmul.f32 v5, v3;
	_ =	sdelay $0x1  }
0x18d: {  	[tilespmem:v10+s14+$0x0] =	vst.idx.msk $0xffff, v3  }
0x18e: {  	v3 =	vld.idx.msk [tilespmem:v11+s12+$0x0], $0xffff  }
0x18f: {  	v5 =	vld.idx.msk [tilespmem:v12+s13+$0x0], $0xffff;
	_ =	sdelay $0x4  }
0x190: {  	v3 =	vmul.f32 v5, v3;
	_ =	sdelay $0x1  }
0x191: {  	[tilespmem:v12+s14+$0x0] =	vst.idx.msk $0xffff, v3  }
0x192: {  	v3 =	vld.idx.msk [tilespmem:v13+s12+$0x0], $0xffff  }
0x193: {  	v5 =	vld.idx.msk [tilespmem:v14+s13+$0x0], $0xffff;
	_ =	sdelay $0x4  }
0x194: {  	v3 =	vmul.f32 v5, v3;
	_ =	sdelay $0x1  }
0x195: {  	[tilespmem:v14+s14+$0x0] =	vst.idx.msk $0xffff, v3  }
0x196: {  	v3 =	vld.idx.msk [tilespmem:v15+s12+$0x0], $0xffff  }
0x197: {  	v5 =	vld.idx.msk [tilespmem:v16+s13+$0x0], $0xffff;
	_ =	sdelay $0x4  }
0x198: {  	v3 =	vmul.f32 v5, v3;
	_ =	sdelay $0x1  }
0x199: {  	[tilespmem:v16+s14+$0x0] =	vst.idx.msk $0xffff, v3  }
0x19a: {  	v3 =	vld.idx.msk [tilespmem:v17+s12+$0x0], $0xffff  }
0x19b: {  	v5 =	vld.idx.msk [tilespmem:v18+s13+$0x0], $0xffff;
	_ =	sdelay $0x4  }
0x19c: {  	v3 =	vmul.f32 v5, v3;
	_ =	sdelay $0x1  }
0x19d: {  	[tilespmem:v18+s14+$0x0] =	vst.idx.msk $0xffff, v3  }
0x19e: {  	v3 =	vld.idx.msk [tilespmem:v19+s12+$0x0], $0xffff  }
0x19f: {  	v5 =	vld.idx.msk [tilespmem:v20+s13+$0x0], $0xffff;
	_ =	sdelay $0x4  }
0x1a0: {  	v3 =	vmul.f32 v5, v3;
	_ =	sdelay $0x1  }
0x1a1: {  	[tilespmem:v20+s14+$0x0] =	vst.idx.msk $0xffff, v3  }
0x1a2: {  	v3 =	vld.idx.msk [tilespmem:v21+s12+$0x0], $0xffff  }
0x1a3: {  	v5 =	vld.idx.msk [tilespmem:v22+s13+$0x0], $0xffff;
	_ =	sdelay $0x4  }
0x1a4: {  	v3 =	vmul.f32 v5, v3;
	_ =	sdelay $0x1  }
0x1a5: {  	[tilespmem:v22+s14+$0x0] =	vst.idx.msk $0xffff, v3  }
0x1a6: {  	v3 =	vld.idx.msk [tilespmem:v23+s12+$0x0], $0xffff  }
0x1a7: {  	v5 =	vld.idx.msk [tilespmem:v24+s13+$0x0], $0xffff;
	_ =	sdelay $0x4  }
0x1a8: {  	v3 =	vmul.f32 v5, v3;
	_ =	sdelay $0x1  }
0x1a9: {  	[tilespmem:v24+s14+$0x0] =	vst.idx.msk $0xffff, v3  }
0x1aa: {  	v3 =	vld.idx.msk [tilespmem:v25+s12+$0x0], $0xffff  }
0x1ab: {  	v5 =	vld.idx.msk [tilespmem:v26+s13+$0x0], $0xffff;
	_ =	sdelay $0x4  }
0x1ac: {  	v3 =	vmul.f32 v5, v3;
	_ =	sdelay $0x1  }
0x1ad: {  	[tilespmem:v26+s14+$0x0] =	vst.idx.msk $0xffff, v3  }
0x1ae: {  	v3 =	vld.idx.msk [tilespmem:v27+s12+$0x0], $0xffff  }
0x1af: {  	v5 =	vld.idx.msk [tilespmem:v28+s13+$0x0], $0xffff;
	_ =	sdelay $0x4  }
0x1b0: {  	v3 =	vmul.f32 v5, v3;
	_ =	sdelay $0x1  }
0x1b1: {  	[tilespmem:v28+s14+$0x0] =	vst.idx.msk $0xffff, v3  }
0x1b2: {  	v3 =	vld.idx.msk [tilespmem:v29+s12+$0x0], $0xffff  }
0x1b3: {  	v5 =	vld.idx.msk [tilespmem:v30+s13+$0x0], $0xffff;
	_ =	sdelay $0x4  }
0x1b4: {  	v3 =	vmul.f32 v5, v3;
	_ =	sdelay $0x1  }
0x1b5: {  	[tilespmem:v30+s14+$0x0] =	vst.idx.msk $0xffff, v3  }
0x1b6: {  	v3 =	vld.idx.msk [tilespmem:v31+s12+$0x0], $0xffff  }
0x1b7: {  	v5 =	vld.idx.msk [tilespmem:v32+s13+$0x0], $0xffff;
	_ =	sdelay $0x4  }
0x1b8: {  	v3 =	vmul.f32 v5, v3;
	_ =	sdelay $0x1  }
0x1b9: {  	[tilespmem:v32+s14+$0x0] =	vst.idx.msk $0xffff, v3  }
0x1ba: {  	v3 =	vld.idx.msk [tilespmem:v33+s12+$0x0], $0xffff  }
0x1bb: {  	v5 =	vld.idx.msk [tilespmem:v34+s13+$0x0], $0xffff;
	_ =	sdelay $0x4  }
0x1bc: {  	v3 =	vmul.f32 v5, v3;
	_ =	sdelay $0x1  }
0x1bd: {  	[tilespmem:v34+s14+$0x0] =	vst.idx.msk $0xffff, v3  }
0x1be: {  	v3 =	vld.idx.msk [tilespmem:v35+s12+$0x0], $0xffff  }
0x1bf: {  	v5 =	vld.idx.msk [tilespmem:v36+s13+$0x0], $0xffff;
	_ =	sdelay $0x4  }
0x1c0: {  	v3 =	vmul.f32 v5, v3;
	_ =	sdelay $0x1  }
0x1c1: {  	[tilespmem:v36+s14+$0x0] =	vst.idx.msk $0xffff, v3  }
0x1c2: {  	v3 =	vld.idx.msk [tilespmem:v37+s12+$0x0], $0xffff  }
0x1c3: {  	v5 =	vld.idx.msk [tilespmem:v38+s13+$0x0], $0xffff;
	_ =	sdelay $0x4  }
0x1c4: {  	v3 =	vmul.f32 v5, v3;
	_ =	sdelay $0x1  }
0x1c5: {  	[tilespmem:v38+s14+$0x0] =	vst.idx.msk $0xffff, v3  }
0x1c6: {  	v3 =	vld.idx.msk [tilespmem:v39+s12+$0x0], $0xffff  }
0x1c7: {  	v5 =	vld.idx.msk [tilespmem:v40+s13+$0x0], $0xffff;
	_ =	sdelay $0x4  }
0x1c8: {  	v3 =	vmul.f32 v5, v3;
	_ =	sdelay $0x1  }
0x1c9: {  	[tilespmem:v40+s14+$0x0] =	vst.idx.msk $0xffff, v3  }
0x1ca: {  	_ =	swait.ge [sflag:s15], $0x2800  }
0x1cb: {  	[sflag:s15] =	ssyncset.done $0x0  }
0x1cc: {  	s22 =	simm.s32 $0x3940;
	[sflag:s15] =	ssyncadd.s32 $0xFFFFD800  }
0x1cd: {  	v46 =	vld [tilespmem:s22+$0xFFFFFFA0]  }
0x1ce: {  	v44 =	vld [tilespmem:s22+$0xFFFFFFF0]  }
0x1cf: {  	v41 =	vld [tilespmem:s22+$0xFFFFFF60]  }
0x1d0: {  	v47 =	vld [tilespmem:s22+$0xFFFFFFD0]  }
0x1d1: {  	v48 =	vld [tilespmem:s22+$0x80]  }
0x1d2: {  	v51 =	vld [tilespmem:s22+$0xFFFFFF10]  }
0x1d3: {  	v55 =	vld [tilespmem:s22+$0xE0]  }
0x1d4: {  	v5 =	vld [tilespmem:s22+$0xFFFFFF40]  }
0x1d5: {  	s25 =	simm.s32 $0x0;
	v42 =	vld [tilespmem:s22+$0xFFFFFF90]  }
0x1d6: {  	v43 =	vld [tilespmem:s25+$0x3200]  }
0x1d7: {  	v49 =	vld [tilespmem:s22+$0xFFFFFFC0]  }
0x1d8: {  	v3 =	vld [tilespmem:s22+$0xFFFFFF00]  }
0x1d9: {  	v53 =	vld [tilespmem:s22+$0xD0]  }
0x1da: {  	v62 =	vld [tilespmem:s22+$0xC0]  }
0x1db: {  	v60 =	vld [tilespmem:s22+$0x90];
	v58 =	vbroadcast v43, $0x0;
	v45 =	vbroadcast v43, $0xF  }
0x1dc: {  	v61 =	vld [tilespmem:s22+$0xFFFFFF50];
	v59 =	vbroadcast v43, $0x2;
	v57 =	vbroadcast v43, $0xE  }
0x1dd: {  	v56 =	vld [tilespmem:s22+$0xB0];
	v52 =	vbroadcast v43, $0xD;
	v54 =	vbroadcast v43, $0xC  }
0x1de: {  	s23 =	simm.s32 $0x40;
	v50 =	vld [tilespmem:s22+$0x60];
	s25 =	simm.s32 $0x3940;
	v3 =	vmul.f32 v58, v3;
	v63 =	vmul.f32 v5, v59  }
.LBB2_9:
0x1df: {  	p0 =	sne.s32 s23, $0x4C0  }
0x1e0: {  	[tilespmem:s22+$0xFFFFFF00] =	vst v3;
	v3 =	vld [tilespmem:s22+$0xFFFFFFB0];
	v5 =	vmul.f32 v62, v57;
	v7 =	vmul.f32 v55, v45;
	s25 =	sadd.s32 $0x200, s25;
	s17 =	smov.u32 s23;
	s23 =	sadd.s32 $0x40, s23  }
0x1e1: {  	v55 =	vbroadcast v43, $0xA;
	v60 =	vmul.f32 v60, v54;
	[tilespmem:s22+$0xFFFFFF40] =	vst v63;
	v62 =	vld [tilespmem:s22+$0xA0]  }
0x1e2: {  	v51 =	vmul.f32 v51, v58;
	v58 =	vmul.f32 v61, v59;
	v59 =	vld [tilespmem:s22+$0x70];
	[tilespmem:s22+$0xE0] =	vst v7  }
0x1e3: {  	v56 =	vmul.f32 v56, v52;
	v7 =	vbroadcast v43, $0x5;
	v61 =	vld [tilespmem:s22+$0xFFFFFFE0];
	[tilespmem:s22+$0xC0] =	vst v5  }
0x1e4: {  	v53 =	vmul.f32 v53, v57;
	v5 =	vbroadcast v43, $0x6;
	[tilespmem:s22+$0xFFFFFF10] =	vst v51;
	v51 =	vld [tilespmem:s22+$0x40]  }
0x1e5: {  	v63 =	vbroadcast v43, $0xB;
	v46 =	vmul.f32 v46, v7;
	v57 =	vld [tilespmem:s22+$0xFFFFFF20];
	[tilespmem:s22+$0x90] =	vst v60  }
0x1e6: {  	[tilespmem:s22+$0xFFFFFF50] =	vst v58;
	v58 =	vbroadcast v43, $0x9;
	v60 =	vld [tilespmem:s22+$0x20];
	v52 =	vmul.f32 v62, v52  }
0x1e7: {  	v3 =	vmul.f32 v3, v7;
	v7 =	vld [tilespmem:s22+$0x50];
	v59 =	vmul.f32 v59, v63;
	[tilespmem:s22+$0xD0] =	vst v53  }
0x1e8: {  	v48 =	vmul.f32 v48, v54;
	v53 =	vbroadcast v43, $0x7;
	v62 =	vld [tilespmem:s22+$0x30];
	[tilespmem:s22+$0xA0] =	vst v52  }
0x1e9: {  	v49 =	vmul.f32 v49, v5;
	v52 =	vbroadcast v43, $0x3;
	v54 =	vld [tilespmem:s22+$0x0];
	[tilespmem:s22+$0x70] =	vst v59  }
0x1ea: {  	v50 =	vmul.f32 v50, v63;
	v5 =	vmul.f32 v47, v5;
	v47 =	vld [tilespmem:s22+$0x10];
	[tilespmem:s22+$0x80] =	vst v48  }
0x1eb: {  	v59 =	vbroadcast v43, $0x8;
	v51 =	vmul.f32 v51, v55;
	v48 =	vld [tilespmem:s22+$0xFFFFFF30];
	[tilespmem:s22+$0xB0] =	vst v56  }
0x1ec: {  	v56 =	vbroadcast v43, $0x1;
	v63 =	vld [tilespmem:s22+$0xFFFFFF70];
	[tilespmem:s22+$0xFFFFFFD0] =	vst v5;
	v5 =	vmul.f32 v7, v55  }
0x1ed: {  	v44 =	vmul.f32 v44, v53;
	v7 =	vmul.f32 v61, v53;
	[tilespmem:s22+$0xFFFFFFC0] =	vst v49;
	v49 =	vld [tilespmem:s22+$0xF0]  }
0x1ee: {  	v55 =	vmul.f32 v62, v58;
	v53 =	vld [tilespmem:s22+$0xFFFFFF80];
	[tilespmem:s22+$0xFFFFFFA0] =	vst v46;
	v54 =	vmul.f32 v54, v59  }
0x1ef: {  	v46 =	vld [tilespmem:s25+$0xFFFFFFA0];
	[tilespmem:s22+$0xFFFFFFF0] =	vst v44;
	v59 =	vmul.f32 v47, v59;
	v47 =	vmul.f32 v60, v58  }
0x1f0: {  	v44 =	vmul.f32 v57, v56;
	v56 =	vmul.f32 v48, v56;
	[tilespmem:s22+$0x60] =	vst v50  }
0x1f1: {  	v41 =	vmul.f32 v41, v52;
	v48 =	vmul.f32 v63, v52;
	[tilespmem:s22+$0xFFFFFFB0] =	vst v3  }
0x1f2: {  	v3 =	vbroadcast v43, $0x4;
	[tilespmem:s22+$0xFFFFFF20] =	vst v44;
	v43 =	vmul.f32 v49, v45  }
0x1f3: {  	[tilespmem:s22+$0xFFFFFF60] =	vst v41  }
0x1f4: {  	v45 =	vmul.f32 v53, v3;
	v3 =	vmul.f32 v42, v3;
	[tilespmem:s22+$0x40] =	vst v51  }
0x1f5: {  	[tilespmem:s22+$0xFFFFFFE0] =	vst v7  }
0x1f6: {  	[tilespmem:s22+$0xF0] =	vst v43  }
0x1f7: {  	[tilespmem:s22+$0xFFFFFF90] =	vst v3  }
0x1f8: {  	v44 =	vld [tilespmem:s25+$0xFFFFFFF0];
	[tilespmem:s22+$0xFFFFFF70] =	vst v48  }
0x1f9: {  	v41 =	vld [tilespmem:s25+$0xFFFFFF60];
	[tilespmem:s22+$0x20] =	vst v47  }
0x1fa: {  	v47 =	vld [tilespmem:s25+$0xFFFFFFD0];
	[tilespmem:s22+$0x30] =	vst v55  }
0x1fb: {  	v48 =	vld [tilespmem:s25+$0x80];
	[tilespmem:s22+$0xFFFFFF80] =	vst v45  }
0x1fc: {  	v51 =	vld [tilespmem:s25+$0xFFFFFF10];
	[tilespmem:s22+$0x50] =	vst v5  }
0x1fd: {  	v55 =	vld [tilespmem:s25+$0xE0];
	[tilespmem:s22+$0x0] =	vst v54  }
0x1fe: {  	v5 =	vld [tilespmem:s25+$0xFFFFFF40];
	[tilespmem:s22+$0xFFFFFF30] =	vst v56  }
0x1ff: {  	s8 =	sshra.s32 s17, $0x2;
	v42 =	vld [tilespmem:s25+$0xFFFFFF90];
	[tilespmem:s22+$0x10] =	vst v59;
	s22 =	smov.u32 s25  }
0x200: {  	v43 =	vld [tilespmem:s8+$0x3200]  }
0x201: {  	v49 =	vld [tilespmem:s25+$0xFFFFFFC0]  }
0x202: {  	v3 =	vld [tilespmem:s25+$0xFFFFFF00]  }
0x203: {  	v53 =	vld [tilespmem:s25+$0xD0]  }
.Ltmp8:
0x204: {  	v62 =	vld [tilespmem:s25+$0xC0];
	(pc) =	sbr.rel @p0 .LBB2_9-.Ltmp8, $4  }
0x205: {  	v58 =	vbroadcast v43, $0x0;
	v60 =	vld [tilespmem:s25+$0x90];
	v45 =	vbroadcast v43, $0xF  }
0x206: {  	v59 =	vbroadcast v43, $0x2;
	v57 =	vbroadcast v43, $0xE;
	v61 =	vld [tilespmem:s25+$0xFFFFFF50]  }
0x207: {  	v52 =	vbroadcast v43, $0xD;
	v3 =	vmul.f32 v58, v3;
	v56 =	vld [tilespmem:s25+$0xB0]  }
0x208: {  	v54 =	vbroadcast v43, $0xC;
	v63 =	vmul.f32 v5, v59;
	v50 =	vld [tilespmem:s25+$0x60]  }
.Ltmp9:
0x209: {  	_ = 	snop;
	(pc) =	sbr.rel .LBB2_10-.Ltmp9, $1  }
0x20a: {  	_ =	sdelay $0x3  }
.LBB2_13:
0x20b: {  	_ =	sfence.sel $0x180000  }
0x20c: {  	[bflag:$0x0] =	sbarrier.arrive $0xFFFF  }
0x20d: {  	_ =	strace $0x9000004A  }
0x20e: {  	s0 =	stileid.u32;
	[bflag:$0x2] =	sbarrier.arrive $0xFFFF  }
0x20f: {  	p0 =	sne.s32 s0, $0x0;
	s0 =	rddreg [dreg:$0x4]  }
0x210: {  	s0 =	sadd.s32 @!p0 $0x100000, s0  }
0x211: {  	[sflag:s0] =	ssyncadd.tile.s32 @!p0 $0x1;
	_ =	shalt  }
.Lfunc_end2:
_tile_overlayer_lowered:
.L_overlay_start_2:
0x212: {  	(tag) =	ssettag $0x2  }
0x213: {  	s0 =	rddreg [dreg:$0x0];
	s2 =	stileid.u32  }
0x214: {  	s1 =	rddreg [dreg:$0x1];
	p0 =	sne.s32 s2, $0x0  }
0x215: {  	s3 =	rddreg [dreg:$0x2];
	[bflag:$0x3] =	sbarrier.arrive $0xFFFF;
	s2 =	simm.s32 @!p0 $0x1C05  }
0x216: {  	[timem:s3], [sflag:s2] =	dma.local @!p0 [hbm:s0], s1  }
0x217: {  	s0 =	simm.s32 @!p0 $0x5  }
0x218: {  	_ =	swait.ge @!p0 [sflag:s0], s1  }
0x219: {  	s1 =	ssub.s32 @!p0 $0x0, s1;
	[sflag:s0] =	ssyncset.done @!p0 $0x0  }
0x21a: {  	[sflag:s0] =	ssyncadd.s32 @!p0 s1  }
0x21b: {  	[bflag:$0x3] =	sbarrier.arrive $0xFFFF  }
0x21c: {  	_ =	shalt  }

// kernel: kernel.7.cloned.1.call-start
scs
__scs_entry_jumppad:
0x0: {  	(pc) =	sbr.rel $0x88, $3  }
0x1: {  	(tag) =	ssettag $0x0;
	lr =	simm.s32 $0x1  }
0x2: {  	[smem:$0x3F99] =	sst lr;
	_ =	strace $0xD0000000  }
0x3: {  	_ = 	snop  }
0x4: {  	_ = 	snop  }
0x5: {  	_ = 	snop  }
0x6: {  	_ = 	snop  }
0x7: {  	_ = 	snop  }
__scs_overlays_trampoline_lowered:
0x8: {  	[smem:$0x3FA8] =	sst s0  }
0x9: {  	[smem:$0x3FA9] =	sst s1  }
0xa: {  	[smem:$0x3FAA] =	sst s2  }
0xb: {  	[smem:$0x3FAB] =	sst s3  }
0xc: {  	[smem:$0x3FAC] =	sst s4  }
0xd: {  	[smem:$0x3FAD] =	sst s5  }
0xe: {  	[smem:$0x3FAE] =	sst s6  }
0xf: {  	[smem:$0x3FAF] =	sst s7  }
0x10: {  	[smem:$0x3FB0] =	sst s8  }
0x11: {  	[smem:$0x3FB1] =	sst s9;
	s0 =	simm.s32 @!p0 $0x0  }
0x12: {  	s1 =	sld [smem:$0x3F97];
	s0 =	simm.s32 @p0 $0x1  }
0x13: {  	[smem:$0x3FB2] =	sst s0;
	s0 =	simm.s32 @!p1 $0x0  }
0x14: {  	s2 =	sld [smem:$0x3F96];
	s0 =	simm.s32 @p1 $0x1  }
0x15: {  	[smem:$0x3FB3] =	sst s0;
	s0 =	simm.s32 @!p2 $0x0  }
0x16: {  	s3 =	sld [smem:$0x3FDB];
	s0 =	simm.s32 @p2 $0x1  }
0x17: {  	s4 =	simm.s32 $0x1BF5;
	[smem:$0x3FB5] =	sst s0  }
0x18: {  	s0 =	sld [smem:$0x3F98];
	_ =	swait.ge [sflag:s4], $0x0  }
0x19: {  	s7 =	sld [smem:$0x3F99]  }
0x1a: {  	s8 =	sadd.s32 $0xFFFFE003, lr  }
0x1b: {  	s9 =	sadd.s32 $0xFFFFFEF7, lr;
	s5 =	simm.s32 $0xFFFFFFFF;
	p2 =	slt.u32 s8, $0xFFFFF086  }
0x1c: {  	p1 =	slt.u32 s9, $0xF7A;
	s5 =	simm.s32 @!p2 $0x0  }
0x1d: {  	s5 =	simm.s32 @p1 $0x1;
	p0 =	seq.s32 s7, s2  }
0x1e: {  	s7 =	smul.u32 @!p0 $0xF7A, s2;
	p2 =	seq.s32 @!p0 s5, $0x0  }
0x1f: {  	s9 =	smul.u32 $0xF7A, s1;
	s8 =	simm.s32 @!p0 $0x1BF5;
	p2 =	por !p2, p0  }
0x20: {  	[sflag:s8] =	ssyncset.s32 @!p0 $0xFFFFF086;
	s6 =	sadd.s32 @!p0 s3, s7;
	s7 =	simm.s32 @!p0 $0x108  }
0x21: {  	s3 =	sadd.s32 s3, s9;
	s6 =	sadd.s32 @!p0 $0x88, s6;
	s7 =	simm.s32 @p2 $0x1082  }
0x22: {  	[simem:s7], [sflag:s8] =	dma.local @!p0 [hbm:s6], $0xF7A  }
0x23: {  	s9 =	sor.u32 $0xD0000000, s2;
	s6 =	simm.s32 $0x108;
	_ =	swait.ge @!p0 [sflag:s8], $0x0  }
0x24: {  	s3 =	sadd.s32 $0x88, s3;
	s6 =	simm.s32 @!p1 $0x1082;
	[sflag:s4] =	ssyncset.s32 $0xFFFFF086  }
0x25: {  	[simem:s6], [sflag:s4] =	dma.local [hbm:s3], $0xF7A  }
0x26: {  	[smem:$0x3F99] =	sst s1;
	(tag) =	ssettag s2;
	_ =	strace s9  }
0x27: {  	s1 =	sld [smem:$0x3FA9]  }
0x28: {  	s2 =	sld [smem:$0x3FAA]  }
0x29: {  	s4 =	sld [smem:$0x3FAC]  }
0x2a: {  	p0 =	seq.s32 s5, $0x0;
	s5 =	sld [smem:$0x3FAD]  }
0x2b: {  	s6 =	sld [smem:$0x3FAE]  }
0x2c: {  	s7 =	sld [smem:$0x3FAF]  }
0x2d: {  	s3 =	simm.s32 $0x108;
	s8 =	sld [smem:$0x3FB0]  }
0x2e: {  	s3 =	simm.s32 @!p0 $0x1082;
	s9 =	sld [smem:$0x3FB1]  }
0x2f: {  	lr =	sadd.s32 s0, s3;
	s0 =	sld [smem:$0x3FA8]  }
0x30: {  	s3 =	sld [smem:$0x3FAB]  }
0x31: {  	[smem:$0x3FB4] =	sst s10  }
0x32: {  	s10 =	sld [smem:$0x3FB2];
	_ =	sdelay $0x3  }
0x33: {  	p0 =	seq.s32 s10, $0x1;
	s10 =	sld [smem:$0x3FB4];
	_ =	sdelay $0x3  }
0x34: {  	[smem:$0x3FB4] =	sst s10  }
0x35: {  	s10 =	sld [smem:$0x3FB3];
	_ =	sdelay $0x3  }
0x36: {  	p1 =	seq.s32 s10, $0x1;
	s10 =	sld [smem:$0x3FB4];
	_ =	sdelay $0x3  }
0x37: {  	[smem:$0x3FB4] =	sst s10  }
0x38: {  	s10 =	sld [smem:$0x3FB5]  }
0x39: {  	_ = 	snop;
	(pc) =	sbr.ind lr, $3  }
0x3a: {  	_ = 	snop  }
0x3b: {  	_ = 	snop  }
0x3c: {  	p2 =	seq.s32 s10, $0x1;
	s10 =	sld [smem:$0x3FB4]  }
0x3d: {  	_ =	shalt  }
0x3e: {  	_ =	shalt  }
0x3f: {  	_ =	shalt  }
0x40: {  	_ =	shalt  }
0x41: {  	_ =	shalt  }
0x42: {  	_ =	shalt  }
0x43: {  	_ =	shalt  }
0x44: {  	_ =	shalt  }
0x45: {  	_ =	shalt  }
0x46: {  	_ =	shalt  }
0x47: {  	_ =	shalt  }
0x48: {  	_ =	shalt  }
0x49: {  	_ =	shalt  }
0x4a: {  	_ =	shalt  }
0x4b: {  	_ =	shalt  }
0x4c: {  	_ =	shalt  }
0x4d: {  	_ =	shalt  }
0x4e: {  	_ =	shalt  }
0x4f: {  	_ =	shalt  }
0x50: {  	_ =	shalt  }
0x51: {  	_ =	shalt  }
0x52: {  	_ =	shalt  }
0x53: {  	_ =	shalt  }
0x54: {  	_ =	shalt  }
0x55: {  	_ =	shalt  }
0x56: {  	_ =	shalt  }
0x57: {  	_ =	shalt  }
0x58: {  	_ =	shalt  }
0x59: {  	_ =	shalt  }
0x5a: {  	_ =	shalt  }
0x5b: {  	_ =	shalt  }
0x5c: {  	_ =	shalt  }
0x5d: {  	_ =	shalt  }
0x5e: {  	_ =	shalt  }
0x5f: {  	_ =	shalt  }
0x60: {  	_ =	shalt  }
0x61: {  	_ =	shalt  }
0x62: {  	_ =	shalt  }
0x63: {  	_ =	shalt  }
0x64: {  	_ =	shalt  }
0x65: {  	_ =	shalt  }
0x66: {  	_ =	shalt  }
0x67: {  	_ =	shalt  }
0x68: {  	_ =	shalt  }
0x69: {  	_ =	shalt  }
0x6a: {  	_ =	shalt  }
0x6b: {  	_ =	shalt  }
0x6c: {  	_ =	shalt  }
0x6d: {  	_ =	shalt  }
0x6e: {  	_ =	shalt  }
0x6f: {  	_ =	shalt  }
0x70: {  	_ =	shalt  }
0x71: {  	_ =	shalt  }
0x72: {  	_ =	shalt  }
0x73: {  	_ =	shalt  }
0x74: {  	_ =	shalt  }
0x75: {  	_ =	shalt  }
0x76: {  	_ =	shalt  }
0x77: {  	_ =	shalt  }
0x78: {  	_ =	shalt  }
0x79: {  	_ =	shalt  }
0x7a: {  	_ =	shalt  }
0x7b: {  	_ =	shalt  }
0x7c: {  	_ =	shalt  }
0x7d: {  	_ =	shalt  }
0x7e: {  	_ =	shalt  }
0x7f: {  	_ =	shalt  }
0x80: {  	_ =	shalt  }
0x81: {  	_ =	shalt  }
0x82: {  	_ =	shalt  }
0x83: {  	_ =	shalt  }
0x84: {  	_ =	shalt  }
0x85: {  	_ =	shalt  }
0x86: {  	_ =	shalt  }
0x87: {  	_ =	shalt  }
.Lfunc_end0:
.L_simem_size_0:
called_computation_lowered:
.L_overlay_start_0:
0x88: {  	s2 =	sld [smem:$0x3FD9]  }
0x89: {  	s3 =	sld [smem:$0x3FFE];
	_ =	sdelay $0x1  }
0x8a: {  	s1 =	srdreg.scid  }
0x8b: {  	s0 =	sand.u32 $0x1, s1  }
0x8c: {  	s16 =	sshll.u32 s0, $0xA;
	s2 =	sadd.s32 s3, s2  }
0x8d: {  	s2 =	sadd.s32 s2, s16  }
0x8e: {  	[smem:$0x3FC0] =	sst s2  }
0x8f: {  	_ = 	snop  }
0x90: {  	(tm) =	ssettm $0x1  }
0x91: {  	s17 =	sld [smem:$0x3FFB];
	_ =	sdelay $0x3  }
0x92: {  	_ =	strace s17  }
0x93: {  	s2 =	sld [smem:$0x3FFC];
	_ =	sdelay $0x3  }
0x94: {  	_ =	strace s2  }
0x95: {  	s2 =	sld [smem:$0x3FFD];
	_ =	sdelay $0x3  }
0x96: {  	_ =	strace s2  }
0x97: {  	_ =	strace $0x8FFFFFFF  }
0x98: {  	s18 =	sld [smem:$0x3FDB];
	_ =	sdelay $0x1  }
0x99: {  	s19 =	simm.s32 $_scs_section_size  }
0x9a: {  	s4 =	simm.s32 $_size__tile_overlayer_lowered;
	s5 =	simm.s32 $_tile_overlayer_lowered  }
0x9b: {  	s22 =	simm.s32 $0x1BFF;
	s21 =	sshll.u32 s5, $0x1;
	s2 =	sadd.s32 s19, s18  }
0x9c: {  	s6 =	simm.s32 $0x0;
	s20 =	sshll.u32 s4, $0x1;
	s4 =	sadd.s32 s21, s2  }
0x9d: {  	[timem:s6], [sflag:s22] =	dma.local [hbm:s4], s20  }
0x9e: {  	_ =	swait.ge [sflag:s22], s20  }
0x9f: {  	s3 =	ssub.s32 $0x0, s20;
	[sflag:s22] =	ssyncset.done $0x0  }
0xa0: {  	[sflag:s22] =	ssyncadd.s32 s3;
	_ =	sdelay $0x1  }
0xa1: {  	s23 =	simm.s32 $0x1B8B  }
0xa2: {  	_ =	swait.ge [sflag:s23], $0x1  }
0xa3: {  	[sflag:s23] =	ssyncset.done $0x0  }
0xa4: {  	s25 =	simm.s32 $0x1B8E;
	s24 =	sld [smem:$0x3FFE];
	[sflag:s23] =	ssyncadd.s32 $0xFFFFFFFF  }
0xa5: {  	s26 =	simm.s32 $execute0_lowered;
	[smem:$0x3FD2] =	sst s25  }
0xa6: {  	s4 =	sshll.u32 s26, $0x1;
	_ =	strace $0x80000046;
	[dreg:$0x1] =	wrdreg $0xFFFFFFFF  }
0xa7: {  	s28 =	simm.s32 $_size_execute0_lowered;
	s2 =	sadd.s32 s2, s4;
	[dreg:$0x0] =	wrdreg $0x0  }
0xa8: {  	s4 =	sshll.u32 s28, $0x1;
	[dreg:$0x2] =	wrdreg s2  }
0xa9: {  	[dreg:$0x3] =	wrdreg s4  }
0xaa: {  	[dreg:$0x4] =	wrdreg $0xC0  }
0xab: {  	_ =	task [dreg:s6], $0x5FFFF  }
0xac: {  	[dreg:$0x1] =	wrdreg $0xFFFFFFFF  }
0xad: {  	[dreg:$0x0] =	wrdreg $0x60  }
0xae: {  	[dreg:$0x2] =	wrdreg s24  }
0xaf: {  	[dreg:$0x3] =	wrdreg $0x167700  }
0xb0: {  	[dreg:$0x4] =	wrdreg $0x9  }
0xb1: {  	_ =	task.clear_ibuf [dreg:s6], $0x5FFFF;
	_ =	strace $0x90000046  }
0xb2: {  	s29 =	simm.s32 $0x9;
	_ =	strace $0x80000048  }
0xb3: {  	_ =	swait.ge [sflag:s29], $0x1  }
0xb4: {  	[sflag:s29] =	ssyncadd.s32 $0xFFFFFFFF  }
0xb5: {  	_ =	strace $0x90000048  }
0xb6: {  	_ =	sfence  }
0xb7: {  	s30 =	sld [smem:$0x0];
	_ =	sdelay $0x2  }
0xb8: {  	s31 =	sshll.u32 s1, $0xD;
	s1 =	sshrl.u32 s1, $0x2  }
0xb9: {  	s3 =	sand.u32 $0x4000, s31;
	s1 =	sadd.s32 s1, s30  }
0xba: {  	s0 =	sor.u32 s3, s0;
	s1 =	sshll.u32 s1, $0x11  }
0xbb: {  	s0 =	sor.u32 s1, s0  }
0xbc: {  	s0 =	sadd.s32 $0x8F2B, s0  }
0xbd: {  	[sflag:s0] =	ssyncadd.remote.s32 $0x1  }
0xbe: {  	_ =	sfence.sel $0xFFFF  }
0xbf: {  	[dreg:$0x0] =	wrdreg $0xFFFFFFFF;
	(pc) =	sbr.abs _section_cstart, $3  }
0xc0: {  	[dreg:$0x1] =	wrdreg $0xFFFFFFFF  }
0xc1: {  	_ =	task.clear_ibuf [dreg:s6], $0x2FFFF;
	_ =	strace $0x9FFFFFFF  }
0xc2: {  	(tm) =	ssettm $0x7FFFFFFF  }
0xc3: {  	_ =	shalt  }
tec
execute0_lowered:
.L_overlay_start_1:
0x0: {  	(tag) =	ssettag $0x1  }
0x1: {  	s1 =	srdreg.scid;
	v1 =	vlaneseq.u32  }
0x2: {  	s0 =	stileid.u32;
	s6 =	rddreg [dreg:$0x0];
	v0 =	vmul.u32 $0x4, v1;
	v1 =	vmul.u32 $0x10, v1  }
0x3: {  	s2 =	rddreg [dreg:$0x1];
	s3 =	simm.s32 $0x0;
	s14 =	simm.s32 $0x13F70  }
0x4: {  	v2 =	vimm.f32 $0.0e+00;
	s15 =	simm.s32 $0x13890;
	s16 =	simm.s32 $0x138E0;
	s17 =	simm.s32 $0x13930;
	v3 =	vor.u32 $0x1, v0;
	v4 =	vor.u32 $0x1, v1  }
0x5: {  	s18 =	simm.s32 $0x13A70;
	s19 =	simm.s32 $0x50;
	s21 =	simm.s32 $0x0;
	v5 =	vor.u32 $0x2, v0;
	v6 =	vor.u32 $0x2, v1;
	v7 =	vor.u32 $0x3, v0  }
0x6: {  	s7 =	sand.u32 $0x1, s1;
	s8 =	smul.u32 $0x4E20, s0;
	s1 =	rddreg [dreg:$0x2];
	v8 =	vor.u32 $0x3, v1;
	v9 =	vor.u32 $0x40, v0;
	v10 =	vor.u32 $0x100, v1  }
0x7: {  	s10 =	smul.u32 $0x2800, s0;
	[smem:$0x7FF] =	sst s3;
	s12 =	sadd.s32 $0x2000, s6;
	v11 =	vor.u32 $0x41, v0;
	v12 =	vor.u32 $0x101, v1;
	v13 =	vor.u32 $0x42, v0  }
0x8: {  	s4 =	sadd.s32 $0x15C00, s6;
	s5 =	sadd.s32 $0x15A00, s6;
	s9 =	smul.u32 $0x2710, s7;
	v14 =	vor.u32 $0x102, v1;
	v15 =	vor.u32 $0x43, v0;
	v16 =	vor.u32 $0x103, v1  }
0x9: {  	s20 =	sshll.u32 s0, $0x6;
	s11 =	smul.u32 $0x28000, s7;
	s7 =	ssub.s32 $0x2, s7;
	v17 =	vor.u32 $0x80, v0;
	v18 =	vor.u32 $0x200, v1;
	v19 =	vor.u32 $0x81, v0  }
0xa: {  	_ =	strace $0x80000047;
	s20 =	sor.u32 $0x1C01, s20;
	s28 =	sshrl.u32 s7, $0x1;
	v20 =	vor.u32 $0x201, v1;
	v21 =	vor.u32 $0x82, v0;
	v22 =	vor.u32 $0x202, v1  }
0xb: {  	v23 =	vor.u32 $0x83, v0;
	v24 =	vor.u32 $0x203, v1;
	v25 =	vor.u32 $0xC0, v0;
	s9 =	sadd.s32 s9, s8;
	s25 =	sadd.s32 s10, s11;
	s13 =	ssub.s32 s7, s28  }
0xc: {  	v26 =	vor.u32 $0x300, v1;
	v27 =	vor.u32 $0xC1, v0;
	v28 =	vor.u32 $0x301, v1;
	s26 =	sshrl.u32 s9, $0x1;
	s8 =	sshrl.u32 s25, $0x3;
	s29 =	sshrl.u32 s9, $0x3  }
0xd: {  	v29 =	vor.u32 $0xC2, v0;
	v30 =	vor.u32 $0x302, v1;
	v31 =	vor.u32 $0xC3, v0;
	s30 =	sadd.s32 $0x4E200, s9;
	s11 =	sadd.s32 s26, s6;
	s8 =	sadd.s32 s8, s6  }
0xe: {  	v32 =	vor.u32 $0x303, v1;
	v33 =	vor.u32 $0x100, v0;
	v34 =	vor.u32 $0x400, v1;
	s6 =	sadd.s32 s10, s2;
	s10 =	sadd.s32 s29, s12;
	s31 =	sshrl.u32 s30, $0x3  }
0xf: {  	v35 =	vor.u32 $0x101, v0;
	v36 =	vor.u32 $0x401, v1;
	v37 =	vor.u32 $0x102, v0;
	s7 =	sadd.s32 $0x18400, s8;
	s8 =	smax.u32 s13, $0x1;
	s9 =	sadd.s32 $0x22400, s11  }
0x10: {  	v38 =	vor.u32 $0x402, v1;
	v39 =	vor.u32 $0x103, v0;
	v40 =	vor.u32 $0x403, v1;
	s11 =	sadd.s32 s31, s12;
	s12 =	simm.s32 $0x1;
	s13 =	simm.s32 $0x13880  }
.LBB2_1:
0x11: {  	s22 =	simm.s32 $0x40;
	s23 =	simm.s32 $0x0  }
.LBB2_2:
0x12: {  	p0 =	sne.s32 s22, $0x9FC0;
	[tilespmem:s23+$0x13F70] =	vst v2;
	s23 =	smov.u32 s22;
	s22 =	sadd.s32 $0x40, s22  }
.Ltmp0:
0x13: {  	(pc) =	sbr.rel @p0 .LBB2_2-.Ltmp0, $2  }
0x14: {  	_ =	sdelay $0x2  }
0x15: {  	s23 =	sshra.s32 s23, $0x2  }
0x16: {  	[tilespmem:s23+$0x13F70] =	vst v2  }
0x17: {  	[tilespmem:$0x13A70] =	vst v2  }
0x18: {  	[tilespmem:$0x13A80] =	vst v2  }
0x19: {  	[tilespmem:$0x13A90] =	vst v2  }
0x1a: {  	[tilespmem:$0x13AA0] =	vst v2  }
0x1b: {  	[tilespmem:$0x13AB0] =	vst v2  }
0x1c: {  	[tilespmem:$0x13AC0] =	vst v2  }
0x1d: {  	[tilespmem:$0x13AD0] =	vst v2  }
0x1e: {  	[tilespmem:$0x13AE0] =	vst v2  }
0x1f: {  	[tilespmem:$0x13AF0] =	vst v2  }
0x20: {  	[tilespmem:$0x13B00] =	vst v2  }
0x21: {  	[tilespmem:$0x13B10] =	vst v2  }
0x22: {  	[tilespmem:$0x13B20] =	vst v2  }
0x23: {  	[tilespmem:$0x13B30] =	vst v2  }
0x24: {  	[tilespmem:$0x13B40] =	vst v2  }
0x25: {  	[tilespmem:$0x13B50] =	vst v2  }
0x26: {  	[tilespmem:$0x13B60] =	vst v2  }
0x27: {  	[tilespmem:$0x13B70] =	vst v2  }
0x28: {  	[tilespmem:$0x13B80] =	vst v2  }
0x29: {  	[tilespmem:$0x13B90] =	vst v2  }
0x2a: {  	[tilespmem:$0x13BA0] =	vst v2  }
0x2b: {  	[tilespmem:$0x13BB0] =	vst v2  }
0x2c: {  	[tilespmem:$0x13BC0] =	vst v2  }
0x2d: {  	[tilespmem:$0x13BD0] =	vst v2  }
0x2e: {  	[tilespmem:$0x13BE0] =	vst v2  }
0x2f: {  	[tilespmem:$0x13BF0] =	vst v2  }
0x30: {  	[tilespmem:$0x13C00] =	vst v2  }
0x31: {  	[tilespmem:$0x13C10] =	vst v2  }
0x32: {  	[tilespmem:$0x13C20] =	vst v2  }
0x33: {  	[tilespmem:$0x13C30] =	vst v2  }
0x34: {  	[tilespmem:$0x13C40] =	vst v2  }
0x35: {  	[tilespmem:$0x13C50] =	vst v2  }
0x36: {  	[tilespmem:$0x13C60] =	vst v2  }
0x37: {  	[tilespmem:$0x13C70] =	vst v2  }
0x38: {  	[tilespmem:$0x13C80] =	vst v2  }
0x39: {  	[tilespmem:$0x13C90] =	vst v2  }
0x3a: {  	[tilespmem:$0x13CA0] =	vst v2  }
0x3b: {  	[tilespmem:$0x13CB0] =	vst v2  }
0x3c: {  	[tilespmem:$0x13CC0] =	vst v2  }
0x3d: {  	[tilespmem:$0x13CD0] =	vst v2  }
0x3e: {  	[tilespmem:$0x13CE0] =	vst v2  }
0x3f: {  	[tilespmem:$0x13CF0] =	vst v2  }
0x40: {  	[tilespmem:$0x13D00] =	vst v2  }
0x41: {  	[tilespmem:$0x13D10] =	vst v2  }
0x42: {  	[tilespmem:$0x13D20] =	vst v2  }
0x43: {  	[tilespmem:$0x13D30] =	vst v2  }
0x44: {  	[tilespmem:$0x13D40] =	vst v2  }
0x45: {  	[tilespmem:$0x13D50] =	vst v2  }
0x46: {  	[tilespmem:$0x13D60] =	vst v2  }
0x47: {  	[tilespmem:$0x13D70] =	vst v2  }
0x48: {  	[tilespmem:$0x13D80] =	vst v2  }
0x49: {  	[tilespmem:$0x13D90] =	vst v2  }
0x4a: {  	[tilespmem:$0x13DA0] =	vst v2  }
0x4b: {  	[tilespmem:$0x13DB0] =	vst v2  }
0x4c: {  	[tilespmem:$0x13DC0] =	vst v2  }
0x4d: {  	[tilespmem:$0x13DD0] =	vst v2  }
0x4e: {  	[tilespmem:$0x13DE0] =	vst v2  }
0x4f: {  	[tilespmem:$0x13DF0] =	vst v2  }
0x50: {  	[tilespmem:$0x13E00] =	vst v2  }
0x51: {  	[tilespmem:$0x13E10] =	vst v2  }
0x52: {  	[tilespmem:$0x13E20] =	vst v2  }
0x53: {  	[tilespmem:$0x13E30] =	vst v2  }
0x54: {  	[tilespmem:$0x13E40] =	vst v2  }
0x55: {  	[tilespmem:$0x13E50] =	vst v2  }
0x56: {  	[tilespmem:$0x13E60] =	vst v2  }
0x57: {  	[tilespmem:$0x13E70] =	vst v2  }
0x58: {  	[tilespmem:$0x13E80] =	vst v2  }
0x59: {  	[tilespmem:$0x13E90] =	vst v2  }
0x5a: {  	[tilespmem:$0x13EA0] =	vst v2  }
0x5b: {  	[tilespmem:$0x13EB0] =	vst v2  }
0x5c: {  	[tilespmem:$0x13EC0] =	vst v2  }
0x5d: {  	[tilespmem:$0x13ED0] =	vst v2  }
0x5e: {  	[tilespmem:$0x13EE0] =	vst v2  }
0x5f: {  	[tilespmem:$0x13EF0] =	vst v2  }
0x60: {  	[tilespmem:$0x13F00] =	vst v2  }
0x61: {  	[tilespmem:$0x13F10] =	vst v2  }
0x62: {  	[tilespmem:$0x13F20] =	vst v2  }
0x63: {  	[tilespmem:$0x13F30] =	vst v2  }
0x64: {  	[tilespmem:$0x13F40] =	vst v2  }
0x65: {  	[tilespmem:$0x13F50] =	vst v2  }
0x66: {  	s22 =	simm.s32 $0x0;
	[tilespmem:$0x13F60] =	vst v2  }
0x67: {  	[tilespmem:s22], [sflag:$0x1] =	stream.linear.gather [hbm4b:s4+s22], $0x13880, $0x38;
	[tilespmem:$0x18F70] =	vst v63  }
0x68: {  	_ =	swait.ge [sflag:s12], $0x13880  }
0x69: {  	[sflag:s12] =	ssyncset.done $0x0  }
0x6a: {  	[sflag:s12] =	ssyncadd.s32 $0xFFFEC780  }
0x6b: {  	[tilespmem:s13], [sflag:$0x1] =	stream.linear.gather [hbm4b:s5+s22], $0x10, $0x38;
	[tilespmem:$0x18F70] =	vst v63  }
0x6c: {  	_ =	swait.ge [sflag:s12], $0x10  }
0x6d: {  	[sflag:s12] =	ssyncset.done $0x0  }
0x6e: {  	[sflag:s12] =	ssyncadd.s32 $0xFFFFFFF0  }
0x6f: {  	[spmem:s6] =	stream.linear.scatter [tilespmem:s14], [sflag:$0x1], $0x2800, $0x38;
	[tilespmem:$0x18F70] =	vst v63  }
0x70: {  	_ =	swait.ge [sflag:s12], $0x2800  }
0x71: {  	[sflag:s12] =	ssyncset.done $0x0  }
0x72: {  	[sflag:s12] =	ssyncadd.s32 $0xFFFFD800  }
0x73: {  	[bflag:$0x0] =	sbarrier.arrive $0xFFFF  }
0x74: {  	v44 =	vld [tilespmem:$0x13880];
	_ =	sdelay $0x4  }
0x75: {  	v41 =	vbroadcast v44, $0x0;
	v42 =	vbroadcast v44, $0x1  }
0x76: {  	s23 =	smov.u32 s9;
	v43 =	vbroadcast v44, $0x2;
	v44 =	vbroadcast v44, $0x3  }
.LBB2_4:
0x77: {  	s24 =	sadd.s32 s22, s10  }
0x78: {  	[tilespmem:s15], [sflag:$0x1] =	stream.linear.gather [hbm4b:s24+s3], $0x50, $0x38;
	[tilespmem:$0x18F70] =	vst v63  }
0x79: {  	_ =	swait.ge [sflag:s12], $0x50  }
0x7a: {  	[sflag:s12] =	ssyncset.done $0x0  }
0x7b: {  	s31 =	sadd.s32 s22, s11;
	[sflag:s12] =	ssyncadd.s32 $0xFFFFFFB0  }
0x7c: {  	[tilespmem:s16], [sflag:$0x1] =	stream.linear.gather [hbm4b:s31+s3], $0x50, $0x38;
	[tilespmem:$0x18F70] =	vst v63  }
0x7d: {  	_ =	swait.ge [sflag:s12], $0x50  }
0x7e: {  	[sflag:s12] =	ssyncset.done $0x0  }
0x7f: {  	[sflag:s12] =	ssyncadd.s32 $0xFFFFFFB0  }
0x80: {  	v45 =	vld [tilespmem:$0x13890]  }
0x81: {  	v46 =	vld [tilespmem:$0x138E0];
	_ =	sdelay $0x4  }
0x82: {  	v45 =	vshll.u32 v45, $0x3;
	v46 =	vshll.u32 v46, $0x3  }
0x83: {  	v47 =	vor.u32 $0x4, v46;
	_ =	sdelay $0x3  }
0x84: {  	v48 =	vld.idx.msk [tilespmem:v45+s3+$0x0], $0xffff  }
0x85: {  	v47 =	vld.idx.msk [tilespmem:v47+s3+$0x0], $0xffff;
	_ =	sdelay $0x4  }
0x86: {  	v47 =	vadd.f32 v47, v48;
	_ =	sdelay $0x1  }
0x87: {  	v48 =	vmul.f32 $2.000000030e-01, v47;
	_ =	sdelay $0x1  }
0x88: {  	v47 =	vmax.f32 v47, v48  }
0x89: {  	v47 =	vsub.f32 v47, v41;
	_ =	sdelay $0x1  }
0x8a: {  	v47 =	vmul.f32 $1.442695020e+00, v47;
	_ =	sdelay $0x1  }
0x8b: {  	(erf) = vpow2.f32 v47;
	_ =	sdelay $0x6  }
0x8c: {  	v59 =	vor.u32 $0x1, v45  }
0x8d: {  	v60 =	vor.u32 $0x5, v46  }
0x8e: {  	v49 =	vpop (erf)  }
0x8f: {  	[tilespmem:v0+s17+$0x0] =	vst.idx.msk $0xffff, v49  }
0x90: {  	[tilespmem:v1+s18+$0x0] =	vst.idx.msk $0xffff, v49  }
0x91: {  	v47 =	vld.idx.msk [tilespmem:v59+s3+$0x0], $0xffff  }
0x92: {  	v48 =	vld.idx.msk [tilespmem:v60+s3+$0x0], $0xffff;
	_ =	sdelay $0x4  }
0x93: {  	v47 =	vadd.f32 v48, v47;
	_ =	sdelay $0x1  }
0x94: {  	v48 =	vmul.f32 $2.000000030e-01, v47;
	_ =	sdelay $0x1  }
0x95: {  	v47 =	vmax.f32 v47, v48  }
0x96: {  	v47 =	vsub.f32 v47, v42;
	_ =	sdelay $0x1  }
0x97: {  	v47 =	vmul.f32 $1.442695020e+00, v47;
	_ =	sdelay $0x1  }
0x98: {  	(erf) = vpow2.f32 v47;
	_ =	sdelay $0x6  }
0x99: {  	v61 =	vor.u32 $0x2, v45  }
0x9a: {  	v62 =	vor.u32 $0x6, v46  }
0x9b: {  	v63 =	vpop (erf)  }
0x9c: {  	[tilespmem:v3+s17+$0x0] =	vst.idx.msk $0xffff, v63  }
0x9d: {  	[tilespmem:v4+s18+$0x0] =	vst.idx.msk $0xffff, v63  }
0x9e: {  	v47 =	vld.idx.msk [tilespmem:v61+s3+$0x0], $0xffff  }
0x9f: {  	v48 =	vld.idx.msk [tilespmem:v62+s3+$0x0], $0xffff;
	_ =	sdelay $0x4  }
0xa0: {  	v47 =	vadd.f32 v48, v47;
	_ =	sdelay $0x1  }
0xa1: {  	v48 =	vmul.f32 $2.000000030e-01, v47;
	_ =	sdelay $0x1  }
0xa2: {  	v47 =	vmax.f32 v47, v48  }
0xa3: {  	v47 =	vsub.f32 v47, v43;
	_ =	sdelay $0x1  }
0xa4: {  	v47 =	vmul.f32 $1.442695020e+00, v47;
	_ =	sdelay $0x1  }
0xa5: {  	(erf) = vpow2.f32 v47;
	_ =	sdelay $0x6  }
0xa6: {  	v45 =	vor.u32 $0x3, v45  }
0xa7: {  	v46 =	vor.u32 $0x7, v46  }
0xa8: {  	v47 =	vpop (erf)  }
0xa9: {  	[tilespmem:v5+s17+$0x0] =	vst.idx.msk $0xffff, v47  }
0xaa: {  	[tilespmem:v6+s18+$0x0] =	vst.idx.msk $0xffff, v47  }
0xab: {  	v45 =	vld.idx.msk [tilespmem:v45+s3+$0x0], $0xffff  }
0xac: {  	v46 =	vld.idx.msk [tilespmem:v46+s3+$0x0], $0xffff;
	_ =	sdelay $0x4  }
0xad: {  	v45 =	vadd.f32 v46, v45;
	_ =	sdelay $0x1  }
0xae: {  	v46 =	vmul.f32 $2.000000030e-01, v45;
	_ =	sdelay $0x1  }
0xaf: {  	v45 =	vmax.f32 v45, v46  }
0xb0: {  	v45 =	vsub.f32 v45, v44;
	_ =	sdelay $0x1  }
0xb1: {  	v45 =	vmul.f32 $1.442695020e+00, v45;
	_ =	sdelay $0x1  }
0xb2: {  	(erf) = vpow2.f32 v45;
	_ =	sdelay $0x8  }
0xb3: {  	v45 =	vpop (erf)  }
0xb4: {  	[tilespmem:v7+s17+$0x0] =	vst.idx.msk $0xffff, v45  }
0xb5: {  	[tilespmem:v8+s18+$0x0] =	vst.idx.msk $0xffff, v45  }
0xb6: {  	v45 =	vld [tilespmem:$0x138A0]  }
0xb7: {  	v52 =	vld [tilespmem:$0x138F0];
	_ =	sdelay $0x4  }
0xb8: {  	v45 =	vshll.u32 v45, $0x3;
	v46 =	vshll.u32 v52, $0x3  }
0xb9: {  	v53 =	vor.u32 $0x4, v46;
	_ =	sdelay $0x3  }
0xba: {  	v54 =	vld.idx.msk [tilespmem:v45+s3+$0x0], $0xffff  }
0xbb: {  	v47 =	vld.idx.msk [tilespmem:v53+s3+$0x0], $0xffff;
	_ =	sdelay $0x4  }
0xbc: {  	v47 =	vadd.f32 v47, v54;
	_ =	sdelay $0x1  }
0xbd: {  	v48 =	vmul.f32 $2.000000030e-01, v47;
	_ =	sdelay $0x1  }
0xbe: {  	v47 =	vmax.f32 v47, v48  }
0xbf: {  	v47 =	vsub.f32 v47, v41;
	_ =	sdelay $0x1  }
0xc0: {  	v47 =	vmul.f32 $1.442695020e+00, v47;
	_ =	sdelay $0x1  }
0xc1: {  	(erf) = vpow2.f32 v47;
	_ =	sdelay $0x6  }
0xc2: {  	v55 =	vor.u32 $0x1, v45  }
0xc3: {  	v56 =	vor.u32 $0x5, v46  }
0xc4: {  	v57 =	vpop (erf)  }
0xc5: {  	[tilespmem:v9+s17+$0x0] =	vst.idx.msk $0xffff, v57  }
0xc6: {  	[tilespmem:v10+s18+$0x0] =	vst.idx.msk $0xffff, v57  }
0xc7: {  	v47 =	vld.idx.msk [tilespmem:v55+s3+$0x0], $0xffff  }
0xc8: {  	v48 =	vld.idx.msk [tilespmem:v56+s3+$0x0], $0xffff;
	_ =	sdelay $0x4  }
0xc9: {  	v47 =	vadd.f32 v48, v47;
	_ =	sdelay $0x1  }
0xca: {  	v48 =	vmul.f32 $2.000000030e-01, v47;
	_ =	sdelay $0x1  }
0xcb: {  	v47 =	vmax.f32 v47, v48  }
0xcc: {  	v47 =	vsub.f32 v47, v42;
	_ =	sdelay $0x1  }
0xcd: {  	v47 =	vmul.f32 $1.442695020e+00, v47;
	_ =	sdelay $0x1  }
0xce: {  	(erf) = vpow2.f32 v47;
	_ =	sdelay $0x6  }
0xcf: {  	v58 =	vor.u32 $0x2, v45  }
0xd0: {  	v59 =	vor.u32 $0x6, v46  }
0xd1: {  	v60 =	vpop (erf)  }
0xd2: {  	[tilespmem:v11+s17+$0x0] =	vst.idx.msk $0xffff, v60  }
0xd3: {  	[tilespmem:v12+s18+$0x0] =	vst.idx.msk $0xffff, v60  }
0xd4: {  	v47 =	vld.idx.msk [tilespmem:v58+s3+$0x0], $0xffff  }
0xd5: {  	v48 =	vld.idx.msk [tilespmem:v59+s3+$0x0], $0xffff;
	_ =	sdelay $0x4  }
0xd6: {  	v47 =	vadd.f32 v48, v47;
	_ =	sdelay $0x1  }
0xd7: {  	v48 =	vmul.f32 $2.000000030e-01, v47;
	_ =	sdelay $0x1  }
0xd8: {  	v47 =	vmax.f32 v47, v48  }
0xd9: {  	v47 =	vsub.f32 v47, v43;
	_ =	sdelay $0x1  }
0xda: {  	v47 =	vmul.f32 $1.442695020e+00, v47;
	_ =	sdelay $0x1  }
0xdb: {  	(erf) = vpow2.f32 v47;
	_ =	sdelay $0x6  }
0xdc: {  	v45 =	vor.u32 $0x3, v45  }
0xdd: {  	v46 =	vor.u32 $0x7, v46  }
0xde: {  	v47 =	vpop (erf)  }
0xdf: {  	[tilespmem:v13+s17+$0x0] =	vst.idx.msk $0xffff, v47  }
0xe0: {  	[tilespmem:v14+s18+$0x0] =	vst.idx.msk $0xffff, v47  }
0xe1: {  	v45 =	vld.idx.msk [tilespmem:v45+s3+$0x0], $0xffff  }
0xe2: {  	v46 =	vld.idx.msk [tilespmem:v46+s3+$0x0], $0xffff;
	_ =	sdelay $0x4  }
0xe3: {  	v45 =	vadd.f32 v46, v45;
	_ =	sdelay $0x1  }
0xe4: {  	v46 =	vmul.f32 $2.000000030e-01, v45;
	_ =	sdelay $0x1  }
0xe5: {  	v45 =	vmax.f32 v45, v46  }
0xe6: {  	v45 =	vsub.f32 v45, v44;
	_ =	sdelay $0x1  }
0xe7: {  	v45 =	vmul.f32 $1.442695020e+00, v45;
	_ =	sdelay $0x1  }
0xe8: {  	(erf) = vpow2.f32 v45;
	_ =	sdelay $0x8  }
0xe9: {  	v45 =	vpop (erf)  }
0xea: {  	[tilespmem:v15+s17+$0x0] =	vst.idx.msk $0xffff, v45  }
0xeb: {  	[tilespmem:v16+s18+$0x0] =	vst.idx.msk $0xffff, v45  }
0xec: {  	v45 =	vld [tilespmem:$0x138B0]  }
0xed: {  	v61 =	vld [tilespmem:$0x13900];
	_ =	sdelay $0x4  }
0xee: {  	v45 =	vshll.u32 v45, $0x3;
	v46 =	vshll.u32 v61, $0x3  }
0xef: {  	v62 =	vor.u32 $0x4, v46;
	_ =	sdelay $0x3  }
0xf0: {  	v63 =	vld.idx.msk [tilespmem:v45+s3+$0x0], $0xffff  }
0xf1: {  	v47 =	vld.idx.msk [tilespmem:v62+s3+$0x0], $0xffff;
	_ =	sdelay $0x4  }
0xf2: {  	v47 =	vadd.f32 v47, v63;
	_ =	sdelay $0x1  }
0xf3: {  	v48 =	vmul.f32 $2.000000030e-01, v47;
	_ =	sdelay $0x1  }
0xf4: {  	v47 =	vmax.f32 v47, v48  }
0xf5: {  	v47 =	vsub.f32 v47, v41;
	_ =	sdelay $0x1  }
0xf6: {  	v47 =	vmul.f32 $1.442695020e+00, v47;
	_ =	sdelay $0x1  }
0xf7: {  	(erf) = vpow2.f32 v47;
	_ =	sdelay $0x6  }
0xf8: {  	v52 =	vor.u32 $0x1, v45  }
0xf9: {  	v53 =	vor.u32 $0x5, v46  }
0xfa: {  	v54 =	vpop (erf)  }
0xfb: {  	[tilespmem:v17+s17+$0x0] =	vst.idx.msk $0xffff, v54  }
0xfc: {  	[tilespmem:v18+s18+$0x0] =	vst.idx.msk $0xffff, v54  }
0xfd: {  	v47 =	vld.idx.msk [tilespmem:v52+s3+$0x0], $0xffff  }
0xfe: {  	v48 =	vld.idx.msk [tilespmem:v53+s3+$0x0], $0xffff;
	_ =	sdelay $0x4  }
0xff: {  	v47 =	vadd.f32 v48, v47;
	_ =	sdelay $0x1  }
0x100: {  	v48 =	vmul.f32 $2.000000030e-01, v47;
	_ =	sdelay $0x1  }
0x101: {  	v47 =	vmax.f32 v47, v48  }
0x102: {  	v47 =	vsub.f32 v47, v42;
	_ =	sdelay $0x1  }
0x103: {  	v47 =	vmul.f32 $1.442695020e+00, v47;
	_ =	sdelay $0x1  }
0x104: {  	(erf) = vpow2.f32 v47;
	_ =	sdelay $0x6  }
0x105: {  	v55 =	vor.u32 $0x2, v45  }
0x106: {  	v56 =	vor.u32 $0x6, v46  }
0x107: {  	v57 =	vpop (erf)  }
0x108: {  	[tilespmem:v19+s17+$0x0] =	vst.idx.msk $0xffff, v57  }
0x109: {  	[tilespmem:v20+s18+$0x0] =	vst.idx.msk $0xffff, v57  }
0x10a: {  	v47 =	vld.idx.msk [tilespmem:v55+s3+$0x0], $0xffff  }
0x10b: {  	v48 =	vld.idx.msk [tilespmem:v56+s3+$0x0], $0xffff;
	_ =	sdelay $0x4  }
0x10c: {  	v47 =	vadd.f32 v48, v47;
	_ =	sdelay $0x1  }
0x10d: {  	v48 =	vmul.f32 $2.000000030e-01, v47;
	_ =	sdelay $0x1  }
0x10e: {  	v47 =	vmax.f32 v47, v48  }
0x10f: {  	v47 =	vsub.f32 v47, v43;
	_ =	sdelay $0x1  }
0x110: {  	v47 =	vmul.f32 $1.442695020e+00, v47;
	_ =	sdelay $0x1  }
0x111: {  	(erf) = vpow2.f32 v47;
	_ =	sdelay $0x6  }
0x112: {  	v45 =	vor.u32 $0x3, v45  }
0x113: {  	v46 =	vor.u32 $0x7, v46  }
0x114: {  	v47 =	vpop (erf)  }
0x115: {  	[tilespmem:v21+s17+$0x0] =	vst.idx.msk $0xffff, v47  }
0x116: {  	[tilespmem:v22+s18+$0x0] =	vst.idx.msk $0xffff, v47  }
0x117: {  	v45 =	vld.idx.msk [tilespmem:v45+s3+$0x0], $0xffff  }
0x118: {  	v46 =	vld.idx.msk [tilespmem:v46+s3+$0x0], $0xffff;
	_ =	sdelay $0x4  }
0x119: {  	v45 =	vadd.f32 v46, v45;
	_ =	sdelay $0x1  }
0x11a: {  	v46 =	vmul.f32 $2.000000030e-01, v45;
	_ =	sdelay $0x1  }
0x11b: {  	v45 =	vmax.f32 v45, v46  }
0x11c: {  	v45 =	vsub.f32 v45, v44;
	_ =	sdelay $0x1  }
0x11d: {  	v45 =	vmul.f32 $1.442695020e+00, v45;
	_ =	sdelay $0x1  }
0x11e: {  	(erf) = vpow2.f32 v45;
	_ =	sdelay $0x8  }
0x11f: {  	v45 =	vpop (erf)  }
0x120: {  	[tilespmem:v23+s17+$0x0] =	vst.idx.msk $0xffff, v45  }
0x121: {  	[tilespmem:v24+s18+$0x0] =	vst.idx.msk $0xffff, v45  }
0x122: {  	v45 =	vld [tilespmem:$0x138C0]  }
0x123: {  	v58 =	vld [tilespmem:$0x13910];
	_ =	sdelay $0x4  }
0x124: {  	v45 =	vshll.u32 v45, $0x3;
	v46 =	vshll.u32 v58, $0x3  }
0x125: {  	v59 =	vor.u32 $0x4, v46;
	_ =	sdelay $0x3  }
0x126: {  	v60 =	vld.idx.msk [tilespmem:v45+s3+$0x0], $0xffff  }
0x127: {  	v47 =	vld.idx.msk [tilespmem:v59+s3+$0x0], $0xffff;
	_ =	sdelay $0x4  }
0x128: {  	v47 =	vadd.f32 v47, v60;
	_ =	sdelay $0x1  }
0x129: {  	v48 =	vmul.f32 $2.000000030e-01, v47;
	_ =	sdelay $0x1  }
0x12a: {  	v47 =	vmax.f32 v47, v48  }
0x12b: {  	v47 =	vsub.f32 v47, v41;
	_ =	sdelay $0x1  }
0x12c: {  	v47 =	vmul.f32 $1.442695020e+00, v47;
	_ =	sdelay $0x1  }
0x12d: {  	(erf) = vpow2.f32 v47;
	_ =	sdelay $0x6  }
0x12e: {  	v61 =	vor.u32 $0x1, v45  }
0x12f: {  	v62 =	vor.u32 $0x5, v46  }
0x130: {  	v63 =	vpop (erf)  }
0x131: {  	[tilespmem:v25+s17+$0x0] =	vst.idx.msk $0xffff, v63  }
0x132: {  	[tilespmem:v26+s18+$0x0] =	vst.idx.msk $0xffff, v63  }
0x133: {  	v47 =	vld.idx.msk [tilespmem:v61+s3+$0x0], $0xffff  }
0x134: {  	v48 =	vld.idx.msk [tilespmem:v62+s3+$0x0], $0xffff;
	_ =	sdelay $0x4  }
0x135: {  	v47 =	vadd.f32 v48, v47;
	_ =	sdelay $0x1  }
0x136: {  	v48 =	vmul.f32 $2.000000030e-01, v47;
	_ =	sdelay $0x1  }
0x137: {  	v47 =	vmax.f32 v47, v48  }
0x138: {  	v47 =	vsub.f32 v47, v42;
	_ =	sdelay $0x1  }
0x139: {  	v47 =	vmul.f32 $1.442695020e+00, v47;
	_ =	sdelay $0x1  }
0x13a: {  	(erf) = vpow2.f32 v47;
	_ =	sdelay $0x6  }
0x13b: {  	v52 =	vor.u32 $0x2, v45  }
0x13c: {  	v53 =	vor.u32 $0x6, v46  }
0x13d: {  	v54 =	vpop (erf)  }
0x13e: {  	[tilespmem:v27+s17+$0x0] =	vst.idx.msk $0xffff, v54  }
0x13f: {  	[tilespmem:v28+s18+$0x0] =	vst.idx.msk $0xffff, v54  }
0x140: {  	v47 =	vld.idx.msk [tilespmem:v52+s3+$0x0], $0xffff  }
0x141: {  	v48 =	vld.idx.msk [tilespmem:v53+s3+$0x0], $0xffff;
	_ =	sdelay $0x4  }
0x142: {  	v47 =	vadd.f32 v48, v47;
	_ =	sdelay $0x1  }
0x143: {  	v48 =	vmul.f32 $2.000000030e-01, v47;
	_ =	sdelay $0x1  }
0x144: {  	v47 =	vmax.f32 v47, v48  }
0x145: {  	v47 =	vsub.f32 v47, v43;
	_ =	sdelay $0x1  }
0x146: {  	v47 =	vmul.f32 $1.442695020e+00, v47;
	_ =	sdelay $0x1  }
0x147: {  	(erf) = vpow2.f32 v47;
	_ =	sdelay $0x6  }
0x148: {  	v45 =	vor.u32 $0x3, v45  }
0x149: {  	v46 =	vor.u32 $0x7, v46  }
0x14a: {  	v47 =	vpop (erf)  }
0x14b: {  	[tilespmem:v29+s17+$0x0] =	vst.idx.msk $0xffff, v47  }
0x14c: {  	[tilespmem:v30+s18+$0x0] =	vst.idx.msk $0xffff, v47  }
0x14d: {  	v45 =	vld.idx.msk [tilespmem:v45+s3+$0x0], $0xffff  }
0x14e: {  	v46 =	vld.idx.msk [tilespmem:v46+s3+$0x0], $0xffff;
	_ =	sdelay $0x4  }
0x14f: {  	v45 =	vadd.f32 v46, v45;
	_ =	sdelay $0x1  }
0x150: {  	v46 =	vmul.f32 $2.000000030e-01, v45;
	_ =	sdelay $0x1  }
0x151: {  	v45 =	vmax.f32 v45, v46  }
0x152: {  	v45 =	vsub.f32 v45, v44;
	_ =	sdelay $0x1  }
0x153: {  	v45 =	vmul.f32 $1.442695020e+00, v45;
	_ =	sdelay $0x1  }
0x154: {  	(erf) = vpow2.f32 v45;
	_ =	sdelay $0x8  }
0x155: {  	v45 =	vpop (erf)  }
0x156: {  	[tilespmem:v31+s17+$0x0] =	vst.idx.msk $0xffff, v45  }
0x157: {  	[tilespmem:v32+s18+$0x0] =	vst.idx.msk $0xffff, v45  }
0x158: {  	v45 =	vld [tilespmem:$0x138D0]  }
0x159: {  	v55 =	vld [tilespmem:$0x13920];
	_ =	sdelay $0x4  }
0x15a: {  	v45 =	vshll.u32 v45, $0x3;
	v46 =	vshll.u32 v55, $0x3  }
0x15b: {  	v56 =	vor.u32 $0x4, v46;
	_ =	sdelay $0x3  }
0x15c: {  	v57 =	vld.idx.msk [tilespmem:v45+s3+$0x0], $0xffff  }
0x15d: {  	v47 =	vld.idx.msk [tilespmem:v56+s3+$0x0], $0xffff;
	_ =	sdelay $0x4  }
0x15e: {  	v47 =	vadd.f32 v47, v57;
	_ =	sdelay $0x1  }
0x15f: {  	v48 =	vmul.f32 $2.000000030e-01, v47;
	_ =	sdelay $0x1  }
0x160: {  	v47 =	vmax.f32 v47, v48  }
0x161: {  	v47 =	vsub.f32 v47, v41;
	_ =	sdelay $0x1  }
0x162: {  	v47 =	vmul.f32 $1.442695020e+00, v47;
	_ =	sdelay $0x1  }
0x163: {  	(erf) = vpow2.f32 v47;
	_ =	sdelay $0x6  }
0x164: {  	v58 =	vor.u32 $0x1, v45  }
0x165: {  	v59 =	vor.u32 $0x5, v46  }
0x166: {  	v60 =	vpop (erf)  }
0x167: {  	[tilespmem:v33+s17+$0x0] =	vst.idx.msk $0xffff, v60  }
0x168: {  	[tilespmem:v34+s18+$0x0] =	vst.idx.msk $0xffff, v60  }
0x169: {  	v47 =	vld.idx.msk [tilespmem:v58+s3+$0x0], $0xffff  }
0x16a: {  	v48 =	vld.idx.msk [tilespmem:v59+s3+$0x0], $0xffff;
	_ =	sdelay $0x4  }
0x16b: {  	v47 =	vadd.f32 v48, v47;
	_ =	sdelay $0x1  }
0x16c: {  	v48 =	vmul.f32 $2.000000030e-01, v47;
	_ =	sdelay $0x1  }
0x16d: {  	v47 =	vmax.f32 v47, v48  }
0x16e: {  	v47 =	vsub.f32 v47, v42;
	_ =	sdelay $0x1  }
0x16f: {  	v47 =	vmul.f32 $1.442695020e+00, v47;
	_ =	sdelay $0x1  }
0x170: {  	(erf) = vpow2.f32 v47;
	_ =	sdelay $0x6  }
0x171: {  	v61 =	vor.u32 $0x2, v45  }
0x172: {  	v62 =	vor.u32 $0x6, v46  }
0x173: {  	v63 =	vpop (erf)  }
0x174: {  	[tilespmem:v35+s17+$0x0] =	vst.idx.msk $0xffff, v63  }
0x175: {  	[tilespmem:v36+s18+$0x0] =	vst.idx.msk $0xffff, v63  }
0x176: {  	v47 =	vld.idx.msk [tilespmem:v61+s3+$0x0], $0xffff  }
0x177: {  	v48 =	vld.idx.msk [tilespmem:v62+s3+$0x0], $0xffff;
	_ =	sdelay $0x4  }
0x178: {  	v47 =	vadd.f32 v48, v47;
	_ =	sdelay $0x1  }
0x179: {  	v48 =	vmul.f32 $2.000000030e-01, v47;
	_ =	sdelay $0x1  }
0x17a: {  	v47 =	vmax.f32 v47, v48  }
0x17b: {  	v47 =	vsub.f32 v47, v43;
	_ =	sdelay $0x1  }
0x17c: {  	v47 =	vmul.f32 $1.442695020e+00, v47;
	_ =	sdelay $0x1  }
0x17d: {  	(erf) = vpow2.f32 v47;
	_ =	sdelay $0x6  }
0x17e: {  	v45 =	vor.u32 $0x3, v45  }
0x17f: {  	v46 =	vor.u32 $0x7, v46  }
0x180: {  	v47 =	vpop (erf)  }
0x181: {  	[tilespmem:v37+s17+$0x0] =	vst.idx.msk $0xffff, v47  }
0x182: {  	[tilespmem:v38+s18+$0x0] =	vst.idx.msk $0xffff, v47  }
0x183: {  	v45 =	vld.idx.msk [tilespmem:v45+s3+$0x0], $0xffff  }
0x184: {  	v46 =	vld.idx.msk [tilespmem:v46+s3+$0x0], $0xffff;
	_ =	sdelay $0x4  }
0x185: {  	v45 =	vadd.f32 v46, v45;
	_ =	sdelay $0x1  }
0x186: {  	v46 =	vmul.f32 $2.000000030e-01, v45;
	_ =	sdelay $0x1  }
0x187: {  	v45 =	vmax.f32 v45, v46  }
0x188: {  	v45 =	vsub.f32 v45, v44;
	_ =	sdelay $0x1  }
0x189: {  	v45 =	vmul.f32 $1.442695020e+00, v45;
	_ =	sdelay $0x1  }
0x18a: {  	(erf) = vpow2.f32 v45;
	_ =	sdelay $0x8  }
0x18b: {  	v45 =	vpop (erf)  }
0x18c: {  	[tilespmem:v39+s17+$0x0] =	vst.idx.msk $0xffff, v45  }
0x18d: {  	[tilespmem:v40+s18+$0x0] =	vst.idx.msk $0xffff, v45  }
0x18e: {  	[hbm4b:s23+s3] =	stream.linear.scatter [tilespmem:s17], [sflag:$0x1], $0x140, $0x38;
	[tilespmem:$0x18F70] =	vst v63  }
0x18f: {  	_ =	swait.ge [sflag:s12], $0x140  }
0x190: {  	p0 =	sne.s32 s22, $0x4D8;
	[sflag:s12] =	ssyncset.done $0x0  }
.Ltmp1:
0x191: {  	[sflag:s12] =	ssyncadd.s32 $0xFFFFFEC0;
	(pc) =	sbr.rel @p0 .LBB2_4-.Ltmp1, $4  }
0x192: {  	[spmem:s2] =	stream.indirect.scatter.add.f32 [tilespmem:s18], [sflag:$0x1], $0x10, s16, s19, $0xb8;
	[tilespmem:$0x18F70] =	vst v63  }
0x193: {  	_ =	swait.ge [sflag:s12], $0x500  }
0x194: {  	[sflag:s12] =	ssyncset.done $0x0  }
0x195: {  	s22 =	sadd.s32 $0xA, s22;
	s23 =	sadd.s32 $0x28, s23;
	[sflag:s12] =	ssyncadd.s32 $0xFFFFFB00  }
0x196: {  	s21 =	sadd.s32 $0x1, s21  }
0x197: {  	p0 =	sne.s32 s21, s8  }
.Ltmp2:
0x198: {  	[bflag:$0x0] =	sbarrier.arrive $0xFFFF;
	s22 =	sshrl.u32 s6, $0x3;
	(pc) =	sbr.rel @p0 .LBB2_1-.Ltmp2, $4  }
0x199: {  	[hbm:s7], [sflag:s20] =	dma.local [spmem:s22], $0x500  }
0x19a: {  	_ =	swait.ge [sflag:s12], $0x500  }
0x19b: {  	[sflag:s12] =	ssyncset.done $0x0  }
0x19c: {  	[sflag:s12] =	ssyncadd.s32 $0xFFFFFB00  }
0x19d: {  	_ =	sfence.sel $0x180000  }
0x19e: {  	[bflag:$0x0] =	sbarrier.arrive $0xFFFF  }
0x19f: {  	p0 =	sne.s32 s0, $0x0;
	_ =	strace $0x90000047  }
0x1a0: {  	s0 =	sadd.s32 @!p0 $0x100000, s1;
	[bflag:$0x2] =	sbarrier.arrive $0xFFFF  }
0x1a1: {  	[sflag:s0] =	ssyncadd.tile.s32 @!p0 $0x1;
	_ =	shalt  }
.Lfunc_end2:
_tile_overlayer_lowered:
.L_overlay_start_2:
0x1a2: {  	(tag) =	ssettag $0x2  }
0x1a3: {  	s0 =	rddreg [dreg:$0x0];
	s2 =	stileid.u32  }
0x1a4: {  	s1 =	rddreg [dreg:$0x1];
	p0 =	sne.s32 s2, $0x0  }
0x1a5: {  	s3 =	rddreg [dreg:$0x2];
	[bflag:$0x3] =	sbarrier.arrive $0xFFFF;
	s2 =	simm.s32 @!p0 $0x1C01  }
0x1a6: {  	[timem:s3], [sflag:s2] =	dma.local @!p0 [hbm:s0], s1  }
0x1a7: {  	s0 =	simm.s32 @!p0 $0x1  }
0x1a8: {  	_ =	swait.ge @!p0 [sflag:s0], s1  }
0x1a9: {  	s1 =	ssub.s32 @!p0 $0x0, s1;
	[sflag:s0] =	ssyncset.done @!p0 $0x0  }
0x1aa: {  	[sflag:s0] =	ssyncadd.s32 @!p0 s1  }
0x1ab: {  	[bflag:$0x3] =	sbarrier.arrive $0xFFFF  }
0x1ac: {  	_ =	shalt  }

</sc_bundles>
